<compile_context>
chip_gen: v7x
topology: tpu7x:2x2x1
jax: 0.10.2.dev20260603
libtpu: 0.0.44.dev20260713+nightly
codegen_flags: <defaults>
</compile_context>

<pallas_src>
import jax
import jax.numpy as jnp
from jax import lax
from jax.experimental import pallas as pl
from jax.experimental.pallas import tpu as pltpu
from jax.experimental.pallas import tpu_sc as plsc

_M = 1_000_000
_D = 15
_B = 16_384
_NB = 2 * _B
_NC = 2
_NS = 16
_NW = _NC * _NS
_NG = _M // 8
_CR = 248
_NCOPY = 126
_GROWS = 264
_SCAN_CHUNK = 4096
_NSCAN = _NB // _SCAN_CHUNK
_WS = 8


def _body(mem, idx, updf, out, *scr):
    idxb, gpk = scr[0], scr[1]
    cb0, cb1 = scr[2], scr[3]
    gb = scr[4:4 + _WS]
    pb = scr[4 + _WS:4 + 2 * _WS]
    s_i0, s_i1, s_o0, s_o1, s_t = scr[4 + 2 * _WS:9 + 2 * _WS]
    si = scr[9 + 2 * _WS:9 + 3 * _WS]
    sp = scr[9 + 3 * _WS:9 + 4 * _WS]
    so = scr[9 + 4 * _WS:9 + 5 * _WS]

    wid = lax.axis_index("c") * _NS + lax.axis_index("s")
    lo = ((wid * _NG) // _NW) * 8
    hi = (((wid + 1) * _NG) // _NW) * 8
    rpw = hi - lo
    iot = lax.iota(jnp.int32, 16)

    bufs = (cb0, cb1)
    sin = (s_i0, s_i1)
    sout = (s_o0, s_o1)

    def cp_in(ci, b):
        return pltpu.make_async_copy(
            mem.at[pl.ds(lo + ci * _CR, _CR)], bufs[b], sin[b])

    def cp_out(ci, b):
        return pltpu.make_async_copy(
            bufs[b], out.at[pl.ds(lo + ci * _CR, _CR)], sout[b])

    cp_in(0, 0).start()
    has_tail = rpw > _NCOPY * _CR

    def cp_tail():
        base = lo + _NCOPY * _CR
        return pltpu.make_async_copy(
            mem.at[pl.ds(base, 8)], out.at[pl.ds(base, 8)], s_t)

    @pl.when(has_tail)
    def _():
        cp_tail().start()

    def scan_chunk(c, cnt_v):
        pltpu.sync_copy(idx.at[pl.ds(c * _SCAN_CHUNK, _SCAN_CHUNK)], idxb)

        def it(i, cnt_v):
            v = idxb[pl.ds(i * 16, 16)]
            m = (v >= lo) & (v < hi)
            pc_v = plsc.all_reduce_population_count(m)
            inc = plsc.cumsum(m.astype(jnp.int32))
            p = cnt_v + inc - 1
            posv = (c * _SCAN_CHUNK) + i * 16 + iot
            e = ((v - lo) << 16) | posv
            plsc.store_scatter(gpk, [p >> 7, p & 127], e, mask=m)
            return cnt_v + pc_v

        return lax.fori_loop(0, _SCAN_CHUNK // 16, it, cnt_v)

    cnt_v = jnp.zeros((16,), jnp.int32)
    for c in range(_NSCAN):
        cnt_v = scan_chunk(c, cnt_v)
    cnt = cnt_v[0]

    def pair(j, z):
        a = 2 * j
        cp_in(a, 0).wait()

        @pl.when(j > 0)
        def _():
            cp_out(a - 1, 1).wait()
        cp_in(a + 1, 1).start()
        cp_out(a, 0).start()

        b = a + 1
        cp_in(b, 1).wait()
        cp_out(b - 1, 0).wait()

        @pl.when(j < _NCOPY // 2 - 1)
        def _():
            cp_in(b + 1, 0).start()
        cp_out(b, 1).start()
        return z

    lax.fori_loop(0, _NCOPY // 2, pair, 0)
    cp_out(_NCOPY - 1, 1).wait()

    @pl.when(has_tail)
    def _():
        cp_tail().wait()

    def gslice(grp):
        return out.at[pl.ds(grp * 8, 8)]

    def wave(ev, base):
        es = [ev[s] for s in range(_WS)]
        row = [lo + (es[s] >> 16) for s in range(_WS)]
        grp = [row[s] >> 3 for s in range(_WS)]
        pos = [es[s] & 0xFFFF for s in range(_WS)]
        valid = [(base + s) < cnt for s in range(_WS)]
        rem0 = jnp.int32(0)
        for s in range(_WS):
            rem0 = rem0 | jnp.where(valid[s], jnp.int32(1 << s), 0)

        def subwave(remmask):
            rem = [((remmask >> s) & 1) == 1 for s in range(_WS)]
            take = []
            for s in range(_WS):
                conflict = False
                for t in range(s):
                    conflict = conflict | (rem[t] & (grp[t] == grp[s]))
                take.append(rem[s] & jnp.logical_not(conflict))
            for s in range(_WS):
                @pl.when(take[s])
                def _(s=s):
                    pltpu.make_async_copy(gslice(grp[s]), gb[s], si[s]).start()
                    pltpu.make_async_copy(
                        updf.at[pl.ds(pos[s] * 16, 16)], pb[s], sp[s]).start()
            for s in range(_WS):
                @pl.when(take[s])
                def _(s=s):
                    pltpu.make_async_copy(gslice(grp[s]), gb[s], si[s]).wait()
                    pltpu.make_async_copy(
                        updf.at[pl.ds(pos[s] * 16, 16)], pb[s], sp[s]).wait()
                    pvec = pb[s][pl.ds(0, 16)]
                    plsc.store_scatter(
                        gb[s], [jnp.broadcast_to(row[s] & 7, (16,)), iot],
                        pvec, mask=iot < _D)
                    pltpu.make_async_copy(gb[s], gslice(grp[s]), so[s]).start()
            for s in range(_WS):
                @pl.when(take[s])
                def _(s=s):
                    pltpu.make_async_copy(gb[s], gslice(grp[s]), so[s]).wait()
            tkm = jnp.int32(0)
            for s in range(_WS):
                tkm = tkm | jnp.where(take[s], jnp.int32(1 << s), 0)
            return remmask & ~tkm

        lax.while_loop(lambda m: m != 0, subwave, rem0)

    def kv_body(k, z):
        ev = gpk[k >> 3, pl.ds((k & 7) * 16, 16)]
        wave(ev[:8], k * 16)
        wave(ev[8:16], k * 16 + 8)
        return z

    lax.fori_loop(0, (cnt + 15) >> 4, kv_body, 0)


@jax.jit
def _run(mem, idx, updf):
    scratch = [
        pltpu.VMEM((_SCAN_CHUNK,), jnp.int32),
        pltpu.VMEM((_GROWS, 128), jnp.int32),
        pltpu.VMEM((_CR, _D), jnp.float32),
        pltpu.VMEM((_CR, _D), jnp.float32),
    ]
    scratch += [pltpu.VMEM((8, _D), jnp.float32) for _ in range(_WS)]
    scratch += [pltpu.VMEM((16,), jnp.float32) for _ in range(_WS)]
    scratch += [pltpu.SemaphoreType.DMA for _ in range(5 + 3 * _WS)]
    f = pl.kernel(
        _body,
        out_type=jax.ShapeDtypeStruct((_M, _D), jnp.float32),
        mesh=plsc.VectorSubcoreMesh(
            core_axis_name="c", subcore_axis_name="s",
            num_cores=_NC, num_subcores=_NS),
        compiler_params=pltpu.CompilerParams(
            needs_layout_passes=False, use_tc_tiling_on_sc=True),
        scratch_types=scratch,
    )
    return f(mem, idx, updf)


def kernel(mem, srcID, src_feature, dstID, dst_feature):
    idx = jnp.concatenate([srcID, dstID], axis=0)
    updf = jnp.pad(jnp.concatenate([src_feature, dst_feature], axis=0),
                   ((0, 0), (0, 1))).reshape(_NB * 16)
    return _run(mem, idx, updf)

# --- scband reference (transcript-rebuilt; emitter-appended) ---
"""Pipeline reference for scband-gnnids-51737176047725 (READ-ONLY COPY).

The authoritative reference and input builder live on the scoring server;
editing this copy changes nothing except your own understanding.
"""

import jax, jax.numpy as jnp
import numpy as np

M = 1000000
B = 16384
D = 15

def setup_inputs(seed: int = 0) -> dict:
    key = jax.random.key(seed)
    k1, k2, k3, k4, k5 = jax.random.split(key, 5)
    mem = jax.random.normal(k1, (M, D), dtype=jnp.float32)
    srcID = jax.random.randint(k2, (B,), 0, M, dtype=jnp.int32)
    src_feature = jax.random.normal(k3, (B, D), dtype=jnp.float32)
    dstID = jax.random.randint(k4, (B,), 0, M, dtype=jnp.int32)
    dst_feature = jax.random.normal(k5, (B, D), dtype=jnp.float32)
    return {
        "mem": mem,
        "srcID": srcID,
        "src_feature": src_feature,
        "dstID": dstID,
        "dst_feature": dst_feature,
    }

def reference(mem, srcID, src_feature, dstID, dst_feature):
    # Faithful translation of GNNIDS.update_nodes node-memory scatter-overwrite:
    #   for i in range(B): G.x[srcID[i]] = src_feature[i]; G.x[dstID[i]] = dst_feature[i]
    # Vectorized as two scatter-set ops (src writes first, then dst writes,
    # matching the loop's last-writer-wins semantics for dst over src at the
    # same index).
    out = mem.at[srcID].set(src_feature)
    out = out.at[dstID].set(dst_feature)
    return out

if __name__ == "__main__":
    import jax
    _d = setup_inputs()
    print(jax.jit(kernel)(*tuple(_d.values())))

</pallas_src>

<mosaic_0001>
#map = affine_map<(d0, d1) -> (0, 0)>
#map1 = affine_map<(d0, d1) -> (0)>
module attributes {stable_mosaic.version = 14 : i64} {
  func.func @_body(%arg0: i32, %arg1: i32, %arg2: memref<1000000x15xf32, #tpu.memory_space<hbm>>, %arg3: memref<32768xi32, #tpu.memory_space<hbm>>, %arg4: memref<524288xf32, #tpu.memory_space<hbm>>, %arg5: memref<1000000x15xf32, #tpu.memory_space<hbm>>, %arg6: memref<4096xi32, #tpu.memory_space<vmem>>, %arg7: memref<264x128xi32, #tpu.memory_space<vmem>>, %arg8: memref<248x15xf32, #tpu.memory_space<vmem>>, %arg9: memref<248x15xf32, #tpu.memory_space<vmem>>, %arg10: memref<8x15xf32, #tpu.memory_space<vmem>>, %arg11: memref<8x15xf32, #tpu.memory_space<vmem>>, %arg12: memref<8x15xf32, #tpu.memory_space<vmem>>, %arg13: memref<8x15xf32, #tpu.memory_space<vmem>>, %arg14: memref<8x15xf32, #tpu.memory_space<vmem>>, %arg15: memref<8x15xf32, #tpu.memory_space<vmem>>, %arg16: memref<8x15xf32, #tpu.memory_space<vmem>>, %arg17: memref<8x15xf32, #tpu.memory_space<vmem>>, %arg18: memref<16xf32, #tpu.memory_space<vmem>>, %arg19: memref<16xf32, #tpu.memory_space<vmem>>, %arg20: memref<16xf32, #tpu.memory_space<vmem>>, %arg21: memref<16xf32, #tpu.memory_space<vmem>>, %arg22: memref<16xf32, #tpu.memory_space<vmem>>, %arg23: memref<16xf32, #tpu.memory_space<vmem>>, %arg24: memref<16xf32, #tpu.memory_space<vmem>>, %arg25: memref<16xf32, #tpu.memory_space<vmem>>, %arg26: memref<!tpu.dma_semaphore, #tpu.memory_space<semaphore_mem>>, %arg27: memref<!tpu.dma_semaphore, #tpu.memory_space<semaphore_mem>>, %arg28: memref<!tpu.dma_semaphore, #tpu.memory_space<semaphore_mem>>, %arg29: memref<!tpu.dma_semaphore, #tpu.memory_space<semaphore_mem>>, %arg30: memref<!tpu.dma_semaphore, #tpu.memory_space<semaphore_mem>>, %arg31: memref<!tpu.dma_semaphore, #tpu.memory_space<semaphore_mem>>, %arg32: memref<!tpu.dma_semaphore, #tpu.memory_space<semaphore_mem>>, %arg33: memref<!tpu.dma_semaphore, #tpu.memory_space<semaphore_mem>>, %arg34: memref<!tpu.dma_semaphore, #tpu.memory_space<semaphore_mem>>, %arg35: memref<!tpu.dma_semaphore, #tpu.memory_space<semaphore_mem>>, %arg36: memref<!tpu.dma_semaphore, #tpu.memory_space<semaphore_mem>>, %arg37: memref<!tpu.dma_semaphore, #tpu.memory_space<semaphore_mem>>, %arg38: memref<!tpu.dma_semaphore, #tpu.memory_space<semaphore_mem>>, %arg39: memref<!tpu.dma_semaphore, #tpu.memory_space<semaphore_mem>>, %arg40: memref<!tpu.dma_semaphore, #tpu.memory_space<semaphore_mem>>, %arg41: memref<!tpu.dma_semaphore, #tpu.memory_space<semaphore_mem>>, %arg42: memref<!tpu.dma_semaphore, #tpu.memory_space<semaphore_mem>>, %arg43: memref<!tpu.dma_semaphore, #tpu.memory_space<semaphore_mem>>, %arg44: memref<!tpu.dma_semaphore, #tpu.memory_space<semaphore_mem>>, %arg45: memref<!tpu.dma_semaphore, #tpu.memory_space<semaphore_mem>>, %arg46: memref<!tpu.dma_semaphore, #tpu.memory_space<semaphore_mem>>, %arg47: memref<!tpu.dma_semaphore, #tpu.memory_space<semaphore_mem>>, %arg48: memref<!tpu.dma_semaphore, #tpu.memory_space<semaphore_mem>>, %arg49: memref<!tpu.dma_semaphore, #tpu.memory_space<semaphore_mem>>, %arg50: memref<!tpu.dma_semaphore, #tpu.memory_space<semaphore_mem>>, %arg51: memref<!tpu.dma_semaphore, #tpu.memory_space<semaphore_mem>>, %arg52: memref<!tpu.dma_semaphore, #tpu.memory_space<semaphore_mem>>, %arg53: memref<!tpu.dma_semaphore, #tpu.memory_space<semaphore_mem>>, %arg54: memref<!tpu.dma_semaphore, #tpu.memory_space<semaphore_mem>>) attributes {dimension_semantics = [#tpu.dimension_semantics<core_parallel>, #tpu.dimension_semantics<subcore_parallel>], iteration_bounds = array<i64: 2, 16>, scalar_prefetch = 0 : i64, scratch_operands = 49 : i64, tpu.core_type = #tpu.core_type<sc_vector_subcore>, window_params = [{transform_indices = #map}, {transform_indices = #map1}, {transform_indices = #map1}, {transform_indices = #map}]} {
    %mul3A = arith.constant 16 : i32
    %mul3A_0 = arith.muli %arg0, %mul3A : i32
    %add3A = arith.addi %mul3A_0, %arg1 : i32
    %mul3A_1 = arith.constant 125000 : i32
    %mul3A_2 = arith.muli %add3A, %mul3A_1 : i32
    %jit3A = arith.constant 32 : i32
    %div3A = arith.divsi %mul3A_2, %jit3A : i32
    %sign3A = arith.constant 0 : i32
    %sign3A_3 = arith.cmpi sgt, %mul3A_2, %sign3A : i32
    %sign3A_4 = arith.extui %sign3A_3 : i1 to i32
    %sign3A_5 = arith.constant 0 : i32
    %sign3A_6 = arith.cmpi slt, %mul3A_2, %sign3A_5 : i32
    %sign3A_7 = arith.extui %sign3A_6 : i1 to i32
    %sign3A_8 = arith.subi %sign3A_4, %sign3A_7 : i32
    %sign3A_9 = arith.constant 0 : i32
    %sign3A_10 = arith.cmpi sgt, %jit3A, %sign3A_9 : i32
    %sign3A_11 = arith.extui %sign3A_10 : i1 to i32
    %sign3A_12 = arith.constant 0 : i32
    %sign3A_13 = arith.cmpi slt, %jit3A, %sign3A_12 : i32
    %sign3A_14 = arith.extui %sign3A_13 : i1 to i32
    %sign3A_15 = arith.subi %sign3A_11, %sign3A_14 : i32
    %ne3A = arith.cmpi ne, %sign3A_8, %sign3A_15 : i32
    %rem3A = arith.remsi %mul3A_2, %jit3A : i32
    %ne3A_16 = arith.constant 0 : i32
    %ne3A_17 = arith.cmpi ne, %rem3A, %ne3A_16 : i32
    %and3A = arith.andi %ne3A, %ne3A_17 : i1
    %sub3A = arith.constant 1 : i32
    %sub3A_18 = arith.subi %div3A, %sub3A : i32
    %select_n3A = arith.select %and3A, %sub3A_18, %div3A : i32
    %mul3A_19 = arith.constant 8 : i32
    %mul3A_20 = arith.muli %select_n3A, %mul3A_19 : i32
    %add3A_21 = arith.constant 1 : i32
    %add3A_22 = arith.addi %add3A, %add3A_21 : i32
    %mul3A_23 = arith.constant 125000 : i32
    %mul3A_24 = arith.muli %add3A_22, %mul3A_23 : i32
    %jit3A_25 = arith.constant 32 : i32
    %div3A_26 = arith.divsi %mul3A_24, %jit3A_25 : i32
    %sign3A_27 = arith.constant 0 : i32
    %sign3A_28 = arith.cmpi sgt, %mul3A_24, %sign3A_27 : i32
    %sign3A_29 = arith.extui %sign3A_28 : i1 to i32
    %sign3A_30 = arith.constant 0 : i32
    %sign3A_31 = arith.cmpi slt, %mul3A_24, %sign3A_30 : i32
    %sign3A_32 = arith.extui %sign3A_31 : i1 to i32
    %sign3A_33 = arith.subi %sign3A_29, %sign3A_32 : i32
    %sign3A_34 = arith.constant 0 : i32
    %sign3A_35 = arith.cmpi sgt, %jit3A_25, %sign3A_34 : i32
    %sign3A_36 = arith.extui %sign3A_35 : i1 to i32
    %sign3A_37 = arith.constant 0 : i32
    %sign3A_38 = arith.cmpi slt, %jit3A_25, %sign3A_37 : i32
    %sign3A_39 = arith.extui %sign3A_38 : i1 to i32
    %sign3A_40 = arith.subi %sign3A_36, %sign3A_39 : i32
    %ne3A_41 = arith.cmpi ne, %sign3A_33, %sign3A_40 : i32
    %rem3A_42 = arith.remsi %mul3A_24, %jit3A_25 : i32
    %ne3A_43 = arith.constant 0 : i32
    %ne3A_44 = arith.cmpi ne, %rem3A_42, %ne3A_43 : i32
    %and3A_45 = arith.andi %ne3A_41, %ne3A_44 : i1
    %sub3A_46 = arith.constant 1 : i32
    %sub3A_47 = arith.subi %div3A_26, %sub3A_46 : i32
    %select_n3A_48 = arith.select %and3A_45, %sub3A_47, %div3A_26 : i32
    %mul3A_49 = arith.constant 8 : i32
    %mul3A_50 = arith.muli %select_n3A_48, %mul3A_49 : i32
    %sub3A_51 = arith.subi %mul3A_50, %mul3A_20 : i32
    %iota3A = tpu.iota {dimensions = array<i32: 0>} : vector<16xi32>
    %add3A_52 = arith.constant 0 : i32
    %add3A_53 = arith.addi %mul3A_20, %add3A_52 : i32
    %dma_start3A = arith.constant 0 : i32
    %dma_start3A_54 = tpu.memref_slice %arg2[%add3A_53, %dma_start3A] : memref<1000000x15xf32, #tpu.memory_space<hbm>> -> memref<248x15xf32, #tpu.memory_space<hbm>>
    %dma_start3A_55 = arith.constant 0 : i32
    %dma_start3A_56 = tpu.memref_slice %arg2[%add3A_53, %dma_start3A_55] : memref<1000000x15xf32, #tpu.memory_space<hbm>> -> memref<248x15xf32, #tpu.memory_space<hbm>>
    tpu.enqueue_dma source(%dma_start3A_56 : memref<248x15xf32, #tpu.memory_space<hbm>>) target(%arg8 : memref<248x15xf32, #tpu.memory_space<vmem>>) target_semaphore(%arg26 : memref<!tpu.dma_semaphore, #tpu.memory_space<semaphore_mem>>)
    %gt3A = arith.constant 31248 : i32
    %gt3A_57 = arith.cmpi sgt, %sub3A_51, %gt3A : i32
    %convert_element_type3A = arith.extui %gt3A_57 : i1 to i32
    %cond3A = arith.constant 0 : i32
    %cond3A_58 = arith.cmpi ne, %convert_element_type3A, %cond3A : i32
    scf.if %cond3A_58 {
      %add3A_133 = arith.constant 31248 : i32
      %add3A_134 = arith.addi %mul3A_20, %add3A_133 : i32
      %dma_start3A_135 = arith.constant 0 : i32
      %dma_start3A_136 = tpu.memref_slice %arg5[%add3A_134, %dma_start3A_135] : memref<1000000x15xf32, #tpu.memory_space<hbm>> -> memref<8x15xf32, #tpu.memory_space<hbm>>
      %dma_start3A_137 = arith.constant 0 : i32
      %dma_start3A_138 = tpu.memref_slice %arg2[%add3A_134, %dma_start3A_137] : memref<1000000x15xf32, #tpu.memory_space<hbm>> -> memref<8x15xf32, #tpu.memory_space<hbm>>
      tpu.enqueue_dma source(%dma_start3A_138 : memref<8x15xf32, #tpu.memory_space<hbm>>) target(%dma_start3A_136 : memref<8x15xf32, #tpu.memory_space<hbm>>) target_semaphore(%arg30 : memref<!tpu.dma_semaphore, #tpu.memory_space<semaphore_mem>>)
    } else {
    }
    %broadcast_in_dim3A = arith.constant 0 : i32
    %broadcast_in_dim3A_59 = vector.broadcast %broadcast_in_dim3A : i32 to vector<16xi32>
    "tpu.region"() ({
      %run_scoped3A = tpu.sem_alloc : memref<!tpu.dma_semaphore, #tpu.memory_space<semaphore_mem>>
      %dma_start3A_133 = arith.constant 0 : i32
      %dma_start3A_134 = tpu.memref_slice %arg3[%dma_start3A_133] : memref<32768xi32, #tpu.memory_space<hbm>> -> memref<4096xi32, #tpu.memory_space<hbm>>
      %dma_start3A_135 = arith.constant 0 : i32
      %dma_start3A_136 = tpu.memref_slice %arg3[%dma_start3A_135] : memref<32768xi32, #tpu.memory_space<hbm>> -> memref<4096xi32, #tpu.memory_space<hbm>>
      tpu.enqueue_dma source(%dma_start3A_136 : memref<4096xi32, #tpu.memory_space<hbm>>) target(%arg6 : memref<4096xi32, #tpu.memory_space<vmem>>) target_semaphore(%run_scoped3A : memref<!tpu.dma_semaphore, #tpu.memory_space<semaphore_mem>>)
      %dma_wait3A_137 = arith.constant 0 : i32
      %dma_wait3A_138 = tpu.memref_slice %arg3[%dma_wait3A_137] : memref<32768xi32, #tpu.memory_space<hbm>> -> memref<4096xi32, #tpu.memory_space<hbm>>
      %dma_wait3A_139 = arith.constant 0 : i32
      %dma_wait3A_140 = tpu.memref_slice %arg3[%dma_wait3A_139] : memref<32768xi32, #tpu.memory_space<hbm>> -> memref<4096xi32, #tpu.memory_space<hbm>>
      tpu.wait_dma2 semaphore(%run_scoped3A : memref<!tpu.dma_semaphore, #tpu.memory_space<semaphore_mem>>) src(%dma_wait3A_140 : memref<4096xi32, #tpu.memory_space<hbm>>) dst(%arg6 : memref<4096xi32, #tpu.memory_space<vmem>>)
      tpu.yield
    }) : () -> ()
    %scan3A = arith.constant 0 : i32
    %scan3A_60 = arith.constant 256 : i32
    %scan3A_61 = arith.addi %scan3A, %scan3A_60 : i32
    %scan3A_62 = arith.constant 1 : i32
    %scan3A_63 = scf.for %scan3A_133 = %scan3A to %scan3A_61 step %scan3A_62 iter_args(%scan3A_134 = %broadcast_in_dim3A_59) -> (vector<16xi32>)  : i32 {
      %mul3A_135 = arith.constant 16 : i32
      %mul3A_136 = arith.muli %scan3A_133, %mul3A_135 : i32
      %get3A = arith.index_cast %mul3A_136 : i32 to index
      %get3A_137 = tpu.vector_load %arg6[%get3A] {strides = array<i32>} : memref<4096xi32, #tpu.memory_space<vmem>>, vector<16xi32>,
      %ge3A = vector.broadcast %mul3A_20 : i32 to vector<16xi32>
      %ge3A_138 = arith.cmpi sge, %get3A_137, %ge3A : vector<16xi32>
      %lt3A = vector.broadcast %mul3A_50 : i32 to vector<16xi32>
      %lt3A_139 = arith.cmpi slt, %get3A_137, %lt3A : vector<16xi32>
      %and3A_140 = arith.andi %ge3A_138, %lt3A_139 : vector<16xi1>
      %all_reduce_population_count3A = tpu.all_reduce %and3A_140 {dim = 0 : i64, kind = #tpu.reduction_kind<sum>} : vector<16xi1> -> vector<16xi32>
      %convert_element_type3A_141 = arith.extui %and3A_140 : vector<16xi1> to vector<16xi32>
      %broadcast_in_dim3A_142 = arith.constant true
      %broadcast_in_dim3A_143 = vector.broadcast %broadcast_in_dim3A_142 : i1 to vector<16xi1>
      %masked_cumsum3A = tpu.scan <sum>, %convert_element_type3A_141 masked %broadcast_in_dim3A_143 : vector<16xi32>, vector<16xi1> -> vector<16xi32>
      %add3A_144 = arith.addi %scan3A_134, %masked_cumsum3A : vector<16xi32>
      %sub3A_145 = arith.constant 1 : i32
      %sub3A_146 = vector.broadcast %sub3A_145 : i32 to vector<16xi32>
      %sub3A_147 = arith.subi %add3A_144, %sub3A_146 : vector<16xi32>
      %mul3A_148 = arith.constant 16 : i32
      %mul3A_149 = arith.muli %scan3A_133, %mul3A_148 : i32
      %add3A_150 = arith.constant 0 : i32
      %add3A_151 = arith.addi %add3A_150, %mul3A_149 : i32
      %add3A_152 = vector.broadcast %add3A_151 : i32 to vector<16xi32>
      %add3A_153 = arith.addi %add3A_152, %iota3A : vector<16xi32>
      %sub3A_154 = vector.broadcast %mul3A_20 : i32 to vector<16xi32>
      %sub3A_155 = arith.subi %get3A_137, %sub3A_154 : vector<16xi32>
      %shift_left3A = arith.constant 16 : i32
      %shift_left3A_156 = vector.broadcast %shift_left3A : i32 to vector<16xi32>
      %shift_left3A_157 = arith.shli %sub3A_155, %shift_left3A_156 : vector<16xi32>
      %or3A = arith.ori %shift_left3A_157, %add3A_153 : vector<16xi32>
      %shift_right_arithmetic3A_158 = arith.constant 7 : i32
      %shift_right_arithmetic3A_159 = vector.broadcast %shift_right_arithmetic3A_158 : i32 to vector<16xi32>
      %shift_right_arithmetic3A_160 = arith.shrsi %sub3A_147, %shift_right_arithmetic3A_159 : vector<16xi32>
      %and3A_161 = arith.constant 127 : i32
      %and3A_162 = vector.broadcast %and3A_161 : i32 to vector<16xi32>
      %and3A_163 = arith.andi %sub3A_147, %and3A_162 : vector<16xi32>
      tpu.vector_store_idx %arg7[%shift_right_arithmetic3A_160, %and3A_163], %or3A masked %and3A_140 : memref<264x128xi32, #tpu.memory_space<vmem>>[vector<16xi32>, vector<16xi32>], vector<16xi32>, vector<16xi1>
      %add3A_164 = arith.addi %scan3A_134, %all_reduce_population_count3A : vector<16xi32>
      scf.yield %add3A_164 : vector<16xi32>
    }
    %scan3A_64 = arith.constant 256 : i32
    "tpu.region"() ({
      %run_scoped3A = tpu.sem_alloc : memref<!tpu.dma_semaphore, #tpu.memory_space<semaphore_mem>>
      %dma_start3A_133 = arith.constant 4096 : i32
      %dma_start3A_134 = tpu.memref_slice %arg3[%dma_start3A_133] : memref<32768xi32, #tpu.memory_space<hbm>> -> memref<4096xi32, #tpu.memory_space<hbm>>
      %dma_start3A_135 = arith.constant 4096 : i32
      %dma_start3A_136 = tpu.memref_slice %arg3[%dma_start3A_135] : memref<32768xi32, #tpu.memory_space<hbm>> -> memref<4096xi32, #tpu.memory_space<hbm>>
      tpu.enqueue_dma source(%dma_start3A_136 : memref<4096xi32, #tpu.memory_space<hbm>>) target(%arg6 : memref<4096xi32, #tpu.memory_space<vmem>>) target_semaphore(%run_scoped3A : memref<!tpu.dma_semaphore, #tpu.memory_space<semaphore_mem>>)
      %dma_wait3A_137 = arith.constant 4096 : i32
      %dma_wait3A_138 = tpu.memref_slice %arg3[%dma_wait3A_137] : memref<32768xi32, #tpu.memory_space<hbm>> -> memref<4096xi32, #tpu.memory_space<hbm>>
      %dma_wait3A_139 = arith.constant 4096 : i32
      %dma_wait3A_140 = tpu.memref_slice %arg3[%dma_wait3A_139] : memref<32768xi32, #tpu.memory_space<hbm>> -> memref<4096xi32, #tpu.memory_space<hbm>>
      tpu.wait_dma2 semaphore(%run_scoped3A : memref<!tpu.dma_semaphore, #tpu.memory_space<semaphore_mem>>) src(%dma_wait3A_140 : memref<4096xi32, #tpu.memory_space<hbm>>) dst(%arg6 : memref<4096xi32, #tpu.memory_space<vmem>>)
      tpu.yield
    }) : () -> ()
    %scan3A_65 = arith.constant 0 : i32
    %scan3A_66 = arith.constant 256 : i32
    %scan3A_67 = arith.addi %scan3A_65, %scan3A_66 : i32
    %scan3A_68 = arith.constant 1 : i32
    %scan3A_69 = scf.for %scan3A_133 = %scan3A_65 to %scan3A_67 step %scan3A_68 iter_args(%scan3A_134 = %scan3A_63) -> (vector<16xi32>)  : i32 {
      %mul3A_135 = arith.constant 16 : i32
      %mul3A_136 = arith.muli %scan3A_133, %mul3A_135 : i32
      %get3A = arith.index_cast %mul3A_136 : i32 to index
      %get3A_137 = tpu.vector_load %arg6[%get3A] {strides = array<i32>} : memref<4096xi32, #tpu.memory_space<vmem>>, vector<16xi32>,
      %ge3A = vector.broadcast %mul3A_20 : i32 to vector<16xi32>
      %ge3A_138 = arith.cmpi sge, %get3A_137, %ge3A : vector<16xi32>
      %lt3A = vector.broadcast %mul3A_50 : i32 to vector<16xi32>
      %lt3A_139 = arith.cmpi slt, %get3A_137, %lt3A : vector<16xi32>
      %and3A_140 = arith.andi %ge3A_138, %lt3A_139 : vector<16xi1>
      %all_reduce_population_count3A = tpu.all_reduce %and3A_140 {dim = 0 : i64, kind = #tpu.reduction_kind<sum>} : vector<16xi1> -> vector<16xi32>
      %convert_element_type3A_141 = arith.extui %and3A_140 : vector<16xi1> to vector<16xi32>
      %broadcast_in_dim3A_142 = arith.constant true
      %broadcast_in_dim3A_143 = vector.broadcast %broadcast_in_dim3A_142 : i1 to vector<16xi1>
      %masked_cumsum3A = tpu.scan <sum>, %convert_element_type3A_141 masked %broadcast_in_dim3A_143 : vector<16xi32>, vector<16xi1> -> vector<16xi32>
      %add3A_144 = arith.addi %scan3A_134, %masked_cumsum3A : vector<16xi32>
      %sub3A_145 = arith.constant 1 : i32
      %sub3A_146 = vector.broadcast %sub3A_145 : i32 to vector<16xi32>
      %sub3A_147 = arith.subi %add3A_144, %sub3A_146 : vector<16xi32>
      %mul3A_148 = arith.constant 16 : i32
      %mul3A_149 = arith.muli %scan3A_133, %mul3A_148 : i32
      %add3A_150 = arith.constant 4096 : i32
      %add3A_151 = arith.addi %add3A_150, %mul3A_149 : i32
      %add3A_152 = vector.broadcast %add3A_151 : i32 to vector<16xi32>
      %add3A_153 = arith.addi %add3A_152, %iota3A : vector<16xi32>
      %sub3A_154 = vector.broadcast %mul3A_20 : i32 to vector<16xi32>
      %sub3A_155 = arith.subi %get3A_137, %sub3A_154 : vector<16xi32>
      %shift_left3A = arith.constant 16 : i32
      %shift_left3A_156 = vector.broadcast %shift_left3A : i32 to vector<16xi32>
      %shift_left3A_157 = arith.shli %sub3A_155, %shift_left3A_156 : vector<16xi32>
      %or3A = arith.ori %shift_left3A_157, %add3A_153 : vector<16xi32>
      %shift_right_arithmetic3A_158 = arith.constant 7 : i32
      %shift_right_arithmetic3A_159 = vector.broadcast %shift_right_arithmetic3A_158 : i32 to vector<16xi32>
      %shift_right_arithmetic3A_160 = arith.shrsi %sub3A_147, %shift_right_arithmetic3A_159 : vector<16xi32>
      %and3A_161 = arith.constant 127 : i32
      %and3A_162 = vector.broadcast %and3A_161 : i32 to vector<16xi32>
      %and3A_163 = arith.andi %sub3A_147, %and3A_162 : vector<16xi32>
      tpu.vector_store_idx %arg7[%shift_right_arithmetic3A_160, %and3A_163], %or3A masked %and3A_140 : memref<264x128xi32, #tpu.memory_space<vmem>>[vector<16xi32>, vector<16xi32>], vector<16xi32>, vector<16xi1>
      %add3A_164 = arith.addi %scan3A_134, %all_reduce_population_count3A : vector<16xi32>
      scf.yield %add3A_164 : vector<16xi32>
    }
    %scan3A_70 = arith.constant 256 : i32
    "tpu.region"() ({
      %run_scoped3A = tpu.sem_alloc : memref<!tpu.dma_semaphore, #tpu.memory_space<semaphore_mem>>
      %dma_start3A_133 = arith.constant 8192 : i32
      %dma_start3A_134 = tpu.memref_slice %arg3[%dma_start3A_133] : memref<32768xi32, #tpu.memory_space<hbm>> -> memref<4096xi32, #tpu.memory_space<hbm>>
      %dma_start3A_135 = arith.constant 8192 : i32
      %dma_start3A_136 = tpu.memref_slice %arg3[%dma_start3A_135] : memref<32768xi32, #tpu.memory_space<hbm>> -> memref<4096xi32, #tpu.memory_space<hbm>>
      tpu.enqueue_dma source(%dma_start3A_136 : memref<4096xi32, #tpu.memory_space<hbm>>) target(%arg6 : memref<4096xi32, #tpu.memory_space<vmem>>) target_semaphore(%run_scoped3A : memref<!tpu.dma_semaphore, #tpu.memory_space<semaphore_mem>>)
      %dma_wait3A_137 = arith.constant 8192 : i32
      %dma_wait3A_138 = tpu.memref_slice %arg3[%dma_wait3A_137] : memref<32768xi32, #tpu.memory_space<hbm>> -> memref<4096xi32, #tpu.memory_space<hbm>>
      %dma_wait3A_139 = arith.constant 8192 : i32
      %dma_wait3A_140 = tpu.memref_slice %arg3[%dma_wait3A_139] : memref<32768xi32, #tpu.memory_space<hbm>> -> memref<4096xi32, #tpu.memory_space<hbm>>
      tpu.wait_dma2 semaphore(%run_scoped3A : memref<!tpu.dma_semaphore, #tpu.memory_space<semaphore_mem>>) src(%dma_wait3A_140 : memref<4096xi32, #tpu.memory_space<hbm>>) dst(%arg6 : memref<4096xi32, #tpu.memory_space<vmem>>)
      tpu.yield
    }) : () -> ()
    %scan3A_71 = arith.constant 0 : i32
    %scan3A_72 = arith.constant 256 : i32
    %scan3A_73 = arith.addi %scan3A_71, %scan3A_72 : i32
    %scan3A_74 = arith.constant 1 : i32
    %scan3A_75 = scf.for %scan3A_133 = %scan3A_71 to %scan3A_73 step %scan3A_74 iter_args(%scan3A_134 = %scan3A_69) -> (vector<16xi32>)  : i32 {
      %mul3A_135 = arith.constant 16 : i32
      %mul3A_136 = arith.muli %scan3A_133, %mul3A_135 : i32
      %get3A = arith.index_cast %mul3A_136 : i32 to index
      %get3A_137 = tpu.vector_load %arg6[%get3A] {strides = array<i32>} : memref<4096xi32, #tpu.memory_space<vmem>>, vector<16xi32>,
      %ge3A = vector.broadcast %mul3A_20 : i32 to vector<16xi32>
      %ge3A_138 = arith.cmpi sge, %get3A_137, %ge3A : vector<16xi32>
      %lt3A = vector.broadcast %mul3A_50 : i32 to vector<16xi32>
      %lt3A_139 = arith.cmpi slt, %get3A_137, %lt3A : vector<16xi32>
      %and3A_140 = arith.andi %ge3A_138, %lt3A_139 : vector<16xi1>
      %all_reduce_population_count3A = tpu.all_reduce %and3A_140 {dim = 0 : i64, kind = #tpu.reduction_kind<sum>} : vector<16xi1> -> vector<16xi32>
      %convert_element_type3A_141 = arith.extui %and3A_140 : vector<16xi1> to vector<16xi32>
      %broadcast_in_dim3A_142 = arith.constant true
      %broadcast_in_dim3A_143 = vector.broadcast %broadcast_in_dim3A_142 : i1 to vector<16xi1>
      %masked_cumsum3A = tpu.scan <sum>, %convert_element_type3A_141 masked %broadcast_in_dim3A_143 : vector<16xi32>, vector<16xi1> -> vector<16xi32>
      %add3A_144 = arith.addi %scan3A_134, %masked_cumsum3A : vector<16xi32>
      %sub3A_145 = arith.constant 1 : i32
      %sub3A_146 = vector.broadcast %sub3A_145 : i32 to vector<16xi32>
      %sub3A_147 = arith.subi %add3A_144, %sub3A_146 : vector<16xi32>
      %mul3A_148 = arith.constant 16 : i32
      %mul3A_149 = arith.muli %scan3A_133, %mul3A_148 : i32
      %add3A_150 = arith.constant 8192 : i32
      %add3A_151 = arith.addi %add3A_150, %mul3A_149 : i32
      %add3A_152 = vector.broadcast %add3A_151 : i32 to vector<16xi32>
      %add3A_153 = arith.addi %add3A_152, %iota3A : vector<16xi32>
      %sub3A_154 = vector.broadcast %mul3A_20 : i32 to vector<16xi32>
      %sub3A_155 = arith.subi %get3A_137, %sub3A_154 : vector<16xi32>
      %shift_left3A = arith.constant 16 : i32
      %shift_left3A_156 = vector.broadcast %shift_left3A : i32 to vector<16xi32>
      %shift_left3A_157 = arith.shli %sub3A_155, %shift_left3A_156 : vector<16xi32>
      %or3A = arith.ori %shift_left3A_157, %add3A_153 : vector<16xi32>
      %shift_right_arithmetic3A_158 = arith.constant 7 : i32
      %shift_right_arithmetic3A_159 = vector.broadcast %shift_right_arithmetic3A_158 : i32 to vector<16xi32>
      %shift_right_arithmetic3A_160 = arith.shrsi %sub3A_147, %shift_right_arithmetic3A_159 : vector<16xi32>
      %and3A_161 = arith.constant 127 : i32
      %and3A_162 = vector.broadcast %and3A_161 : i32 to vector<16xi32>
      %and3A_163 = arith.andi %sub3A_147, %and3A_162 : vector<16xi32>
      tpu.vector_store_idx %arg7[%shift_right_arithmetic3A_160, %and3A_163], %or3A masked %and3A_140 : memref<264x128xi32, #tpu.memory_space<vmem>>[vector<16xi32>, vector<16xi32>], vector<16xi32>, vector<16xi1>
      %add3A_164 = arith.addi %scan3A_134, %all_reduce_population_count3A : vector<16xi32>
      scf.yield %add3A_164 : vector<16xi32>
    }
    %scan3A_76 = arith.constant 256 : i32
    "tpu.region"() ({
      %run_scoped3A = tpu.sem_alloc : memref<!tpu.dma_semaphore, #tpu.memory_space<semaphore_mem>>
      %dma_start3A_133 = arith.constant 12288 : i32
      %dma_start3A_134 = tpu.memref_slice %arg3[%dma_start3A_133] : memref<32768xi32, #tpu.memory_space<hbm>> -> memref<4096xi32, #tpu.memory_space<hbm>>
      %dma_start3A_135 = arith.constant 12288 : i32
      %dma_start3A_136 = tpu.memref_slice %arg3[%dma_start3A_135] : memref<32768xi32, #tpu.memory_space<hbm>> -> memref<4096xi32, #tpu.memory_space<hbm>>
      tpu.enqueue_dma source(%dma_start3A_136 : memref<4096xi32, #tpu.memory_space<hbm>>) target(%arg6 : memref<4096xi32, #tpu.memory_space<vmem>>) target_semaphore(%run_scoped3A : memref<!tpu.dma_semaphore, #tpu.memory_space<semaphore_mem>>)
      %dma_wait3A_137 = arith.constant 12288 : i32
      %dma_wait3A_138 = tpu.memref_slice %arg3[%dma_wait3A_137] : memref<32768xi32, #tpu.memory_space<hbm>> -> memref<4096xi32, #tpu.memory_space<hbm>>
      %dma_wait3A_139 = arith.constant 12288 : i32
      %dma_wait3A_140 = tpu.memref_slice %arg3[%dma_wait3A_139] : memref<32768xi32, #tpu.memory_space<hbm>> -> memref<4096xi32, #tpu.memory_space<hbm>>
      tpu.wait_dma2 semaphore(%run_scoped3A : memref<!tpu.dma_semaphore, #tpu.memory_space<semaphore_mem>>) src(%dma_wait3A_140 : memref<4096xi32, #tpu.memory_space<hbm>>) dst(%arg6 : memref<4096xi32, #tpu.memory_space<vmem>>)
      tpu.yield
    }) : () -> ()
    %scan3A_77 = arith.constant 0 : i32
    %scan3A_78 = arith.constant 256 : i32
    %scan3A_79 = arith.addi %scan3A_77, %scan3A_78 : i32
    %scan3A_80 = arith.constant 1 : i32
    %scan3A_81 = scf.for %scan3A_133 = %scan3A_77 to %scan3A_79 step %scan3A_80 iter_args(%scan3A_134 = %scan3A_75) -> (vector<16xi32>)  : i32 {
      %mul3A_135 = arith.constant 16 : i32
      %mul3A_136 = arith.muli %scan3A_133, %mul3A_135 : i32
      %get3A = arith.index_cast %mul3A_136 : i32 to index
      %get3A_137 = tpu.vector_load %arg6[%get3A] {strides = array<i32>} : memref<4096xi32, #tpu.memory_space<vmem>>, vector<16xi32>,
      %ge3A = vector.broadcast %mul3A_20 : i32 to vector<16xi32>
      %ge3A_138 = arith.cmpi sge, %get3A_137, %ge3A : vector<16xi32>
      %lt3A = vector.broadcast %mul3A_50 : i32 to vector<16xi32>
      %lt3A_139 = arith.cmpi slt, %get3A_137, %lt3A : vector<16xi32>
      %and3A_140 = arith.andi %ge3A_138, %lt3A_139 : vector<16xi1>
      %all_reduce_population_count3A = tpu.all_reduce %and3A_140 {dim = 0 : i64, kind = #tpu.reduction_kind<sum>} : vector<16xi1> -> vector<16xi32>
      %convert_element_type3A_141 = arith.extui %and3A_140 : vector<16xi1> to vector<16xi32>
      %broadcast_in_dim3A_142 = arith.constant true
      %broadcast_in_dim3A_143 = vector.broadcast %broadcast_in_dim3A_142 : i1 to vector<16xi1>
      %masked_cumsum3A = tpu.scan <sum>, %convert_element_type3A_141 masked %broadcast_in_dim3A_143 : vector<16xi32>, vector<16xi1> -> vector<16xi32>
      %add3A_144 = arith.addi %scan3A_134, %masked_cumsum3A : vector<16xi32>
      %sub3A_145 = arith.constant 1 : i32
      %sub3A_146 = vector.broadcast %sub3A_145 : i32 to vector<16xi32>
      %sub3A_147 = arith.subi %add3A_144, %sub3A_146 : vector<16xi32>
      %mul3A_148 = arith.constant 16 : i32
      %mul3A_149 = arith.muli %scan3A_133, %mul3A_148 : i32
      %add3A_150 = arith.constant 12288 : i32
      %add3A_151 = arith.addi %add3A_150, %mul3A_149 : i32
      %add3A_152 = vector.broadcast %add3A_151 : i32 to vector<16xi32>
      %add3A_153 = arith.addi %add3A_152, %iota3A : vector<16xi32>
      %sub3A_154 = vector.broadcast %mul3A_20 : i32 to vector<16xi32>
      %sub3A_155 = arith.subi %get3A_137, %sub3A_154 : vector<16xi32>
      %shift_left3A = arith.constant 16 : i32
      %shift_left3A_156 = vector.broadcast %shift_left3A : i32 to vector<16xi32>
      %shift_left3A_157 = arith.shli %sub3A_155, %shift_left3A_156 : vector<16xi32>
      %or3A = arith.ori %shift_left3A_157, %add3A_153 : vector<16xi32>
      %shift_right_arithmetic3A_158 = arith.constant 7 : i32
      %shift_right_arithmetic3A_159 = vector.broadcast %shift_right_arithmetic3A_158 : i32 to vector<16xi32>
      %shift_right_arithmetic3A_160 = arith.shrsi %sub3A_147, %shift_right_arithmetic3A_159 : vector<16xi32>
      %and3A_161 = arith.constant 127 : i32
      %and3A_162 = vector.broadcast %and3A_161 : i32 to vector<16xi32>
      %and3A_163 = arith.andi %sub3A_147, %and3A_162 : vector<16xi32>
      tpu.vector_store_idx %arg7[%shift_right_arithmetic3A_160, %and3A_163], %or3A masked %and3A_140 : memref<264x128xi32, #tpu.memory_space<vmem>>[vector<16xi32>, vector<16xi32>], vector<16xi32>, vector<16xi1>
      %add3A_164 = arith.addi %scan3A_134, %all_reduce_population_count3A : vector<16xi32>
      scf.yield %add3A_164 : vector<16xi32>
    }
    %scan3A_82 = arith.constant 256 : i32
    "tpu.region"() ({
      %run_scoped3A = tpu.sem_alloc : memref<!tpu.dma_semaphore, #tpu.memory_space<semaphore_mem>>
      %dma_start3A_133 = arith.constant 16384 : i32
      %dma_start3A_134 = tpu.memref_slice %arg3[%dma_start3A_133] : memref<32768xi32, #tpu.memory_space<hbm>> -> memref<4096xi32, #tpu.memory_space<hbm>>
      %dma_start3A_135 = arith.constant 16384 : i32
      %dma_start3A_136 = tpu.memref_slice %arg3[%dma_start3A_135] : memref<32768xi32, #tpu.memory_space<hbm>> -> memref<4096xi32, #tpu.memory_space<hbm>>
      tpu.enqueue_dma source(%dma_start3A_136 : memref<4096xi32, #tpu.memory_space<hbm>>) target(%arg6 : memref<4096xi32, #tpu.memory_space<vmem>>) target_semaphore(%run_scoped3A : memref<!tpu.dma_semaphore, #tpu.memory_space<semaphore_mem>>)
      %dma_wait3A_137 = arith.constant 16384 : i32
      %dma_wait3A_138 = tpu.memref_slice %arg3[%dma_wait3A_137] : memref<32768xi32, #tpu.memory_space<hbm>> -> memref<4096xi32, #tpu.memory_space<hbm>>
      %dma_wait3A_139 = arith.constant 16384 : i32
      %dma_wait3A_140 = tpu.memref_slice %arg3[%dma_wait3A_139] : memref<32768xi32, #tpu.memory_space<hbm>> -> memref<4096xi32, #tpu.memory_space<hbm>>
      tpu.wait_dma2 semaphore(%run_scoped3A : memref<!tpu.dma_semaphore, #tpu.memory_space<semaphore_mem>>) src(%dma_wait3A_140 : memref<4096xi32, #tpu.memory_space<hbm>>) dst(%arg6 : memref<4096xi32, #tpu.memory_space<vmem>>)
      tpu.yield
    }) : () -> ()
    %scan3A_83 = arith.constant 0 : i32
    %scan3A_84 = arith.constant 256 : i32
    %scan3A_85 = arith.addi %scan3A_83, %scan3A_84 : i32
    %scan3A_86 = arith.constant 1 : i32
    %scan3A_87 = scf.for %scan3A_133 = %scan3A_83 to %scan3A_85 step %scan3A_86 iter_args(%scan3A_134 = %scan3A_81) -> (vector<16xi32>)  : i32 {
      %mul3A_135 = arith.constant 16 : i32
      %mul3A_136 = arith.muli %scan3A_133, %mul3A_135 : i32
      %get3A = arith.index_cast %mul3A_136 : i32 to index
      %get3A_137 = tpu.vector_load %arg6[%get3A] {strides = array<i32>} : memref<4096xi32, #tpu.memory_space<vmem>>, vector<16xi32>,
      %ge3A = vector.broadcast %mul3A_20 : i32 to vector<16xi32>
      %ge3A_138 = arith.cmpi sge, %get3A_137, %ge3A : vector<16xi32>
      %lt3A = vector.broadcast %mul3A_50 : i32 to vector<16xi32>
      %lt3A_139 = arith.cmpi slt, %get3A_137, %lt3A : vector<16xi32>
      %and3A_140 = arith.andi %ge3A_138, %lt3A_139 : vector<16xi1>
      %all_reduce_population_count3A = tpu.all_reduce %and3A_140 {dim = 0 : i64, kind = #tpu.reduction_kind<sum>} : vector<16xi1> -> vector<16xi32>
      %convert_element_type3A_141 = arith.extui %and3A_140 : vector<16xi1> to vector<16xi32>
      %broadcast_in_dim3A_142 = arith.constant true
      %broadcast_in_dim3A_143 = vector.broadcast %broadcast_in_dim3A_142 : i1 to vector<16xi1>
      %masked_cumsum3A = tpu.scan <sum>, %convert_element_type3A_141 masked %broadcast_in_dim3A_143 : vector<16xi32>, vector<16xi1> -> vector<16xi32>
      %add3A_144 = arith.addi %scan3A_134, %masked_cumsum3A : vector<16xi32>
      %sub3A_145 = arith.constant 1 : i32
      %sub3A_146 = vector.broadcast %sub3A_145 : i32 to vector<16xi32>
      %sub3A_147 = arith.subi %add3A_144, %sub3A_146 : vector<16xi32>
      %mul3A_148 = arith.constant 16 : i32
      %mul3A_149 = arith.muli %scan3A_133, %mul3A_148 : i32
      %add3A_150 = arith.constant 16384 : i32
      %add3A_151 = arith.addi %add3A_150, %mul3A_149 : i32
      %add3A_152 = vector.broadcast %add3A_151 : i32 to vector<16xi32>
      %add3A_153 = arith.addi %add3A_152, %iota3A : vector<16xi32>
      %sub3A_154 = vector.broadcast %mul3A_20 : i32 to vector<16xi32>
      %sub3A_155 = arith.subi %get3A_137, %sub3A_154 : vector<16xi32>
      %shift_left3A = arith.constant 16 : i32
      %shift_left3A_156 = vector.broadcast %shift_left3A : i32 to vector<16xi32>
      %shift_left3A_157 = arith.shli %sub3A_155, %shift_left3A_156 : vector<16xi32>
      %or3A = arith.ori %shift_left3A_157, %add3A_153 : vector<16xi32>
      %shift_right_arithmetic3A_158 = arith.constant 7 : i32
      %shift_right_arithmetic3A_159 = vector.broadcast %shift_right_arithmetic3A_158 : i32 to vector<16xi32>
      %shift_right_arithmetic3A_160 = arith.shrsi %sub3A_147, %shift_right_arithmetic3A_159 : vector<16xi32>
      %and3A_161 = arith.constant 127 : i32
      %and3A_162 = vector.broadcast %and3A_161 : i32 to vector<16xi32>
      %and3A_163 = arith.andi %sub3A_147, %and3A_162 : vector<16xi32>
      tpu.vector_store_idx %arg7[%shift_right_arithmetic3A_160, %and3A_163], %or3A masked %and3A_140 : memref<264x128xi32, #tpu.memory_space<vmem>>[vector<16xi32>, vector<16xi32>], vector<16xi32>, vector<16xi1>
      %add3A_164 = arith.addi %scan3A_134, %all_reduce_population_count3A : vector<16xi32>
      scf.yield %add3A_164 : vector<16xi32>
    }
    %scan3A_88 = arith.constant 256 : i32
    "tpu.region"() ({
      %run_scoped3A = tpu.sem_alloc : memref<!tpu.dma_semaphore, #tpu.memory_space<semaphore_mem>>
      %dma_start3A_133 = arith.constant 20480 : i32
      %dma_start3A_134 = tpu.memref_slice %arg3[%dma_start3A_133] : memref<32768xi32, #tpu.memory_space<hbm>> -> memref<4096xi32, #tpu.memory_space<hbm>>
      %dma_start3A_135 = arith.constant 20480 : i32
      %dma_start3A_136 = tpu.memref_slice %arg3[%dma_start3A_135] : memref<32768xi32, #tpu.memory_space<hbm>> -> memref<4096xi32, #tpu.memory_space<hbm>>
      tpu.enqueue_dma source(%dma_start3A_136 : memref<4096xi32, #tpu.memory_space<hbm>>) target(%arg6 : memref<4096xi32, #tpu.memory_space<vmem>>) target_semaphore(%run_scoped3A : memref<!tpu.dma_semaphore, #tpu.memory_space<semaphore_mem>>)
      %dma_wait3A_137 = arith.constant 20480 : i32
      %dma_wait3A_138 = tpu.memref_slice %arg3[%dma_wait3A_137] : memref<32768xi32, #tpu.memory_space<hbm>> -> memref<4096xi32, #tpu.memory_space<hbm>>
      %dma_wait3A_139 = arith.constant 20480 : i32
      %dma_wait3A_140 = tpu.memref_slice %arg3[%dma_wait3A_139] : memref<32768xi32, #tpu.memory_space<hbm>> -> memref<4096xi32, #tpu.memory_space<hbm>>
      tpu.wait_dma2 semaphore(%run_scoped3A : memref<!tpu.dma_semaphore, #tpu.memory_space<semaphore_mem>>) src(%dma_wait3A_140 : memref<4096xi32, #tpu.memory_space<hbm>>) dst(%arg6 : memref<4096xi32, #tpu.memory_space<vmem>>)
      tpu.yield
    }) : () -> ()
    %scan3A_89 = arith.constant 0 : i32
    %scan3A_90 = arith.constant 256 : i32
    %scan3A_91 = arith.addi %scan3A_89, %scan3A_90 : i32
    %scan3A_92 = arith.constant 1 : i32
    %scan3A_93 = scf.for %scan3A_133 = %scan3A_89 to %scan3A_91 step %scan3A_92 iter_args(%scan3A_134 = %scan3A_87) -> (vector<16xi32>)  : i32 {
      %mul3A_135 = arith.constant 16 : i32
      %mul3A_136 = arith.muli %scan3A_133, %mul3A_135 : i32
      %get3A = arith.index_cast %mul3A_136 : i32 to index
      %get3A_137 = tpu.vector_load %arg6[%get3A] {strides = array<i32>} : memref<4096xi32, #tpu.memory_space<vmem>>, vector<16xi32>,
      %ge3A = vector.broadcast %mul3A_20 : i32 to vector<16xi32>
      %ge3A_138 = arith.cmpi sge, %get3A_137, %ge3A : vector<16xi32>
      %lt3A = vector.broadcast %mul3A_50 : i32 to vector<16xi32>
      %lt3A_139 = arith.cmpi slt, %get3A_137, %lt3A : vector<16xi32>
      %and3A_140 = arith.andi %ge3A_138, %lt3A_139 : vector<16xi1>
      %all_reduce_population_count3A = tpu.all_reduce %and3A_140 {dim = 0 : i64, kind = #tpu.reduction_kind<sum>} : vector<16xi1> -> vector<16xi32>
      %convert_element_type3A_141 = arith.extui %and3A_140 : vector<16xi1> to vector<16xi32>
      %broadcast_in_dim3A_142 = arith.constant true
      %broadcast_in_dim3A_143 = vector.broadcast %broadcast_in_dim3A_142 : i1 to vector<16xi1>
      %masked_cumsum3A = tpu.scan <sum>, %convert_element_type3A_141 masked %broadcast_in_dim3A_143 : vector<16xi32>, vector<16xi1> -> vector<16xi32>
      %add3A_144 = arith.addi %scan3A_134, %masked_cumsum3A : vector<16xi32>
      %sub3A_145 = arith.constant 1 : i32
      %sub3A_146 = vector.broadcast %sub3A_145 : i32 to vector<16xi32>
      %sub3A_147 = arith.subi %add3A_144, %sub3A_146 : vector<16xi32>
      %mul3A_148 = arith.constant 16 : i32
      %mul3A_149 = arith.muli %scan3A_133, %mul3A_148 : i32
      %add3A_150 = arith.constant 20480 : i32
      %add3A_151 = arith.addi %add3A_150, %mul3A_149 : i32
      %add3A_152 = vector.broadcast %add3A_151 : i32 to vector<16xi32>
      %add3A_153 = arith.addi %add3A_152, %iota3A : vector<16xi32>
      %sub3A_154 = vector.broadcast %mul3A_20 : i32 to vector<16xi32>
      %sub3A_155 = arith.subi %get3A_137, %sub3A_154 : vector<16xi32>
      %shift_left3A = arith.constant 16 : i32
      %shift_left3A_156 = vector.broadcast %shift_left3A : i32 to vector<16xi32>
      %shift_left3A_157 = arith.shli %sub3A_155, %shift_left3A_156 : vector<16xi32>
      %or3A = arith.ori %shift_left3A_157, %add3A_153 : vector<16xi32>
      %shift_right_arithmetic3A_158 = arith.constant 7 : i32
      %shift_right_arithmetic3A_159 = vector.broadcast %shift_right_arithmetic3A_158 : i32 to vector<16xi32>
      %shift_right_arithmetic3A_160 = arith.shrsi %sub3A_147, %shift_right_arithmetic3A_159 : vector<16xi32>
      %and3A_161 = arith.constant 127 : i32
      %and3A_162 = vector.broadcast %and3A_161 : i32 to vector<16xi32>
      %and3A_163 = arith.andi %sub3A_147, %and3A_162 : vector<16xi32>
      tpu.vector_store_idx %arg7[%shift_right_arithmetic3A_160, %and3A_163], %or3A masked %and3A_140 : memref<264x128xi32, #tpu.memory_space<vmem>>[vector<16xi32>, vector<16xi32>], vector<16xi32>, vector<16xi1>
      %add3A_164 = arith.addi %scan3A_134, %all_reduce_population_count3A : vector<16xi32>
      scf.yield %add3A_164 : vector<16xi32>
    }
    %scan3A_94 = arith.constant 256 : i32
    "tpu.region"() ({
      %run_scoped3A = tpu.sem_alloc : memref<!tpu.dma_semaphore, #tpu.memory_space<semaphore_mem>>
      %dma_start3A_133 = arith.constant 24576 : i32
      %dma_start3A_134 = tpu.memref_slice %arg3[%dma_start3A_133] : memref<32768xi32, #tpu.memory_space<hbm>> -> memref<4096xi32, #tpu.memory_space<hbm>>
      %dma_start3A_135 = arith.constant 24576 : i32
      %dma_start3A_136 = tpu.memref_slice %arg3[%dma_start3A_135] : memref<32768xi32, #tpu.memory_space<hbm>> -> memref<4096xi32, #tpu.memory_space<hbm>>
      tpu.enqueue_dma source(%dma_start3A_136 : memref<4096xi32, #tpu.memory_space<hbm>>) target(%arg6 : memref<4096xi32, #tpu.memory_space<vmem>>) target_semaphore(%run_scoped3A : memref<!tpu.dma_semaphore, #tpu.memory_space<semaphore_mem>>)
      %dma_wait3A_137 = arith.constant 24576 : i32
      %dma_wait3A_138 = tpu.memref_slice %arg3[%dma_wait3A_137] : memref<32768xi32, #tpu.memory_space<hbm>> -> memref<4096xi32, #tpu.memory_space<hbm>>
      %dma_wait3A_139 = arith.constant 24576 : i32
      %dma_wait3A_140 = tpu.memref_slice %arg3[%dma_wait3A_139] : memref<32768xi32, #tpu.memory_space<hbm>> -> memref<4096xi32, #tpu.memory_space<hbm>>
      tpu.wait_dma2 semaphore(%run_scoped3A : memref<!tpu.dma_semaphore, #tpu.memory_space<semaphore_mem>>) src(%dma_wait3A_140 : memref<4096xi32, #tpu.memory_space<hbm>>) dst(%arg6 : memref<4096xi32, #tpu.memory_space<vmem>>)
      tpu.yield
    }) : () -> ()
    %scan3A_95 = arith.constant 0 : i32
    %scan3A_96 = arith.constant 256 : i32
    %scan3A_97 = arith.addi %scan3A_95, %scan3A_96 : i32
    %scan3A_98 = arith.constant 1 : i32
    %scan3A_99 = scf.for %scan3A_133 = %scan3A_95 to %scan3A_97 step %scan3A_98 iter_args(%scan3A_134 = %scan3A_93) -> (vector<16xi32>)  : i32 {
      %mul3A_135 = arith.constant 16 : i32
      %mul3A_136 = arith.muli %scan3A_133, %mul3A_135 : i32
      %get3A = arith.index_cast %mul3A_136 : i32 to index
      %get3A_137 = tpu.vector_load %arg6[%get3A] {strides = array<i32>} : memref<4096xi32, #tpu.memory_space<vmem>>, vector<16xi32>,
      %ge3A = vector.broadcast %mul3A_20 : i32 to vector<16xi32>
      %ge3A_138 = arith.cmpi sge, %get3A_137, %ge3A : vector<16xi32>
      %lt3A = vector.broadcast %mul3A_50 : i32 to vector<16xi32>
      %lt3A_139 = arith.cmpi slt, %get3A_137, %lt3A : vector<16xi32>
      %and3A_140 = arith.andi %ge3A_138, %lt3A_139 : vector<16xi1>
      %all_reduce_population_count3A = tpu.all_reduce %and3A_140 {dim = 0 : i64, kind = #tpu.reduction_kind<sum>} : vector<16xi1> -> vector<16xi32>
      %convert_element_type3A_141 = arith.extui %and3A_140 : vector<16xi1> to vector<16xi32>
      %broadcast_in_dim3A_142 = arith.constant true
      %broadcast_in_dim3A_143 = vector.broadcast %broadcast_in_dim3A_142 : i1 to vector<16xi1>
      %masked_cumsum3A = tpu.scan <sum>, %convert_element_type3A_141 masked %broadcast_in_dim3A_143 : vector<16xi32>, vector<16xi1> -> vector<16xi32>
      %add3A_144 = arith.addi %scan3A_134, %masked_cumsum3A : vector<16xi32>
      %sub3A_145 = arith.constant 1 : i32
      %sub3A_146 = vector.broadcast %sub3A_145 : i32 to vector<16xi32>
      %sub3A_147 = arith.subi %add3A_144, %sub3A_146 : vector<16xi32>
      %mul3A_148 = arith.constant 16 : i32
      %mul3A_149 = arith.muli %scan3A_133, %mul3A_148 : i32
      %add3A_150 = arith.constant 24576 : i32
      %add3A_151 = arith.addi %add3A_150, %mul3A_149 : i32
      %add3A_152 = vector.broadcast %add3A_151 : i32 to vector<16xi32>
      %add3A_153 = arith.addi %add3A_152, %iota3A : vector<16xi32>
      %sub3A_154 = vector.broadcast %mul3A_20 : i32 to vector<16xi32>
      %sub3A_155 = arith.subi %get3A_137, %sub3A_154 : vector<16xi32>
      %shift_left3A = arith.constant 16 : i32
      %shift_left3A_156 = vector.broadcast %shift_left3A : i32 to vector<16xi32>
      %shift_left3A_157 = arith.shli %sub3A_155, %shift_left3A_156 : vector<16xi32>
      %or3A = arith.ori %shift_left3A_157, %add3A_153 : vector<16xi32>
      %shift_right_arithmetic3A_158 = arith.constant 7 : i32
      %shift_right_arithmetic3A_159 = vector.broadcast %shift_right_arithmetic3A_158 : i32 to vector<16xi32>
      %shift_right_arithmetic3A_160 = arith.shrsi %sub3A_147, %shift_right_arithmetic3A_159 : vector<16xi32>
      %and3A_161 = arith.constant 127 : i32
      %and3A_162 = vector.broadcast %and3A_161 : i32 to vector<16xi32>
      %and3A_163 = arith.andi %sub3A_147, %and3A_162 : vector<16xi32>
      tpu.vector_store_idx %arg7[%shift_right_arithmetic3A_160, %and3A_163], %or3A masked %and3A_140 : memref<264x128xi32, #tpu.memory_space<vmem>>[vector<16xi32>, vector<16xi32>], vector<16xi32>, vector<16xi1>
      %add3A_164 = arith.addi %scan3A_134, %all_reduce_population_count3A : vector<16xi32>
      scf.yield %add3A_164 : vector<16xi32>
    }
    %scan3A_100 = arith.constant 256 : i32
    "tpu.region"() ({
      %run_scoped3A = tpu.sem_alloc : memref<!tpu.dma_semaphore, #tpu.memory_space<semaphore_mem>>
      %dma_start3A_133 = arith.constant 28672 : i32
      %dma_start3A_134 = tpu.memref_slice %arg3[%dma_start3A_133] : memref<32768xi32, #tpu.memory_space<hbm>> -> memref<4096xi32, #tpu.memory_space<hbm>>
      %dma_start3A_135 = arith.constant 28672 : i32
      %dma_start3A_136 = tpu.memref_slice %arg3[%dma_start3A_135] : memref<32768xi32, #tpu.memory_space<hbm>> -> memref<4096xi32, #tpu.memory_space<hbm>>
      tpu.enqueue_dma source(%dma_start3A_136 : memref<4096xi32, #tpu.memory_space<hbm>>) target(%arg6 : memref<4096xi32, #tpu.memory_space<vmem>>) target_semaphore(%run_scoped3A : memref<!tpu.dma_semaphore, #tpu.memory_space<semaphore_mem>>)
      %dma_wait3A_137 = arith.constant 28672 : i32
      %dma_wait3A_138 = tpu.memref_slice %arg3[%dma_wait3A_137] : memref<32768xi32, #tpu.memory_space<hbm>> -> memref<4096xi32, #tpu.memory_space<hbm>>
      %dma_wait3A_139 = arith.constant 28672 : i32
      %dma_wait3A_140 = tpu.memref_slice %arg3[%dma_wait3A_139] : memref<32768xi32, #tpu.memory_space<hbm>> -> memref<4096xi32, #tpu.memory_space<hbm>>
      tpu.wait_dma2 semaphore(%run_scoped3A : memref<!tpu.dma_semaphore, #tpu.memory_space<semaphore_mem>>) src(%dma_wait3A_140 : memref<4096xi32, #tpu.memory_space<hbm>>) dst(%arg6 : memref<4096xi32, #tpu.memory_space<vmem>>)
      tpu.yield
    }) : () -> ()
    %scan3A_101 = arith.constant 0 : i32
    %scan3A_102 = arith.constant 256 : i32
    %scan3A_103 = arith.addi %scan3A_101, %scan3A_102 : i32
    %scan3A_104 = arith.constant 1 : i32
    %scan3A_105 = scf.for %scan3A_133 = %scan3A_101 to %scan3A_103 step %scan3A_104 iter_args(%scan3A_134 = %scan3A_99) -> (vector<16xi32>)  : i32 {
      %mul3A_135 = arith.constant 16 : i32
      %mul3A_136 = arith.muli %scan3A_133, %mul3A_135 : i32
      %get3A = arith.index_cast %mul3A_136 : i32 to index
      %get3A_137 = tpu.vector_load %arg6[%get3A] {strides = array<i32>} : memref<4096xi32, #tpu.memory_space<vmem>>, vector<16xi32>,
      %ge3A = vector.broadcast %mul3A_20 : i32 to vector<16xi32>
      %ge3A_138 = arith.cmpi sge, %get3A_137, %ge3A : vector<16xi32>
      %lt3A = vector.broadcast %mul3A_50 : i32 to vector<16xi32>
      %lt3A_139 = arith.cmpi slt, %get3A_137, %lt3A : vector<16xi32>
      %and3A_140 = arith.andi %ge3A_138, %lt3A_139 : vector<16xi1>
      %all_reduce_population_count3A = tpu.all_reduce %and3A_140 {dim = 0 : i64, kind = #tpu.reduction_kind<sum>} : vector<16xi1> -> vector<16xi32>
      %convert_element_type3A_141 = arith.extui %and3A_140 : vector<16xi1> to vector<16xi32>
      %broadcast_in_dim3A_142 = arith.constant true
      %broadcast_in_dim3A_143 = vector.broadcast %broadcast_in_dim3A_142 : i1 to vector<16xi1>
      %masked_cumsum3A = tpu.scan <sum>, %convert_element_type3A_141 masked %broadcast_in_dim3A_143 : vector<16xi32>, vector<16xi1> -> vector<16xi32>
      %add3A_144 = arith.addi %scan3A_134, %masked_cumsum3A : vector<16xi32>
      %sub3A_145 = arith.constant 1 : i32
      %sub3A_146 = vector.broadcast %sub3A_145 : i32 to vector<16xi32>
      %sub3A_147 = arith.subi %add3A_144, %sub3A_146 : vector<16xi32>
      %mul3A_148 = arith.constant 16 : i32
      %mul3A_149 = arith.muli %scan3A_133, %mul3A_148 : i32
      %add3A_150 = arith.constant 28672 : i32
      %add3A_151 = arith.addi %add3A_150, %mul3A_149 : i32
      %add3A_152 = vector.broadcast %add3A_151 : i32 to vector<16xi32>
      %add3A_153 = arith.addi %add3A_152, %iota3A : vector<16xi32>
      %sub3A_154 = vector.broadcast %mul3A_20 : i32 to vector<16xi32>
      %sub3A_155 = arith.subi %get3A_137, %sub3A_154 : vector<16xi32>
      %shift_left3A = arith.constant 16 : i32
      %shift_left3A_156 = vector.broadcast %shift_left3A : i32 to vector<16xi32>
      %shift_left3A_157 = arith.shli %sub3A_155, %shift_left3A_156 : vector<16xi32>
      %or3A = arith.ori %shift_left3A_157, %add3A_153 : vector<16xi32>
      %shift_right_arithmetic3A_158 = arith.constant 7 : i32
      %shift_right_arithmetic3A_159 = vector.broadcast %shift_right_arithmetic3A_158 : i32 to vector<16xi32>
      %shift_right_arithmetic3A_160 = arith.shrsi %sub3A_147, %shift_right_arithmetic3A_159 : vector<16xi32>
      %and3A_161 = arith.constant 127 : i32
      %and3A_162 = vector.broadcast %and3A_161 : i32 to vector<16xi32>
      %and3A_163 = arith.andi %sub3A_147, %and3A_162 : vector<16xi32>
      tpu.vector_store_idx %arg7[%shift_right_arithmetic3A_160, %and3A_163], %or3A masked %and3A_140 : memref<264x128xi32, #tpu.memory_space<vmem>>[vector<16xi32>, vector<16xi32>], vector<16xi32>, vector<16xi1>
      %add3A_164 = arith.addi %scan3A_134, %all_reduce_population_count3A : vector<16xi32>
      scf.yield %add3A_164 : vector<16xi32>
    }
    %scan3A_106 = arith.constant 256 : i32
    %slice3A = vector.extract_strided_slice %scan3A_105 {offsets = [0], sizes = [1], strides = [1]} : vector<16xi32> to vector<1xi32>
    %squeeze3A = vector.extract %slice3A[0] : i32 from vector<1xi32>
    %scan3A_107 = arith.constant 0 : i32
    %scan3A_108 = arith.constant 0 : i32
    %scan3A_109 = arith.constant 63 : i32
    %scan3A_110 = arith.addi %scan3A_108, %scan3A_109 : i32
    %scan3A_111 = arith.constant 1 : i32
    scf.for %scan3A_133 = %scan3A_108 to %scan3A_110 step %scan3A_111  : i32 {
      %mul3A_134 = arith.constant 2 : i32
      %mul3A_135 = arith.muli %mul3A_134, %scan3A_133 : i32
      %mul3A_136 = arith.constant 248 : i32
      %mul3A_137 = arith.muli %mul3A_135, %mul3A_136 : i32
      %add3A_138 = arith.addi %mul3A_20, %mul3A_137 : i32
      %dma_wait3A_139 = arith.constant 0 : i32
      %dma_wait3A_140 = tpu.memref_slice %arg2[%add3A_138, %dma_wait3A_139] : memref<1000000x15xf32, #tpu.memory_space<hbm>> -> memref<248x15xf32, #tpu.memory_space<hbm>>
      %dma_wait3A_141 = arith.constant 0 : i32
      %dma_wait3A_142 = tpu.memref_slice %arg2[%add3A_138, %dma_wait3A_141] : memref<1000000x15xf32, #tpu.memory_space<hbm>> -> memref<248x15xf32, #tpu.memory_space<hbm>>
      tpu.wait_dma2 semaphore(%arg26 : memref<!tpu.dma_semaphore, #tpu.memory_space<semaphore_mem>>) src(%dma_wait3A_142 : memref<248x15xf32, #tpu.memory_space<hbm>>) dst(%arg8 : memref<248x15xf32, #tpu.memory_space<vmem>>)
      %gt3A_143 = arith.constant 0 : i32
      %gt3A_144 = arith.cmpi sgt, %scan3A_133, %gt3A_143 : i32
      %convert_element_type3A_145 = arith.extui %gt3A_144 : i1 to i32
      %cond3A_146 = arith.constant 0 : i32
      %cond3A_147 = arith.cmpi ne, %convert_element_type3A_145, %cond3A_146 : i32
      scf.if %cond3A_147 {
        %sub3A_193 = arith.constant 1 : i32
        %sub3A_194 = arith.subi %mul3A_135, %sub3A_193 : i32
        %mul3A_195 = arith.constant 248 : i32
        %mul3A_196 = arith.muli %sub3A_194, %mul3A_195 : i32
        %add3A_197 = arith.addi %mul3A_20, %mul3A_196 : i32
        %dma_wait3A_198 = arith.constant 0 : i32
        %dma_wait3A_199 = tpu.memref_slice %arg5[%add3A_197, %dma_wait3A_198] : memref<1000000x15xf32, #tpu.memory_space<hbm>> -> memref<248x15xf32, #tpu.memory_space<hbm>>
        %dma_wait3A_200 = arith.constant 0 : i32
        %dma_wait3A_201 = tpu.memref_slice %arg5[%add3A_197, %dma_wait3A_200] : memref<1000000x15xf32, #tpu.memory_space<hbm>> -> memref<248x15xf32, #tpu.memory_space<hbm>>
        tpu.wait_dma2 semaphore(%arg29 : memref<!tpu.dma_semaphore, #tpu.memory_space<semaphore_mem>>) src(%arg9 : memref<248x15xf32, #tpu.memory_space<vmem>>) dst(%dma_wait3A_201 : memref<248x15xf32, #tpu.memory_space<hbm>>)
      } else {
      }
      %add3A_148 = arith.constant 1 : i32
      %add3A_149 = arith.addi %mul3A_135, %add3A_148 : i32
      %mul3A_150 = arith.constant 248 : i32
      %mul3A_151 = arith.muli %add3A_149, %mul3A_150 : i32
      %add3A_152 = arith.addi %mul3A_20, %mul3A_151 : i32
      %dma_start3A_153 = arith.constant 0 : i32
      %dma_start3A_154 = tpu.memref_slice %arg2[%add3A_152, %dma_start3A_153] : memref<1000000x15xf32, #tpu.memory_space<hbm>> -> memref<248x15xf32, #tpu.memory_space<hbm>>
      %dma_start3A_155 = arith.constant 0 : i32
      %dma_start3A_156 = tpu.memref_slice %arg2[%add3A_152, %dma_start3A_155] : memref<1000000x15xf32, #tpu.memory_space<hbm>> -> memref<248x15xf32, #tpu.memory_space<hbm>>
      tpu.enqueue_dma source(%dma_start3A_156 : memref<248x15xf32, #tpu.memory_space<hbm>>) target(%arg9 : memref<248x15xf32, #tpu.memory_space<vmem>>) target_semaphore(%arg27 : memref<!tpu.dma_semaphore, #tpu.memory_space<semaphore_mem>>)
      %mul3A_157 = arith.constant 248 : i32
      %mul3A_158 = arith.muli %mul3A_135, %mul3A_157 : i32
      %add3A_159 = arith.addi %mul3A_20, %mul3A_158 : i32
      %dma_start3A_160 = arith.constant 0 : i32
      %dma_start3A_161 = tpu.memref_slice %arg5[%add3A_159, %dma_start3A_160] : memref<1000000x15xf32, #tpu.memory_space<hbm>> -> memref<248x15xf32, #tpu.memory_space<hbm>>
      %dma_start3A_162 = arith.constant 0 : i32
      %dma_start3A_163 = tpu.memref_slice %arg5[%add3A_159, %dma_start3A_162] : memref<1000000x15xf32, #tpu.memory_space<hbm>> -> memref<248x15xf32, #tpu.memory_space<hbm>>
      tpu.enqueue_dma source(%arg8 : memref<248x15xf32, #tpu.memory_space<vmem>>) target(%dma_start3A_163 : memref<248x15xf32, #tpu.memory_space<hbm>>) target_semaphore(%arg28 : memref<!tpu.dma_semaphore, #tpu.memory_space<semaphore_mem>>)
      %add3A_164 = arith.constant 1 : i32
      %add3A_165 = arith.addi %mul3A_135, %add3A_164 : i32
      %mul3A_166 = arith.constant 248 : i32
      %mul3A_167 = arith.muli %add3A_165, %mul3A_166 : i32
      %add3A_168 = arith.addi %mul3A_20, %mul3A_167 : i32
      %dma_wait3A_169 = arith.constant 0 : i32
      %dma_wait3A_170 = tpu.memref_slice %arg2[%add3A_168, %dma_wait3A_169] : memref<1000000x15xf32, #tpu.memory_space<hbm>> -> memref<248x15xf32, #tpu.memory_space<hbm>>
      %dma_wait3A_171 = arith.constant 0 : i32
      %dma_wait3A_172 = tpu.memref_slice %arg2[%add3A_168, %dma_wait3A_171] : memref<1000000x15xf32, #tpu.memory_space<hbm>> -> memref<248x15xf32, #tpu.memory_space<hbm>>
      tpu.wait_dma2 semaphore(%arg27 : memref<!tpu.dma_semaphore, #tpu.memory_space<semaphore_mem>>) src(%dma_wait3A_172 : memref<248x15xf32, #tpu.memory_space<hbm>>) dst(%arg9 : memref<248x15xf32, #tpu.memory_space<vmem>>)
      %sub3A_173 = arith.constant 1 : i32
      %sub3A_174 = arith.subi %add3A_165, %sub3A_173 : i32
      %mul3A_175 = arith.constant 248 : i32
      %mul3A_176 = arith.muli %sub3A_174, %mul3A_175 : i32
      %add3A_177 = arith.addi %mul3A_20, %mul3A_176 : i32
      %dma_wait3A_178 = arith.constant 0 : i32
      %dma_wait3A_179 = tpu.memref_slice %arg5[%add3A_177, %dma_wait3A_178] : memref<1000000x15xf32, #tpu.memory_space<hbm>> -> memref<248x15xf32, #tpu.memory_space<hbm>>
      %dma_wait3A_180 = arith.constant 0 : i32
      %dma_wait3A_181 = tpu.memref_slice %arg5[%add3A_177, %dma_wait3A_180] : memref<1000000x15xf32, #tpu.memory_space<hbm>> -> memref<248x15xf32, #tpu.memory_space<hbm>>
      tpu.wait_dma2 semaphore(%arg28 : memref<!tpu.dma_semaphore, #tpu.memory_space<semaphore_mem>>) src(%arg8 : memref<248x15xf32, #tpu.memory_space<vmem>>) dst(%dma_wait3A_181 : memref<248x15xf32, #tpu.memory_space<hbm>>)
      %lt3A = arith.constant 62 : i32
      %lt3A_182 = arith.cmpi slt, %scan3A_133, %lt3A : i32
      %convert_element_type3A_183 = arith.extui %lt3A_182 : i1 to i32
      %cond3A_184 = arith.constant 0 : i32
      %cond3A_185 = arith.cmpi ne, %convert_element_type3A_183, %cond3A_184 : i32
      scf.if %cond3A_185 {
        %add3A_193 = arith.constant 1 : i32
        %add3A_194 = arith.addi %add3A_165, %add3A_193 : i32
        %mul3A_195 = arith.constant 248 : i32
        %mul3A_196 = arith.muli %add3A_194, %mul3A_195 : i32
        %add3A_197 = arith.addi %mul3A_20, %mul3A_196 : i32
        %dma_start3A_198 = arith.constant 0 : i32
        %dma_start3A_199 = tpu.memref_slice %arg2[%add3A_197, %dma_start3A_198] : memref<1000000x15xf32, #tpu.memory_space<hbm>> -> memref<248x15xf32, #tpu.memory_space<hbm>>
        %dma_start3A_200 = arith.constant 0 : i32
        %dma_start3A_201 = tpu.memref_slice %arg2[%add3A_197, %dma_start3A_200] : memref<1000000x15xf32, #tpu.memory_space<hbm>> -> memref<248x15xf32, #tpu.memory_space<hbm>>
        tpu.enqueue_dma source(%dma_start3A_201 : memref<248x15xf32, #tpu.memory_space<hbm>>) target(%arg8 : memref<248x15xf32, #tpu.memory_space<vmem>>) target_semaphore(%arg26 : memref<!tpu.dma_semaphore, #tpu.memory_space<semaphore_mem>>)
      } else {
      }
      %mul3A_186 = arith.constant 248 : i32
      %mul3A_187 = arith.muli %add3A_165, %mul3A_186 : i32
      %add3A_188 = arith.addi %mul3A_20, %mul3A_187 : i32
      %dma_start3A_189 = arith.constant 0 : i32
      %dma_start3A_190 = tpu.memref_slice %arg5[%add3A_188, %dma_start3A_189] : memref<1000000x15xf32, #tpu.memory_space<hbm>> -> memref<248x15xf32, #tpu.memory_space<hbm>>
      %dma_start3A_191 = arith.constant 0 : i32
      %dma_start3A_192 = tpu.memref_slice %arg5[%add3A_188, %dma_start3A_191] : memref<1000000x15xf32, #tpu.memory_space<hbm>> -> memref<248x15xf32, #tpu.memory_space<hbm>>
      tpu.enqueue_dma source(%arg9 : memref<248x15xf32, #tpu.memory_space<vmem>>) target(%dma_start3A_192 : memref<248x15xf32, #tpu.memory_space<hbm>>) target_semaphore(%arg29 : memref<!tpu.dma_semaphore, #tpu.memory_space<semaphore_mem>>)
    }
    %scan3A_112 = arith.constant 63 : i32
    %add3A_113 = arith.constant 31000 : i32
    %add3A_114 = arith.addi %mul3A_20, %add3A_113 : i32
    %dma_wait3A = arith.constant 0 : i32
    %dma_wait3A_115 = tpu.memref_slice %arg5[%add3A_114, %dma_wait3A] : memref<1000000x15xf32, #tpu.memory_space<hbm>> -> memref<248x15xf32, #tpu.memory_space<hbm>>
    %dma_wait3A_116 = arith.constant 0 : i32
    %dma_wait3A_117 = tpu.memref_slice %arg5[%add3A_114, %dma_wait3A_116] : memref<1000000x15xf32, #tpu.memory_space<hbm>> -> memref<248x15xf32, #tpu.memory_space<hbm>>
    tpu.wait_dma2 semaphore(%arg29 : memref<!tpu.dma_semaphore, #tpu.memory_space<semaphore_mem>>) src(%arg9 : memref<248x15xf32, #tpu.memory_space<vmem>>) dst(%dma_wait3A_117 : memref<248x15xf32, #tpu.memory_space<hbm>>)
    %convert_element_type3A_118 = arith.extui %gt3A_57 : i1 to i32
    %cond3A_119 = arith.constant 0 : i32
    %cond3A_120 = arith.cmpi ne, %convert_element_type3A_118, %cond3A_119 : i32
    scf.if %cond3A_120 {
      %add3A_133 = arith.constant 31248 : i32
      %add3A_134 = arith.addi %mul3A_20, %add3A_133 : i32
      %dma_wait3A_135 = arith.constant 0 : i32
      %dma_wait3A_136 = tpu.memref_slice %arg5[%add3A_134, %dma_wait3A_135] : memref<1000000x15xf32, #tpu.memory_space<hbm>> -> memref<8x15xf32, #tpu.memory_space<hbm>>
      %dma_wait3A_137 = arith.constant 0 : i32
      %dma_wait3A_138 = tpu.memref_slice %arg2[%add3A_134, %dma_wait3A_137] : memref<1000000x15xf32, #tpu.memory_space<hbm>> -> memref<8x15xf32, #tpu.memory_space<hbm>>
      tpu.wait_dma2 semaphore(%arg30 : memref<!tpu.dma_semaphore, #tpu.memory_space<semaphore_mem>>) src(%dma_wait3A_138 : memref<8x15xf32, #tpu.memory_space<hbm>>) dst(%dma_wait3A_136 : memref<8x15xf32, #tpu.memory_space<hbm>>)
    } else {
    }
    %add3A_121 = arith.constant 15 : i32
    %add3A_122 = arith.addi %squeeze3A, %add3A_121 : i32
    %shift_right_arithmetic3A = arith.constant 4 : i32
    %shift_right_arithmetic3A_123 = arith.shrsi %add3A_122, %shift_right_arithmetic3A : i32
    %while3A = arith.constant 0 : i32
    %while3A_124 = arith.constant 0 : i32
    %while3A_125 = arith.subi %shift_right_arithmetic3A_123, %while3A_124 : i32
    %while3A_126 = arith.addi %while3A_124, %while3A_125 : i32
    %while3A_127 = arith.constant 1 : i32
    %while3A_128 = arith.divsi %while3A_125, %while3A_127 : i32
    %while3A_129 = arith.muli %while3A_128, %while3A_127 : i32
    %while3A_130 = arith.addi %while3A_124, %while3A_129 : i32
    %while3A_131 = arith.constant 1 : i32
    scf.for %while3A_133 = %while3A_124 to %while3A_130 step %while3A_131  : i32 {
      %shift_right_arithmetic3A_134 = arith.constant 3 : i32
      %shift_right_arithmetic3A_135 = arith.shrsi %while3A_133, %shift_right_arithmetic3A_134 : i32
      %and3A_136 = arith.constant 7 : i32
      %and3A_137 = arith.andi %while3A_133, %and3A_136 : i32
      %mul3A_138 = arith.constant 16 : i32
      %mul3A_139 = arith.muli %and3A_137, %mul3A_138 : i32
      %get3A = arith.index_cast %shift_right_arithmetic3A_135 : i32 to index
      %get3A_140 = arith.index_cast %mul3A_139 : i32 to index
      %get3A_141 = tpu.vector_load %arg7[%get3A, %get3A_140] {strides = array<i32>} : memref<264x128xi32, #tpu.memory_space<vmem>>, vector<16xi32>,
      %slice3A_142 = vector.extract_strided_slice %get3A_141 {offsets = [0], sizes = [8], strides = [1]} : vector<16xi32> to vector<8xi32>
      %mul3A_143 = arith.constant 16 : i32
      %mul3A_144 = arith.muli %while3A_133, %mul3A_143 : i32
      %slice3A_145 = vector.extract_strided_slice %slice3A_142 {offsets = [0], sizes = [1], strides = [1]} : vector<8xi32> to vector<1xi32>
      %squeeze3A_146 = vector.extract %slice3A_145[0] : i32 from vector<1xi32>
      %slice3A_147 = vector.extract_strided_slice %slice3A_142 {offsets = [1], sizes = [1], strides = [1]} : vector<8xi32> to vector<1xi32>
      %squeeze3A_148 = vector.extract %slice3A_147[0] : i32 from vector<1xi32>
      %slice3A_149 = vector.extract_strided_slice %slice3A_142 {offsets = [2], sizes = [1], strides = [1]} : vector<8xi32> to vector<1xi32>
      %squeeze3A_150 = vector.extract %slice3A_149[0] : i32 from vector<1xi32>
      %slice3A_151 = vector.extract_strided_slice %slice3A_142 {offsets = [3], sizes = [1], strides = [1]} : vector<8xi32> to vector<1xi32>
      %squeeze3A_152 = vector.extract %slice3A_151[0] : i32 from vector<1xi32>
      %slice3A_153 = vector.extract_strided_slice %slice3A_142 {offsets = [4], sizes = [1], strides = [1]} : vector<8xi32> to vector<1xi32>
      %squeeze3A_154 = vector.extract %slice3A_153[0] : i32 from vector<1xi32>
      %slice3A_155 = vector.extract_strided_slice %slice3A_142 {offsets = [5], sizes = [1], strides = [1]} : vector<8xi32> to vector<1xi32>
      %squeeze3A_156 = vector.extract %slice3A_155[0] : i32 from vector<1xi32>
      %slice3A_157 = vector.extract_strided_slice %slice3A_142 {offsets = [6], sizes = [1], strides = [1]} : vector<8xi32> to vector<1xi32>
      %squeeze3A_158 = vector.extract %slice3A_157[0] : i32 from vector<1xi32>
      %slice3A_159 = vector.extract_strided_slice %slice3A_142 {offsets = [7], sizes = [1], strides = [1]} : vector<8xi32> to vector<1xi32>
      %squeeze3A_160 = vector.extract %slice3A_159[0] : i32 from vector<1xi32>
      %shift_right_arithmetic3A_161 = arith.constant 16 : i32
      %shift_right_arithmetic3A_162 = arith.shrsi %squeeze3A_146, %shift_right_arithmetic3A_161 : i32
      %add3A_163 = arith.addi %mul3A_20, %shift_right_arithmetic3A_162 : i32
      %shift_right_arithmetic3A_164 = arith.constant 16 : i32
      %shift_right_arithmetic3A_165 = arith.shrsi %squeeze3A_148, %shift_right_arithmetic3A_164 : i32
      %add3A_166 = arith.addi %mul3A_20, %shift_right_arithmetic3A_165 : i32
      %shift_right_arithmetic3A_167 = arith.constant 16 : i32
      %shift_right_arithmetic3A_168 = arith.shrsi %squeeze3A_150, %shift_right_arithmetic3A_167 : i32
      %add3A_169 = arith.addi %mul3A_20, %shift_right_arithmetic3A_168 : i32
      %shift_right_arithmetic3A_170 = arith.constant 16 : i32
      %shift_right_arithmetic3A_171 = arith.shrsi %squeeze3A_152, %shift_right_arithmetic3A_170 : i32
      %add3A_172 = arith.addi %mul3A_20, %shift_right_arithmetic3A_171 : i32
      %shift_right_arithmetic3A_173 = arith.constant 16 : i32
      %shift_right_arithmetic3A_174 = arith.shrsi %squeeze3A_154, %shift_right_arithmetic3A_173 : i32
      %add3A_175 = arith.addi %mul3A_20, %shift_right_arithmetic3A_174 : i32
      %shift_right_arithmetic3A_176 = arith.constant 16 : i32
      %shift_right_arithmetic3A_177 = arith.shrsi %squeeze3A_156, %shift_right_arithmetic3A_176 : i32
      %add3A_178 = arith.addi %mul3A_20, %shift_right_arithmetic3A_177 : i32
      %shift_right_arithmetic3A_179 = arith.constant 16 : i32
      %shift_right_arithmetic3A_180 = arith.shrsi %squeeze3A_158, %shift_right_arithmetic3A_179 : i32
      %add3A_181 = arith.addi %mul3A_20, %shift_right_arithmetic3A_180 : i32
      %shift_right_arithmetic3A_182 = arith.constant 16 : i32
      %shift_right_arithmetic3A_183 = arith.shrsi %squeeze3A_160, %shift_right_arithmetic3A_182 : i32
      %add3A_184 = arith.addi %mul3A_20, %shift_right_arithmetic3A_183 : i32
      %shift_right_arithmetic3A_185 = arith.constant 3 : i32
      %shift_right_arithmetic3A_186 = arith.shrsi %add3A_163, %shift_right_arithmetic3A_185 : i32
      %shift_right_arithmetic3A_187 = arith.constant 3 : i32
      %shift_right_arithmetic3A_188 = arith.shrsi %add3A_166, %shift_right_arithmetic3A_187 : i32
      %shift_right_arithmetic3A_189 = arith.constant 3 : i32
      %shift_right_arithmetic3A_190 = arith.shrsi %add3A_169, %shift_right_arithmetic3A_189 : i32
      %shift_right_arithmetic3A_191 = arith.constant 3 : i32
      %shift_right_arithmetic3A_192 = arith.shrsi %add3A_172, %shift_right_arithmetic3A_191 : i32
      %shift_right_arithmetic3A_193 = arith.constant 3 : i32
      %shift_right_arithmetic3A_194 = arith.shrsi %add3A_175, %shift_right_arithmetic3A_193 : i32
      %shift_right_arithmetic3A_195 = arith.constant 3 : i32
      %shift_right_arithmetic3A_196 = arith.shrsi %add3A_178, %shift_right_arithmetic3A_195 : i32
      %shift_right_arithmetic3A_197 = arith.constant 3 : i32
      %shift_right_arithmetic3A_198 = arith.shrsi %add3A_181, %shift_right_arithmetic3A_197 : i32
      %shift_right_arithmetic3A_199 = arith.constant 3 : i32
      %shift_right_arithmetic3A_200 = arith.shrsi %add3A_184, %shift_right_arithmetic3A_199 : i32
      %and3A_201 = arith.constant 65535 : i32
      %and3A_202 = arith.andi %squeeze3A_146, %and3A_201 : i32
      %and3A_203 = arith.constant 65535 : i32
      %and3A_204 = arith.andi %squeeze3A_148, %and3A_203 : i32
      %and3A_205 = arith.constant 65535 : i32
      %and3A_206 = arith.andi %squeeze3A_150, %and3A_205 : i32
      %and3A_207 = arith.constant 65535 : i32
      %and3A_208 = arith.andi %squeeze3A_152, %and3A_207 : i32
      %and3A_209 = arith.constant 65535 : i32
      %and3A_210 = arith.andi %squeeze3A_154, %and3A_209 : i32
      %and3A_211 = arith.constant 65535 : i32
      %and3A_212 = arith.andi %squeeze3A_156, %and3A_211 : i32
      %and3A_213 = arith.constant 65535 : i32
      %and3A_214 = arith.andi %squeeze3A_158, %and3A_213 : i32
      %and3A_215 = arith.constant 65535 : i32
      %and3A_216 = arith.andi %squeeze3A_160, %and3A_215 : i32
      %add3A_217 = arith.constant 0 : i32
      %add3A_218 = arith.addi %mul3A_144, %add3A_217 : i32
      %lt3A = arith.cmpi slt, %add3A_218, %squeeze3A : i32
      %add3A_219 = arith.constant 1 : i32
      %add3A_220 = arith.addi %mul3A_144, %add3A_219 : i32
      %lt3A_221 = arith.cmpi slt, %add3A_220, %squeeze3A : i32
      %add3A_222 = arith.constant 2 : i32
      %add3A_223 = arith.addi %mul3A_144, %add3A_222 : i32
      %lt3A_224 = arith.cmpi slt, %add3A_223, %squeeze3A : i32
      %add3A_225 = arith.constant 3 : i32
      %add3A_226 = arith.addi %mul3A_144, %add3A_225 : i32
      %lt3A_227 = arith.cmpi slt, %add3A_226, %squeeze3A : i32
      %add3A_228 = arith.constant 4 : i32
      %add3A_229 = arith.addi %mul3A_144, %add3A_228 : i32
      %lt3A_230 = arith.cmpi slt, %add3A_229, %squeeze3A : i32
      %add3A_231 = arith.constant 5 : i32
      %add3A_232 = arith.addi %mul3A_144, %add3A_231 : i32
      %lt3A_233 = arith.cmpi slt, %add3A_232, %squeeze3A : i32
      %add3A_234 = arith.constant 6 : i32
      %add3A_235 = arith.addi %mul3A_144, %add3A_234 : i32
      %lt3A_236 = arith.cmpi slt, %add3A_235, %squeeze3A : i32
      %add3A_237 = arith.constant 7 : i32
      %add3A_238 = arith.addi %mul3A_144, %add3A_237 : i32
      %lt3A_239 = arith.cmpi slt, %add3A_238, %squeeze3A : i32
      %jit3A_240 = arith.constant 1 : i32
      %jit3A_241 = arith.constant 0 : i32
      %select_n3A_242 = arith.select %lt3A, %jit3A_240, %jit3A_241 : i32
      %or3A = arith.constant 0 : i32
      %or3A_243 = arith.ori %or3A, %select_n3A_242 : i32
      %jit3A_244 = arith.constant 2 : i32
      %jit3A_245 = arith.constant 0 : i32
      %select_n3A_246 = arith.select %lt3A_221, %jit3A_244, %jit3A_245 : i32
      %or3A_247 = arith.ori %or3A_243, %select_n3A_246 : i32
      %jit3A_248 = arith.constant 4 : i32
      %jit3A_249 = arith.constant 0 : i32
      %select_n3A_250 = arith.select %lt3A_224, %jit3A_248, %jit3A_249 : i32
      %or3A_251 = arith.ori %or3A_247, %select_n3A_250 : i32
      %jit3A_252 = arith.constant 8 : i32
      %jit3A_253 = arith.constant 0 : i32
      %select_n3A_254 = arith.select %lt3A_227, %jit3A_252, %jit3A_253 : i32
      %or3A_255 = arith.ori %or3A_251, %select_n3A_254 : i32
      %jit3A_256 = arith.constant 16 : i32
      %jit3A_257 = arith.constant 0 : i32
      %select_n3A_258 = arith.select %lt3A_230, %jit3A_256, %jit3A_257 : i32
      %or3A_259 = arith.ori %or3A_255, %select_n3A_258 : i32
      %jit3A_260 = arith.constant 32 : i32
      %jit3A_261 = arith.constant 0 : i32
      %select_n3A_262 = arith.select %lt3A_233, %jit3A_260, %jit3A_261 : i32
      %or3A_263 = arith.ori %or3A_259, %select_n3A_262 : i32
      %jit3A_264 = arith.constant 64 : i32
      %jit3A_265 = arith.constant 0 : i32
      %select_n3A_266 = arith.select %lt3A_236, %jit3A_264, %jit3A_265 : i32
      %or3A_267 = arith.ori %or3A_263, %select_n3A_266 : i32
      %jit3A_268 = arith.constant 128 : i32
      %jit3A_269 = arith.constant 0 : i32
      %select_n3A_270 = arith.select %lt3A_239, %jit3A_268, %jit3A_269 : i32
      %or3A_271 = arith.ori %or3A_267, %select_n3A_270 : i32
      %while3A_272 = scf.while (%while3A_408 = %or3A_271) : (i32) -> i32 {
        %ne3A_409 = arith.constant 0 : i32
        %ne3A_410 = arith.cmpi ne, %while3A_408, %ne3A_409 : i32
        scf.condition(%ne3A_410) %while3A_408 : i32
      } do {
      ^bb0(%while3A_408: i32):
        %shift_right_arithmetic3A_409 = arith.constant 0 : i32
        %shift_right_arithmetic3A_410 = arith.shrsi %while3A_408, %shift_right_arithmetic3A_409 : i32
        %and3A_411 = arith.constant 1 : i32
        %and3A_412 = arith.andi %shift_right_arithmetic3A_410, %and3A_411 : i32
        %eq3A = arith.constant 1 : i32
        %eq3A_413 = arith.cmpi eq, %and3A_412, %eq3A : i32
        %shift_right_arithmetic3A_414 = arith.constant 1 : i32
        %shift_right_arithmetic3A_415 = arith.shrsi %while3A_408, %shift_right_arithmetic3A_414 : i32
        %and3A_416 = arith.constant 1 : i32
        %and3A_417 = arith.andi %shift_right_arithmetic3A_415, %and3A_416 : i32
        %eq3A_418 = arith.constant 1 : i32
        %eq3A_419 = arith.cmpi eq, %and3A_417, %eq3A_418 : i32
        %shift_right_arithmetic3A_420 = arith.constant 2 : i32
        %shift_right_arithmetic3A_421 = arith.shrsi %while3A_408, %shift_right_arithmetic3A_420 : i32
        %and3A_422 = arith.constant 1 : i32
        %and3A_423 = arith.andi %shift_right_arithmetic3A_421, %and3A_422 : i32
        %eq3A_424 = arith.constant 1 : i32
        %eq3A_425 = arith.cmpi eq, %and3A_423, %eq3A_424 : i32
        %shift_right_arithmetic3A_426 = arith.constant 3 : i32
        %shift_right_arithmetic3A_427 = arith.shrsi %while3A_408, %shift_right_arithmetic3A_426 : i32
        %and3A_428 = arith.constant 1 : i32
        %and3A_429 = arith.andi %shift_right_arithmetic3A_427, %and3A_428 : i32
        %eq3A_430 = arith.constant 1 : i32
        %eq3A_431 = arith.cmpi eq, %and3A_429, %eq3A_430 : i32
        %shift_right_arithmetic3A_432 = arith.constant 4 : i32
        %shift_right_arithmetic3A_433 = arith.shrsi %while3A_408, %shift_right_arithmetic3A_432 : i32
        %and3A_434 = arith.constant 1 : i32
        %and3A_435 = arith.andi %shift_right_arithmetic3A_433, %and3A_434 : i32
        %eq3A_436 = arith.constant 1 : i32
        %eq3A_437 = arith.cmpi eq, %and3A_435, %eq3A_436 : i32
        %shift_right_arithmetic3A_438 = arith.constant 5 : i32
        %shift_right_arithmetic3A_439 = arith.shrsi %while3A_408, %shift_right_arithmetic3A_438 : i32
        %and3A_440 = arith.constant 1 : i32
        %and3A_441 = arith.andi %shift_right_arithmetic3A_439, %and3A_440 : i32
        %eq3A_442 = arith.constant 1 : i32
        %eq3A_443 = arith.cmpi eq, %and3A_441, %eq3A_442 : i32
        %shift_right_arithmetic3A_444 = arith.constant 6 : i32
        %shift_right_arithmetic3A_445 = arith.shrsi %while3A_408, %shift_right_arithmetic3A_444 : i32
        %and3A_446 = arith.constant 1 : i32
        %and3A_447 = arith.andi %shift_right_arithmetic3A_445, %and3A_446 : i32
        %eq3A_448 = arith.constant 1 : i32
        %eq3A_449 = arith.cmpi eq, %and3A_447, %eq3A_448 : i32
        %shift_right_arithmetic3A_450 = arith.constant 7 : i32
        %shift_right_arithmetic3A_451 = arith.shrsi %while3A_408, %shift_right_arithmetic3A_450 : i32
        %and3A_452 = arith.constant 1 : i32
        %and3A_453 = arith.andi %shift_right_arithmetic3A_451, %and3A_452 : i32
        %eq3A_454 = arith.constant 1 : i32
        %eq3A_455 = arith.cmpi eq, %and3A_453, %eq3A_454 : i32
        %not3A = arith.constant false
        %not3A_456 = arith.constant true
        %not3A_457 = arith.xori %not3A, %not3A_456 : i1
        %and3A_458 = arith.andi %eq3A_413, %not3A_457 : i1
        %eq3A_459 = arith.cmpi eq, %shift_right_arithmetic3A_186, %shift_right_arithmetic3A_188 : i32
        %and3A_460 = arith.andi %eq3A_413, %eq3A_459 : i1
        %or3A_461 = arith.constant false
        %or3A_462 = arith.ori %or3A_461, %and3A_460 : i1
        %not3A_463 = arith.constant true
        %not3A_464 = arith.xori %or3A_462, %not3A_463 : i1
        %and3A_465 = arith.andi %eq3A_419, %not3A_464 : i1
        %eq3A_466 = arith.cmpi eq, %shift_right_arithmetic3A_186, %shift_right_arithmetic3A_190 : i32
        %and3A_467 = arith.andi %eq3A_413, %eq3A_466 : i1
        %or3A_468 = arith.constant false
        %or3A_469 = arith.ori %or3A_468, %and3A_467 : i1
        %eq3A_470 = arith.cmpi eq, %shift_right_arithmetic3A_188, %shift_right_arithmetic3A_190 : i32
        %and3A_471 = arith.andi %eq3A_419, %eq3A_470 : i1
        %or3A_472 = arith.ori %or3A_469, %and3A_471 : i1
        %not3A_473 = arith.constant true
        %not3A_474 = arith.xori %or3A_472, %not3A_473 : i1
        %and3A_475 = arith.andi %eq3A_425, %not3A_474 : i1
        %eq3A_476 = arith.cmpi eq, %shift_right_arithmetic3A_186, %shift_right_arithmetic3A_192 : i32
        %and3A_477 = arith.andi %eq3A_413, %eq3A_476 : i1
        %or3A_478 = arith.constant false
        %or3A_479 = arith.ori %or3A_478, %and3A_477 : i1
        %eq3A_480 = arith.cmpi eq, %shift_right_arithmetic3A_188, %shift_right_arithmetic3A_192 : i32
        %and3A_481 = arith.andi %eq3A_419, %eq3A_480 : i1
        %or3A_482 = arith.ori %or3A_479, %and3A_481 : i1
        %eq3A_483 = arith.cmpi eq, %shift_right_arithmetic3A_190, %shift_right_arithmetic3A_192 : i32
        %and3A_484 = arith.andi %eq3A_425, %eq3A_483 : i1
        %or3A_485 = arith.ori %or3A_482, %and3A_484 : i1
        %not3A_486 = arith.constant true
        %not3A_487 = arith.xori %or3A_485, %not3A_486 : i1
        %and3A_488 = arith.andi %eq3A_431, %not3A_487 : i1
        %eq3A_489 = arith.cmpi eq, %shift_right_arithmetic3A_186, %shift_right_arithmetic3A_194 : i32
        %and3A_490 = arith.andi %eq3A_413, %eq3A_489 : i1
        %or3A_491 = arith.constant false
        %or3A_492 = arith.ori %or3A_491, %and3A_490 : i1
        %eq3A_493 = arith.cmpi eq, %shift_right_arithmetic3A_188, %shift_right_arithmetic3A_194 : i32
        %and3A_494 = arith.andi %eq3A_419, %eq3A_493 : i1
        %or3A_495 = arith.ori %or3A_492, %and3A_494 : i1
        %eq3A_496 = arith.cmpi eq, %shift_right_arithmetic3A_190, %shift_right_arithmetic3A_194 : i32
        %and3A_497 = arith.andi %eq3A_425, %eq3A_496 : i1
        %or3A_498 = arith.ori %or3A_495, %and3A_497 : i1
        %eq3A_499 = arith.cmpi eq, %shift_right_arithmetic3A_192, %shift_right_arithmetic3A_194 : i32
        %and3A_500 = arith.andi %eq3A_431, %eq3A_499 : i1
        %or3A_501 = arith.ori %or3A_498, %and3A_500 : i1
        %not3A_502 = arith.constant true
        %not3A_503 = arith.xori %or3A_501, %not3A_502 : i1
        %and3A_504 = arith.andi %eq3A_437, %not3A_503 : i1
        %eq3A_505 = arith.cmpi eq, %shift_right_arithmetic3A_186, %shift_right_arithmetic3A_196 : i32
        %and3A_506 = arith.andi %eq3A_413, %eq3A_505 : i1
        %or3A_507 = arith.constant false
        %or3A_508 = arith.ori %or3A_507, %and3A_506 : i1
        %eq3A_509 = arith.cmpi eq, %shift_right_arithmetic3A_188, %shift_right_arithmetic3A_196 : i32
        %and3A_510 = arith.andi %eq3A_419, %eq3A_509 : i1
        %or3A_511 = arith.ori %or3A_508, %and3A_510 : i1
        %eq3A_512 = arith.cmpi eq, %shift_right_arithmetic3A_190, %shift_right_arithmetic3A_196 : i32
        %and3A_513 = arith.andi %eq3A_425, %eq3A_512 : i1
        %or3A_514 = arith.ori %or3A_511, %and3A_513 : i1
        %eq3A_515 = arith.cmpi eq, %shift_right_arithmetic3A_192, %shift_right_arithmetic3A_196 : i32
        %and3A_516 = arith.andi %eq3A_431, %eq3A_515 : i1
        %or3A_517 = arith.ori %or3A_514, %and3A_516 : i1
        %eq3A_518 = arith.cmpi eq, %shift_right_arithmetic3A_194, %shift_right_arithmetic3A_196 : i32
        %and3A_519 = arith.andi %eq3A_437, %eq3A_518 : i1
        %or3A_520 = arith.ori %or3A_517, %and3A_519 : i1
        %not3A_521 = arith.constant true
        %not3A_522 = arith.xori %or3A_520, %not3A_521 : i1
        %and3A_523 = arith.andi %eq3A_443, %not3A_522 : i1
        %eq3A_524 = arith.cmpi eq, %shift_right_arithmetic3A_186, %shift_right_arithmetic3A_198 : i32
        %and3A_525 = arith.andi %eq3A_413, %eq3A_524 : i1
        %or3A_526 = arith.constant false
        %or3A_527 = arith.ori %or3A_526, %and3A_525 : i1
        %eq3A_528 = arith.cmpi eq, %shift_right_arithmetic3A_188, %shift_right_arithmetic3A_198 : i32
        %and3A_529 = arith.andi %eq3A_419, %eq3A_528 : i1
        %or3A_530 = arith.ori %or3A_527, %and3A_529 : i1
        %eq3A_531 = arith.cmpi eq, %shift_right_arithmetic3A_190, %shift_right_arithmetic3A_198 : i32
        %and3A_532 = arith.andi %eq3A_425, %eq3A_531 : i1
        %or3A_533 = arith.ori %or3A_530, %and3A_532 : i1
        %eq3A_534 = arith.cmpi eq, %shift_right_arithmetic3A_192, %shift_right_arithmetic3A_198 : i32
        %and3A_535 = arith.andi %eq3A_431, %eq3A_534 : i1
        %or3A_536 = arith.ori %or3A_533, %and3A_535 : i1
        %eq3A_537 = arith.cmpi eq, %shift_right_arithmetic3A_194, %shift_right_arithmetic3A_198 : i32
        %and3A_538 = arith.andi %eq3A_437, %eq3A_537 : i1
        %or3A_539 = arith.ori %or3A_536, %and3A_538 : i1
        %eq3A_540 = arith.cmpi eq, %shift_right_arithmetic3A_196, %shift_right_arithmetic3A_198 : i32
        %and3A_541 = arith.andi %eq3A_443, %eq3A_540 : i1
        %or3A_542 = arith.ori %or3A_539, %and3A_541 : i1
        %not3A_543 = arith.constant true
        %not3A_544 = arith.xori %or3A_542, %not3A_543 : i1
        %and3A_545 = arith.andi %eq3A_449, %not3A_544 : i1
        %eq3A_546 = arith.cmpi eq, %shift_right_arithmetic3A_186, %shift_right_arithmetic3A_200 : i32
        %and3A_547 = arith.andi %eq3A_413, %eq3A_546 : i1
        %or3A_548 = arith.constant false
        %or3A_549 = arith.ori %or3A_548, %and3A_547 : i1
        %eq3A_550 = arith.cmpi eq, %shift_right_arithmetic3A_188, %shift_right_arithmetic3A_200 : i32
        %and3A_551 = arith.andi %eq3A_419, %eq3A_550 : i1
        %or3A_552 = arith.ori %or3A_549, %and3A_551 : i1
        %eq3A_553 = arith.cmpi eq, %shift_right_arithmetic3A_190, %shift_right_arithmetic3A_200 : i32
        %and3A_554 = arith.andi %eq3A_425, %eq3A_553 : i1
        %or3A_555 = arith.ori %or3A_552, %and3A_554 : i1
        %eq3A_556 = arith.cmpi eq, %shift_right_arithmetic3A_192, %shift_right_arithmetic3A_200 : i32
        %and3A_557 = arith.andi %eq3A_431, %eq3A_556 : i1
        %or3A_558 = arith.ori %or3A_555, %and3A_557 : i1
        %eq3A_559 = arith.cmpi eq, %shift_right_arithmetic3A_194, %shift_right_arithmetic3A_200 : i32
        %and3A_560 = arith.andi %eq3A_437, %eq3A_559 : i1
        %or3A_561 = arith.ori %or3A_558, %and3A_560 : i1
        %eq3A_562 = arith.cmpi eq, %shift_right_arithmetic3A_196, %shift_right_arithmetic3A_200 : i32
        %and3A_563 = arith.andi %eq3A_443, %eq3A_562 : i1
        %or3A_564 = arith.ori %or3A_561, %and3A_563 : i1
        %eq3A_565 = arith.cmpi eq, %shift_right_arithmetic3A_198, %shift_right_arithmetic3A_200 : i32
        %and3A_566 = arith.andi %eq3A_449, %eq3A_565 : i1
        %or3A_567 = arith.ori %or3A_564, %and3A_566 : i1
        %not3A_568 = arith.constant true
        %not3A_569 = arith.xori %or3A_567, %not3A_568 : i1
        %and3A_570 = arith.andi %eq3A_455, %not3A_569 : i1
        %convert_element_type3A_571 = arith.extui %and3A_458 : i1 to i32
        %cond3A_572 = arith.constant 0 : i32
        %cond3A_573 = arith.cmpi ne, %convert_element_type3A_571, %cond3A_572 : i32
        scf.if %cond3A_573 {
          %mul3A_679 = arith.constant 8 : i32
          %mul3A_680 = arith.muli %shift_right_arithmetic3A_186, %mul3A_679 : i32
          %dma_start3A_681 = arith.constant 0 : i32
          %dma_start3A_682 = tpu.memref_slice %arg5[%mul3A_680, %dma_start3A_681] : memref<1000000x15xf32, #tpu.memory_space<hbm>> -> memref<8x15xf32, #tpu.memory_space<hbm>>
          %dma_start3A_683 = arith.constant 0 : i32
          %dma_start3A_684 = tpu.memref_slice %arg5[%mul3A_680, %dma_start3A_683] : memref<1000000x15xf32, #tpu.memory_space<hbm>> -> memref<8x15xf32, #tpu.memory_space<hbm>>
          tpu.enqueue_dma source(%dma_start3A_684 : memref<8x15xf32, #tpu.memory_space<hbm>>) target(%arg10 : memref<8x15xf32, #tpu.memory_space<vmem>>) target_semaphore(%arg31 : memref<!tpu.dma_semaphore, #tpu.memory_space<semaphore_mem>>)
          %mul3A_685 = arith.constant 16 : i32
          %mul3A_686 = arith.muli %and3A_202, %mul3A_685 : i32
          %dma_start3A_687 = tpu.memref_slice %arg4[%mul3A_686] : memref<524288xf32, #tpu.memory_space<hbm>> -> memref<16xf32, #tpu.memory_space<hbm>>
          %dma_start3A_688 = tpu.memref_slice %arg4[%mul3A_686] : memref<524288xf32, #tpu.memory_space<hbm>> -> memref<16xf32, #tpu.memory_space<hbm>>
          tpu.enqueue_dma source(%dma_start3A_688 : memref<16xf32, #tpu.memory_space<hbm>>) target(%arg18 : memref<16xf32, #tpu.memory_space<vmem>>) target_semaphore(%arg39 : memref<!tpu.dma_semaphore, #tpu.memory_space<semaphore_mem>>)
        } else {
        }
        %convert_element_type3A_574 = arith.extui %and3A_465 : i1 to i32
        %cond3A_575 = arith.constant 0 : i32
        %cond3A_576 = arith.cmpi ne, %convert_element_type3A_574, %cond3A_575 : i32
        scf.if %cond3A_576 {
          %mul3A_679 = arith.constant 8 : i32
          %mul3A_680 = arith.muli %shift_right_arithmetic3A_188, %mul3A_679 : i32
          %dma_start3A_681 = arith.constant 0 : i32
          %dma_start3A_682 = tpu.memref_slice %arg5[%mul3A_680, %dma_start3A_681] : memref<1000000x15xf32, #tpu.memory_space<hbm>> -> memref<8x15xf32, #tpu.memory_space<hbm>>
          %dma_start3A_683 = arith.constant 0 : i32
          %dma_start3A_684 = tpu.memref_slice %arg5[%mul3A_680, %dma_start3A_683] : memref<1000000x15xf32, #tpu.memory_space<hbm>> -> memref<8x15xf32, #tpu.memory_space<hbm>>
          tpu.enqueue_dma source(%dma_start3A_684 : memref<8x15xf32, #tpu.memory_space<hbm>>) target(%arg11 : memref<8x15xf32, #tpu.memory_space<vmem>>) target_semaphore(%arg32 : memref<!tpu.dma_semaphore, #tpu.memory_space<semaphore_mem>>)
          %mul3A_685 = arith.constant 16 : i32
          %mul3A_686 = arith.muli %and3A_204, %mul3A_685 : i32
          %dma_start3A_687 = tpu.memref_slice %arg4[%mul3A_686] : memref<524288xf32, #tpu.memory_space<hbm>> -> memref<16xf32, #tpu.memory_space<hbm>>
          %dma_start3A_688 = tpu.memref_slice %arg4[%mul3A_686] : memref<524288xf32, #tpu.memory_space<hbm>> -> memref<16xf32, #tpu.memory_space<hbm>>
          tpu.enqueue_dma source(%dma_start3A_688 : memref<16xf32, #tpu.memory_space<hbm>>) target(%arg19 : memref<16xf32, #tpu.memory_space<vmem>>) target_semaphore(%arg40 : memref<!tpu.dma_semaphore, #tpu.memory_space<semaphore_mem>>)
        } else {
        }
        %convert_element_type3A_577 = arith.extui %and3A_475 : i1 to i32
        %cond3A_578 = arith.constant 0 : i32
        %cond3A_579 = arith.cmpi ne, %convert_element_type3A_577, %cond3A_578 : i32
        scf.if %cond3A_579 {
          %mul3A_679 = arith.constant 8 : i32
          %mul3A_680 = arith.muli %shift_right_arithmetic3A_190, %mul3A_679 : i32
          %dma_start3A_681 = arith.constant 0 : i32
          %dma_start3A_682 = tpu.memref_slice %arg5[%mul3A_680, %dma_start3A_681] : memref<1000000x15xf32, #tpu.memory_space<hbm>> -> memref<8x15xf32, #tpu.memory_space<hbm>>
          %dma_start3A_683 = arith.constant 0 : i32
          %dma_start3A_684 = tpu.memref_slice %arg5[%mul3A_680, %dma_start3A_683] : memref<1000000x15xf32, #tpu.memory_space<hbm>> -> memref<8x15xf32, #tpu.memory_space<hbm>>
          tpu.enqueue_dma source(%dma_start3A_684 : memref<8x15xf32, #tpu.memory_space<hbm>>) target(%arg12 : memref<8x15xf32, #tpu.memory_space<vmem>>) target_semaphore(%arg33 : memref<!tpu.dma_semaphore, #tpu.memory_space<semaphore_mem>>)
          %mul3A_685 = arith.constant 16 : i32
          %mul3A_686 = arith.muli %and3A_206, %mul3A_685 : i32
          %dma_start3A_687 = tpu.memref_slice %arg4[%mul3A_686] : memref<524288xf32, #tpu.memory_space<hbm>> -> memref<16xf32, #tpu.memory_space<hbm>>
          %dma_start3A_688 = tpu.memref_slice %arg4[%mul3A_686] : memref<524288xf32, #tpu.memory_space<hbm>> -> memref<16xf32, #tpu.memory_space<hbm>>
          tpu.enqueue_dma source(%dma_start3A_688 : memref<16xf32, #tpu.memory_space<hbm>>) target(%arg20 : memref<16xf32, #tpu.memory_space<vmem>>) target_semaphore(%arg41 : memref<!tpu.dma_semaphore, #tpu.memory_space<semaphore_mem>>)
        } else {
        }
        %convert_element_type3A_580 = arith.extui %and3A_488 : i1 to i32
        %cond3A_581 = arith.constant 0 : i32
        %cond3A_582 = arith.cmpi ne, %convert_element_type3A_580, %cond3A_581 : i32
        scf.if %cond3A_582 {
          %mul3A_679 = arith.constant 8 : i32
          %mul3A_680 = arith.muli %shift_right_arithmetic3A_192, %mul3A_679 : i32
          %dma_start3A_681 = arith.constant 0 : i32
          %dma_start3A_682 = tpu.memref_slice %arg5[%mul3A_680, %dma_start3A_681] : memref<1000000x15xf32, #tpu.memory_space<hbm>> -> memref<8x15xf32, #tpu.memory_space<hbm>>
          %dma_start3A_683 = arith.constant 0 : i32
          %dma_start3A_684 = tpu.memref_slice %arg5[%mul3A_680, %dma_start3A_683] : memref<1000000x15xf32, #tpu.memory_space<hbm>> -> memref<8x15xf32, #tpu.memory_space<hbm>>
          tpu.enqueue_dma source(%dma_start3A_684 : memref<8x15xf32, #tpu.memory_space<hbm>>) target(%arg13 : memref<8x15xf32, #tpu.memory_space<vmem>>) target_semaphore(%arg34 : memref<!tpu.dma_semaphore, #tpu.memory_space<semaphore_mem>>)
          %mul3A_685 = arith.constant 16 : i32
          %mul3A_686 = arith.muli %and3A_208, %mul3A_685 : i32
          %dma_start3A_687 = tpu.memref_slice %arg4[%mul3A_686] : memref<524288xf32, #tpu.memory_space<hbm>> -> memref<16xf32, #tpu.memory_space<hbm>>
          %dma_start3A_688 = tpu.memref_slice %arg4[%mul3A_686] : memref<524288xf32, #tpu.memory_space<hbm>> -> memref<16xf32, #tpu.memory_space<hbm>>
          tpu.enqueue_dma source(%dma_start3A_688 : memref<16xf32, #tpu.memory_space<hbm>>) target(%arg21 : memref<16xf32, #tpu.memory_space<vmem>>) target_semaphore(%arg42 : memref<!tpu.dma_semaphore, #tpu.memory_space<semaphore_mem>>)
        } else {
        }
        %convert_element_type3A_583 = arith.extui %and3A_504 : i1 to i32
        %cond3A_584 = arith.constant 0 : i32
        %cond3A_585 = arith.cmpi ne, %convert_element_type3A_583, %cond3A_584 : i32
        scf.if %cond3A_585 {
          %mul3A_679 = arith.constant 8 : i32
          %mul3A_680 = arith.muli %shift_right_arithmetic3A_194, %mul3A_679 : i32
          %dma_start3A_681 = arith.constant 0 : i32
          %dma_start3A_682 = tpu.memref_slice %arg5[%mul3A_680, %dma_start3A_681] : memref<1000000x15xf32, #tpu.memory_space<hbm>> -> memref<8x15xf32, #tpu.memory_space<hbm>>
          %dma_start3A_683 = arith.constant 0 : i32
          %dma_start3A_684 = tpu.memref_slice %arg5[%mul3A_680, %dma_start3A_683] : memref<1000000x15xf32, #tpu.memory_space<hbm>> -> memref<8x15xf32, #tpu.memory_space<hbm>>
          tpu.enqueue_dma source(%dma_start3A_684 : memref<8x15xf32, #tpu.memory_space<hbm>>) target(%arg14 : memref<8x15xf32, #tpu.memory_space<vmem>>) target_semaphore(%arg35 : memref<!tpu.dma_semaphore, #tpu.memory_space<semaphore_mem>>)
          %mul3A_685 = arith.constant 16 : i32
          %mul3A_686 = arith.muli %and3A_210, %mul3A_685 : i32
          %dma_start3A_687 = tpu.memref_slice %arg4[%mul3A_686] : memref<524288xf32, #tpu.memory_space<hbm>> -> memref<16xf32, #tpu.memory_space<hbm>>
          %dma_start3A_688 = tpu.memref_slice %arg4[%mul3A_686] : memref<524288xf32, #tpu.memory_space<hbm>> -> memref<16xf32, #tpu.memory_space<hbm>>
          tpu.enqueue_dma source(%dma_start3A_688 : memref<16xf32, #tpu.memory_space<hbm>>) target(%arg22 : memref<16xf32, #tpu.memory_space<vmem>>) target_semaphore(%arg43 : memref<!tpu.dma_semaphore, #tpu.memory_space<semaphore_mem>>)
        } else {
        }
        %convert_element_type3A_586 = arith.extui %and3A_523 : i1 to i32
        %cond3A_587 = arith.constant 0 : i32
        %cond3A_588 = arith.cmpi ne, %convert_element_type3A_586, %cond3A_587 : i32
        scf.if %cond3A_588 {
          %mul3A_679 = arith.constant 8 : i32
          %mul3A_680 = arith.muli %shift_right_arithmetic3A_196, %mul3A_679 : i32
          %dma_start3A_681 = arith.constant 0 : i32
          %dma_start3A_682 = tpu.memref_slice %arg5[%mul3A_680, %dma_start3A_681] : memref<1000000x15xf32, #tpu.memory_space<hbm>> -> memref<8x15xf32, #tpu.memory_space<hbm>>
          %dma_start3A_683 = arith.constant 0 : i32
          %dma_start3A_684 = tpu.memref_slice %arg5[%mul3A_680, %dma_start3A_683] : memref<1000000x15xf32, #tpu.memory_space<hbm>> -> memref<8x15xf32, #tpu.memory_space<hbm>>
          tpu.enqueue_dma source(%dma_start3A_684 : memref<8x15xf32, #tpu.memory_space<hbm>>) target(%arg15 : memref<8x15xf32, #tpu.memory_space<vmem>>) target_semaphore(%arg36 : memref<!tpu.dma_semaphore, #tpu.memory_space<semaphore_mem>>)
          %mul3A_685 = arith.constant 16 : i32
          %mul3A_686 = arith.muli %and3A_212, %mul3A_685 : i32
          %dma_start3A_687 = tpu.memref_slice %arg4[%mul3A_686] : memref<524288xf32, #tpu.memory_space<hbm>> -> memref<16xf32, #tpu.memory_space<hbm>>
          %dma_start3A_688 = tpu.memref_slice %arg4[%mul3A_686] : memref<524288xf32, #tpu.memory_space<hbm>> -> memref<16xf32, #tpu.memory_space<hbm>>
          tpu.enqueue_dma source(%dma_start3A_688 : memref<16xf32, #tpu.memory_space<hbm>>) target(%arg23 : memref<16xf32, #tpu.memory_space<vmem>>) target_semaphore(%arg44 : memref<!tpu.dma_semaphore, #tpu.memory_space<semaphore_mem>>)
        } else {
        }
        %convert_element_type3A_589 = arith.extui %and3A_545 : i1 to i32
        %cond3A_590 = arith.constant 0 : i32
        %cond3A_591 = arith.cmpi ne, %convert_element_type3A_589, %cond3A_590 : i32
        scf.if %cond3A_591 {
          %mul3A_679 = arith.constant 8 : i32
          %mul3A_680 = arith.muli %shift_right_arithmetic3A_198, %mul3A_679 : i32
          %dma_start3A_681 = arith.constant 0 : i32
          %dma_start3A_682 = tpu.memref_slice %arg5[%mul3A_680, %dma_start3A_681] : memref<1000000x15xf32, #tpu.memory_space<hbm>> -> memref<8x15xf32, #tpu.memory_space<hbm>>
          %dma_start3A_683 = arith.constant 0 : i32
          %dma_start3A_684 = tpu.memref_slice %arg5[%mul3A_680, %dma_start3A_683] : memref<1000000x15xf32, #tpu.memory_space<hbm>> -> memref<8x15xf32, #tpu.memory_space<hbm>>
          tpu.enqueue_dma source(%dma_start3A_684 : memref<8x15xf32, #tpu.memory_space<hbm>>) target(%arg16 : memref<8x15xf32, #tpu.memory_space<vmem>>) target_semaphore(%arg37 : memref<!tpu.dma_semaphore, #tpu.memory_space<semaphore_mem>>)
          %mul3A_685 = arith.constant 16 : i32
          %mul3A_686 = arith.muli %and3A_214, %mul3A_685 : i32
          %dma_start3A_687 = tpu.memref_slice %arg4[%mul3A_686] : memref<524288xf32, #tpu.memory_space<hbm>> -> memref<16xf32, #tpu.memory_space<hbm>>
          %dma_start3A_688 = tpu.memref_slice %arg4[%mul3A_686] : memref<524288xf32, #tpu.memory_space<hbm>> -> memref<16xf32, #tpu.memory_space<hbm>>
          tpu.enqueue_dma source(%dma_start3A_688 : memref<16xf32, #tpu.memory_space<hbm>>) target(%arg24 : memref<16xf32, #tpu.memory_space<vmem>>) target_semaphore(%arg45 : memref<!tpu.dma_semaphore, #tpu.memory_space<semaphore_mem>>)
        } else {
        }
        %convert_element_type3A_592 = arith.extui %and3A_570 : i1 to i32
        %cond3A_593 = arith.constant 0 : i32
        %cond3A_594 = arith.cmpi ne, %convert_element_type3A_592, %cond3A_593 : i32
        scf.if %cond3A_594 {
          %mul3A_679 = arith.constant 8 : i32
          %mul3A_680 = arith.muli %shift_right_arithmetic3A_200, %mul3A_679 : i32
          %dma_start3A_681 = arith.constant 0 : i32
          %dma_start3A_682 = tpu.memref_slice %arg5[%mul3A_680, %dma_start3A_681] : memref<1000000x15xf32, #tpu.memory_space<hbm>> -> memref<8x15xf32, #tpu.memory_space<hbm>>
          %dma_start3A_683 = arith.constant 0 : i32
          %dma_start3A_684 = tpu.memref_slice %arg5[%mul3A_680, %dma_start3A_683] : memref<1000000x15xf32, #tpu.memory_space<hbm>> -> memref<8x15xf32, #tpu.memory_space<hbm>>
          tpu.enqueue_dma source(%dma_start3A_684 : memref<8x15xf32, #tpu.memory_space<hbm>>) target(%arg17 : memref<8x15xf32, #tpu.memory_space<vmem>>) target_semaphore(%arg38 : memref<!tpu.dma_semaphore, #tpu.memory_space<semaphore_mem>>)
          %mul3A_685 = arith.constant 16 : i32
          %mul3A_686 = arith.muli %and3A_216, %mul3A_685 : i32
          %dma_start3A_687 = tpu.memref_slice %arg4[%mul3A_686] : memref<524288xf32, #tpu.memory_space<hbm>> -> memref<16xf32, #tpu.memory_space<hbm>>
          %dma_start3A_688 = tpu.memref_slice %arg4[%mul3A_686] : memref<524288xf32, #tpu.memory_space<hbm>> -> memref<16xf32, #tpu.memory_space<hbm>>
          tpu.enqueue_dma source(%dma_start3A_688 : memref<16xf32, #tpu.memory_space<hbm>>) target(%arg25 : memref<16xf32, #tpu.memory_space<vmem>>) target_semaphore(%arg46 : memref<!tpu.dma_semaphore, #tpu.memory_space<semaphore_mem>>)
        } else {
        }
        %convert_element_type3A_595 = arith.extui %and3A_458 : i1 to i32
        %cond3A_596 = arith.constant 0 : i32
        %cond3A_597 = arith.cmpi ne, %convert_element_type3A_595, %cond3A_596 : i32
        scf.if %cond3A_597 {
          %mul3A_679 = arith.constant 8 : i32
          %mul3A_680 = arith.muli %shift_right_arithmetic3A_186, %mul3A_679 : i32
          %dma_wait3A_681 = arith.constant 0 : i32
          %dma_wait3A_682 = tpu.memref_slice %arg5[%mul3A_680, %dma_wait3A_681] : memref<1000000x15xf32, #tpu.memory_space<hbm>> -> memref<8x15xf32, #tpu.memory_space<hbm>>
          %dma_wait3A_683 = arith.constant 0 : i32
          %dma_wait3A_684 = tpu.memref_slice %arg5[%mul3A_680, %dma_wait3A_683] : memref<1000000x15xf32, #tpu.memory_space<hbm>> -> memref<8x15xf32, #tpu.memory_space<hbm>>
          tpu.wait_dma2 semaphore(%arg31 : memref<!tpu.dma_semaphore, #tpu.memory_space<semaphore_mem>>) src(%dma_wait3A_684 : memref<8x15xf32, #tpu.memory_space<hbm>>) dst(%arg10 : memref<8x15xf32, #tpu.memory_space<vmem>>)
          %mul3A_685 = arith.constant 16 : i32
          %mul3A_686 = arith.muli %and3A_202, %mul3A_685 : i32
          %dma_wait3A_687 = tpu.memref_slice %arg4[%mul3A_686] : memref<524288xf32, #tpu.memory_space<hbm>> -> memref<16xf32, #tpu.memory_space<hbm>>
          %dma_wait3A_688 = tpu.memref_slice %arg4[%mul3A_686] : memref<524288xf32, #tpu.memory_space<hbm>> -> memref<16xf32, #tpu.memory_space<hbm>>
          tpu.wait_dma2 semaphore(%arg39 : memref<!tpu.dma_semaphore, #tpu.memory_space<semaphore_mem>>) src(%dma_wait3A_688 : memref<16xf32, #tpu.memory_space<hbm>>) dst(%arg18 : memref<16xf32, #tpu.memory_space<vmem>>)
          %get3A_689 = arith.constant 0 : index
          %get3A_690 = tpu.vector_load %arg18[%get3A_689] {strides = array<i32>} : memref<16xf32, #tpu.memory_space<vmem>>, vector<16xf32>,
          %and3A_691 = arith.constant 7 : i32
          %and3A_692 = arith.andi %add3A_163, %and3A_691 : i32
          %broadcast_in_dim3A_693 = vector.broadcast %and3A_692 : i32 to vector<16xi32>
          %lt3A_694 = arith.constant 15 : i32
          %lt3A_695 = vector.broadcast %lt3A_694 : i32 to vector<16xi32>
          %lt3A_696 = arith.cmpi slt, %iota3A, %lt3A_695 : vector<16xi32>
          tpu.vector_store_idx %arg10[%broadcast_in_dim3A_693, %iota3A], %get3A_690 masked %lt3A_696 : memref<8x15xf32, #tpu.memory_space<vmem>>[vector<16xi32>, vector<16xi32>], vector<16xf32>, vector<16xi1>
          %mul3A_697 = arith.constant 8 : i32
          %mul3A_698 = arith.muli %shift_right_arithmetic3A_186, %mul3A_697 : i32
          %dma_start3A_699 = arith.constant 0 : i32
          %dma_start3A_700 = tpu.memref_slice %arg5[%mul3A_698, %dma_start3A_699] : memref<1000000x15xf32, #tpu.memory_space<hbm>> -> memref<8x15xf32, #tpu.memory_space<hbm>>
          %dma_start3A_701 = arith.constant 0 : i32
          %dma_start3A_702 = tpu.memref_slice %arg5[%mul3A_698, %dma_start3A_701] : memref<1000000x15xf32, #tpu.memory_space<hbm>> -> memref<8x15xf32, #tpu.memory_space<hbm>>
          tpu.enqueue_dma source(%arg10 : memref<8x15xf32, #tpu.memory_space<vmem>>) target(%dma_start3A_702 : memref<8x15xf32, #tpu.memory_space<hbm>>) target_semaphore(%arg47 : memref<!tpu.dma_semaphore, #tpu.memory_space<semaphore_mem>>)
        } else {
        }
        %convert_element_type3A_598 = arith.extui %and3A_465 : i1 to i32
        %cond3A_599 = arith.constant 0 : i32
        %cond3A_600 = arith.cmpi ne, %convert_element_type3A_598, %cond3A_599 : i32
        scf.if %cond3A_600 {
          %mul3A_679 = arith.constant 8 : i32
          %mul3A_680 = arith.muli %shift_right_arithmetic3A_188, %mul3A_679 : i32
          %dma_wait3A_681 = arith.constant 0 : i32
          %dma_wait3A_682 = tpu.memref_slice %arg5[%mul3A_680, %dma_wait3A_681] : memref<1000000x15xf32, #tpu.memory_space<hbm>> -> memref<8x15xf32, #tpu.memory_space<hbm>>
          %dma_wait3A_683 = arith.constant 0 : i32
          %dma_wait3A_684 = tpu.memref_slice %arg5[%mul3A_680, %dma_wait3A_683] : memref<1000000x15xf32, #tpu.memory_space<hbm>> -> memref<8x15xf32, #tpu.memory_space<hbm>>
          tpu.wait_dma2 semaphore(%arg32 : memref<!tpu.dma_semaphore, #tpu.memory_space<semaphore_mem>>) src(%dma_wait3A_684 : memref<8x15xf32, #tpu.memory_space<hbm>>) dst(%arg11 : memref<8x15xf32, #tpu.memory_space<vmem>>)
          %mul3A_685 = arith.constant 16 : i32
          %mul3A_686 = arith.muli %and3A_204, %mul3A_685 : i32
          %dma_wait3A_687 = tpu.memref_slice %arg4[%mul3A_686] : memref<524288xf32, #tpu.memory_space<hbm>> -> memref<16xf32, #tpu.memory_space<hbm>>
          %dma_wait3A_688 = tpu.memref_slice %arg4[%mul3A_686] : memref<524288xf32, #tpu.memory_space<hbm>> -> memref<16xf32, #tpu.memory_space<hbm>>
          tpu.wait_dma2 semaphore(%arg40 : memref<!tpu.dma_semaphore, #tpu.memory_space<semaphore_mem>>) src(%dma_wait3A_688 : memref<16xf32, #tpu.memory_space<hbm>>) dst(%arg19 : memref<16xf32, #tpu.memory_space<vmem>>)
          %get3A_689 = arith.constant 0 : index
          %get3A_690 = tpu.vector_load %arg19[%get3A_689] {strides = array<i32>} : memref<16xf32, #tpu.memory_space<vmem>>, vector<16xf32>,
          %and3A_691 = arith.constant 7 : i32
          %and3A_692 = arith.andi %add3A_166, %and3A_691 : i32
          %broadcast_in_dim3A_693 = vector.broadcast %and3A_692 : i32 to vector<16xi32>
          %lt3A_694 = arith.constant 15 : i32
          %lt3A_695 = vector.broadcast %lt3A_694 : i32 to vector<16xi32>
          %lt3A_696 = arith.cmpi slt, %iota3A, %lt3A_695 : vector<16xi32>
          tpu.vector_store_idx %arg11[%broadcast_in_dim3A_693, %iota3A], %get3A_690 masked %lt3A_696 : memref<8x15xf32, #tpu.memory_space<vmem>>[vector<16xi32>, vector<16xi32>], vector<16xf32>, vector<16xi1>
          %mul3A_697 = arith.constant 8 : i32
          %mul3A_698 = arith.muli %shift_right_arithmetic3A_188, %mul3A_697 : i32
          %dma_start3A_699 = arith.constant 0 : i32
          %dma_start3A_700 = tpu.memref_slice %arg5[%mul3A_698, %dma_start3A_699] : memref<1000000x15xf32, #tpu.memory_space<hbm>> -> memref<8x15xf32, #tpu.memory_space<hbm>>
          %dma_start3A_701 = arith.constant 0 : i32
          %dma_start3A_702 = tpu.memref_slice %arg5[%mul3A_698, %dma_start3A_701] : memref<1000000x15xf32, #tpu.memory_space<hbm>> -> memref<8x15xf32, #tpu.memory_space<hbm>>
          tpu.enqueue_dma source(%arg11 : memref<8x15xf32, #tpu.memory_space<vmem>>) target(%dma_start3A_702 : memref<8x15xf32, #tpu.memory_space<hbm>>) target_semaphore(%arg48 : memref<!tpu.dma_semaphore, #tpu.memory_space<semaphore_mem>>)
        } else {
        }
        %convert_element_type3A_601 = arith.extui %and3A_475 : i1 to i32
        %cond3A_602 = arith.constant 0 : i32
        %cond3A_603 = arith.cmpi ne, %convert_element_type3A_601, %cond3A_602 : i32
        scf.if %cond3A_603 {
          %mul3A_679 = arith.constant 8 : i32
          %mul3A_680 = arith.muli %shift_right_arithmetic3A_190, %mul3A_679 : i32
          %dma_wait3A_681 = arith.constant 0 : i32
          %dma_wait3A_682 = tpu.memref_slice %arg5[%mul3A_680, %dma_wait3A_681] : memref<1000000x15xf32, #tpu.memory_space<hbm>> -> memref<8x15xf32, #tpu.memory_space<hbm>>
          %dma_wait3A_683 = arith.constant 0 : i32
          %dma_wait3A_684 = tpu.memref_slice %arg5[%mul3A_680, %dma_wait3A_683] : memref<1000000x15xf32, #tpu.memory_space<hbm>> -> memref<8x15xf32, #tpu.memory_space<hbm>>
          tpu.wait_dma2 semaphore(%arg33 : memref<!tpu.dma_semaphore, #tpu.memory_space<semaphore_mem>>) src(%dma_wait3A_684 : memref<8x15xf32, #tpu.memory_space<hbm>>) dst(%arg12 : memref<8x15xf32, #tpu.memory_space<vmem>>)
          %mul3A_685 = arith.constant 16 : i32
          %mul3A_686 = arith.muli %and3A_206, %mul3A_685 : i32
          %dma_wait3A_687 = tpu.memref_slice %arg4[%mul3A_686] : memref<524288xf32, #tpu.memory_space<hbm>> -> memref<16xf32, #tpu.memory_space<hbm>>
          %dma_wait3A_688 = tpu.memref_slice %arg4[%mul3A_686] : memref<524288xf32, #tpu.memory_space<hbm>> -> memref<16xf32, #tpu.memory_space<hbm>>
          tpu.wait_dma2 semaphore(%arg41 : memref<!tpu.dma_semaphore, #tpu.memory_space<semaphore_mem>>) src(%dma_wait3A_688 : memref<16xf32, #tpu.memory_space<hbm>>) dst(%arg20 : memref<16xf32, #tpu.memory_space<vmem>>)
          %get3A_689 = arith.constant 0 : index
          %get3A_690 = tpu.vector_load %arg20[%get3A_689] {strides = array<i32>} : memref<16xf32, #tpu.memory_space<vmem>>, vector<16xf32>,
          %and3A_691 = arith.constant 7 : i32
          %and3A_692 = arith.andi %add3A_169, %and3A_691 : i32
          %broadcast_in_dim3A_693 = vector.broadcast %and3A_692 : i32 to vector<16xi32>
          %lt3A_694 = arith.constant 15 : i32
          %lt3A_695 = vector.broadcast %lt3A_694 : i32 to vector<16xi32>
          %lt3A_696 = arith.cmpi slt, %iota3A, %lt3A_695 : vector<16xi32>
          tpu.vector_store_idx %arg12[%broadcast_in_dim3A_693, %iota3A], %get3A_690 masked %lt3A_696 : memref<8x15xf32, #tpu.memory_space<vmem>>[vector<16xi32>, vector<16xi32>], vector<16xf32>, vector<16xi1>
          %mul3A_697 = arith.constant 8 : i32
          %mul3A_698 = arith.muli %shift_right_arithmetic3A_190, %mul3A_697 : i32
          %dma_start3A_699 = arith.constant 0 : i32
          %dma_start3A_700 = tpu.memref_slice %arg5[%mul3A_698, %dma_start3A_699] : memref<1000000x15xf32, #tpu.memory_space<hbm>> -> memref<8x15xf32, #tpu.memory_space<hbm>>
          %dma_start3A_701 = arith.constant 0 : i32
          %dma_start3A_702 = tpu.memref_slice %arg5[%mul3A_698, %dma_start3A_701] : memref<1000000x15xf32, #tpu.memory_space<hbm>> -> memref<8x15xf32, #tpu.memory_space<hbm>>
          tpu.enqueue_dma source(%arg12 : memref<8x15xf32, #tpu.memory_space<vmem>>) target(%dma_start3A_702 : memref<8x15xf32, #tpu.memory_space<hbm>>) target_semaphore(%arg49 : memref<!tpu.dma_semaphore, #tpu.memory_space<semaphore_mem>>)
        } else {
        }
        %convert_element_type3A_604 = arith.extui %and3A_488 : i1 to i32
        %cond3A_605 = arith.constant 0 : i32
        %cond3A_606 = arith.cmpi ne, %convert_element_type3A_604, %cond3A_605 : i32
        scf.if %cond3A_606 {
          %mul3A_679 = arith.constant 8 : i32
          %mul3A_680 = arith.muli %shift_right_arithmetic3A_192, %mul3A_679 : i32
          %dma_wait3A_681 = arith.constant 0 : i32
          %dma_wait3A_682 = tpu.memref_slice %arg5[%mul3A_680, %dma_wait3A_681] : memref<1000000x15xf32, #tpu.memory_space<hbm>> -> memref<8x15xf32, #tpu.memory_space<hbm>>
          %dma_wait3A_683 = arith.constant 0 : i32
          %dma_wait3A_684 = tpu.memref_slice %arg5[%mul3A_680, %dma_wait3A_683] : memref<1000000x15xf32, #tpu.memory_space<hbm>> -> memref<8x15xf32, #tpu.memory_space<hbm>>
          tpu.wait_dma2 semaphore(%arg34 : memref<!tpu.dma_semaphore, #tpu.memory_space<semaphore_mem>>) src(%dma_wait3A_684 : memref<8x15xf32, #tpu.memory_space<hbm>>) dst(%arg13 : memref<8x15xf32, #tpu.memory_space<vmem>>)
          %mul3A_685 = arith.constant 16 : i32
          %mul3A_686 = arith.muli %and3A_208, %mul3A_685 : i32
          %dma_wait3A_687 = tpu.memref_slice %arg4[%mul3A_686] : memref<524288xf32, #tpu.memory_space<hbm>> -> memref<16xf32, #tpu.memory_space<hbm>>
          %dma_wait3A_688 = tpu.memref_slice %arg4[%mul3A_686] : memref<524288xf32, #tpu.memory_space<hbm>> -> memref<16xf32, #tpu.memory_space<hbm>>
          tpu.wait_dma2 semaphore(%arg42 : memref<!tpu.dma_semaphore, #tpu.memory_space<semaphore_mem>>) src(%dma_wait3A_688 : memref<16xf32, #tpu.memory_space<hbm>>) dst(%arg21 : memref<16xf32, #tpu.memory_space<vmem>>)
          %get3A_689 = arith.constant 0 : index
          %get3A_690 = tpu.vector_load %arg21[%get3A_689] {strides = array<i32>} : memref<16xf32, #tpu.memory_space<vmem>>, vector<16xf32>,
          %and3A_691 = arith.constant 7 : i32
          %and3A_692 = arith.andi %add3A_172, %and3A_691 : i32
          %broadcast_in_dim3A_693 = vector.broadcast %and3A_692 : i32 to vector<16xi32>
          %lt3A_694 = arith.constant 15 : i32
          %lt3A_695 = vector.broadcast %lt3A_694 : i32 to vector<16xi32>
          %lt3A_696 = arith.cmpi slt, %iota3A, %lt3A_695 : vector<16xi32>
          tpu.vector_store_idx %arg13[%broadcast_in_dim3A_693, %iota3A], %get3A_690 masked %lt3A_696 : memref<8x15xf32, #tpu.memory_space<vmem>>[vector<16xi32>, vector<16xi32>], vector<16xf32>, vector<16xi1>
          %mul3A_697 = arith.constant 8 : i32
          %mul3A_698 = arith.muli %shift_right_arithmetic3A_192, %mul3A_697 : i32
          %dma_start3A_699 = arith.constant 0 : i32
          %dma_start3A_700 = tpu.memref_slice %arg5[%mul3A_698, %dma_start3A_699] : memref<1000000x15xf32, #tpu.memory_space<hbm>> -> memref<8x15xf32, #tpu.memory_space<hbm>>
          %dma_start3A_701 = arith.constant 0 : i32
          %dma_start3A_702 = tpu.memref_slice %arg5[%mul3A_698, %dma_start3A_701] : memref<1000000x15xf32, #tpu.memory_space<hbm>> -> memref<8x15xf32, #tpu.memory_space<hbm>>
          tpu.enqueue_dma source(%arg13 : memref<8x15xf32, #tpu.memory_space<vmem>>) target(%dma_start3A_702 : memref<8x15xf32, #tpu.memory_space<hbm>>) target_semaphore(%arg50 : memref<!tpu.dma_semaphore, #tpu.memory_space<semaphore_mem>>)
        } else {
        }
        %convert_element_type3A_607 = arith.extui %and3A_504 : i1 to i32
        %cond3A_608 = arith.constant 0 : i32
        %cond3A_609 = arith.cmpi ne, %convert_element_type3A_607, %cond3A_608 : i32
        scf.if %cond3A_609 {
          %mul3A_679 = arith.constant 8 : i32
          %mul3A_680 = arith.muli %shift_right_arithmetic3A_194, %mul3A_679 : i32
          %dma_wait3A_681 = arith.constant 0 : i32
          %dma_wait3A_682 = tpu.memref_slice %arg5[%mul3A_680, %dma_wait3A_681] : memref<1000000x15xf32, #tpu.memory_space<hbm>> -> memref<8x15xf32, #tpu.memory_space<hbm>>
          %dma_wait3A_683 = arith.constant 0 : i32
          %dma_wait3A_684 = tpu.memref_slice %arg5[%mul3A_680, %dma_wait3A_683] : memref<1000000x15xf32, #tpu.memory_space<hbm>> -> memref<8x15xf32, #tpu.memory_space<hbm>>
          tpu.wait_dma2 semaphore(%arg35 : memref<!tpu.dma_semaphore, #tpu.memory_space<semaphore_mem>>) src(%dma_wait3A_684 : memref<8x15xf32, #tpu.memory_space<hbm>>) dst(%arg14 : memref<8x15xf32, #tpu.memory_space<vmem>>)
          %mul3A_685 = arith.constant 16 : i32
          %mul3A_686 = arith.muli %and3A_210, %mul3A_685 : i32
          %dma_wait3A_687 = tpu.memref_slice %arg4[%mul3A_686] : memref<524288xf32, #tpu.memory_space<hbm>> -> memref<16xf32, #tpu.memory_space<hbm>>
          %dma_wait3A_688 = tpu.memref_slice %arg4[%mul3A_686] : memref<524288xf32, #tpu.memory_space<hbm>> -> memref<16xf32, #tpu.memory_space<hbm>>
          tpu.wait_dma2 semaphore(%arg43 : memref<!tpu.dma_semaphore, #tpu.memory_space<semaphore_mem>>) src(%dma_wait3A_688 : memref<16xf32, #tpu.memory_space<hbm>>) dst(%arg22 : memref<16xf32, #tpu.memory_space<vmem>>)
          %get3A_689 = arith.constant 0 : index
          %get3A_690 = tpu.vector_load %arg22[%get3A_689] {strides = array<i32>} : memref<16xf32, #tpu.memory_space<vmem>>, vector<16xf32>,
          %and3A_691 = arith.constant 7 : i32
          %and3A_692 = arith.andi %add3A_175, %and3A_691 : i32
          %broadcast_in_dim3A_693 = vector.broadcast %and3A_692 : i32 to vector<16xi32>
          %lt3A_694 = arith.constant 15 : i32
          %lt3A_695 = vector.broadcast %lt3A_694 : i32 to vector<16xi32>
          %lt3A_696 = arith.cmpi slt, %iota3A, %lt3A_695 : vector<16xi32>
          tpu.vector_store_idx %arg14[%broadcast_in_dim3A_693, %iota3A], %get3A_690 masked %lt3A_696 : memref<8x15xf32, #tpu.memory_space<vmem>>[vector<16xi32>, vector<16xi32>], vector<16xf32>, vector<16xi1>
          %mul3A_697 = arith.constant 8 : i32
          %mul3A_698 = arith.muli %shift_right_arithmetic3A_194, %mul3A_697 : i32
          %dma_start3A_699 = arith.constant 0 : i32
          %dma_start3A_700 = tpu.memref_slice %arg5[%mul3A_698, %dma_start3A_699] : memref<1000000x15xf32, #tpu.memory_space<hbm>> -> memref<8x15xf32, #tpu.memory_space<hbm>>
          %dma_start3A_701 = arith.constant 0 : i32
          %dma_start3A_702 = tpu.memref_slice %arg5[%mul3A_698, %dma_start3A_701] : memref<1000000x15xf32, #tpu.memory_space<hbm>> -> memref<8x15xf32, #tpu.memory_space<hbm>>
          tpu.enqueue_dma source(%arg14 : memref<8x15xf32, #tpu.memory_space<vmem>>) target(%dma_start3A_702 : memref<8x15xf32, #tpu.memory_space<hbm>>) target_semaphore(%arg51 : memref<!tpu.dma_semaphore, #tpu.memory_space<semaphore_mem>>)
        } else {
        }
        %convert_element_type3A_610 = arith.extui %and3A_523 : i1 to i32
        %cond3A_611 = arith.constant 0 : i32
        %cond3A_612 = arith.cmpi ne, %convert_element_type3A_610, %cond3A_611 : i32
        scf.if %cond3A_612 {
          %mul3A_679 = arith.constant 8 : i32
          %mul3A_680 = arith.muli %shift_right_arithmetic3A_196, %mul3A_679 : i32
          %dma_wait3A_681 = arith.constant 0 : i32
          %dma_wait3A_682 = tpu.memref_slice %arg5[%mul3A_680, %dma_wait3A_681] : memref<1000000x15xf32, #tpu.memory_space<hbm>> -> memref<8x15xf32, #tpu.memory_space<hbm>>
          %dma_wait3A_683 = arith.constant 0 : i32
          %dma_wait3A_684 = tpu.memref_slice %arg5[%mul3A_680, %dma_wait3A_683] : memref<1000000x15xf32, #tpu.memory_space<hbm>> -> memref<8x15xf32, #tpu.memory_space<hbm>>
          tpu.wait_dma2 semaphore(%arg36 : memref<!tpu.dma_semaphore, #tpu.memory_space<semaphore_mem>>) src(%dma_wait3A_684 : memref<8x15xf32, #tpu.memory_space<hbm>>) dst(%arg15 : memref<8x15xf32, #tpu.memory_space<vmem>>)
          %mul3A_685 = arith.constant 16 : i32
          %mul3A_686 = arith.muli %and3A_212, %mul3A_685 : i32
          %dma_wait3A_687 = tpu.memref_slice %arg4[%mul3A_686] : memref<524288xf32, #tpu.memory_space<hbm>> -> memref<16xf32, #tpu.memory_space<hbm>>
          %dma_wait3A_688 = tpu.memref_slice %arg4[%mul3A_686] : memref<524288xf32, #tpu.memory_space<hbm>> -> memref<16xf32, #tpu.memory_space<hbm>>
          tpu.wait_dma2 semaphore(%arg44 : memref<!tpu.dma_semaphore, #tpu.memory_space<semaphore_mem>>) src(%dma_wait3A_688 : memref<16xf32, #tpu.memory_space<hbm>>) dst(%arg23 : memref<16xf32, #tpu.memory_space<vmem>>)
          %get3A_689 = arith.constant 0 : index
          %get3A_690 = tpu.vector_load %arg23[%get3A_689] {strides = array<i32>} : memref<16xf32, #tpu.memory_space<vmem>>, vector<16xf32>,
          %and3A_691 = arith.constant 7 : i32
          %and3A_692 = arith.andi %add3A_178, %and3A_691 : i32
          %broadcast_in_dim3A_693 = vector.broadcast %and3A_692 : i32 to vector<16xi32>
          %lt3A_694 = arith.constant 15 : i32
          %lt3A_695 = vector.broadcast %lt3A_694 : i32 to vector<16xi32>
          %lt3A_696 = arith.cmpi slt, %iota3A, %lt3A_695 : vector<16xi32>
          tpu.vector_store_idx %arg15[%broadcast_in_dim3A_693, %iota3A], %get3A_690 masked %lt3A_696 : memref<8x15xf32, #tpu.memory_space<vmem>>[vector<16xi32>, vector<16xi32>], vector<16xf32>, vector<16xi1>
          %mul3A_697 = arith.constant 8 : i32
          %mul3A_698 = arith.muli %shift_right_arithmetic3A_196, %mul3A_697 : i32
          %dma_start3A_699 = arith.constant 0 : i32
          %dma_start3A_700 = tpu.memref_slice %arg5[%mul3A_698, %dma_start3A_699] : memref<1000000x15xf32, #tpu.memory_space<hbm>> -> memref<8x15xf32, #tpu.memory_space<hbm>>
          %dma_start3A_701 = arith.constant 0 : i32
          %dma_start3A_702 = tpu.memref_slice %arg5[%mul3A_698, %dma_start3A_701] : memref<1000000x15xf32, #tpu.memory_space<hbm>> -> memref<8x15xf32, #tpu.memory_space<hbm>>
          tpu.enqueue_dma source(%arg15 : memref<8x15xf32, #tpu.memory_space<vmem>>) target(%dma_start3A_702 : memref<8x15xf32, #tpu.memory_space<hbm>>) target_semaphore(%arg52 : memref<!tpu.dma_semaphore, #tpu.memory_space<semaphore_mem>>)
        } else {
        }
        %convert_element_type3A_613 = arith.extui %and3A_545 : i1 to i32
        %cond3A_614 = arith.constant 0 : i32
        %cond3A_615 = arith.cmpi ne, %convert_element_type3A_613, %cond3A_614 : i32
        scf.if %cond3A_615 {
          %mul3A_679 = arith.constant 8 : i32
          %mul3A_680 = arith.muli %shift_right_arithmetic3A_198, %mul3A_679 : i32
          %dma_wait3A_681 = arith.constant 0 : i32
          %dma_wait3A_682 = tpu.memref_slice %arg5[%mul3A_680, %dma_wait3A_681] : memref<1000000x15xf32, #tpu.memory_space<hbm>> -> memref<8x15xf32, #tpu.memory_space<hbm>>
          %dma_wait3A_683 = arith.constant 0 : i32
          %dma_wait3A_684 = tpu.memref_slice %arg5[%mul3A_680, %dma_wait3A_683] : memref<1000000x15xf32, #tpu.memory_space<hbm>> -> memref<8x15xf32, #tpu.memory_space<hbm>>
          tpu.wait_dma2 semaphore(%arg37 : memref<!tpu.dma_semaphore, #tpu.memory_space<semaphore_mem>>) src(%dma_wait3A_684 : memref<8x15xf32, #tpu.memory_space<hbm>>) dst(%arg16 : memref<8x15xf32, #tpu.memory_space<vmem>>)
          %mul3A_685 = arith.constant 16 : i32
          %mul3A_686 = arith.muli %and3A_214, %mul3A_685 : i32
          %dma_wait3A_687 = tpu.memref_slice %arg4[%mul3A_686] : memref<524288xf32, #tpu.memory_space<hbm>> -> memref<16xf32, #tpu.memory_space<hbm>>
          %dma_wait3A_688 = tpu.memref_slice %arg4[%mul3A_686] : memref<524288xf32, #tpu.memory_space<hbm>> -> memref<16xf32, #tpu.memory_space<hbm>>
          tpu.wait_dma2 semaphore(%arg45 : memref<!tpu.dma_semaphore, #tpu.memory_space<semaphore_mem>>) src(%dma_wait3A_688 : memref<16xf32, #tpu.memory_space<hbm>>) dst(%arg24 : memref<16xf32, #tpu.memory_space<vmem>>)
          %get3A_689 = arith.constant 0 : index
          %get3A_690 = tpu.vector_load %arg24[%get3A_689] {strides = array<i32>} : memref<16xf32, #tpu.memory_space<vmem>>, vector<16xf32>,
          %and3A_691 = arith.constant 7 : i32
          %and3A_692 = arith.andi %add3A_181, %and3A_691 : i32
          %broadcast_in_dim3A_693 = vector.broadcast %and3A_692 : i32 to vector<16xi32>
          %lt3A_694 = arith.constant 15 : i32
          %lt3A_695 = vector.broadcast %lt3A_694 : i32 to vector<16xi32>
          %lt3A_696 = arith.cmpi slt, %iota3A, %lt3A_695 : vector<16xi32>
          tpu.vector_store_idx %arg16[%broadcast_in_dim3A_693, %iota3A], %get3A_690 masked %lt3A_696 : memref<8x15xf32, #tpu.memory_space<vmem>>[vector<16xi32>, vector<16xi32>], vector<16xf32>, vector<16xi1>
          %mul3A_697 = arith.constant 8 : i32
          %mul3A_698 = arith.muli %shift_right_arithmetic3A_198, %mul3A_697 : i32
          %dma_start3A_699 = arith.constant 0 : i32
          %dma_start3A_700 = tpu.memref_slice %arg5[%mul3A_698, %dma_start3A_699] : memref<1000000x15xf32, #tpu.memory_space<hbm>> -> memref<8x15xf32, #tpu.memory_space<hbm>>
          %dma_start3A_701 = arith.constant 0 : i32
          %dma_start3A_702 = tpu.memref_slice %arg5[%mul3A_698, %dma_start3A_701] : memref<1000000x15xf32, #tpu.memory_space<hbm>> -> memref<8x15xf32, #tpu.memory_space<hbm>>
          tpu.enqueue_dma source(%arg16 : memref<8x15xf32, #tpu.memory_space<vmem>>) target(%dma_start3A_702 : memref<8x15xf32, #tpu.memory_space<hbm>>) target_semaphore(%arg53 : memref<!tpu.dma_semaphore, #tpu.memory_space<semaphore_mem>>)
        } else {
        }
        %convert_element_type3A_616 = arith.extui %and3A_570 : i1 to i32
        %cond3A_617 = arith.constant 0 : i32
        %cond3A_618 = arith.cmpi ne, %convert_element_type3A_616, %cond3A_617 : i32
        scf.if %cond3A_618 {
          %mul3A_679 = arith.constant 8 : i32
          %mul3A_680 = arith.muli %shift_right_arithmetic3A_200, %mul3A_679 : i32
          %dma_wait3A_681 = arith.constant 0 : i32
          %dma_wait3A_682 = tpu.memref_slice %arg5[%mul3A_680, %dma_wait3A_681] : memref<1000000x15xf32, #tpu.memory_space<hbm>> -> memref<8x15xf32, #tpu.memory_space<hbm>>
          %dma_wait3A_683 = arith.constant 0 : i32
          %dma_wait3A_684 = tpu.memref_slice %arg5[%mul3A_680, %dma_wait3A_683] : memref<1000000x15xf32, #tpu.memory_space<hbm>> -> memref<8x15xf32, #tpu.memory_space<hbm>>
          tpu.wait_dma2 semaphore(%arg38 : memref<!tpu.dma_semaphore, #tpu.memory_space<semaphore_mem>>) src(%dma_wait3A_684 : memref<8x15xf32, #tpu.memory_space<hbm>>) dst(%arg17 : memref<8x15xf32, #tpu.memory_space<vmem>>)
          %mul3A_685 = arith.constant 16 : i32
          %mul3A_686 = arith.muli %and3A_216, %mul3A_685 : i32
          %dma_wait3A_687 = tpu.memref_slice %arg4[%mul3A_686] : memref<524288xf32, #tpu.memory_space<hbm>> -> memref<16xf32, #tpu.memory_space<hbm>>
          %dma_wait3A_688 = tpu.memref_slice %arg4[%mul3A_686] : memref<524288xf32, #tpu.memory_space<hbm>> -> memref<16xf32, #tpu.memory_space<hbm>>
          tpu.wait_dma2 semaphore(%arg46 : memref<!tpu.dma_semaphore, #tpu.memory_space<semaphore_mem>>) src(%dma_wait3A_688 : memref<16xf32, #tpu.memory_space<hbm>>) dst(%arg25 : memref<16xf32, #tpu.memory_space<vmem>>)
          %get3A_689 = arith.constant 0 : index
          %get3A_690 = tpu.vector_load %arg25[%get3A_689] {strides = array<i32>} : memref<16xf32, #tpu.memory_space<vmem>>, vector<16xf32>,
          %and3A_691 = arith.constant 7 : i32
          %and3A_692 = arith.andi %add3A_184, %and3A_691 : i32
          %broadcast_in_dim3A_693 = vector.broadcast %and3A_692 : i32 to vector<16xi32>
          %lt3A_694 = arith.constant 15 : i32
          %lt3A_695 = vector.broadcast %lt3A_694 : i32 to vector<16xi32>
          %lt3A_696 = arith.cmpi slt, %iota3A, %lt3A_695 : vector<16xi32>
          tpu.vector_store_idx %arg17[%broadcast_in_dim3A_693, %iota3A], %get3A_690 masked %lt3A_696 : memref<8x15xf32, #tpu.memory_space<vmem>>[vector<16xi32>, vector<16xi32>], vector<16xf32>, vector<16xi1>
          %mul3A_697 = arith.constant 8 : i32
          %mul3A_698 = arith.muli %shift_right_arithmetic3A_200, %mul3A_697 : i32
          %dma_start3A_699 = arith.constant 0 : i32
          %dma_start3A_700 = tpu.memref_slice %arg5[%mul3A_698, %dma_start3A_699] : memref<1000000x15xf32, #tpu.memory_space<hbm>> -> memref<8x15xf32, #tpu.memory_space<hbm>>
          %dma_start3A_701 = arith.constant 0 : i32
          %dma_start3A_702 = tpu.memref_slice %arg5[%mul3A_698, %dma_start3A_701] : memref<1000000x15xf32, #tpu.memory_space<hbm>> -> memref<8x15xf32, #tpu.memory_space<hbm>>
          tpu.enqueue_dma source(%arg17 : memref<8x15xf32, #tpu.memory_space<vmem>>) target(%dma_start3A_702 : memref<8x15xf32, #tpu.memory_space<hbm>>) target_semaphore(%arg54 : memref<!tpu.dma_semaphore, #tpu.memory_space<semaphore_mem>>)
        } else {
        }
        %convert_element_type3A_619 = arith.extui %and3A_458 : i1 to i32
        %cond3A_620 = arith.constant 0 : i32
        %cond3A_621 = arith.cmpi ne, %convert_element_type3A_619, %cond3A_620 : i32
        scf.if %cond3A_621 {
          %mul3A_679 = arith.constant 8 : i32
          %mul3A_680 = arith.muli %shift_right_arithmetic3A_186, %mul3A_679 : i32
          %dma_wait3A_681 = arith.constant 0 : i32
          %dma_wait3A_682 = tpu.memref_slice %arg5[%mul3A_680, %dma_wait3A_681] : memref<1000000x15xf32, #tpu.memory_space<hbm>> -> memref<8x15xf32, #tpu.memory_space<hbm>>
          %dma_wait3A_683 = arith.constant 0 : i32
          %dma_wait3A_684 = tpu.memref_slice %arg5[%mul3A_680, %dma_wait3A_683] : memref<1000000x15xf32, #tpu.memory_space<hbm>> -> memref<8x15xf32, #tpu.memory_space<hbm>>
          tpu.wait_dma2 semaphore(%arg47 : memref<!tpu.dma_semaphore, #tpu.memory_space<semaphore_mem>>) src(%arg10 : memref<8x15xf32, #tpu.memory_space<vmem>>) dst(%dma_wait3A_684 : memref<8x15xf32, #tpu.memory_space<hbm>>)
        } else {
        }
        %convert_element_type3A_622 = arith.extui %and3A_465 : i1 to i32
        %cond3A_623 = arith.constant 0 : i32
        %cond3A_624 = arith.cmpi ne, %convert_element_type3A_622, %cond3A_623 : i32
        scf.if %cond3A_624 {
          %mul3A_679 = arith.constant 8 : i32
          %mul3A_680 = arith.muli %shift_right_arithmetic3A_188, %mul3A_679 : i32
          %dma_wait3A_681 = arith.constant 0 : i32
          %dma_wait3A_682 = tpu.memref_slice %arg5[%mul3A_680, %dma_wait3A_681] : memref<1000000x15xf32, #tpu.memory_space<hbm>> -> memref<8x15xf32, #tpu.memory_space<hbm>>
          %dma_wait3A_683 = arith.constant 0 : i32
          %dma_wait3A_684 = tpu.memref_slice %arg5[%mul3A_680, %dma_wait3A_683] : memref<1000000x15xf32, #tpu.memory_space<hbm>> -> memref<8x15xf32, #tpu.memory_space<hbm>>
          tpu.wait_dma2 semaphore(%arg48 : memref<!tpu.dma_semaphore, #tpu.memory_space<semaphore_mem>>) src(%arg11 : memref<8x15xf32, #tpu.memory_space<vmem>>) dst(%dma_wait3A_684 : memref<8x15xf32, #tpu.memory_space<hbm>>)
        } else {
        }
        %convert_element_type3A_625 = arith.extui %and3A_475 : i1 to i32
        %cond3A_626 = arith.constant 0 : i32
        %cond3A_627 = arith.cmpi ne, %convert_element_type3A_625, %cond3A_626 : i32
        scf.if %cond3A_627 {
          %mul3A_679 = arith.constant 8 : i32
          %mul3A_680 = arith.muli %shift_right_arithmetic3A_190, %mul3A_679 : i32
          %dma_wait3A_681 = arith.constant 0 : i32
          %dma_wait3A_682 = tpu.memref_slice %arg5[%mul3A_680, %dma_wait3A_681] : memref<1000000x15xf32, #tpu.memory_space<hbm>> -> memref<8x15xf32, #tpu.memory_space<hbm>>
          %dma_wait3A_683 = arith.constant 0 : i32
          %dma_wait3A_684 = tpu.memref_slice %arg5[%mul3A_680, %dma_wait3A_683] : memref<1000000x15xf32, #tpu.memory_space<hbm>> -> memref<8x15xf32, #tpu.memory_space<hbm>>
          tpu.wait_dma2 semaphore(%arg49 : memref<!tpu.dma_semaphore, #tpu.memory_space<semaphore_mem>>) src(%arg12 : memref<8x15xf32, #tpu.memory_space<vmem>>) dst(%dma_wait3A_684 : memref<8x15xf32, #tpu.memory_space<hbm>>)
        } else {
        }
        %convert_element_type3A_628 = arith.extui %and3A_488 : i1 to i32
        %cond3A_629 = arith.constant 0 : i32
        %cond3A_630 = arith.cmpi ne, %convert_element_type3A_628, %cond3A_629 : i32
        scf.if %cond3A_630 {
          %mul3A_679 = arith.constant 8 : i32
          %mul3A_680 = arith.muli %shift_right_arithmetic3A_192, %mul3A_679 : i32
          %dma_wait3A_681 = arith.constant 0 : i32
          %dma_wait3A_682 = tpu.memref_slice %arg5[%mul3A_680, %dma_wait3A_681] : memref<1000000x15xf32, #tpu.memory_space<hbm>> -> memref<8x15xf32, #tpu.memory_space<hbm>>
          %dma_wait3A_683 = arith.constant 0 : i32
          %dma_wait3A_684 = tpu.memref_slice %arg5[%mul3A_680, %dma_wait3A_683] : memref<1000000x15xf32, #tpu.memory_space<hbm>> -> memref<8x15xf32, #tpu.memory_space<hbm>>
          tpu.wait_dma2 semaphore(%arg50 : memref<!tpu.dma_semaphore, #tpu.memory_space<semaphore_mem>>) src(%arg13 : memref<8x15xf32, #tpu.memory_space<vmem>>) dst(%dma_wait3A_684 : memref<8x15xf32, #tpu.memory_space<hbm>>)
        } else {
        }
        %convert_element_type3A_631 = arith.extui %and3A_504 : i1 to i32
        %cond3A_632 = arith.constant 0 : i32
        %cond3A_633 = arith.cmpi ne, %convert_element_type3A_631, %cond3A_632 : i32
        scf.if %cond3A_633 {
          %mul3A_679 = arith.constant 8 : i32
          %mul3A_680 = arith.muli %shift_right_arithmetic3A_194, %mul3A_679 : i32
          %dma_wait3A_681 = arith.constant 0 : i32
          %dma_wait3A_682 = tpu.memref_slice %arg5[%mul3A_680, %dma_wait3A_681] : memref<1000000x15xf32, #tpu.memory_space<hbm>> -> memref<8x15xf32, #tpu.memory_space<hbm>>
          %dma_wait3A_683 = arith.constant 0 : i32
          %dma_wait3A_684 = tpu.memref_slice %arg5[%mul3A_680, %dma_wait3A_683] : memref<1000000x15xf32, #tpu.memory_space<hbm>> -> memref<8x15xf32, #tpu.memory_space<hbm>>
          tpu.wait_dma2 semaphore(%arg51 : memref<!tpu.dma_semaphore, #tpu.memory_space<semaphore_mem>>) src(%arg14 : memref<8x15xf32, #tpu.memory_space<vmem>>) dst(%dma_wait3A_684 : memref<8x15xf32, #tpu.memory_space<hbm>>)
        } else {
        }
        %convert_element_type3A_634 = arith.extui %and3A_523 : i1 to i32
        %cond3A_635 = arith.constant 0 : i32
        %cond3A_636 = arith.cmpi ne, %convert_element_type3A_634, %cond3A_635 : i32
        scf.if %cond3A_636 {
          %mul3A_679 = arith.constant 8 : i32
          %mul3A_680 = arith.muli %shift_right_arithmetic3A_196, %mul3A_679 : i32
          %dma_wait3A_681 = arith.constant 0 : i32
          %dma_wait3A_682 = tpu.memref_slice %arg5[%mul3A_680, %dma_wait3A_681] : memref<1000000x15xf32, #tpu.memory_space<hbm>> -> memref<8x15xf32, #tpu.memory_space<hbm>>
          %dma_wait3A_683 = arith.constant 0 : i32
          %dma_wait3A_684 = tpu.memref_slice %arg5[%mul3A_680, %dma_wait3A_683] : memref<1000000x15xf32, #tpu.memory_space<hbm>> -> memref<8x15xf32, #tpu.memory_space<hbm>>
          tpu.wait_dma2 semaphore(%arg52 : memref<!tpu.dma_semaphore, #tpu.memory_space<semaphore_mem>>) src(%arg15 : memref<8x15xf32, #tpu.memory_space<vmem>>) dst(%dma_wait3A_684 : memref<8x15xf32, #tpu.memory_space<hbm>>)
        } else {
        }
        %convert_element_type3A_637 = arith.extui %and3A_545 : i1 to i32
        %cond3A_638 = arith.constant 0 : i32
        %cond3A_639 = arith.cmpi ne, %convert_element_type3A_637, %cond3A_638 : i32
        scf.if %cond3A_639 {
          %mul3A_679 = arith.constant 8 : i32
          %mul3A_680 = arith.muli %shift_right_arithmetic3A_198, %mul3A_679 : i32
          %dma_wait3A_681 = arith.constant 0 : i32
          %dma_wait3A_682 = tpu.memref_slice %arg5[%mul3A_680, %dma_wait3A_681] : memref<1000000x15xf32, #tpu.memory_space<hbm>> -> memref<8x15xf32, #tpu.memory_space<hbm>>
          %dma_wait3A_683 = arith.constant 0 : i32
          %dma_wait3A_684 = tpu.memref_slice %arg5[%mul3A_680, %dma_wait3A_683] : memref<1000000x15xf32, #tpu.memory_space<hbm>> -> memref<8x15xf32, #tpu.memory_space<hbm>>
          tpu.wait_dma2 semaphore(%arg53 : memref<!tpu.dma_semaphore, #tpu.memory_space<semaphore_mem>>) src(%arg16 : memref<8x15xf32, #tpu.memory_space<vmem>>) dst(%dma_wait3A_684 : memref<8x15xf32, #tpu.memory_space<hbm>>)
        } else {
        }
        %convert_element_type3A_640 = arith.extui %and3A_570 : i1 to i32
        %cond3A_641 = arith.constant 0 : i32
        %cond3A_642 = arith.cmpi ne, %convert_element_type3A_640, %cond3A_641 : i32
        scf.if %cond3A_642 {
          %mul3A_679 = arith.constant 8 : i32
          %mul3A_680 = arith.muli %shift_right_arithmetic3A_200, %mul3A_679 : i32
          %dma_wait3A_681 = arith.constant 0 : i32
          %dma_wait3A_682 = tpu.memref_slice %arg5[%mul3A_680, %dma_wait3A_681] : memref<1000000x15xf32, #tpu.memory_space<hbm>> -> memref<8x15xf32, #tpu.memory_space<hbm>>
          %dma_wait3A_683 = arith.constant 0 : i32
          %dma_wait3A_684 = tpu.memref_slice %arg5[%mul3A_680, %dma_wait3A_683] : memref<1000000x15xf32, #tpu.memory_space<hbm>> -> memref<8x15xf32, #tpu.memory_space<hbm>>
          tpu.wait_dma2 semaphore(%arg54 : memref<!tpu.dma_semaphore, #tpu.memory_space<semaphore_mem>>) src(%arg17 : memref<8x15xf32, #tpu.memory_space<vmem>>) dst(%dma_wait3A_684 : memref<8x15xf32, #tpu.memory_space<hbm>>)
        } else {
        }
        %jit3A_643 = arith.constant 1 : i32
        %jit3A_644 = arith.constant 0 : i32
        %select_n3A_645 = arith.select %and3A_458, %jit3A_643, %jit3A_644 : i32
        %or3A_646 = arith.constant 0 : i32
        %or3A_647 = arith.ori %or3A_646, %select_n3A_645 : i32
        %jit3A_648 = arith.constant 2 : i32
        %jit3A_649 = arith.constant 0 : i32
        %select_n3A_650 = arith.select %and3A_465, %jit3A_648, %jit3A_649 : i32
        %or3A_651 = arith.ori %or3A_647, %select_n3A_650 : i32
        %jit3A_652 = arith.constant 4 : i32
        %jit3A_653 = arith.constant 0 : i32
        %select_n3A_654 = arith.select %and3A_475, %jit3A_652, %jit3A_653 : i32
        %or3A_655 = arith.ori %or3A_651, %select_n3A_654 : i32
        %jit3A_656 = arith.constant 8 : i32
        %jit3A_657 = arith.constant 0 : i32
        %select_n3A_658 = arith.select %and3A_488, %jit3A_656, %jit3A_657 : i32
        %or3A_659 = arith.ori %or3A_655, %select_n3A_658 : i32
        %jit3A_660 = arith.constant 16 : i32
        %jit3A_661 = arith.constant 0 : i32
        %select_n3A_662 = arith.select %and3A_504, %jit3A_660, %jit3A_661 : i32
        %or3A_663 = arith.ori %or3A_659, %select_n3A_662 : i32
        %jit3A_664 = arith.constant 32 : i32
        %jit3A_665 = arith.constant 0 : i32
        %select_n3A_666 = arith.select %and3A_523, %jit3A_664, %jit3A_665 : i32
        %or3A_667 = arith.ori %or3A_663, %select_n3A_666 : i32
        %jit3A_668 = arith.constant 64 : i32
        %jit3A_669 = arith.constant 0 : i32
        %select_n3A_670 = arith.select %and3A_545, %jit3A_668, %jit3A_669 : i32
        %or3A_671 = arith.ori %or3A_667, %select_n3A_670 : i32
        %jit3A_672 = arith.constant 128 : i32
        %jit3A_673 = arith.constant 0 : i32
        %select_n3A_674 = arith.select %and3A_570, %jit3A_672, %jit3A_673 : i32
        %or3A_675 = arith.ori %or3A_671, %select_n3A_674 : i32
        %not3A_676 = arith.constant -1 : i32
        %not3A_677 = arith.xori %or3A_675, %not3A_676 : i32
        %and3A_678 = arith.andi %while3A_408, %not3A_677 : i32
        scf.yield %and3A_678 : i32
      }
      %slice3A_273 = vector.extract_strided_slice %get3A_141 {offsets = [8], sizes = [8], strides = [1]} : vector<16xi32> to vector<8xi32>
      %mul3A_274 = arith.constant 16 : i32
      %mul3A_275 = arith.muli %while3A_133, %mul3A_274 : i32
      %add3A_276 = arith.constant 8 : i32
      %add3A_277 = arith.addi %mul3A_275, %add3A_276 : i32
      %slice3A_278 = vector.extract_strided_slice %slice3A_273 {offsets = [0], sizes = [1], strides = [1]} : vector<8xi32> to vector<1xi32>
      %squeeze3A_279 = vector.extract %slice3A_278[0] : i32 from vector<1xi32>
      %slice3A_280 = vector.extract_strided_slice %slice3A_273 {offsets = [1], sizes = [1], strides = [1]} : vector<8xi32> to vector<1xi32>
      %squeeze3A_281 = vector.extract %slice3A_280[0] : i32 from vector<1xi32>
      %slice3A_282 = vector.extract_strided_slice %slice3A_273 {offsets = [2], sizes = [1], strides = [1]} : vector<8xi32> to vector<1xi32>
      %squeeze3A_283 = vector.extract %slice3A_282[0] : i32 from vector<1xi32>
      %slice3A_284 = vector.extract_strided_slice %slice3A_273 {offsets = [3], sizes = [1], strides = [1]} : vector<8xi32> to vector<1xi32>
      %squeeze3A_285 = vector.extract %slice3A_284[0] : i32 from vector<1xi32>
      %slice3A_286 = vector.extract_strided_slice %slice3A_273 {offsets = [4], sizes = [1], strides = [1]} : vector<8xi32> to vector<1xi32>
      %squeeze3A_287 = vector.extract %slice3A_286[0] : i32 from vector<1xi32>
      %slice3A_288 = vector.extract_strided_slice %slice3A_273 {offsets = [5], sizes = [1], strides = [1]} : vector<8xi32> to vector<1xi32>
      %squeeze3A_289 = vector.extract %slice3A_288[0] : i32 from vector<1xi32>
      %slice3A_290 = vector.extract_strided_slice %slice3A_273 {offsets = [6], sizes = [1], strides = [1]} : vector<8xi32> to vector<1xi32>
      %squeeze3A_291 = vector.extract %slice3A_290[0] : i32 from vector<1xi32>
      %slice3A_292 = vector.extract_strided_slice %slice3A_273 {offsets = [7], sizes = [1], strides = [1]} : vector<8xi32> to vector<1xi32>
      %squeeze3A_293 = vector.extract %slice3A_292[0] : i32 from vector<1xi32>
      %shift_right_arithmetic3A_294 = arith.constant 16 : i32
      %shift_right_arithmetic3A_295 = arith.shrsi %squeeze3A_279, %shift_right_arithmetic3A_294 : i32
      %add3A_296 = arith.addi %mul3A_20, %shift_right_arithmetic3A_295 : i32
      %shift_right_arithmetic3A_297 = arith.constant 16 : i32
      %shift_right_arithmetic3A_298 = arith.shrsi %squeeze3A_281, %shift_right_arithmetic3A_297 : i32
      %add3A_299 = arith.addi %mul3A_20, %shift_right_arithmetic3A_298 : i32
      %shift_right_arithmetic3A_300 = arith.constant 16 : i32
      %shift_right_arithmetic3A_301 = arith.shrsi %squeeze3A_283, %shift_right_arithmetic3A_300 : i32
      %add3A_302 = arith.addi %mul3A_20, %shift_right_arithmetic3A_301 : i32
      %shift_right_arithmetic3A_303 = arith.constant 16 : i32
      %shift_right_arithmetic3A_304 = arith.shrsi %squeeze3A_285, %shift_right_arithmetic3A_303 : i32
      %add3A_305 = arith.addi %mul3A_20, %shift_right_arithmetic3A_304 : i32
      %shift_right_arithmetic3A_306 = arith.constant 16 : i32
      %shift_right_arithmetic3A_307 = arith.shrsi %squeeze3A_287, %shift_right_arithmetic3A_306 : i32
      %add3A_308 = arith.addi %mul3A_20, %shift_right_arithmetic3A_307 : i32
      %shift_right_arithmetic3A_309 = arith.constant 16 : i32
      %shift_right_arithmetic3A_310 = arith.shrsi %squeeze3A_289, %shift_right_arithmetic3A_309 : i32
      %add3A_311 = arith.addi %mul3A_20, %shift_right_arithmetic3A_310 : i32
      %shift_right_arithmetic3A_312 = arith.constant 16 : i32
      %shift_right_arithmetic3A_313 = arith.shrsi %squeeze3A_291, %shift_right_arithmetic3A_312 : i32
      %add3A_314 = arith.addi %mul3A_20, %shift_right_arithmetic3A_313 : i32
      %shift_right_arithmetic3A_315 = arith.constant 16 : i32
      %shift_right_arithmetic3A_316 = arith.shrsi %squeeze3A_293, %shift_right_arithmetic3A_315 : i32
      %add3A_317 = arith.addi %mul3A_20, %shift_right_arithmetic3A_316 : i32
      %shift_right_arithmetic3A_318 = arith.constant 3 : i32
      %shift_right_arithmetic3A_319 = arith.shrsi %add3A_296, %shift_right_arithmetic3A_318 : i32
      %shift_right_arithmetic3A_320 = arith.constant 3 : i32
      %shift_right_arithmetic3A_321 = arith.shrsi %add3A_299, %shift_right_arithmetic3A_320 : i32
      %shift_right_arithmetic3A_322 = arith.constant 3 : i32
      %shift_right_arithmetic3A_323 = arith.shrsi %add3A_302, %shift_right_arithmetic3A_322 : i32
      %shift_right_arithmetic3A_324 = arith.constant 3 : i32
      %shift_right_arithmetic3A_325 = arith.shrsi %add3A_305, %shift_right_arithmetic3A_324 : i32
      %shift_right_arithmetic3A_326 = arith.constant 3 : i32
      %shift_right_arithmetic3A_327 = arith.shrsi %add3A_308, %shift_right_arithmetic3A_326 : i32
      %shift_right_arithmetic3A_328 = arith.constant 3 : i32
      %shift_right_arithmetic3A_329 = arith.shrsi %add3A_311, %shift_right_arithmetic3A_328 : i32
      %shift_right_arithmetic3A_330 = arith.constant 3 : i32
      %shift_right_arithmetic3A_331 = arith.shrsi %add3A_314, %shift_right_arithmetic3A_330 : i32
      %shift_right_arithmetic3A_332 = arith.constant 3 : i32
      %shift_right_arithmetic3A_333 = arith.shrsi %add3A_317, %shift_right_arithmetic3A_332 : i32
      %and3A_334 = arith.constant 65535 : i32
      %and3A_335 = arith.andi %squeeze3A_279, %and3A_334 : i32
      %and3A_336 = arith.constant 65535 : i32
      %and3A_337 = arith.andi %squeeze3A_281, %and3A_336 : i32
      %and3A_338 = arith.constant 65535 : i32
      %and3A_339 = arith.andi %squeeze3A_283, %and3A_338 : i32
      %and3A_340 = arith.constant 65535 : i32
      %and3A_341 = arith.andi %squeeze3A_285, %and3A_340 : i32
      %and3A_342 = arith.constant 65535 : i32
      %and3A_343 = arith.andi %squeeze3A_287, %and3A_342 : i32
      %and3A_344 = arith.constant 65535 : i32
      %and3A_345 = arith.andi %squeeze3A_289, %and3A_344 : i32
      %and3A_346 = arith.constant 65535 : i32
      %and3A_347 = arith.andi %squeeze3A_291, %and3A_346 : i32
      %and3A_348 = arith.constant 65535 : i32
      %and3A_349 = arith.andi %squeeze3A_293, %and3A_348 : i32
      %add3A_350 = arith.constant 0 : i32
      %add3A_351 = arith.addi %add3A_277, %add3A_350 : i32
      %lt3A_352 = arith.cmpi slt, %add3A_351, %squeeze3A : i32
      %add3A_353 = arith.constant 1 : i32
      %add3A_354 = arith.addi %add3A_277, %add3A_353 : i32
      %lt3A_355 = arith.cmpi slt, %add3A_354, %squeeze3A : i32
      %add3A_356 = arith.constant 2 : i32
      %add3A_357 = arith.addi %add3A_277, %add3A_356 : i32
      %lt3A_358 = arith.cmpi slt, %add3A_357, %squeeze3A : i32
      %add3A_359 = arith.constant 3 : i32
      %add3A_360 = arith.addi %add3A_277, %add3A_359 : i32
      %lt3A_361 = arith.cmpi slt, %add3A_360, %squeeze3A : i32
      %add3A_362 = arith.constant 4 : i32
      %add3A_363 = arith.addi %add3A_277, %add3A_362 : i32
      %lt3A_364 = arith.cmpi slt, %add3A_363, %squeeze3A : i32
      %add3A_365 = arith.constant 5 : i32
      %add3A_366 = arith.addi %add3A_277, %add3A_365 : i32
      %lt3A_367 = arith.cmpi slt, %add3A_366, %squeeze3A : i32
      %add3A_368 = arith.constant 6 : i32
      %add3A_369 = arith.addi %add3A_277, %add3A_368 : i32
      %lt3A_370 = arith.cmpi slt, %add3A_369, %squeeze3A : i32
      %add3A_371 = arith.constant 7 : i32
      %add3A_372 = arith.addi %add3A_277, %add3A_371 : i32
      %lt3A_373 = arith.cmpi slt, %add3A_372, %squeeze3A : i32
      %jit3A_374 = arith.constant 1 : i32
      %jit3A_375 = arith.constant 0 : i32
      %select_n3A_376 = arith.select %lt3A_352, %jit3A_374, %jit3A_375 : i32
      %or3A_377 = arith.constant 0 : i32
      %or3A_378 = arith.ori %or3A_377, %select_n3A_376 : i32
      %jit3A_379 = arith.constant 2 : i32
      %jit3A_380 = arith.constant 0 : i32
      %select_n3A_381 = arith.select %lt3A_355, %jit3A_379, %jit3A_380 : i32
      %or3A_382 = arith.ori %or3A_378, %select_n3A_381 : i32
      %jit3A_383 = arith.constant 4 : i32
      %jit3A_384 = arith.constant 0 : i32
      %select_n3A_385 = arith.select %lt3A_358, %jit3A_383, %jit3A_384 : i32
      %or3A_386 = arith.ori %or3A_382, %select_n3A_385 : i32
      %jit3A_387 = arith.constant 8 : i32
      %jit3A_388 = arith.constant 0 : i32
      %select_n3A_389 = arith.select %lt3A_361, %jit3A_387, %jit3A_388 : i32
      %or3A_390 = arith.ori %or3A_386, %select_n3A_389 : i32
      %jit3A_391 = arith.constant 16 : i32
      %jit3A_392 = arith.constant 0 : i32
      %select_n3A_393 = arith.select %lt3A_364, %jit3A_391, %jit3A_392 : i32
      %or3A_394 = arith.ori %or3A_390, %select_n3A_393 : i32
      %jit3A_395 = arith.constant 32 : i32
      %jit3A_396 = arith.constant 0 : i32
      %select_n3A_397 = arith.select %lt3A_367, %jit3A_395, %jit3A_396 : i32
      %or3A_398 = arith.ori %or3A_394, %select_n3A_397 : i32
      %jit3A_399 = arith.constant 64 : i32
      %jit3A_400 = arith.constant 0 : i32
      %select_n3A_401 = arith.select %lt3A_370, %jit3A_399, %jit3A_400 : i32
      %or3A_402 = arith.ori %or3A_398, %select_n3A_401 : i32
      %jit3A_403 = arith.constant 128 : i32
      %jit3A_404 = arith.constant 0 : i32
      %select_n3A_405 = arith.select %lt3A_373, %jit3A_403, %jit3A_404 : i32
      %or3A_406 = arith.ori %or3A_402, %select_n3A_405 : i32
      %while3A_407 = scf.while (%while3A_408 = %or3A_406) : (i32) -> i32 {
        %ne3A_409 = arith.constant 0 : i32
        %ne3A_410 = arith.cmpi ne, %while3A_408, %ne3A_409 : i32
        scf.condition(%ne3A_410) %while3A_408 : i32
      } do {
      ^bb0(%while3A_408: i32):
        %shift_right_arithmetic3A_409 = arith.constant 0 : i32
        %shift_right_arithmetic3A_410 = arith.shrsi %while3A_408, %shift_right_arithmetic3A_409 : i32
        %and3A_411 = arith.constant 1 : i32
        %and3A_412 = arith.andi %shift_right_arithmetic3A_410, %and3A_411 : i32
        %eq3A = arith.constant 1 : i32
        %eq3A_413 = arith.cmpi eq, %and3A_412, %eq3A : i32
        %shift_right_arithmetic3A_414 = arith.constant 1 : i32
        %shift_right_arithmetic3A_415 = arith.shrsi %while3A_408, %shift_right_arithmetic3A_414 : i32
        %and3A_416 = arith.constant 1 : i32
        %and3A_417 = arith.andi %shift_right_arithmetic3A_415, %and3A_416 : i32
        %eq3A_418 = arith.constant 1 : i32
        %eq3A_419 = arith.cmpi eq, %and3A_417, %eq3A_418 : i32
        %shift_right_arithmetic3A_420 = arith.constant 2 : i32
        %shift_right_arithmetic3A_421 = arith.shrsi %while3A_408, %shift_right_arithmetic3A_420 : i32
        %and3A_422 = arith.constant 1 : i32
        %and3A_423 = arith.andi %shift_right_arithmetic3A_421, %and3A_422 : i32
        %eq3A_424 = arith.constant 1 : i32
        %eq3A_425 = arith.cmpi eq, %and3A_423, %eq3A_424 : i32
        %shift_right_arithmetic3A_426 = arith.constant 3 : i32
        %shift_right_arithmetic3A_427 = arith.shrsi %while3A_408, %shift_right_arithmetic3A_426 : i32
        %and3A_428 = arith.constant 1 : i32
        %and3A_429 = arith.andi %shift_right_arithmetic3A_427, %and3A_428 : i32
        %eq3A_430 = arith.constant 1 : i32
        %eq3A_431 = arith.cmpi eq, %and3A_429, %eq3A_430 : i32
        %shift_right_arithmetic3A_432 = arith.constant 4 : i32
        %shift_right_arithmetic3A_433 = arith.shrsi %while3A_408, %shift_right_arithmetic3A_432 : i32
        %and3A_434 = arith.constant 1 : i32
        %and3A_435 = arith.andi %shift_right_arithmetic3A_433, %and3A_434 : i32
        %eq3A_436 = arith.constant 1 : i32
        %eq3A_437 = arith.cmpi eq, %and3A_435, %eq3A_436 : i32
        %shift_right_arithmetic3A_438 = arith.constant 5 : i32
        %shift_right_arithmetic3A_439 = arith.shrsi %while3A_408, %shift_right_arithmetic3A_438 : i32
        %and3A_440 = arith.constant 1 : i32
        %and3A_441 = arith.andi %shift_right_arithmetic3A_439, %and3A_440 : i32
        %eq3A_442 = arith.constant 1 : i32
        %eq3A_443 = arith.cmpi eq, %and3A_441, %eq3A_442 : i32
        %shift_right_arithmetic3A_444 = arith.constant 6 : i32
        %shift_right_arithmetic3A_445 = arith.shrsi %while3A_408, %shift_right_arithmetic3A_444 : i32
        %and3A_446 = arith.constant 1 : i32
        %and3A_447 = arith.andi %shift_right_arithmetic3A_445, %and3A_446 : i32
        %eq3A_448 = arith.constant 1 : i32
        %eq3A_449 = arith.cmpi eq, %and3A_447, %eq3A_448 : i32
        %shift_right_arithmetic3A_450 = arith.constant 7 : i32
        %shift_right_arithmetic3A_451 = arith.shrsi %while3A_408, %shift_right_arithmetic3A_450 : i32
        %and3A_452 = arith.constant 1 : i32
        %and3A_453 = arith.andi %shift_right_arithmetic3A_451, %and3A_452 : i32
        %eq3A_454 = arith.constant 1 : i32
        %eq3A_455 = arith.cmpi eq, %and3A_453, %eq3A_454 : i32
        %not3A = arith.constant false
        %not3A_456 = arith.constant true
        %not3A_457 = arith.xori %not3A, %not3A_456 : i1
        %and3A_458 = arith.andi %eq3A_413, %not3A_457 : i1
        %eq3A_459 = arith.cmpi eq, %shift_right_arithmetic3A_319, %shift_right_arithmetic3A_321 : i32
        %and3A_460 = arith.andi %eq3A_413, %eq3A_459 : i1
        %or3A_461 = arith.constant false
        %or3A_462 = arith.ori %or3A_461, %and3A_460 : i1
        %not3A_463 = arith.constant true
        %not3A_464 = arith.xori %or3A_462, %not3A_463 : i1
        %and3A_465 = arith.andi %eq3A_419, %not3A_464 : i1
        %eq3A_466 = arith.cmpi eq, %shift_right_arithmetic3A_319, %shift_right_arithmetic3A_323 : i32
        %and3A_467 = arith.andi %eq3A_413, %eq3A_466 : i1
        %or3A_468 = arith.constant false
        %or3A_469 = arith.ori %or3A_468, %and3A_467 : i1
        %eq3A_470 = arith.cmpi eq, %shift_right_arithmetic3A_321, %shift_right_arithmetic3A_323 : i32
        %and3A_471 = arith.andi %eq3A_419, %eq3A_470 : i1
        %or3A_472 = arith.ori %or3A_469, %and3A_471 : i1
        %not3A_473 = arith.constant true
        %not3A_474 = arith.xori %or3A_472, %not3A_473 : i1
        %and3A_475 = arith.andi %eq3A_425, %not3A_474 : i1
        %eq3A_476 = arith.cmpi eq, %shift_right_arithmetic3A_319, %shift_right_arithmetic3A_325 : i32
        %and3A_477 = arith.andi %eq3A_413, %eq3A_476 : i1
        %or3A_478 = arith.constant false
        %or3A_479 = arith.ori %or3A_478, %and3A_477 : i1
        %eq3A_480 = arith.cmpi eq, %shift_right_arithmetic3A_321, %shift_right_arithmetic3A_325 : i32
        %and3A_481 = arith.andi %eq3A_419, %eq3A_480 : i1
        %or3A_482 = arith.ori %or3A_479, %and3A_481 : i1
        %eq3A_483 = arith.cmpi eq, %shift_right_arithmetic3A_323, %shift_right_arithmetic3A_325 : i32
        %and3A_484 = arith.andi %eq3A_425, %eq3A_483 : i1
        %or3A_485 = arith.ori %or3A_482, %and3A_484 : i1
        %not3A_486 = arith.constant true
        %not3A_487 = arith.xori %or3A_485, %not3A_486 : i1
        %and3A_488 = arith.andi %eq3A_431, %not3A_487 : i1
        %eq3A_489 = arith.cmpi eq, %shift_right_arithmetic3A_319, %shift_right_arithmetic3A_327 : i32
        %and3A_490 = arith.andi %eq3A_413, %eq3A_489 : i1
        %or3A_491 = arith.constant false
        %or3A_492 = arith.ori %or3A_491, %and3A_490 : i1
        %eq3A_493 = arith.cmpi eq, %shift_right_arithmetic3A_321, %shift_right_arithmetic3A_327 : i32
        %and3A_494 = arith.andi %eq3A_419, %eq3A_493 : i1
        %or3A_495 = arith.ori %or3A_492, %and3A_494 : i1
        %eq3A_496 = arith.cmpi eq, %shift_right_arithmetic3A_323, %shift_right_arithmetic3A_327 : i32
        %and3A_497 = arith.andi %eq3A_425, %eq3A_496 : i1
        %or3A_498 = arith.ori %or3A_495, %and3A_497 : i1
        %eq3A_499 = arith.cmpi eq, %shift_right_arithmetic3A_325, %shift_right_arithmetic3A_327 : i32
        %and3A_500 = arith.andi %eq3A_431, %eq3A_499 : i1
        %or3A_501 = arith.ori %or3A_498, %and3A_500 : i1
        %not3A_502 = arith.constant true
        %not3A_503 = arith.xori %or3A_501, %not3A_502 : i1
        %and3A_504 = arith.andi %eq3A_437, %not3A_503 : i1
        %eq3A_505 = arith.cmpi eq, %shift_right_arithmetic3A_319, %shift_right_arithmetic3A_329 : i32
        %and3A_506 = arith.andi %eq3A_413, %eq3A_505 : i1
        %or3A_507 = arith.constant false
        %or3A_508 = arith.ori %or3A_507, %and3A_506 : i1
        %eq3A_509 = arith.cmpi eq, %shift_right_arithmetic3A_321, %shift_right_arithmetic3A_329 : i32
        %and3A_510 = arith.andi %eq3A_419, %eq3A_509 : i1
        %or3A_511 = arith.ori %or3A_508, %and3A_510 : i1
        %eq3A_512 = arith.cmpi eq, %shift_right_arithmetic3A_323, %shift_right_arithmetic3A_329 : i32
        %and3A_513 = arith.andi %eq3A_425, %eq3A_512 : i1
        %or3A_514 = arith.ori %or3A_511, %and3A_513 : i1
        %eq3A_515 = arith.cmpi eq, %shift_right_arithmetic3A_325, %shift_right_arithmetic3A_329 : i32
        %and3A_516 = arith.andi %eq3A_431, %eq3A_515 : i1
        %or3A_517 = arith.ori %or3A_514, %and3A_516 : i1
        %eq3A_518 = arith.cmpi eq, %shift_right_arithmetic3A_327, %shift_right_arithmetic3A_329 : i32
        %and3A_519 = arith.andi %eq3A_437, %eq3A_518 : i1
        %or3A_520 = arith.ori %or3A_517, %and3A_519 : i1
        %not3A_521 = arith.constant true
        %not3A_522 = arith.xori %or3A_520, %not3A_521 : i1
        %and3A_523 = arith.andi %eq3A_443, %not3A_522 : i1
        %eq3A_524 = arith.cmpi eq, %shift_right_arithmetic3A_319, %shift_right_arithmetic3A_331 : i32
        %and3A_525 = arith.andi %eq3A_413, %eq3A_524 : i1
        %or3A_526 = arith.constant false
        %or3A_527 = arith.ori %or3A_526, %and3A_525 : i1
        %eq3A_528 = arith.cmpi eq, %shift_right_arithmetic3A_321, %shift_right_arithmetic3A_331 : i32
        %and3A_529 = arith.andi %eq3A_419, %eq3A_528 : i1
        %or3A_530 = arith.ori %or3A_527, %and3A_529 : i1
        %eq3A_531 = arith.cmpi eq, %shift_right_arithmetic3A_323, %shift_right_arithmetic3A_331 : i32
        %and3A_532 = arith.andi %eq3A_425, %eq3A_531 : i1
        %or3A_533 = arith.ori %or3A_530, %and3A_532 : i1
        %eq3A_534 = arith.cmpi eq, %shift_right_arithmetic3A_325, %shift_right_arithmetic3A_331 : i32
        %and3A_535 = arith.andi %eq3A_431, %eq3A_534 : i1
        %or3A_536 = arith.ori %or3A_533, %and3A_535 : i1
        %eq3A_537 = arith.cmpi eq, %shift_right_arithmetic3A_327, %shift_right_arithmetic3A_331 : i32
        %and3A_538 = arith.andi %eq3A_437, %eq3A_537 : i1
        %or3A_539 = arith.ori %or3A_536, %and3A_538 : i1
        %eq3A_540 = arith.cmpi eq, %shift_right_arithmetic3A_329, %shift_right_arithmetic3A_331 : i32
        %and3A_541 = arith.andi %eq3A_443, %eq3A_540 : i1
        %or3A_542 = arith.ori %or3A_539, %and3A_541 : i1
        %not3A_543 = arith.constant true
        %not3A_544 = arith.xori %or3A_542, %not3A_543 : i1
        %and3A_545 = arith.andi %eq3A_449, %not3A_544 : i1
        %eq3A_546 = arith.cmpi eq, %shift_right_arithmetic3A_319, %shift_right_arithmetic3A_333 : i32
        %and3A_547 = arith.andi %eq3A_413, %eq3A_546 : i1
        %or3A_548 = arith.constant false
        %or3A_549 = arith.ori %or3A_548, %and3A_547 : i1
        %eq3A_550 = arith.cmpi eq, %shift_right_arithmetic3A_321, %shift_right_arithmetic3A_333 : i32
        %and3A_551 = arith.andi %eq3A_419, %eq3A_550 : i1
        %or3A_552 = arith.ori %or3A_549, %and3A_551 : i1
        %eq3A_553 = arith.cmpi eq, %shift_right_arithmetic3A_323, %shift_right_arithmetic3A_333 : i32
        %and3A_554 = arith.andi %eq3A_425, %eq3A_553 : i1
        %or3A_555 = arith.ori %or3A_552, %and3A_554 : i1
        %eq3A_556 = arith.cmpi eq, %shift_right_arithmetic3A_325, %shift_right_arithmetic3A_333 : i32
        %and3A_557 = arith.andi %eq3A_431, %eq3A_556 : i1
        %or3A_558 = arith.ori %or3A_555, %and3A_557 : i1
        %eq3A_559 = arith.cmpi eq, %shift_right_arithmetic3A_327, %shift_right_arithmetic3A_333 : i32
        %and3A_560 = arith.andi %eq3A_437, %eq3A_559 : i1
        %or3A_561 = arith.ori %or3A_558, %and3A_560 : i1
        %eq3A_562 = arith.cmpi eq, %shift_right_arithmetic3A_329, %shift_right_arithmetic3A_333 : i32
        %and3A_563 = arith.andi %eq3A_443, %eq3A_562 : i1
        %or3A_564 = arith.ori %or3A_561, %and3A_563 : i1
        %eq3A_565 = arith.cmpi eq, %shift_right_arithmetic3A_331, %shift_right_arithmetic3A_333 : i32
        %and3A_566 = arith.andi %eq3A_449, %eq3A_565 : i1
        %or3A_567 = arith.ori %or3A_564, %and3A_566 : i1
        %not3A_568 = arith.constant true
        %not3A_569 = arith.xori %or3A_567, %not3A_568 : i1
        %and3A_570 = arith.andi %eq3A_455, %not3A_569 : i1
        %convert_element_type3A_571 = arith.extui %and3A_458 : i1 to i32
        %cond3A_572 = arith.constant 0 : i32
        %cond3A_573 = arith.cmpi ne, %convert_element_type3A_571, %cond3A_572 : i32
        scf.if %cond3A_573 {
          %mul3A_679 = arith.constant 8 : i32
          %mul3A_680 = arith.muli %shift_right_arithmetic3A_319, %mul3A_679 : i32
          %dma_start3A_681 = arith.constant 0 : i32
          %dma_start3A_682 = tpu.memref_slice %arg5[%mul3A_680, %dma_start3A_681] : memref<1000000x15xf32, #tpu.memory_space<hbm>> -> memref<8x15xf32, #tpu.memory_space<hbm>>
          %dma_start3A_683 = arith.constant 0 : i32
          %dma_start3A_684 = tpu.memref_slice %arg5[%mul3A_680, %dma_start3A_683] : memref<1000000x15xf32, #tpu.memory_space<hbm>> -> memref<8x15xf32, #tpu.memory_space<hbm>>
          tpu.enqueue_dma source(%dma_start3A_684 : memref<8x15xf32, #tpu.memory_space<hbm>>) target(%arg10 : memref<8x15xf32, #tpu.memory_space<vmem>>) target_semaphore(%arg31 : memref<!tpu.dma_semaphore, #tpu.memory_space<semaphore_mem>>)
          %mul3A_685 = arith.constant 16 : i32
          %mul3A_686 = arith.muli %and3A_335, %mul3A_685 : i32
          %dma_start3A_687 = tpu.memref_slice %arg4[%mul3A_686] : memref<524288xf32, #tpu.memory_space<hbm>> -> memref<16xf32, #tpu.memory_space<hbm>>
          %dma_start3A_688 = tpu.memref_slice %arg4[%mul3A_686] : memref<524288xf32, #tpu.memory_space<hbm>> -> memref<16xf32, #tpu.memory_space<hbm>>
          tpu.enqueue_dma source(%dma_start3A_688 : memref<16xf32, #tpu.memory_space<hbm>>) target(%arg18 : memref<16xf32, #tpu.memory_space<vmem>>) target_semaphore(%arg39 : memref<!tpu.dma_semaphore, #tpu.memory_space<semaphore_mem>>)
        } else {
        }
        %convert_element_type3A_574 = arith.extui %and3A_465 : i1 to i32
        %cond3A_575 = arith.constant 0 : i32
        %cond3A_576 = arith.cmpi ne, %convert_element_type3A_574, %cond3A_575 : i32
        scf.if %cond3A_576 {
          %mul3A_679 = arith.constant 8 : i32
          %mul3A_680 = arith.muli %shift_right_arithmetic3A_321, %mul3A_679 : i32
          %dma_start3A_681 = arith.constant 0 : i32
          %dma_start3A_682 = tpu.memref_slice %arg5[%mul3A_680, %dma_start3A_681] : memref<1000000x15xf32, #tpu.memory_space<hbm>> -> memref<8x15xf32, #tpu.memory_space<hbm>>
          %dma_start3A_683 = arith.constant 0 : i32
          %dma_start3A_684 = tpu.memref_slice %arg5[%mul3A_680, %dma_start3A_683] : memref<1000000x15xf32, #tpu.memory_space<hbm>> -> memref<8x15xf32, #tpu.memory_space<hbm>>
          tpu.enqueue_dma source(%dma_start3A_684 : memref<8x15xf32, #tpu.memory_space<hbm>>) target(%arg11 : memref<8x15xf32, #tpu.memory_space<vmem>>) target_semaphore(%arg32 : memref<!tpu.dma_semaphore, #tpu.memory_space<semaphore_mem>>)
          %mul3A_685 = arith.constant 16 : i32
          %mul3A_686 = arith.muli %and3A_337, %mul3A_685 : i32
          %dma_start3A_687 = tpu.memref_slice %arg4[%mul3A_686] : memref<524288xf32, #tpu.memory_space<hbm>> -> memref<16xf32, #tpu.memory_space<hbm>>
          %dma_start3A_688 = tpu.memref_slice %arg4[%mul3A_686] : memref<524288xf32, #tpu.memory_space<hbm>> -> memref<16xf32, #tpu.memory_space<hbm>>
          tpu.enqueue_dma source(%dma_start3A_688 : memref<16xf32, #tpu.memory_space<hbm>>) target(%arg19 : memref<16xf32, #tpu.memory_space<vmem>>) target_semaphore(%arg40 : memref<!tpu.dma_semaphore, #tpu.memory_space<semaphore_mem>>)
        } else {
        }
        %convert_element_type3A_577 = arith.extui %and3A_475 : i1 to i32
        %cond3A_578 = arith.constant 0 : i32
        %cond3A_579 = arith.cmpi ne, %convert_element_type3A_577, %cond3A_578 : i32
        scf.if %cond3A_579 {
          %mul3A_679 = arith.constant 8 : i32
          %mul3A_680 = arith.muli %shift_right_arithmetic3A_323, %mul3A_679 : i32
          %dma_start3A_681 = arith.constant 0 : i32
          %dma_start3A_682 = tpu.memref_slice %arg5[%mul3A_680, %dma_start3A_681] : memref<1000000x15xf32, #tpu.memory_space<hbm>> -> memref<8x15xf32, #tpu.memory_space<hbm>>
          %dma_start3A_683 = arith.constant 0 : i32
          %dma_start3A_684 = tpu.memref_slice %arg5[%mul3A_680, %dma_start3A_683] : memref<1000000x15xf32, #tpu.memory_space<hbm>> -> memref<8x15xf32, #tpu.memory_space<hbm>>
          tpu.enqueue_dma source(%dma_start3A_684 : memref<8x15xf32, #tpu.memory_space<hbm>>) target(%arg12 : memref<8x15xf32, #tpu.memory_space<vmem>>) target_semaphore(%arg33 : memref<!tpu.dma_semaphore, #tpu.memory_space<semaphore_mem>>)
          %mul3A_685 = arith.constant 16 : i32
          %mul3A_686 = arith.muli %and3A_339, %mul3A_685 : i32
          %dma_start3A_687 = tpu.memref_slice %arg4[%mul3A_686] : memref<524288xf32, #tpu.memory_space<hbm>> -> memref<16xf32, #tpu.memory_space<hbm>>
          %dma_start3A_688 = tpu.memref_slice %arg4[%mul3A_686] : memref<524288xf32, #tpu.memory_space<hbm>> -> memref<16xf32, #tpu.memory_space<hbm>>
          tpu.enqueue_dma source(%dma_start3A_688 : memref<16xf32, #tpu.memory_space<hbm>>) target(%arg20 : memref<16xf32, #tpu.memory_space<vmem>>) target_semaphore(%arg41 : memref<!tpu.dma_semaphore, #tpu.memory_space<semaphore_mem>>)
        } else {
        }
        %convert_element_type3A_580 = arith.extui %and3A_488 : i1 to i32
        %cond3A_581 = arith.constant 0 : i32
        %cond3A_582 = arith.cmpi ne, %convert_element_type3A_580, %cond3A_581 : i32
        scf.if %cond3A_582 {
          %mul3A_679 = arith.constant 8 : i32
          %mul3A_680 = arith.muli %shift_right_arithmetic3A_325, %mul3A_679 : i32
          %dma_start3A_681 = arith.constant 0 : i32
          %dma_start3A_682 = tpu.memref_slice %arg5[%mul3A_680, %dma_start3A_681] : memref<1000000x15xf32, #tpu.memory_space<hbm>> -> memref<8x15xf32, #tpu.memory_space<hbm>>
          %dma_start3A_683 = arith.constant 0 : i32
          %dma_start3A_684 = tpu.memref_slice %arg5[%mul3A_680, %dma_start3A_683] : memref<1000000x15xf32, #tpu.memory_space<hbm>> -> memref<8x15xf32, #tpu.memory_space<hbm>>
          tpu.enqueue_dma source(%dma_start3A_684 : memref<8x15xf32, #tpu.memory_space<hbm>>) target(%arg13 : memref<8x15xf32, #tpu.memory_space<vmem>>) target_semaphore(%arg34 : memref<!tpu.dma_semaphore, #tpu.memory_space<semaphore_mem>>)
          %mul3A_685 = arith.constant 16 : i32
          %mul3A_686 = arith.muli %and3A_341, %mul3A_685 : i32
          %dma_start3A_687 = tpu.memref_slice %arg4[%mul3A_686] : memref<524288xf32, #tpu.memory_space<hbm>> -> memref<16xf32, #tpu.memory_space<hbm>>
          %dma_start3A_688 = tpu.memref_slice %arg4[%mul3A_686] : memref<524288xf32, #tpu.memory_space<hbm>> -> memref<16xf32, #tpu.memory_space<hbm>>
          tpu.enqueue_dma source(%dma_start3A_688 : memref<16xf32, #tpu.memory_space<hbm>>) target(%arg21 : memref<16xf32, #tpu.memory_space<vmem>>) target_semaphore(%arg42 : memref<!tpu.dma_semaphore, #tpu.memory_space<semaphore_mem>>)
        } else {
        }
        %convert_element_type3A_583 = arith.extui %and3A_504 : i1 to i32
        %cond3A_584 = arith.constant 0 : i32
        %cond3A_585 = arith.cmpi ne, %convert_element_type3A_583, %cond3A_584 : i32
        scf.if %cond3A_585 {
          %mul3A_679 = arith.constant 8 : i32
          %mul3A_680 = arith.muli %shift_right_arithmetic3A_327, %mul3A_679 : i32
          %dma_start3A_681 = arith.constant 0 : i32
          %dma_start3A_682 = tpu.memref_slice %arg5[%mul3A_680, %dma_start3A_681] : memref<1000000x15xf32, #tpu.memory_space<hbm>> -> memref<8x15xf32, #tpu.memory_space<hbm>>
          %dma_start3A_683 = arith.constant 0 : i32
          %dma_start3A_684 = tpu.memref_slice %arg5[%mul3A_680, %dma_start3A_683] : memref<1000000x15xf32, #tpu.memory_space<hbm>> -> memref<8x15xf32, #tpu.memory_space<hbm>>
          tpu.enqueue_dma source(%dma_start3A_684 : memref<8x15xf32, #tpu.memory_space<hbm>>) target(%arg14 : memref<8x15xf32, #tpu.memory_space<vmem>>) target_semaphore(%arg35 : memref<!tpu.dma_semaphore, #tpu.memory_space<semaphore_mem>>)
          %mul3A_685 = arith.constant 16 : i32
          %mul3A_686 = arith.muli %and3A_343, %mul3A_685 : i32
          %dma_start3A_687 = tpu.memref_slice %arg4[%mul3A_686] : memref<524288xf32, #tpu.memory_space<hbm>> -> memref<16xf32, #tpu.memory_space<hbm>>
          %dma_start3A_688 = tpu.memref_slice %arg4[%mul3A_686] : memref<524288xf32, #tpu.memory_space<hbm>> -> memref<16xf32, #tpu.memory_space<hbm>>
          tpu.enqueue_dma source(%dma_start3A_688 : memref<16xf32, #tpu.memory_space<hbm>>) target(%arg22 : memref<16xf32, #tpu.memory_space<vmem>>) target_semaphore(%arg43 : memref<!tpu.dma_semaphore, #tpu.memory_space<semaphore_mem>>)
        } else {
        }
        %convert_element_type3A_586 = arith.extui %and3A_523 : i1 to i32
        %cond3A_587 = arith.constant 0 : i32
        %cond3A_588 = arith.cmpi ne, %convert_element_type3A_586, %cond3A_587 : i32
        scf.if %cond3A_588 {
          %mul3A_679 = arith.constant 8 : i32
          %mul3A_680 = arith.muli %shift_right_arithmetic3A_329, %mul3A_679 : i32
          %dma_start3A_681 = arith.constant 0 : i32
          %dma_start3A_682 = tpu.memref_slice %arg5[%mul3A_680, %dma_start3A_681] : memref<1000000x15xf32, #tpu.memory_space<hbm>> -> memref<8x15xf32, #tpu.memory_space<hbm>>
          %dma_start3A_683 = arith.constant 0 : i32
          %dma_start3A_684 = tpu.memref_slice %arg5[%mul3A_680, %dma_start3A_683] : memref<1000000x15xf32, #tpu.memory_space<hbm>> -> memref<8x15xf32, #tpu.memory_space<hbm>>
          tpu.enqueue_dma source(%dma_start3A_684 : memref<8x15xf32, #tpu.memory_space<hbm>>) target(%arg15 : memref<8x15xf32, #tpu.memory_space<vmem>>) target_semaphore(%arg36 : memref<!tpu.dma_semaphore, #tpu.memory_space<semaphore_mem>>)
          %mul3A_685 = arith.constant 16 : i32
          %mul3A_686 = arith.muli %and3A_345, %mul3A_685 : i32
          %dma_start3A_687 = tpu.memref_slice %arg4[%mul3A_686] : memref<524288xf32, #tpu.memory_space<hbm>> -> memref<16xf32, #tpu.memory_space<hbm>>
          %dma_start3A_688 = tpu.memref_slice %arg4[%mul3A_686] : memref<524288xf32, #tpu.memory_space<hbm>> -> memref<16xf32, #tpu.memory_space<hbm>>
          tpu.enqueue_dma source(%dma_start3A_688 : memref<16xf32, #tpu.memory_space<hbm>>) target(%arg23 : memref<16xf32, #tpu.memory_space<vmem>>) target_semaphore(%arg44 : memref<!tpu.dma_semaphore, #tpu.memory_space<semaphore_mem>>)
        } else {
        }
        %convert_element_type3A_589 = arith.extui %and3A_545 : i1 to i32
        %cond3A_590 = arith.constant 0 : i32
        %cond3A_591 = arith.cmpi ne, %convert_element_type3A_589, %cond3A_590 : i32
        scf.if %cond3A_591 {
          %mul3A_679 = arith.constant 8 : i32
          %mul3A_680 = arith.muli %shift_right_arithmetic3A_331, %mul3A_679 : i32
          %dma_start3A_681 = arith.constant 0 : i32
          %dma_start3A_682 = tpu.memref_slice %arg5[%mul3A_680, %dma_start3A_681] : memref<1000000x15xf32, #tpu.memory_space<hbm>> -> memref<8x15xf32, #tpu.memory_space<hbm>>
          %dma_start3A_683 = arith.constant 0 : i32
          %dma_start3A_684 = tpu.memref_slice %arg5[%mul3A_680, %dma_start3A_683] : memref<1000000x15xf32, #tpu.memory_space<hbm>> -> memref<8x15xf32, #tpu.memory_space<hbm>>
          tpu.enqueue_dma source(%dma_start3A_684 : memref<8x15xf32, #tpu.memory_space<hbm>>) target(%arg16 : memref<8x15xf32, #tpu.memory_space<vmem>>) target_semaphore(%arg37 : memref<!tpu.dma_semaphore, #tpu.memory_space<semaphore_mem>>)
          %mul3A_685 = arith.constant 16 : i32
          %mul3A_686 = arith.muli %and3A_347, %mul3A_685 : i32
          %dma_start3A_687 = tpu.memref_slice %arg4[%mul3A_686] : memref<524288xf32, #tpu.memory_space<hbm>> -> memref<16xf32, #tpu.memory_space<hbm>>
          %dma_start3A_688 = tpu.memref_slice %arg4[%mul3A_686] : memref<524288xf32, #tpu.memory_space<hbm>> -> memref<16xf32, #tpu.memory_space<hbm>>
          tpu.enqueue_dma source(%dma_start3A_688 : memref<16xf32, #tpu.memory_space<hbm>>) target(%arg24 : memref<16xf32, #tpu.memory_space<vmem>>) target_semaphore(%arg45 : memref<!tpu.dma_semaphore, #tpu.memory_space<semaphore_mem>>)
        } else {
        }
        %convert_element_type3A_592 = arith.extui %and3A_570 : i1 to i32
        %cond3A_593 = arith.constant 0 : i32
        %cond3A_594 = arith.cmpi ne, %convert_element_type3A_592, %cond3A_593 : i32
        scf.if %cond3A_594 {
          %mul3A_679 = arith.constant 8 : i32
          %mul3A_680 = arith.muli %shift_right_arithmetic3A_333, %mul3A_679 : i32
          %dma_start3A_681 = arith.constant 0 : i32
          %dma_start3A_682 = tpu.memref_slice %arg5[%mul3A_680, %dma_start3A_681] : memref<1000000x15xf32, #tpu.memory_space<hbm>> -> memref<8x15xf32, #tpu.memory_space<hbm>>
          %dma_start3A_683 = arith.constant 0 : i32
          %dma_start3A_684 = tpu.memref_slice %arg5[%mul3A_680, %dma_start3A_683] : memref<1000000x15xf32, #tpu.memory_space<hbm>> -> memref<8x15xf32, #tpu.memory_space<hbm>>
          tpu.enqueue_dma source(%dma_start3A_684 : memref<8x15xf32, #tpu.memory_space<hbm>>) target(%arg17 : memref<8x15xf32, #tpu.memory_space<vmem>>) target_semaphore(%arg38 : memref<!tpu.dma_semaphore, #tpu.memory_space<semaphore_mem>>)
          %mul3A_685 = arith.constant 16 : i32
          %mul3A_686 = arith.muli %and3A_349, %mul3A_685 : i32
          %dma_start3A_687 = tpu.memref_slice %arg4[%mul3A_686] : memref<524288xf32, #tpu.memory_space<hbm>> -> memref<16xf32, #tpu.memory_space<hbm>>
          %dma_start3A_688 = tpu.memref_slice %arg4[%mul3A_686] : memref<524288xf32, #tpu.memory_space<hbm>> -> memref<16xf32, #tpu.memory_space<hbm>>
          tpu.enqueue_dma source(%dma_start3A_688 : memref<16xf32, #tpu.memory_space<hbm>>) target(%arg25 : memref<16xf32, #tpu.memory_space<vmem>>) target_semaphore(%arg46 : memref<!tpu.dma_semaphore, #tpu.memory_space<semaphore_mem>>)
        } else {
        }
        %convert_element_type3A_595 = arith.extui %and3A_458 : i1 to i32
        %cond3A_596 = arith.constant 0 : i32
        %cond3A_597 = arith.cmpi ne, %convert_element_type3A_595, %cond3A_596 : i32
        scf.if %cond3A_597 {
          %mul3A_679 = arith.constant 8 : i32
          %mul3A_680 = arith.muli %shift_right_arithmetic3A_319, %mul3A_679 : i32
          %dma_wait3A_681 = arith.constant 0 : i32
          %dma_wait3A_682 = tpu.memref_slice %arg5[%mul3A_680, %dma_wait3A_681] : memref<1000000x15xf32, #tpu.memory_space<hbm>> -> memref<8x15xf32, #tpu.memory_space<hbm>>
          %dma_wait3A_683 = arith.constant 0 : i32
          %dma_wait3A_684 = tpu.memref_slice %arg5[%mul3A_680, %dma_wait3A_683] : memref<1000000x15xf32, #tpu.memory_space<hbm>> -> memref<8x15xf32, #tpu.memory_space<hbm>>
          tpu.wait_dma2 semaphore(%arg31 : memref<!tpu.dma_semaphore, #tpu.memory_space<semaphore_mem>>) src(%dma_wait3A_684 : memref<8x15xf32, #tpu.memory_space<hbm>>) dst(%arg10 : memref<8x15xf32, #tpu.memory_space<vmem>>)
          %mul3A_685 = arith.constant 16 : i32
          %mul3A_686 = arith.muli %and3A_335, %mul3A_685 : i32
          %dma_wait3A_687 = tpu.memref_slice %arg4[%mul3A_686] : memref<524288xf32, #tpu.memory_space<hbm>> -> memref<16xf32, #tpu.memory_space<hbm>>
          %dma_wait3A_688 = tpu.memref_slice %arg4[%mul3A_686] : memref<524288xf32, #tpu.memory_space<hbm>> -> memref<16xf32, #tpu.memory_space<hbm>>
          tpu.wait_dma2 semaphore(%arg39 : memref<!tpu.dma_semaphore, #tpu.memory_space<semaphore_mem>>) src(%dma_wait3A_688 : memref<16xf32, #tpu.memory_space<hbm>>) dst(%arg18 : memref<16xf32, #tpu.memory_space<vmem>>)
          %get3A_689 = arith.constant 0 : index
          %get3A_690 = tpu.vector_load %arg18[%get3A_689] {strides = array<i32>} : memref<16xf32, #tpu.memory_space<vmem>>, vector<16xf32>,
          %and3A_691 = arith.constant 7 : i32
          %and3A_692 = arith.andi %add3A_296, %and3A_691 : i32
          %broadcast_in_dim3A_693 = vector.broadcast %and3A_692 : i32 to vector<16xi32>
          %lt3A_694 = arith.constant 15 : i32
          %lt3A_695 = vector.broadcast %lt3A_694 : i32 to vector<16xi32>
          %lt3A_696 = arith.cmpi slt, %iota3A, %lt3A_695 : vector<16xi32>
          tpu.vector_store_idx %arg10[%broadcast_in_dim3A_693, %iota3A], %get3A_690 masked %lt3A_696 : memref<8x15xf32, #tpu.memory_space<vmem>>[vector<16xi32>, vector<16xi32>], vector<16xf32>, vector<16xi1>
          %mul3A_697 = arith.constant 8 : i32
          %mul3A_698 = arith.muli %shift_right_arithmetic3A_319, %mul3A_697 : i32
          %dma_start3A_699 = arith.constant 0 : i32
          %dma_start3A_700 = tpu.memref_slice %arg5[%mul3A_698, %dma_start3A_699] : memref<1000000x15xf32, #tpu.memory_space<hbm>> -> memref<8x15xf32, #tpu.memory_space<hbm>>
          %dma_start3A_701 = arith.constant 0 : i32
          %dma_start3A_702 = tpu.memref_slice %arg5[%mul3A_698, %dma_start3A_701] : memref<1000000x15xf32, #tpu.memory_space<hbm>> -> memref<8x15xf32, #tpu.memory_space<hbm>>
          tpu.enqueue_dma source(%arg10 : memref<8x15xf32, #tpu.memory_space<vmem>>) target(%dma_start3A_702 : memref<8x15xf32, #tpu.memory_space<hbm>>) target_semaphore(%arg47 : memref<!tpu.dma_semaphore, #tpu.memory_space<semaphore_mem>>)
        } else {
        }
        %convert_element_type3A_598 = arith.extui %and3A_465 : i1 to i32
        %cond3A_599 = arith.constant 0 : i32
        %cond3A_600 = arith.cmpi ne, %convert_element_type3A_598, %cond3A_599 : i32
        scf.if %cond3A_600 {
          %mul3A_679 = arith.constant 8 : i32
          %mul3A_680 = arith.muli %shift_right_arithmetic3A_321, %mul3A_679 : i32
          %dma_wait3A_681 = arith.constant 0 : i32
          %dma_wait3A_682 = tpu.memref_slice %arg5[%mul3A_680, %dma_wait3A_681] : memref<1000000x15xf32, #tpu.memory_space<hbm>> -> memref<8x15xf32, #tpu.memory_space<hbm>>
          %dma_wait3A_683 = arith.constant 0 : i32
          %dma_wait3A_684 = tpu.memref_slice %arg5[%mul3A_680, %dma_wait3A_683] : memref<1000000x15xf32, #tpu.memory_space<hbm>> -> memref<8x15xf32, #tpu.memory_space<hbm>>
          tpu.wait_dma2 semaphore(%arg32 : memref<!tpu.dma_semaphore, #tpu.memory_space<semaphore_mem>>) src(%dma_wait3A_684 : memref<8x15xf32, #tpu.memory_space<hbm>>) dst(%arg11 : memref<8x15xf32, #tpu.memory_space<vmem>>)
          %mul3A_685 = arith.constant 16 : i32
          %mul3A_686 = arith.muli %and3A_337, %mul3A_685 : i32
          %dma_wait3A_687 = tpu.memref_slice %arg4[%mul3A_686] : memref<524288xf32, #tpu.memory_space<hbm>> -> memref<16xf32, #tpu.memory_space<hbm>>
          %dma_wait3A_688 = tpu.memref_slice %arg4[%mul3A_686] : memref<524288xf32, #tpu.memory_space<hbm>> -> memref<16xf32, #tpu.memory_space<hbm>>
          tpu.wait_dma2 semaphore(%arg40 : memref<!tpu.dma_semaphore, #tpu.memory_space<semaphore_mem>>) src(%dma_wait3A_688 : memref<16xf32, #tpu.memory_space<hbm>>) dst(%arg19 : memref<16xf32, #tpu.memory_space<vmem>>)
          %get3A_689 = arith.constant 0 : index
          %get3A_690 = tpu.vector_load %arg19[%get3A_689] {strides = array<i32>} : memref<16xf32, #tpu.memory_space<vmem>>, vector<16xf32>,
          %and3A_691 = arith.constant 7 : i32
          %and3A_692 = arith.andi %add3A_299, %and3A_691 : i32
          %broadcast_in_dim3A_693 = vector.broadcast %and3A_692 : i32 to vector<16xi32>
          %lt3A_694 = arith.constant 15 : i32
          %lt3A_695 = vector.broadcast %lt3A_694 : i32 to vector<16xi32>
          %lt3A_696 = arith.cmpi slt, %iota3A, %lt3A_695 : vector<16xi32>
          tpu.vector_store_idx %arg11[%broadcast_in_dim3A_693, %iota3A], %get3A_690 masked %lt3A_696 : memref<8x15xf32, #tpu.memory_space<vmem>>[vector<16xi32>, vector<16xi32>], vector<16xf32>, vector<16xi1>
          %mul3A_697 = arith.constant 8 : i32
          %mul3A_698 = arith.muli %shift_right_arithmetic3A_321, %mul3A_697 : i32
          %dma_start3A_699 = arith.constant 0 : i32
          %dma_start3A_700 = tpu.memref_slice %arg5[%mul3A_698, %dma_start3A_699] : memref<1000000x15xf32, #tpu.memory_space<hbm>> -> memref<8x15xf32, #tpu.memory_space<hbm>>
          %dma_start3A_701 = arith.constant 0 : i32
          %dma_start3A_702 = tpu.memref_slice %arg5[%mul3A_698, %dma_start3A_701] : memref<1000000x15xf32, #tpu.memory_space<hbm>> -> memref<8x15xf32, #tpu.memory_space<hbm>>
          tpu.enqueue_dma source(%arg11 : memref<8x15xf32, #tpu.memory_space<vmem>>) target(%dma_start3A_702 : memref<8x15xf32, #tpu.memory_space<hbm>>) target_semaphore(%arg48 : memref<!tpu.dma_semaphore, #tpu.memory_space<semaphore_mem>>)
        } else {
        }
        %convert_element_type3A_601 = arith.extui %and3A_475 : i1 to i32
        %cond3A_602 = arith.constant 0 : i32
        %cond3A_603 = arith.cmpi ne, %convert_element_type3A_601, %cond3A_602 : i32
        scf.if %cond3A_603 {
          %mul3A_679 = arith.constant 8 : i32
          %mul3A_680 = arith.muli %shift_right_arithmetic3A_323, %mul3A_679 : i32
          %dma_wait3A_681 = arith.constant 0 : i32
          %dma_wait3A_682 = tpu.memref_slice %arg5[%mul3A_680, %dma_wait3A_681] : memref<1000000x15xf32, #tpu.memory_space<hbm>> -> memref<8x15xf32, #tpu.memory_space<hbm>>
          %dma_wait3A_683 = arith.constant 0 : i32
          %dma_wait3A_684 = tpu.memref_slice %arg5[%mul3A_680, %dma_wait3A_683] : memref<1000000x15xf32, #tpu.memory_space<hbm>> -> memref<8x15xf32, #tpu.memory_space<hbm>>
          tpu.wait_dma2 semaphore(%arg33 : memref<!tpu.dma_semaphore, #tpu.memory_space<semaphore_mem>>) src(%dma_wait3A_684 : memref<8x15xf32, #tpu.memory_space<hbm>>) dst(%arg12 : memref<8x15xf32, #tpu.memory_space<vmem>>)
          %mul3A_685 = arith.constant 16 : i32
          %mul3A_686 = arith.muli %and3A_339, %mul3A_685 : i32
          %dma_wait3A_687 = tpu.memref_slice %arg4[%mul3A_686] : memref<524288xf32, #tpu.memory_space<hbm>> -> memref<16xf32, #tpu.memory_space<hbm>>
          %dma_wait3A_688 = tpu.memref_slice %arg4[%mul3A_686] : memref<524288xf32, #tpu.memory_space<hbm>> -> memref<16xf32, #tpu.memory_space<hbm>>
          tpu.wait_dma2 semaphore(%arg41 : memref<!tpu.dma_semaphore, #tpu.memory_space<semaphore_mem>>) src(%dma_wait3A_688 : memref<16xf32, #tpu.memory_space<hbm>>) dst(%arg20 : memref<16xf32, #tpu.memory_space<vmem>>)
          %get3A_689 = arith.constant 0 : index
          %get3A_690 = tpu.vector_load %arg20[%get3A_689] {strides = array<i32>} : memref<16xf32, #tpu.memory_space<vmem>>, vector<16xf32>,
          %and3A_691 = arith.constant 7 : i32
          %and3A_692 = arith.andi %add3A_302, %and3A_691 : i32
          %broadcast_in_dim3A_693 = vector.broadcast %and3A_692 : i32 to vector<16xi32>
          %lt3A_694 = arith.constant 15 : i32
          %lt3A_695 = vector.broadcast %lt3A_694 : i32 to vector<16xi32>
          %lt3A_696 = arith.cmpi slt, %iota3A, %lt3A_695 : vector<16xi32>
          tpu.vector_store_idx %arg12[%broadcast_in_dim3A_693, %iota3A], %get3A_690 masked %lt3A_696 : memref<8x15xf32, #tpu.memory_space<vmem>>[vector<16xi32>, vector<16xi32>], vector<16xf32>, vector<16xi1>
          %mul3A_697 = arith.constant 8 : i32
          %mul3A_698 = arith.muli %shift_right_arithmetic3A_323, %mul3A_697 : i32
          %dma_start3A_699 = arith.constant 0 : i32
          %dma_start3A_700 = tpu.memref_slice %arg5[%mul3A_698, %dma_start3A_699] : memref<1000000x15xf32, #tpu.memory_space<hbm>> -> memref<8x15xf32, #tpu.memory_space<hbm>>
          %dma_start3A_701 = arith.constant 0 : i32
          %dma_start3A_702 = tpu.memref_slice %arg5[%mul3A_698, %dma_start3A_701] : memref<1000000x15xf32, #tpu.memory_space<hbm>> -> memref<8x15xf32, #tpu.memory_space<hbm>>
          tpu.enqueue_dma source(%arg12 : memref<8x15xf32, #tpu.memory_space<vmem>>) target(%dma_start3A_702 : memref<8x15xf32, #tpu.memory_space<hbm>>) target_semaphore(%arg49 : memref<!tpu.dma_semaphore, #tpu.memory_space<semaphore_mem>>)
        } else {
        }
        %convert_element_type3A_604 = arith.extui %and3A_488 : i1 to i32
        %cond3A_605 = arith.constant 0 : i32
        %cond3A_606 = arith.cmpi ne, %convert_element_type3A_604, %cond3A_605 : i32
        scf.if %cond3A_606 {
          %mul3A_679 = arith.constant 8 : i32
          %mul3A_680 = arith.muli %shift_right_arithmetic3A_325, %mul3A_679 : i32
          %dma_wait3A_681 = arith.constant 0 : i32
          %dma_wait3A_682 = tpu.memref_slice %arg5[%mul3A_680, %dma_wait3A_681] : memref<1000000x15xf32, #tpu.memory_space<hbm>> -> memref<8x15xf32, #tpu.memory_space<hbm>>
          %dma_wait3A_683 = arith.constant 0 : i32
          %dma_wait3A_684 = tpu.memref_slice %arg5[%mul3A_680, %dma_wait3A_683] : memref<1000000x15xf32, #tpu.memory_space<hbm>> -> memref<8x15xf32, #tpu.memory_space<hbm>>
          tpu.wait_dma2 semaphore(%arg34 : memref<!tpu.dma_semaphore, #tpu.memory_space<semaphore_mem>>) src(%dma_wait3A_684 : memref<8x15xf32, #tpu.memory_space<hbm>>) dst(%arg13 : memref<8x15xf32, #tpu.memory_space<vmem>>)
          %mul3A_685 = arith.constant 16 : i32
          %mul3A_686 = arith.muli %and3A_341, %mul3A_685 : i32
          %dma_wait3A_687 = tpu.memref_slice %arg4[%mul3A_686] : memref<524288xf32, #tpu.memory_space<hbm>> -> memref<16xf32, #tpu.memory_space<hbm>>
          %dma_wait3A_688 = tpu.memref_slice %arg4[%mul3A_686] : memref<524288xf32, #tpu.memory_space<hbm>> -> memref<16xf32, #tpu.memory_space<hbm>>
          tpu.wait_dma2 semaphore(%arg42 : memref<!tpu.dma_semaphore, #tpu.memory_space<semaphore_mem>>) src(%dma_wait3A_688 : memref<16xf32, #tpu.memory_space<hbm>>) dst(%arg21 : memref<16xf32, #tpu.memory_space<vmem>>)
          %get3A_689 = arith.constant 0 : index
          %get3A_690 = tpu.vector_load %arg21[%get3A_689] {strides = array<i32>} : memref<16xf32, #tpu.memory_space<vmem>>, vector<16xf32>,
          %and3A_691 = arith.constant 7 : i32
          %and3A_692 = arith.andi %add3A_305, %and3A_691 : i32
          %broadcast_in_dim3A_693 = vector.broadcast %and3A_692 : i32 to vector<16xi32>
          %lt3A_694 = arith.constant 15 : i32
          %lt3A_695 = vector.broadcast %lt3A_694 : i32 to vector<16xi32>
          %lt3A_696 = arith.cmpi slt, %iota3A, %lt3A_695 : vector<16xi32>
          tpu.vector_store_idx %arg13[%broadcast_in_dim3A_693, %iota3A], %get3A_690 masked %lt3A_696 : memref<8x15xf32, #tpu.memory_space<vmem>>[vector<16xi32>, vector<16xi32>], vector<16xf32>, vector<16xi1>
          %mul3A_697 = arith.constant 8 : i32
          %mul3A_698 = arith.muli %shift_right_arithmetic3A_325, %mul3A_697 : i32
          %dma_start3A_699 = arith.constant 0 : i32
          %dma_start3A_700 = tpu.memref_slice %arg5[%mul3A_698, %dma_start3A_699] : memref<1000000x15xf32, #tpu.memory_space<hbm>> -> memref<8x15xf32, #tpu.memory_space<hbm>>
          %dma_start3A_701 = arith.constant 0 : i32
          %dma_start3A_702 = tpu.memref_slice %arg5[%mul3A_698, %dma_start3A_701] : memref<1000000x15xf32, #tpu.memory_space<hbm>> -> memref<8x15xf32, #tpu.memory_space<hbm>>
          tpu.enqueue_dma source(%arg13 : memref<8x15xf32, #tpu.memory_space<vmem>>) target(%dma_start3A_702 : memref<8x15xf32, #tpu.memory_space<hbm>>) target_semaphore(%arg50 : memref<!tpu.dma_semaphore, #tpu.memory_space<semaphore_mem>>)
        } else {
        }
        %convert_element_type3A_607 = arith.extui %and3A_504 : i1 to i32
        %cond3A_608 = arith.constant 0 : i32
        %cond3A_609 = arith.cmpi ne, %convert_element_type3A_607, %cond3A_608 : i32
        scf.if %cond3A_609 {
          %mul3A_679 = arith.constant 8 : i32
          %mul3A_680 = arith.muli %shift_right_arithmetic3A_327, %mul3A_679 : i32
          %dma_wait3A_681 = arith.constant 0 : i32
          %dma_wait3A_682 = tpu.memref_slice %arg5[%mul3A_680, %dma_wait3A_681] : memref<1000000x15xf32, #tpu.memory_space<hbm>> -> memref<8x15xf32, #tpu.memory_space<hbm>>
          %dma_wait3A_683 = arith.constant 0 : i32
          %dma_wait3A_684 = tpu.memref_slice %arg5[%mul3A_680, %dma_wait3A_683] : memref<1000000x15xf32, #tpu.memory_space<hbm>> -> memref<8x15xf32, #tpu.memory_space<hbm>>
          tpu.wait_dma2 semaphore(%arg35 : memref<!tpu.dma_semaphore, #tpu.memory_space<semaphore_mem>>) src(%dma_wait3A_684 : memref<8x15xf32, #tpu.memory_space<hbm>>) dst(%arg14 : memref<8x15xf32, #tpu.memory_space<vmem>>)
          %mul3A_685 = arith.constant 16 : i32
          %mul3A_686 = arith.muli %and3A_343, %mul3A_685 : i32
          %dma_wait3A_687 = tpu.memref_slice %arg4[%mul3A_686] : memref<524288xf32, #tpu.memory_space<hbm>> -> memref<16xf32, #tpu.memory_space<hbm>>
          %dma_wait3A_688 = tpu.memref_slice %arg4[%mul3A_686] : memref<524288xf32, #tpu.memory_space<hbm>> -> memref<16xf32, #tpu.memory_space<hbm>>
          tpu.wait_dma2 semaphore(%arg43 : memref<!tpu.dma_semaphore, #tpu.memory_space<semaphore_mem>>) src(%dma_wait3A_688 : memref<16xf32, #tpu.memory_space<hbm>>) dst(%arg22 : memref<16xf32, #tpu.memory_space<vmem>>)
          %get3A_689 = arith.constant 0 : index
          %get3A_690 = tpu.vector_load %arg22[%get3A_689] {strides = array<i32>} : memref<16xf32, #tpu.memory_space<vmem>>, vector<16xf32>,
          %and3A_691 = arith.constant 7 : i32
          %and3A_692 = arith.andi %add3A_308, %and3A_691 : i32
          %broadcast_in_dim3A_693 = vector.broadcast %and3A_692 : i32 to vector<16xi32>
          %lt3A_694 = arith.constant 15 : i32
          %lt3A_695 = vector.broadcast %lt3A_694 : i32 to vector<16xi32>
          %lt3A_696 = arith.cmpi slt, %iota3A, %lt3A_695 : vector<16xi32>
          tpu.vector_store_idx %arg14[%broadcast_in_dim3A_693, %iota3A], %get3A_690 masked %lt3A_696 : memref<8x15xf32, #tpu.memory_space<vmem>>[vector<16xi32>, vector<16xi32>], vector<16xf32>, vector<16xi1>
          %mul3A_697 = arith.constant 8 : i32
          %mul3A_698 = arith.muli %shift_right_arithmetic3A_327, %mul3A_697 : i32
          %dma_start3A_699 = arith.constant 0 : i32
          %dma_start3A_700 = tpu.memref_slice %arg5[%mul3A_698, %dma_start3A_699] : memref<1000000x15xf32, #tpu.memory_space<hbm>> -> memref<8x15xf32, #tpu.memory_space<hbm>>
          %dma_start3A_701 = arith.constant 0 : i32
          %dma_start3A_702 = tpu.memref_slice %arg5[%mul3A_698, %dma_start3A_701] : memref<1000000x15xf32, #tpu.memory_space<hbm>> -> memref<8x15xf32, #tpu.memory_space<hbm>>
          tpu.enqueue_dma source(%arg14 : memref<8x15xf32, #tpu.memory_space<vmem>>) target(%dma_start3A_702 : memref<8x15xf32, #tpu.memory_space<hbm>>) target_semaphore(%arg51 : memref<!tpu.dma_semaphore, #tpu.memory_space<semaphore_mem>>)
        } else {
        }
        %convert_element_type3A_610 = arith.extui %and3A_523 : i1 to i32
        %cond3A_611 = arith.constant 0 : i32
        %cond3A_612 = arith.cmpi ne, %convert_element_type3A_610, %cond3A_611 : i32
        scf.if %cond3A_612 {
          %mul3A_679 = arith.constant 8 : i32
          %mul3A_680 = arith.muli %shift_right_arithmetic3A_329, %mul3A_679 : i32
          %dma_wait3A_681 = arith.constant 0 : i32
          %dma_wait3A_682 = tpu.memref_slice %arg5[%mul3A_680, %dma_wait3A_681] : memref<1000000x15xf32, #tpu.memory_space<hbm>> -> memref<8x15xf32, #tpu.memory_space<hbm>>
          %dma_wait3A_683 = arith.constant 0 : i32
          %dma_wait3A_684 = tpu.memref_slice %arg5[%mul3A_680, %dma_wait3A_683] : memref<1000000x15xf32, #tpu.memory_space<hbm>> -> memref<8x15xf32, #tpu.memory_space<hbm>>
          tpu.wait_dma2 semaphore(%arg36 : memref<!tpu.dma_semaphore, #tpu.memory_space<semaphore_mem>>) src(%dma_wait3A_684 : memref<8x15xf32, #tpu.memory_space<hbm>>) dst(%arg15 : memref<8x15xf32, #tpu.memory_space<vmem>>)
          %mul3A_685 = arith.constant 16 : i32
          %mul3A_686 = arith.muli %and3A_345, %mul3A_685 : i32
          %dma_wait3A_687 = tpu.memref_slice %arg4[%mul3A_686] : memref<524288xf32, #tpu.memory_space<hbm>> -> memref<16xf32, #tpu.memory_space<hbm>>
          %dma_wait3A_688 = tpu.memref_slice %arg4[%mul3A_686] : memref<524288xf32, #tpu.memory_space<hbm>> -> memref<16xf32, #tpu.memory_space<hbm>>
          tpu.wait_dma2 semaphore(%arg44 : memref<!tpu.dma_semaphore, #tpu.memory_space<semaphore_mem>>) src(%dma_wait3A_688 : memref<16xf32, #tpu.memory_space<hbm>>) dst(%arg23 : memref<16xf32, #tpu.memory_space<vmem>>)
          %get3A_689 = arith.constant 0 : index
          %get3A_690 = tpu.vector_load %arg23[%get3A_689] {strides = array<i32>} : memref<16xf32, #tpu.memory_space<vmem>>, vector<16xf32>,
          %and3A_691 = arith.constant 7 : i32
          %and3A_692 = arith.andi %add3A_311, %and3A_691 : i32
          %broadcast_in_dim3A_693 = vector.broadcast %and3A_692 : i32 to vector<16xi32>
          %lt3A_694 = arith.constant 15 : i32
          %lt3A_695 = vector.broadcast %lt3A_694 : i32 to vector<16xi32>
          %lt3A_696 = arith.cmpi slt, %iota3A, %lt3A_695 : vector<16xi32>
          tpu.vector_store_idx %arg15[%broadcast_in_dim3A_693, %iota3A], %get3A_690 masked %lt3A_696 : memref<8x15xf32, #tpu.memory_space<vmem>>[vector<16xi32>, vector<16xi32>], vector<16xf32>, vector<16xi1>
          %mul3A_697 = arith.constant 8 : i32
          %mul3A_698 = arith.muli %shift_right_arithmetic3A_329, %mul3A_697 : i32
          %dma_start3A_699 = arith.constant 0 : i32
          %dma_start3A_700 = tpu.memref_slice %arg5[%mul3A_698, %dma_start3A_699] : memref<1000000x15xf32, #tpu.memory_space<hbm>> -> memref<8x15xf32, #tpu.memory_space<hbm>>
          %dma_start3A_701 = arith.constant 0 : i32
          %dma_start3A_702 = tpu.memref_slice %arg5[%mul3A_698, %dma_start3A_701] : memref<1000000x15xf32, #tpu.memory_space<hbm>> -> memref<8x15xf32, #tpu.memory_space<hbm>>
          tpu.enqueue_dma source(%arg15 : memref<8x15xf32, #tpu.memory_space<vmem>>) target(%dma_start3A_702 : memref<8x15xf32, #tpu.memory_space<hbm>>) target_semaphore(%arg52 : memref<!tpu.dma_semaphore, #tpu.memory_space<semaphore_mem>>)
        } else {
        }
        %convert_element_type3A_613 = arith.extui %and3A_545 : i1 to i32
        %cond3A_614 = arith.constant 0 : i32
        %cond3A_615 = arith.cmpi ne, %convert_element_type3A_613, %cond3A_614 : i32
        scf.if %cond3A_615 {
          %mul3A_679 = arith.constant 8 : i32
          %mul3A_680 = arith.muli %shift_right_arithmetic3A_331, %mul3A_679 : i32
          %dma_wait3A_681 = arith.constant 0 : i32
          %dma_wait3A_682 = tpu.memref_slice %arg5[%mul3A_680, %dma_wait3A_681] : memref<1000000x15xf32, #tpu.memory_space<hbm>> -> memref<8x15xf32, #tpu.memory_space<hbm>>
          %dma_wait3A_683 = arith.constant 0 : i32
          %dma_wait3A_684 = tpu.memref_slice %arg5[%mul3A_680, %dma_wait3A_683] : memref<1000000x15xf32, #tpu.memory_space<hbm>> -> memref<8x15xf32, #tpu.memory_space<hbm>>
          tpu.wait_dma2 semaphore(%arg37 : memref<!tpu.dma_semaphore, #tpu.memory_space<semaphore_mem>>) src(%dma_wait3A_684 : memref<8x15xf32, #tpu.memory_space<hbm>>) dst(%arg16 : memref<8x15xf32, #tpu.memory_space<vmem>>)
          %mul3A_685 = arith.constant 16 : i32
          %mul3A_686 = arith.muli %and3A_347, %mul3A_685 : i32
          %dma_wait3A_687 = tpu.memref_slice %arg4[%mul3A_686] : memref<524288xf32, #tpu.memory_space<hbm>> -> memref<16xf32, #tpu.memory_space<hbm>>
          %dma_wait3A_688 = tpu.memref_slice %arg4[%mul3A_686] : memref<524288xf32, #tpu.memory_space<hbm>> -> memref<16xf32, #tpu.memory_space<hbm>>
          tpu.wait_dma2 semaphore(%arg45 : memref<!tpu.dma_semaphore, #tpu.memory_space<semaphore_mem>>) src(%dma_wait3A_688 : memref<16xf32, #tpu.memory_space<hbm>>) dst(%arg24 : memref<16xf32, #tpu.memory_space<vmem>>)
          %get3A_689 = arith.constant 0 : index
          %get3A_690 = tpu.vector_load %arg24[%get3A_689] {strides = array<i32>} : memref<16xf32, #tpu.memory_space<vmem>>, vector<16xf32>,
          %and3A_691 = arith.constant 7 : i32
          %and3A_692 = arith.andi %add3A_314, %and3A_691 : i32
          %broadcast_in_dim3A_693 = vector.broadcast %and3A_692 : i32 to vector<16xi32>
          %lt3A_694 = arith.constant 15 : i32
          %lt3A_695 = vector.broadcast %lt3A_694 : i32 to vector<16xi32>
          %lt3A_696 = arith.cmpi slt, %iota3A, %lt3A_695 : vector<16xi32>
          tpu.vector_store_idx %arg16[%broadcast_in_dim3A_693, %iota3A], %get3A_690 masked %lt3A_696 : memref<8x15xf32, #tpu.memory_space<vmem>>[vector<16xi32>, vector<16xi32>], vector<16xf32>, vector<16xi1>
          %mul3A_697 = arith.constant 8 : i32
          %mul3A_698 = arith.muli %shift_right_arithmetic3A_331, %mul3A_697 : i32
          %dma_start3A_699 = arith.constant 0 : i32
          %dma_start3A_700 = tpu.memref_slice %arg5[%mul3A_698, %dma_start3A_699] : memref<1000000x15xf32, #tpu.memory_space<hbm>> -> memref<8x15xf32, #tpu.memory_space<hbm>>
          %dma_start3A_701 = arith.constant 0 : i32
          %dma_start3A_702 = tpu.memref_slice %arg5[%mul3A_698, %dma_start3A_701] : memref<1000000x15xf32, #tpu.memory_space<hbm>> -> memref<8x15xf32, #tpu.memory_space<hbm>>
          tpu.enqueue_dma source(%arg16 : memref<8x15xf32, #tpu.memory_space<vmem>>) target(%dma_start3A_702 : memref<8x15xf32, #tpu.memory_space<hbm>>) target_semaphore(%arg53 : memref<!tpu.dma_semaphore, #tpu.memory_space<semaphore_mem>>)
        } else {
        }
        %convert_element_type3A_616 = arith.extui %and3A_570 : i1 to i32
        %cond3A_617 = arith.constant 0 : i32
        %cond3A_618 = arith.cmpi ne, %convert_element_type3A_616, %cond3A_617 : i32
        scf.if %cond3A_618 {
          %mul3A_679 = arith.constant 8 : i32
          %mul3A_680 = arith.muli %shift_right_arithmetic3A_333, %mul3A_679 : i32
          %dma_wait3A_681 = arith.constant 0 : i32
          %dma_wait3A_682 = tpu.memref_slice %arg5[%mul3A_680, %dma_wait3A_681] : memref<1000000x15xf32, #tpu.memory_space<hbm>> -> memref<8x15xf32, #tpu.memory_space<hbm>>
          %dma_wait3A_683 = arith.constant 0 : i32
          %dma_wait3A_684 = tpu.memref_slice %arg5[%mul3A_680, %dma_wait3A_683] : memref<1000000x15xf32, #tpu.memory_space<hbm>> -> memref<8x15xf32, #tpu.memory_space<hbm>>
          tpu.wait_dma2 semaphore(%arg38 : memref<!tpu.dma_semaphore, #tpu.memory_space<semaphore_mem>>) src(%dma_wait3A_684 : memref<8x15xf32, #tpu.memory_space<hbm>>) dst(%arg17 : memref<8x15xf32, #tpu.memory_space<vmem>>)
          %mul3A_685 = arith.constant 16 : i32
          %mul3A_686 = arith.muli %and3A_349, %mul3A_685 : i32
          %dma_wait3A_687 = tpu.memref_slice %arg4[%mul3A_686] : memref<524288xf32, #tpu.memory_space<hbm>> -> memref<16xf32, #tpu.memory_space<hbm>>
          %dma_wait3A_688 = tpu.memref_slice %arg4[%mul3A_686] : memref<524288xf32, #tpu.memory_space<hbm>> -> memref<16xf32, #tpu.memory_space<hbm>>
          tpu.wait_dma2 semaphore(%arg46 : memref<!tpu.dma_semaphore, #tpu.memory_space<semaphore_mem>>) src(%dma_wait3A_688 : memref<16xf32, #tpu.memory_space<hbm>>) dst(%arg25 : memref<16xf32, #tpu.memory_space<vmem>>)
          %get3A_689 = arith.constant 0 : index
          %get3A_690 = tpu.vector_load %arg25[%get3A_689] {strides = array<i32>} : memref<16xf32, #tpu.memory_space<vmem>>, vector<16xf32>,
          %and3A_691 = arith.constant 7 : i32
          %and3A_692 = arith.andi %add3A_317, %and3A_691 : i32
          %broadcast_in_dim3A_693 = vector.broadcast %and3A_692 : i32 to vector<16xi32>
          %lt3A_694 = arith.constant 15 : i32
          %lt3A_695 = vector.broadcast %lt3A_694 : i32 to vector<16xi32>
          %lt3A_696 = arith.cmpi slt, %iota3A, %lt3A_695 : vector<16xi32>
          tpu.vector_store_idx %arg17[%broadcast_in_dim3A_693, %iota3A], %get3A_690 masked %lt3A_696 : memref<8x15xf32, #tpu.memory_space<vmem>>[vector<16xi32>, vector<16xi32>], vector<16xf32>, vector<16xi1>
          %mul3A_697 = arith.constant 8 : i32
          %mul3A_698 = arith.muli %shift_right_arithmetic3A_333, %mul3A_697 : i32
          %dma_start3A_699 = arith.constant 0 : i32
          %dma_start3A_700 = tpu.memref_slice %arg5[%mul3A_698, %dma_start3A_699] : memref<1000000x15xf32, #tpu.memory_space<hbm>> -> memref<8x15xf32, #tpu.memory_space<hbm>>
          %dma_start3A_701 = arith.constant 0 : i32
          %dma_start3A_702 = tpu.memref_slice %arg5[%mul3A_698, %dma_start3A_701] : memref<1000000x15xf32, #tpu.memory_space<hbm>> -> memref<8x15xf32, #tpu.memory_space<hbm>>
          tpu.enqueue_dma source(%arg17 : memref<8x15xf32, #tpu.memory_space<vmem>>) target(%dma_start3A_702 : memref<8x15xf32, #tpu.memory_space<hbm>>) target_semaphore(%arg54 : memref<!tpu.dma_semaphore, #tpu.memory_space<semaphore_mem>>)
        } else {
        }
        %convert_element_type3A_619 = arith.extui %and3A_458 : i1 to i32
        %cond3A_620 = arith.constant 0 : i32
        %cond3A_621 = arith.cmpi ne, %convert_element_type3A_619, %cond3A_620 : i32
        scf.if %cond3A_621 {
          %mul3A_679 = arith.constant 8 : i32
          %mul3A_680 = arith.muli %shift_right_arithmetic3A_319, %mul3A_679 : i32
          %dma_wait3A_681 = arith.constant 0 : i32
          %dma_wait3A_682 = tpu.memref_slice %arg5[%mul3A_680, %dma_wait3A_681] : memref<1000000x15xf32, #tpu.memory_space<hbm>> -> memref<8x15xf32, #tpu.memory_space<hbm>>
          %dma_wait3A_683 = arith.constant 0 : i32
          %dma_wait3A_684 = tpu.memref_slice %arg5[%mul3A_680, %dma_wait3A_683] : memref<1000000x15xf32, #tpu.memory_space<hbm>> -> memref<8x15xf32, #tpu.memory_space<hbm>>
          tpu.wait_dma2 semaphore(%arg47 : memref<!tpu.dma_semaphore, #tpu.memory_space<semaphore_mem>>) src(%arg10 : memref<8x15xf32, #tpu.memory_space<vmem>>) dst(%dma_wait3A_684 : memref<8x15xf32, #tpu.memory_space<hbm>>)
        } else {
        }
        %convert_element_type3A_622 = arith.extui %and3A_465 : i1 to i32
        %cond3A_623 = arith.constant 0 : i32
        %cond3A_624 = arith.cmpi ne, %convert_element_type3A_622, %cond3A_623 : i32
        scf.if %cond3A_624 {
          %mul3A_679 = arith.constant 8 : i32
          %mul3A_680 = arith.muli %shift_right_arithmetic3A_321, %mul3A_679 : i32
          %dma_wait3A_681 = arith.constant 0 : i32
          %dma_wait3A_682 = tpu.memref_slice %arg5[%mul3A_680, %dma_wait3A_681] : memref<1000000x15xf32, #tpu.memory_space<hbm>> -> memref<8x15xf32, #tpu.memory_space<hbm>>
          %dma_wait3A_683 = arith.constant 0 : i32
          %dma_wait3A_684 = tpu.memref_slice %arg5[%mul3A_680, %dma_wait3A_683] : memref<1000000x15xf32, #tpu.memory_space<hbm>> -> memref<8x15xf32, #tpu.memory_space<hbm>>
          tpu.wait_dma2 semaphore(%arg48 : memref<!tpu.dma_semaphore, #tpu.memory_space<semaphore_mem>>) src(%arg11 : memref<8x15xf32, #tpu.memory_space<vmem>>) dst(%dma_wait3A_684 : memref<8x15xf32, #tpu.memory_space<hbm>>)
        } else {
        }
        %convert_element_type3A_625 = arith.extui %and3A_475 : i1 to i32
        %cond3A_626 = arith.constant 0 : i32
        %cond3A_627 = arith.cmpi ne, %convert_element_type3A_625, %cond3A_626 : i32
        scf.if %cond3A_627 {
          %mul3A_679 = arith.constant 8 : i32
          %mul3A_680 = arith.muli %shift_right_arithmetic3A_323, %mul3A_679 : i32
          %dma_wait3A_681 = arith.constant 0 : i32
          %dma_wait3A_682 = tpu.memref_slice %arg5[%mul3A_680, %dma_wait3A_681] : memref<1000000x15xf32, #tpu.memory_space<hbm>> -> memref<8x15xf32, #tpu.memory_space<hbm>>
          %dma_wait3A_683 = arith.constant 0 : i32
          %dma_wait3A_684 = tpu.memref_slice %arg5[%mul3A_680, %dma_wait3A_683] : memref<1000000x15xf32, #tpu.memory_space<hbm>> -> memref<8x15xf32, #tpu.memory_space<hbm>>
          tpu.wait_dma2 semaphore(%arg49 : memref<!tpu.dma_semaphore, #tpu.memory_space<semaphore_mem>>) src(%arg12 : memref<8x15xf32, #tpu.memory_space<vmem>>) dst(%dma_wait3A_684 : memref<8x15xf32, #tpu.memory_space<hbm>>)
        } else {
        }
        %convert_element_type3A_628 = arith.extui %and3A_488 : i1 to i32
        %cond3A_629 = arith.constant 0 : i32
        %cond3A_630 = arith.cmpi ne, %convert_element_type3A_628, %cond3A_629 : i32
        scf.if %cond3A_630 {
          %mul3A_679 = arith.constant 8 : i32
          %mul3A_680 = arith.muli %shift_right_arithmetic3A_325, %mul3A_679 : i32
          %dma_wait3A_681 = arith.constant 0 : i32
          %dma_wait3A_682 = tpu.memref_slice %arg5[%mul3A_680, %dma_wait3A_681] : memref<1000000x15xf32, #tpu.memory_space<hbm>> -> memref<8x15xf32, #tpu.memory_space<hbm>>
          %dma_wait3A_683 = arith.constant 0 : i32
          %dma_wait3A_684 = tpu.memref_slice %arg5[%mul3A_680, %dma_wait3A_683] : memref<1000000x15xf32, #tpu.memory_space<hbm>> -> memref<8x15xf32, #tpu.memory_space<hbm>>
          tpu.wait_dma2 semaphore(%arg50 : memref<!tpu.dma_semaphore, #tpu.memory_space<semaphore_mem>>) src(%arg13 : memref<8x15xf32, #tpu.memory_space<vmem>>) dst(%dma_wait3A_684 : memref<8x15xf32, #tpu.memory_space<hbm>>)
        } else {
        }
        %convert_element_type3A_631 = arith.extui %and3A_504 : i1 to i32
        %cond3A_632 = arith.constant 0 : i32
        %cond3A_633 = arith.cmpi ne, %convert_element_type3A_631, %cond3A_632 : i32
        scf.if %cond3A_633 {
          %mul3A_679 = arith.constant 8 : i32
          %mul3A_680 = arith.muli %shift_right_arithmetic3A_327, %mul3A_679 : i32
          %dma_wait3A_681 = arith.constant 0 : i32
          %dma_wait3A_682 = tpu.memref_slice %arg5[%mul3A_680, %dma_wait3A_681] : memref<1000000x15xf32, #tpu.memory_space<hbm>> -> memref<8x15xf32, #tpu.memory_space<hbm>>
          %dma_wait3A_683 = arith.constant 0 : i32
          %dma_wait3A_684 = tpu.memref_slice %arg5[%mul3A_680, %dma_wait3A_683] : memref<1000000x15xf32, #tpu.memory_space<hbm>> -> memref<8x15xf32, #tpu.memory_space<hbm>>
          tpu.wait_dma2 semaphore(%arg51 : memref<!tpu.dma_semaphore, #tpu.memory_space<semaphore_mem>>) src(%arg14 : memref<8x15xf32, #tpu.memory_space<vmem>>) dst(%dma_wait3A_684 : memref<8x15xf32, #tpu.memory_space<hbm>>)
        } else {
        }
        %convert_element_type3A_634 = arith.extui %and3A_523 : i1 to i32
        %cond3A_635 = arith.constant 0 : i32
        %cond3A_636 = arith.cmpi ne, %convert_element_type3A_634, %cond3A_635 : i32
        scf.if %cond3A_636 {
          %mul3A_679 = arith.constant 8 : i32
          %mul3A_680 = arith.muli %shift_right_arithmetic3A_329, %mul3A_679 : i32
          %dma_wait3A_681 = arith.constant 0 : i32
          %dma_wait3A_682 = tpu.memref_slice %arg5[%mul3A_680, %dma_wait3A_681] : memref<1000000x15xf32, #tpu.memory_space<hbm>> -> memref<8x15xf32, #tpu.memory_space<hbm>>
          %dma_wait3A_683 = arith.constant 0 : i32
          %dma_wait3A_684 = tpu.memref_slice %arg5[%mul3A_680, %dma_wait3A_683] : memref<1000000x15xf32, #tpu.memory_space<hbm>> -> memref<8x15xf32, #tpu.memory_space<hbm>>
          tpu.wait_dma2 semaphore(%arg52 : memref<!tpu.dma_semaphore, #tpu.memory_space<semaphore_mem>>) src(%arg15 : memref<8x15xf32, #tpu.memory_space<vmem>>) dst(%dma_wait3A_684 : memref<8x15xf32, #tpu.memory_space<hbm>>)
        } else {
        }
        %convert_element_type3A_637 = arith.extui %and3A_545 : i1 to i32
        %cond3A_638 = arith.constant 0 : i32
        %cond3A_639 = arith.cmpi ne, %convert_element_type3A_637, %cond3A_638 : i32
        scf.if %cond3A_639 {
          %mul3A_679 = arith.constant 8 : i32
          %mul3A_680 = arith.muli %shift_right_arithmetic3A_331, %mul3A_679 : i32
          %dma_wait3A_681 = arith.constant 0 : i32
          %dma_wait3A_682 = tpu.memref_slice %arg5[%mul3A_680, %dma_wait3A_681] : memref<1000000x15xf32, #tpu.memory_space<hbm>> -> memref<8x15xf32, #tpu.memory_space<hbm>>
          %dma_wait3A_683 = arith.constant 0 : i32
          %dma_wait3A_684 = tpu.memref_slice %arg5[%mul3A_680, %dma_wait3A_683] : memref<1000000x15xf32, #tpu.memory_space<hbm>> -> memref<8x15xf32, #tpu.memory_space<hbm>>
          tpu.wait_dma2 semaphore(%arg53 : memref<!tpu.dma_semaphore, #tpu.memory_space<semaphore_mem>>) src(%arg16 : memref<8x15xf32, #tpu.memory_space<vmem>>) dst(%dma_wait3A_684 : memref<8x15xf32, #tpu.memory_space<hbm>>)
        } else {
        }
        %convert_element_type3A_640 = arith.extui %and3A_570 : i1 to i32
        %cond3A_641 = arith.constant 0 : i32
        %cond3A_642 = arith.cmpi ne, %convert_element_type3A_640, %cond3A_641 : i32
        scf.if %cond3A_642 {
          %mul3A_679 = arith.constant 8 : i32
          %mul3A_680 = arith.muli %shift_right_arithmetic3A_333, %mul3A_679 : i32
          %dma_wait3A_681 = arith.constant 0 : i32
          %dma_wait3A_682 = tpu.memref_slice %arg5[%mul3A_680, %dma_wait3A_681] : memref<1000000x15xf32, #tpu.memory_space<hbm>> -> memref<8x15xf32, #tpu.memory_space<hbm>>
          %dma_wait3A_683 = arith.constant 0 : i32
          %dma_wait3A_684 = tpu.memref_slice %arg5[%mul3A_680, %dma_wait3A_683] : memref<1000000x15xf32, #tpu.memory_space<hbm>> -> memref<8x15xf32, #tpu.memory_space<hbm>>
          tpu.wait_dma2 semaphore(%arg54 : memref<!tpu.dma_semaphore, #tpu.memory_space<semaphore_mem>>) src(%arg17 : memref<8x15xf32, #tpu.memory_space<vmem>>) dst(%dma_wait3A_684 : memref<8x15xf32, #tpu.memory_space<hbm>>)
        } else {
        }
        %jit3A_643 = arith.constant 1 : i32
        %jit3A_644 = arith.constant 0 : i32
        %select_n3A_645 = arith.select %and3A_458, %jit3A_643, %jit3A_644 : i32
        %or3A_646 = arith.constant 0 : i32
        %or3A_647 = arith.ori %or3A_646, %select_n3A_645 : i32
        %jit3A_648 = arith.constant 2 : i32
        %jit3A_649 = arith.constant 0 : i32
        %select_n3A_650 = arith.select %and3A_465, %jit3A_648, %jit3A_649 : i32
        %or3A_651 = arith.ori %or3A_647, %select_n3A_650 : i32
        %jit3A_652 = arith.constant 4 : i32
        %jit3A_653 = arith.constant 0 : i32
        %select_n3A_654 = arith.select %and3A_475, %jit3A_652, %jit3A_653 : i32
        %or3A_655 = arith.ori %or3A_651, %select_n3A_654 : i32
        %jit3A_656 = arith.constant 8 : i32
        %jit3A_657 = arith.constant 0 : i32
        %select_n3A_658 = arith.select %and3A_488, %jit3A_656, %jit3A_657 : i32
        %or3A_659 = arith.ori %or3A_655, %select_n3A_658 : i32
        %jit3A_660 = arith.constant 16 : i32
        %jit3A_661 = arith.constant 0 : i32
        %select_n3A_662 = arith.select %and3A_504, %jit3A_660, %jit3A_661 : i32
        %or3A_663 = arith.ori %or3A_659, %select_n3A_662 : i32
        %jit3A_664 = arith.constant 32 : i32
        %jit3A_665 = arith.constant 0 : i32
        %select_n3A_666 = arith.select %and3A_523, %jit3A_664, %jit3A_665 : i32
        %or3A_667 = arith.ori %or3A_663, %select_n3A_666 : i32
        %jit3A_668 = arith.constant 64 : i32
        %jit3A_669 = arith.constant 0 : i32
        %select_n3A_670 = arith.select %and3A_545, %jit3A_668, %jit3A_669 : i32
        %or3A_671 = arith.ori %or3A_667, %select_n3A_670 : i32
        %jit3A_672 = arith.constant 128 : i32
        %jit3A_673 = arith.constant 0 : i32
        %select_n3A_674 = arith.select %and3A_570, %jit3A_672, %jit3A_673 : i32
        %or3A_675 = arith.ori %or3A_671, %select_n3A_674 : i32
        %not3A_676 = arith.constant -1 : i32
        %not3A_677 = arith.xori %or3A_675, %not3A_676 : i32
        %and3A_678 = arith.andi %while3A_408, %not3A_677 : i32
        scf.yield %and3A_678 : i32
      }
    }
    %while3A_132 = arith.constant 1 : i32
    scf.for %while3A_133 = %while3A_130 to %while3A_126 step %while3A_132  : i32 {
      %shift_right_arithmetic3A_134 = arith.constant 3 : i32
      %shift_right_arithmetic3A_135 = arith.shrsi %while3A_133, %shift_right_arithmetic3A_134 : i32
      %and3A_136 = arith.constant 7 : i32
      %and3A_137 = arith.andi %while3A_133, %and3A_136 : i32
      %mul3A_138 = arith.constant 16 : i32
      %mul3A_139 = arith.muli %and3A_137, %mul3A_138 : i32
      %get3A = arith.index_cast %shift_right_arithmetic3A_135 : i32 to index
      %get3A_140 = arith.index_cast %mul3A_139 : i32 to index
      %get3A_141 = tpu.vector_load %arg7[%get3A, %get3A_140] {strides = array<i32>} : memref<264x128xi32, #tpu.memory_space<vmem>>, vector<16xi32>,
      %slice3A_142 = vector.extract_strided_slice %get3A_141 {offsets = [0], sizes = [8], strides = [1]} : vector<16xi32> to vector<8xi32>
      %mul3A_143 = arith.constant 16 : i32
      %mul3A_144 = arith.muli %while3A_133, %mul3A_143 : i32
      %slice3A_145 = vector.extract_strided_slice %slice3A_142 {offsets = [0], sizes = [1], strides = [1]} : vector<8xi32> to vector<1xi32>
      %squeeze3A_146 = vector.extract %slice3A_145[0] : i32 from vector<1xi32>
      %slice3A_147 = vector.extract_strided_slice %slice3A_142 {offsets = [1], sizes = [1], strides = [1]} : vector<8xi32> to vector<1xi32>
      %squeeze3A_148 = vector.extract %slice3A_147[0] : i32 from vector<1xi32>
      %slice3A_149 = vector.extract_strided_slice %slice3A_142 {offsets = [2], sizes = [1], strides = [1]} : vector<8xi32> to vector<1xi32>
      %squeeze3A_150 = vector.extract %slice3A_149[0] : i32 from vector<1xi32>
      %slice3A_151 = vector.extract_strided_slice %slice3A_142 {offsets = [3], sizes = [1], strides = [1]} : vector<8xi32> to vector<1xi32>
      %squeeze3A_152 = vector.extract %slice3A_151[0] : i32 from vector<1xi32>
      %slice3A_153 = vector.extract_strided_slice %slice3A_142 {offsets = [4], sizes = [1], strides = [1]} : vector<8xi32> to vector<1xi32>
      %squeeze3A_154 = vector.extract %slice3A_153[0] : i32 from vector<1xi32>
      %slice3A_155 = vector.extract_strided_slice %slice3A_142 {offsets = [5], sizes = [1], strides = [1]} : vector<8xi32> to vector<1xi32>
      %squeeze3A_156 = vector.extract %slice3A_155[0] : i32 from vector<1xi32>
      %slice3A_157 = vector.extract_strided_slice %slice3A_142 {offsets = [6], sizes = [1], strides = [1]} : vector<8xi32> to vector<1xi32>
      %squeeze3A_158 = vector.extract %slice3A_157[0] : i32 from vector<1xi32>
      %slice3A_159 = vector.extract_strided_slice %slice3A_142 {offsets = [7], sizes = [1], strides = [1]} : vector<8xi32> to vector<1xi32>
      %squeeze3A_160 = vector.extract %slice3A_159[0] : i32 from vector<1xi32>
      %shift_right_arithmetic3A_161 = arith.constant 16 : i32
      %shift_right_arithmetic3A_162 = arith.shrsi %squeeze3A_146, %shift_right_arithmetic3A_161 : i32
      %add3A_163 = arith.addi %mul3A_20, %shift_right_arithmetic3A_162 : i32
      %shift_right_arithmetic3A_164 = arith.constant 16 : i32
      %shift_right_arithmetic3A_165 = arith.shrsi %squeeze3A_148, %shift_right_arithmetic3A_164 : i32
      %add3A_166 = arith.addi %mul3A_20, %shift_right_arithmetic3A_165 : i32
      %shift_right_arithmetic3A_167 = arith.constant 16 : i32
      %shift_right_arithmetic3A_168 = arith.shrsi %squeeze3A_150, %shift_right_arithmetic3A_167 : i32
      %add3A_169 = arith.addi %mul3A_20, %shift_right_arithmetic3A_168 : i32
      %shift_right_arithmetic3A_170 = arith.constant 16 : i32
      %shift_right_arithmetic3A_171 = arith.shrsi %squeeze3A_152, %shift_right_arithmetic3A_170 : i32
      %add3A_172 = arith.addi %mul3A_20, %shift_right_arithmetic3A_171 : i32
      %shift_right_arithmetic3A_173 = arith.constant 16 : i32
      %shift_right_arithmetic3A_174 = arith.shrsi %squeeze3A_154, %shift_right_arithmetic3A_173 : i32
      %add3A_175 = arith.addi %mul3A_20, %shift_right_arithmetic3A_174 : i32
      %shift_right_arithmetic3A_176 = arith.constant 16 : i32
      %shift_right_arithmetic3A_177 = arith.shrsi %squeeze3A_156, %shift_right_arithmetic3A_176 : i32
      %add3A_178 = arith.addi %mul3A_20, %shift_right_arithmetic3A_177 : i32
      %shift_right_arithmetic3A_179 = arith.constant 16 : i32
      %shift_right_arithmetic3A_180 = arith.shrsi %squeeze3A_158, %shift_right_arithmetic3A_179 : i32
      %add3A_181 = arith.addi %mul3A_20, %shift_right_arithmetic3A_180 : i32
      %shift_right_arithmetic3A_182 = arith.constant 16 : i32
      %shift_right_arithmetic3A_183 = arith.shrsi %squeeze3A_160, %shift_right_arithmetic3A_182 : i32
      %add3A_184 = arith.addi %mul3A_20, %shift_right_arithmetic3A_183 : i32
      %shift_right_arithmetic3A_185 = arith.constant 3 : i32
      %shift_right_arithmetic3A_186 = arith.shrsi %add3A_163, %shift_right_arithmetic3A_185 : i32
      %shift_right_arithmetic3A_187 = arith.constant 3 : i32
      %shift_right_arithmetic3A_188 = arith.shrsi %add3A_166, %shift_right_arithmetic3A_187 : i32
      %shift_right_arithmetic3A_189 = arith.constant 3 : i32
      %shift_right_arithmetic3A_190 = arith.shrsi %add3A_169, %shift_right_arithmetic3A_189 : i32
      %shift_right_arithmetic3A_191 = arith.constant 3 : i32
      %shift_right_arithmetic3A_192 = arith.shrsi %add3A_172, %shift_right_arithmetic3A_191 : i32
      %shift_right_arithmetic3A_193 = arith.constant 3 : i32
      %shift_right_arithmetic3A_194 = arith.shrsi %add3A_175, %shift_right_arithmetic3A_193 : i32
      %shift_right_arithmetic3A_195 = arith.constant 3 : i32
      %shift_right_arithmetic3A_196 = arith.shrsi %add3A_178, %shift_right_arithmetic3A_195 : i32
      %shift_right_arithmetic3A_197 = arith.constant 3 : i32
      %shift_right_arithmetic3A_198 = arith.shrsi %add3A_181, %shift_right_arithmetic3A_197 : i32
      %shift_right_arithmetic3A_199 = arith.constant 3 : i32
      %shift_right_arithmetic3A_200 = arith.shrsi %add3A_184, %shift_right_arithmetic3A_199 : i32
      %and3A_201 = arith.constant 65535 : i32
      %and3A_202 = arith.andi %squeeze3A_146, %and3A_201 : i32
      %and3A_203 = arith.constant 65535 : i32
      %and3A_204 = arith.andi %squeeze3A_148, %and3A_203 : i32
      %and3A_205 = arith.constant 65535 : i32
      %and3A_206 = arith.andi %squeeze3A_150, %and3A_205 : i32
      %and3A_207 = arith.constant 65535 : i32
      %and3A_208 = arith.andi %squeeze3A_152, %and3A_207 : i32
      %and3A_209 = arith.constant 65535 : i32
      %and3A_210 = arith.andi %squeeze3A_154, %and3A_209 : i32
      %and3A_211 = arith.constant 65535 : i32
      %and3A_212 = arith.andi %squeeze3A_156, %and3A_211 : i32
      %and3A_213 = arith.constant 65535 : i32
      %and3A_214 = arith.andi %squeeze3A_158, %and3A_213 : i32
      %and3A_215 = arith.constant 65535 : i32
      %and3A_216 = arith.andi %squeeze3A_160, %and3A_215 : i32
      %add3A_217 = arith.constant 0 : i32
      %add3A_218 = arith.addi %mul3A_144, %add3A_217 : i32
      %lt3A = arith.cmpi slt, %add3A_218, %squeeze3A : i32
      %add3A_219 = arith.constant 1 : i32
      %add3A_220 = arith.addi %mul3A_144, %add3A_219 : i32
      %lt3A_221 = arith.cmpi slt, %add3A_220, %squeeze3A : i32
      %add3A_222 = arith.constant 2 : i32
      %add3A_223 = arith.addi %mul3A_144, %add3A_222 : i32
      %lt3A_224 = arith.cmpi slt, %add3A_223, %squeeze3A : i32
      %add3A_225 = arith.constant 3 : i32
      %add3A_226 = arith.addi %mul3A_144, %add3A_225 : i32
      %lt3A_227 = arith.cmpi slt, %add3A_226, %squeeze3A : i32
      %add3A_228 = arith.constant 4 : i32
      %add3A_229 = arith.addi %mul3A_144, %add3A_228 : i32
      %lt3A_230 = arith.cmpi slt, %add3A_229, %squeeze3A : i32
      %add3A_231 = arith.constant 5 : i32
      %add3A_232 = arith.addi %mul3A_144, %add3A_231 : i32
      %lt3A_233 = arith.cmpi slt, %add3A_232, %squeeze3A : i32
      %add3A_234 = arith.constant 6 : i32
      %add3A_235 = arith.addi %mul3A_144, %add3A_234 : i32
      %lt3A_236 = arith.cmpi slt, %add3A_235, %squeeze3A : i32
      %add3A_237 = arith.constant 7 : i32
      %add3A_238 = arith.addi %mul3A_144, %add3A_237 : i32
      %lt3A_239 = arith.cmpi slt, %add3A_238, %squeeze3A : i32
      %jit3A_240 = arith.constant 1 : i32
      %jit3A_241 = arith.constant 0 : i32
      %select_n3A_242 = arith.select %lt3A, %jit3A_240, %jit3A_241 : i32
      %or3A = arith.constant 0 : i32
      %or3A_243 = arith.ori %or3A, %select_n3A_242 : i32
      %jit3A_244 = arith.constant 2 : i32
      %jit3A_245 = arith.constant 0 : i32
      %select_n3A_246 = arith.select %lt3A_221, %jit3A_244, %jit3A_245 : i32
      %or3A_247 = arith.ori %or3A_243, %select_n3A_246 : i32
      %jit3A_248 = arith.constant 4 : i32
      %jit3A_249 = arith.constant 0 : i32
      %select_n3A_250 = arith.select %lt3A_224, %jit3A_248, %jit3A_249 : i32
      %or3A_251 = arith.ori %or3A_247, %select_n3A_250 : i32
      %jit3A_252 = arith.constant 8 : i32
      %jit3A_253 = arith.constant 0 : i32
      %select_n3A_254 = arith.select %lt3A_227, %jit3A_252, %jit3A_253 : i32
      %or3A_255 = arith.ori %or3A_251, %select_n3A_254 : i32
      %jit3A_256 = arith.constant 16 : i32
      %jit3A_257 = arith.constant 0 : i32
      %select_n3A_258 = arith.select %lt3A_230, %jit3A_256, %jit3A_257 : i32
      %or3A_259 = arith.ori %or3A_255, %select_n3A_258 : i32
      %jit3A_260 = arith.constant 32 : i32
      %jit3A_261 = arith.constant 0 : i32
      %select_n3A_262 = arith.select %lt3A_233, %jit3A_260, %jit3A_261 : i32
      %or3A_263 = arith.ori %or3A_259, %select_n3A_262 : i32
      %jit3A_264 = arith.constant 64 : i32
      %jit3A_265 = arith.constant 0 : i32
      %select_n3A_266 = arith.select %lt3A_236, %jit3A_264, %jit3A_265 : i32
      %or3A_267 = arith.ori %or3A_263, %select_n3A_266 : i32
      %jit3A_268 = arith.constant 128 : i32
      %jit3A_269 = arith.constant 0 : i32
      %select_n3A_270 = arith.select %lt3A_239, %jit3A_268, %jit3A_269 : i32
      %or3A_271 = arith.ori %or3A_267, %select_n3A_270 : i32
      %while3A_272 = scf.while (%while3A_408 = %or3A_271) : (i32) -> i32 {
        %ne3A_409 = arith.constant 0 : i32
        %ne3A_410 = arith.cmpi ne, %while3A_408, %ne3A_409 : i32
        scf.condition(%ne3A_410) %while3A_408 : i32
      } do {
      ^bb0(%while3A_408: i32):
        %shift_right_arithmetic3A_409 = arith.constant 0 : i32
        %shift_right_arithmetic3A_410 = arith.shrsi %while3A_408, %shift_right_arithmetic3A_409 : i32
        %and3A_411 = arith.constant 1 : i32
        %and3A_412 = arith.andi %shift_right_arithmetic3A_410, %and3A_411 : i32
        %eq3A = arith.constant 1 : i32
        %eq3A_413 = arith.cmpi eq, %and3A_412, %eq3A : i32
        %shift_right_arithmetic3A_414 = arith.constant 1 : i32
        %shift_right_arithmetic3A_415 = arith.shrsi %while3A_408, %shift_right_arithmetic3A_414 : i32
        %and3A_416 = arith.constant 1 : i32
        %and3A_417 = arith.andi %shift_right_arithmetic3A_415, %and3A_416 : i32
        %eq3A_418 = arith.constant 1 : i32
        %eq3A_419 = arith.cmpi eq, %and3A_417, %eq3A_418 : i32
        %shift_right_arithmetic3A_420 = arith.constant 2 : i32
        %shift_right_arithmetic3A_421 = arith.shrsi %while3A_408, %shift_right_arithmetic3A_420 : i32
        %and3A_422 = arith.constant 1 : i32
        %and3A_423 = arith.andi %shift_right_arithmetic3A_421, %and3A_422 : i32
        %eq3A_424 = arith.constant 1 : i32
        %eq3A_425 = arith.cmpi eq, %and3A_423, %eq3A_424 : i32
        %shift_right_arithmetic3A_426 = arith.constant 3 : i32
        %shift_right_arithmetic3A_427 = arith.shrsi %while3A_408, %shift_right_arithmetic3A_426 : i32
        %and3A_428 = arith.constant 1 : i32
        %and3A_429 = arith.andi %shift_right_arithmetic3A_427, %and3A_428 : i32
        %eq3A_430 = arith.constant 1 : i32
        %eq3A_431 = arith.cmpi eq, %and3A_429, %eq3A_430 : i32
        %shift_right_arithmetic3A_432 = arith.constant 4 : i32
        %shift_right_arithmetic3A_433 = arith.shrsi %while3A_408, %shift_right_arithmetic3A_432 : i32
        %and3A_434 = arith.constant 1 : i32
        %and3A_435 = arith.andi %shift_right_arithmetic3A_433, %and3A_434 : i32
        %eq3A_436 = arith.constant 1 : i32
        %eq3A_437 = arith.cmpi eq, %and3A_435, %eq3A_436 : i32
        %shift_right_arithmetic3A_438 = arith.constant 5 : i32
        %shift_right_arithmetic3A_439 = arith.shrsi %while3A_408, %shift_right_arithmetic3A_438 : i32
        %and3A_440 = arith.constant 1 : i32
        %and3A_441 = arith.andi %shift_right_arithmetic3A_439, %and3A_440 : i32
        %eq3A_442 = arith.constant 1 : i32
        %eq3A_443 = arith.cmpi eq, %and3A_441, %eq3A_442 : i32
        %shift_right_arithmetic3A_444 = arith.constant 6 : i32
        %shift_right_arithmetic3A_445 = arith.shrsi %while3A_408, %shift_right_arithmetic3A_444 : i32
        %and3A_446 = arith.constant 1 : i32
        %and3A_447 = arith.andi %shift_right_arithmetic3A_445, %and3A_446 : i32
        %eq3A_448 = arith.constant 1 : i32
        %eq3A_449 = arith.cmpi eq, %and3A_447, %eq3A_448 : i32
        %shift_right_arithmetic3A_450 = arith.constant 7 : i32
        %shift_right_arithmetic3A_451 = arith.shrsi %while3A_408, %shift_right_arithmetic3A_450 : i32
        %and3A_452 = arith.constant 1 : i32
        %and3A_453 = arith.andi %shift_right_arithmetic3A_451, %and3A_452 : i32
        %eq3A_454 = arith.constant 1 : i32
        %eq3A_455 = arith.cmpi eq, %and3A_453, %eq3A_454 : i32
        %not3A = arith.constant false
        %not3A_456 = arith.constant true
        %not3A_457 = arith.xori %not3A, %not3A_456 : i1
        %and3A_458 = arith.andi %eq3A_413, %not3A_457 : i1
        %eq3A_459 = arith.cmpi eq, %shift_right_arithmetic3A_186, %shift_right_arithmetic3A_188 : i32
        %and3A_460 = arith.andi %eq3A_413, %eq3A_459 : i1
        %or3A_461 = arith.constant false
        %or3A_462 = arith.ori %or3A_461, %and3A_460 : i1
        %not3A_463 = arith.constant true
        %not3A_464 = arith.xori %or3A_462, %not3A_463 : i1
        %and3A_465 = arith.andi %eq3A_419, %not3A_464 : i1
        %eq3A_466 = arith.cmpi eq, %shift_right_arithmetic3A_186, %shift_right_arithmetic3A_190 : i32
        %and3A_467 = arith.andi %eq3A_413, %eq3A_466 : i1
        %or3A_468 = arith.constant false
        %or3A_469 = arith.ori %or3A_468, %and3A_467 : i1
        %eq3A_470 = arith.cmpi eq, %shift_right_arithmetic3A_188, %shift_right_arithmetic3A_190 : i32
        %and3A_471 = arith.andi %eq3A_419, %eq3A_470 : i1
        %or3A_472 = arith.ori %or3A_469, %and3A_471 : i1
        %not3A_473 = arith.constant true
        %not3A_474 = arith.xori %or3A_472, %not3A_473 : i1
        %and3A_475 = arith.andi %eq3A_425, %not3A_474 : i1
        %eq3A_476 = arith.cmpi eq, %shift_right_arithmetic3A_186, %shift_right_arithmetic3A_192 : i32
        %and3A_477 = arith.andi %eq3A_413, %eq3A_476 : i1
        %or3A_478 = arith.constant false
        %or3A_479 = arith.ori %or3A_478, %and3A_477 : i1
        %eq3A_480 = arith.cmpi eq, %shift_right_arithmetic3A_188, %shift_right_arithmetic3A_192 : i32
        %and3A_481 = arith.andi %eq3A_419, %eq3A_480 : i1
        %or3A_482 = arith.ori %or3A_479, %and3A_481 : i1
        %eq3A_483 = arith.cmpi eq, %shift_right_arithmetic3A_190, %shift_right_arithmetic3A_192 : i32
        %and3A_484 = arith.andi %eq3A_425, %eq3A_483 : i1
        %or3A_485 = arith.ori %or3A_482, %and3A_484 : i1
        %not3A_486 = arith.constant true
        %not3A_487 = arith.xori %or3A_485, %not3A_486 : i1
        %and3A_488 = arith.andi %eq3A_431, %not3A_487 : i1
        %eq3A_489 = arith.cmpi eq, %shift_right_arithmetic3A_186, %shift_right_arithmetic3A_194 : i32
        %and3A_490 = arith.andi %eq3A_413, %eq3A_489 : i1
        %or3A_491 = arith.constant false
        %or3A_492 = arith.ori %or3A_491, %and3A_490 : i1
        %eq3A_493 = arith.cmpi eq, %shift_right_arithmetic3A_188, %shift_right_arithmetic3A_194 : i32
        %and3A_494 = arith.andi %eq3A_419, %eq3A_493 : i1
        %or3A_495 = arith.ori %or3A_492, %and3A_494 : i1
        %eq3A_496 = arith.cmpi eq, %shift_right_arithmetic3A_190, %shift_right_arithmetic3A_194 : i32
        %and3A_497 = arith.andi %eq3A_425, %eq3A_496 : i1
        %or3A_498 = arith.ori %or3A_495, %and3A_497 : i1
        %eq3A_499 = arith.cmpi eq, %shift_right_arithmetic3A_192, %shift_right_arithmetic3A_194 : i32
        %and3A_500 = arith.andi %eq3A_431, %eq3A_499 : i1
        %or3A_501 = arith.ori %or3A_498, %and3A_500 : i1
        %not3A_502 = arith.constant true
        %not3A_503 = arith.xori %or3A_501, %not3A_502 : i1
        %and3A_504 = arith.andi %eq3A_437, %not3A_503 : i1
        %eq3A_505 = arith.cmpi eq, %shift_right_arithmetic3A_186, %shift_right_arithmetic3A_196 : i32
        %and3A_506 = arith.andi %eq3A_413, %eq3A_505 : i1
        %or3A_507 = arith.constant false
        %or3A_508 = arith.ori %or3A_507, %and3A_506 : i1
        %eq3A_509 = arith.cmpi eq, %shift_right_arithmetic3A_188, %shift_right_arithmetic3A_196 : i32
        %and3A_510 = arith.andi %eq3A_419, %eq3A_509 : i1
        %or3A_511 = arith.ori %or3A_508, %and3A_510 : i1
        %eq3A_512 = arith.cmpi eq, %shift_right_arithmetic3A_190, %shift_right_arithmetic3A_196 : i32
        %and3A_513 = arith.andi %eq3A_425, %eq3A_512 : i1
        %or3A_514 = arith.ori %or3A_511, %and3A_513 : i1
        %eq3A_515 = arith.cmpi eq, %shift_right_arithmetic3A_192, %shift_right_arithmetic3A_196 : i32
        %and3A_516 = arith.andi %eq3A_431, %eq3A_515 : i1
        %or3A_517 = arith.ori %or3A_514, %and3A_516 : i1
        %eq3A_518 = arith.cmpi eq, %shift_right_arithmetic3A_194, %shift_right_arithmetic3A_196 : i32
        %and3A_519 = arith.andi %eq3A_437, %eq3A_518 : i1
        %or3A_520 = arith.ori %or3A_517, %and3A_519 : i1
        %not3A_521 = arith.constant true
        %not3A_522 = arith.xori %or3A_520, %not3A_521 : i1
        %and3A_523 = arith.andi %eq3A_443, %not3A_522 : i1
        %eq3A_524 = arith.cmpi eq, %shift_right_arithmetic3A_186, %shift_right_arithmetic3A_198 : i32
        %and3A_525 = arith.andi %eq3A_413, %eq3A_524 : i1
        %or3A_526 = arith.constant false
        %or3A_527 = arith.ori %or3A_526, %and3A_525 : i1
        %eq3A_528 = arith.cmpi eq, %shift_right_arithmetic3A_188, %shift_right_arithmetic3A_198 : i32
        %and3A_529 = arith.andi %eq3A_419, %eq3A_528 : i1
        %or3A_530 = arith.ori %or3A_527, %and3A_529 : i1
        %eq3A_531 = arith.cmpi eq, %shift_right_arithmetic3A_190, %shift_right_arithmetic3A_198 : i32
        %and3A_532 = arith.andi %eq3A_425, %eq3A_531 : i1
        %or3A_533 = arith.ori %or3A_530, %and3A_532 : i1
        %eq3A_534 = arith.cmpi eq, %shift_right_arithmetic3A_192, %shift_right_arithmetic3A_198 : i32
        %and3A_535 = arith.andi %eq3A_431, %eq3A_534 : i1
        %or3A_536 = arith.ori %or3A_533, %and3A_535 : i1
        %eq3A_537 = arith.cmpi eq, %shift_right_arithmetic3A_194, %shift_right_arithmetic3A_198 : i32
        %and3A_538 = arith.andi %eq3A_437, %eq3A_537 : i1
        %or3A_539 = arith.ori %or3A_536, %and3A_538 : i1
        %eq3A_540 = arith.cmpi eq, %shift_right_arithmetic3A_196, %shift_right_arithmetic3A_198 : i32
        %and3A_541 = arith.andi %eq3A_443, %eq3A_540 : i1
        %or3A_542 = arith.ori %or3A_539, %and3A_541 : i1
        %not3A_543 = arith.constant true
        %not3A_544 = arith.xori %or3A_542, %not3A_543 : i1
        %and3A_545 = arith.andi %eq3A_449, %not3A_544 : i1
        %eq3A_546 = arith.cmpi eq, %shift_right_arithmetic3A_186, %shift_right_arithmetic3A_200 : i32
        %and3A_547 = arith.andi %eq3A_413, %eq3A_546 : i1
        %or3A_548 = arith.constant false
        %or3A_549 = arith.ori %or3A_548, %and3A_547 : i1
        %eq3A_550 = arith.cmpi eq, %shift_right_arithmetic3A_188, %shift_right_arithmetic3A_200 : i32
        %and3A_551 = arith.andi %eq3A_419, %eq3A_550 : i1
        %or3A_552 = arith.ori %or3A_549, %and3A_551 : i1
        %eq3A_553 = arith.cmpi eq, %shift_right_arithmetic3A_190, %shift_right_arithmetic3A_200 : i32
        %and3A_554 = arith.andi %eq3A_425, %eq3A_553 : i1
        %or3A_555 = arith.ori %or3A_552, %and3A_554 : i1
        %eq3A_556 = arith.cmpi eq, %shift_right_arithmetic3A_192, %shift_right_arithmetic3A_200 : i32
        %and3A_557 = arith.andi %eq3A_431, %eq3A_556 : i1
        %or3A_558 = arith.ori %or3A_555, %and3A_557 : i1
        %eq3A_559 = arith.cmpi eq, %shift_right_arithmetic3A_194, %shift_right_arithmetic3A_200 : i32
        %and3A_560 = arith.andi %eq3A_437, %eq3A_559 : i1
        %or3A_561 = arith.ori %or3A_558, %and3A_560 : i1
        %eq3A_562 = arith.cmpi eq, %shift_right_arithmetic3A_196, %shift_right_arithmetic3A_200 : i32
        %and3A_563 = arith.andi %eq3A_443, %eq3A_562 : i1
        %or3A_564 = arith.ori %or3A_561, %and3A_563 : i1
        %eq3A_565 = arith.cmpi eq, %shift_right_arithmetic3A_198, %shift_right_arithmetic3A_200 : i32
        %and3A_566 = arith.andi %eq3A_449, %eq3A_565 : i1
        %or3A_567 = arith.ori %or3A_564, %and3A_566 : i1
        %not3A_568 = arith.constant true
        %not3A_569 = arith.xori %or3A_567, %not3A_568 : i1
        %and3A_570 = arith.andi %eq3A_455, %not3A_569 : i1
        %convert_element_type3A_571 = arith.extui %and3A_458 : i1 to i32
        %cond3A_572 = arith.constant 0 : i32
        %cond3A_573 = arith.cmpi ne, %convert_element_type3A_571, %cond3A_572 : i32
        scf.if %cond3A_573 {
          %mul3A_679 = arith.constant 8 : i32
          %mul3A_680 = arith.muli %shift_right_arithmetic3A_186, %mul3A_679 : i32
          %dma_start3A_681 = arith.constant 0 : i32
          %dma_start3A_682 = tpu.memref_slice %arg5[%mul3A_680, %dma_start3A_681] : memref<1000000x15xf32, #tpu.memory_space<hbm>> -> memref<8x15xf32, #tpu.memory_space<hbm>>
          %dma_start3A_683 = arith.constant 0 : i32
          %dma_start3A_684 = tpu.memref_slice %arg5[%mul3A_680, %dma_start3A_683] : memref<1000000x15xf32, #tpu.memory_space<hbm>> -> memref<8x15xf32, #tpu.memory_space<hbm>>
          tpu.enqueue_dma source(%dma_start3A_684 : memref<8x15xf32, #tpu.memory_space<hbm>>) target(%arg10 : memref<8x15xf32, #tpu.memory_space<vmem>>) target_semaphore(%arg31 : memref<!tpu.dma_semaphore, #tpu.memory_space<semaphore_mem>>)
          %mul3A_685 = arith.constant 16 : i32
          %mul3A_686 = arith.muli %and3A_202, %mul3A_685 : i32
          %dma_start3A_687 = tpu.memref_slice %arg4[%mul3A_686] : memref<524288xf32, #tpu.memory_space<hbm>> -> memref<16xf32, #tpu.memory_space<hbm>>
          %dma_start3A_688 = tpu.memref_slice %arg4[%mul3A_686] : memref<524288xf32, #tpu.memory_space<hbm>> -> memref<16xf32, #tpu.memory_space<hbm>>
          tpu.enqueue_dma source(%dma_start3A_688 : memref<16xf32, #tpu.memory_space<hbm>>) target(%arg18 : memref<16xf32, #tpu.memory_space<vmem>>) target_semaphore(%arg39 : memref<!tpu.dma_semaphore, #tpu.memory_space<semaphore_mem>>)
        } else {
        }
        %convert_element_type3A_574 = arith.extui %and3A_465 : i1 to i32
        %cond3A_575 = arith.constant 0 : i32
        %cond3A_576 = arith.cmpi ne, %convert_element_type3A_574, %cond3A_575 : i32
        scf.if %cond3A_576 {
          %mul3A_679 = arith.constant 8 : i32
          %mul3A_680 = arith.muli %shift_right_arithmetic3A_188, %mul3A_679 : i32
          %dma_start3A_681 = arith.constant 0 : i32
          %dma_start3A_682 = tpu.memref_slice %arg5[%mul3A_680, %dma_start3A_681] : memref<1000000x15xf32, #tpu.memory_space<hbm>> -> memref<8x15xf32, #tpu.memory_space<hbm>>
          %dma_start3A_683 = arith.constant 0 : i32
          %dma_start3A_684 = tpu.memref_slice %arg5[%mul3A_680, %dma_start3A_683] : memref<1000000x15xf32, #tpu.memory_space<hbm>> -> memref<8x15xf32, #tpu.memory_space<hbm>>
          tpu.enqueue_dma source(%dma_start3A_684 : memref<8x15xf32, #tpu.memory_space<hbm>>) target(%arg11 : memref<8x15xf32, #tpu.memory_space<vmem>>) target_semaphore(%arg32 : memref<!tpu.dma_semaphore, #tpu.memory_space<semaphore_mem>>)
          %mul3A_685 = arith.constant 16 : i32
          %mul3A_686 = arith.muli %and3A_204, %mul3A_685 : i32
          %dma_start3A_687 = tpu.memref_slice %arg4[%mul3A_686] : memref<524288xf32, #tpu.memory_space<hbm>> -> memref<16xf32, #tpu.memory_space<hbm>>
          %dma_start3A_688 = tpu.memref_slice %arg4[%mul3A_686] : memref<524288xf32, #tpu.memory_space<hbm>> -> memref<16xf32, #tpu.memory_space<hbm>>
          tpu.enqueue_dma source(%dma_start3A_688 : memref<16xf32, #tpu.memory_space<hbm>>) target(%arg19 : memref<16xf32, #tpu.memory_space<vmem>>) target_semaphore(%arg40 : memref<!tpu.dma_semaphore, #tpu.memory_space<semaphore_mem>>)
        } else {
        }
        %convert_element_type3A_577 = arith.extui %and3A_475 : i1 to i32
        %cond3A_578 = arith.constant 0 : i32
        %cond3A_579 = arith.cmpi ne, %convert_element_type3A_577, %cond3A_578 : i32
        scf.if %cond3A_579 {
          %mul3A_679 = arith.constant 8 : i32
          %mul3A_680 = arith.muli %shift_right_arithmetic3A_190, %mul3A_679 : i32
          %dma_start3A_681 = arith.constant 0 : i32
          %dma_start3A_682 = tpu.memref_slice %arg5[%mul3A_680, %dma_start3A_681] : memref<1000000x15xf32, #tpu.memory_space<hbm>> -> memref<8x15xf32, #tpu.memory_space<hbm>>
          %dma_start3A_683 = arith.constant 0 : i32
          %dma_start3A_684 = tpu.memref_slice %arg5[%mul3A_680, %dma_start3A_683] : memref<1000000x15xf32, #tpu.memory_space<hbm>> -> memref<8x15xf32, #tpu.memory_space<hbm>>
          tpu.enqueue_dma source(%dma_start3A_684 : memref<8x15xf32, #tpu.memory_space<hbm>>) target(%arg12 : memref<8x15xf32, #tpu.memory_space<vmem>>) target_semaphore(%arg33 : memref<!tpu.dma_semaphore, #tpu.memory_space<semaphore_mem>>)
          %mul3A_685 = arith.constant 16 : i32
          %mul3A_686 = arith.muli %and3A_206, %mul3A_685 : i32
          %dma_start3A_687 = tpu.memref_slice %arg4[%mul3A_686] : memref<524288xf32, #tpu.memory_space<hbm>> -> memref<16xf32, #tpu.memory_space<hbm>>
          %dma_start3A_688 = tpu.memref_slice %arg4[%mul3A_686] : memref<524288xf32, #tpu.memory_space<hbm>> -> memref<16xf32, #tpu.memory_space<hbm>>
          tpu.enqueue_dma source(%dma_start3A_688 : memref<16xf32, #tpu.memory_space<hbm>>) target(%arg20 : memref<16xf32, #tpu.memory_space<vmem>>) target_semaphore(%arg41 : memref<!tpu.dma_semaphore, #tpu.memory_space<semaphore_mem>>)
        } else {
        }
        %convert_element_type3A_580 = arith.extui %and3A_488 : i1 to i32
        %cond3A_581 = arith.constant 0 : i32
        %cond3A_582 = arith.cmpi ne, %convert_element_type3A_580, %cond3A_581 : i32
        scf.if %cond3A_582 {
          %mul3A_679 = arith.constant 8 : i32
          %mul3A_680 = arith.muli %shift_right_arithmetic3A_192, %mul3A_679 : i32
          %dma_start3A_681 = arith.constant 0 : i32
          %dma_start3A_682 = tpu.memref_slice %arg5[%mul3A_680, %dma_start3A_681] : memref<1000000x15xf32, #tpu.memory_space<hbm>> -> memref<8x15xf32, #tpu.memory_space<hbm>>
          %dma_start3A_683 = arith.constant 0 : i32
          %dma_start3A_684 = tpu.memref_slice %arg5[%mul3A_680, %dma_start3A_683] : memref<1000000x15xf32, #tpu.memory_space<hbm>> -> memref<8x15xf32, #tpu.memory_space<hbm>>
          tpu.enqueue_dma source(%dma_start3A_684 : memref<8x15xf32, #tpu.memory_space<hbm>>) target(%arg13 : memref<8x15xf32, #tpu.memory_space<vmem>>) target_semaphore(%arg34 : memref<!tpu.dma_semaphore, #tpu.memory_space<semaphore_mem>>)
          %mul3A_685 = arith.constant 16 : i32
          %mul3A_686 = arith.muli %and3A_208, %mul3A_685 : i32
          %dma_start3A_687 = tpu.memref_slice %arg4[%mul3A_686] : memref<524288xf32, #tpu.memory_space<hbm>> -> memref<16xf32, #tpu.memory_space<hbm>>
          %dma_start3A_688 = tpu.memref_slice %arg4[%mul3A_686] : memref<524288xf32, #tpu.memory_space<hbm>> -> memref<16xf32, #tpu.memory_space<hbm>>
          tpu.enqueue_dma source(%dma_start3A_688 : memref<16xf32, #tpu.memory_space<hbm>>) target(%arg21 : memref<16xf32, #tpu.memory_space<vmem>>) target_semaphore(%arg42 : memref<!tpu.dma_semaphore, #tpu.memory_space<semaphore_mem>>)
        } else {
        }
        %convert_element_type3A_583 = arith.extui %and3A_504 : i1 to i32
        %cond3A_584 = arith.constant 0 : i32
        %cond3A_585 = arith.cmpi ne, %convert_element_type3A_583, %cond3A_584 : i32
        scf.if %cond3A_585 {
          %mul3A_679 = arith.constant 8 : i32
          %mul3A_680 = arith.muli %shift_right_arithmetic3A_194, %mul3A_679 : i32
          %dma_start3A_681 = arith.constant 0 : i32
          %dma_start3A_682 = tpu.memref_slice %arg5[%mul3A_680, %dma_start3A_681] : memref<1000000x15xf32, #tpu.memory_space<hbm>> -> memref<8x15xf32, #tpu.memory_space<hbm>>
          %dma_start3A_683 = arith.constant 0 : i32
          %dma_start3A_684 = tpu.memref_slice %arg5[%mul3A_680, %dma_start3A_683] : memref<1000000x15xf32, #tpu.memory_space<hbm>> -> memref<8x15xf32, #tpu.memory_space<hbm>>
          tpu.enqueue_dma source(%dma_start3A_684 : memref<8x15xf32, #tpu.memory_space<hbm>>) target(%arg14 : memref<8x15xf32, #tpu.memory_space<vmem>>) target_semaphore(%arg35 : memref<!tpu.dma_semaphore, #tpu.memory_space<semaphore_mem>>)
          %mul3A_685 = arith.constant 16 : i32
          %mul3A_686 = arith.muli %and3A_210, %mul3A_685 : i32
          %dma_start3A_687 = tpu.memref_slice %arg4[%mul3A_686] : memref<524288xf32, #tpu.memory_space<hbm>> -> memref<16xf32, #tpu.memory_space<hbm>>
          %dma_start3A_688 = tpu.memref_slice %arg4[%mul3A_686] : memref<524288xf32, #tpu.memory_space<hbm>> -> memref<16xf32, #tpu.memory_space<hbm>>
          tpu.enqueue_dma source(%dma_start3A_688 : memref<16xf32, #tpu.memory_space<hbm>>) target(%arg22 : memref<16xf32, #tpu.memory_space<vmem>>) target_semaphore(%arg43 : memref<!tpu.dma_semaphore, #tpu.memory_space<semaphore_mem>>)
        } else {
        }
        %convert_element_type3A_586 = arith.extui %and3A_523 : i1 to i32
        %cond3A_587 = arith.constant 0 : i32
        %cond3A_588 = arith.cmpi ne, %convert_element_type3A_586, %cond3A_587 : i32
        scf.if %cond3A_588 {
          %mul3A_679 = arith.constant 8 : i32
          %mul3A_680 = arith.muli %shift_right_arithmetic3A_196, %mul3A_679 : i32
          %dma_start3A_681 = arith.constant 0 : i32
          %dma_start3A_682 = tpu.memref_slice %arg5[%mul3A_680, %dma_start3A_681] : memref<1000000x15xf32, #tpu.memory_space<hbm>> -> memref<8x15xf32, #tpu.memory_space<hbm>>
          %dma_start3A_683 = arith.constant 0 : i32
          %dma_start3A_684 = tpu.memref_slice %arg5[%mul3A_680, %dma_start3A_683] : memref<1000000x15xf32, #tpu.memory_space<hbm>> -> memref<8x15xf32, #tpu.memory_space<hbm>>
          tpu.enqueue_dma source(%dma_start3A_684 : memref<8x15xf32, #tpu.memory_space<hbm>>) target(%arg15 : memref<8x15xf32, #tpu.memory_space<vmem>>) target_semaphore(%arg36 : memref<!tpu.dma_semaphore, #tpu.memory_space<semaphore_mem>>)
          %mul3A_685 = arith.constant 16 : i32
          %mul3A_686 = arith.muli %and3A_212, %mul3A_685 : i32
          %dma_start3A_687 = tpu.memref_slice %arg4[%mul3A_686] : memref<524288xf32, #tpu.memory_space<hbm>> -> memref<16xf32, #tpu.memory_space<hbm>>
          %dma_start3A_688 = tpu.memref_slice %arg4[%mul3A_686] : memref<524288xf32, #tpu.memory_space<hbm>> -> memref<16xf32, #tpu.memory_space<hbm>>
          tpu.enqueue_dma source(%dma_start3A_688 : memref<16xf32, #tpu.memory_space<hbm>>) target(%arg23 : memref<16xf32, #tpu.memory_space<vmem>>) target_semaphore(%arg44 : memref<!tpu.dma_semaphore, #tpu.memory_space<semaphore_mem>>)
        } else {
        }
        %convert_element_type3A_589 = arith.extui %and3A_545 : i1 to i32
        %cond3A_590 = arith.constant 0 : i32
        %cond3A_591 = arith.cmpi ne, %convert_element_type3A_589, %cond3A_590 : i32
        scf.if %cond3A_591 {
          %mul3A_679 = arith.constant 8 : i32
          %mul3A_680 = arith.muli %shift_right_arithmetic3A_198, %mul3A_679 : i32
          %dma_start3A_681 = arith.constant 0 : i32
          %dma_start3A_682 = tpu.memref_slice %arg5[%mul3A_680, %dma_start3A_681] : memref<1000000x15xf32, #tpu.memory_space<hbm>> -> memref<8x15xf32, #tpu.memory_space<hbm>>
          %dma_start3A_683 = arith.constant 0 : i32
          %dma_start3A_684 = tpu.memref_slice %arg5[%mul3A_680, %dma_start3A_683] : memref<1000000x15xf32, #tpu.memory_space<hbm>> -> memref<8x15xf32, #tpu.memory_space<hbm>>
          tpu.enqueue_dma source(%dma_start3A_684 : memref<8x15xf32, #tpu.memory_space<hbm>>) target(%arg16 : memref<8x15xf32, #tpu.memory_space<vmem>>) target_semaphore(%arg37 : memref<!tpu.dma_semaphore, #tpu.memory_space<semaphore_mem>>)
          %mul3A_685 = arith.constant 16 : i32
          %mul3A_686 = arith.muli %and3A_214, %mul3A_685 : i32
          %dma_start3A_687 = tpu.memref_slice %arg4[%mul3A_686] : memref<524288xf32, #tpu.memory_space<hbm>> -> memref<16xf32, #tpu.memory_space<hbm>>
          %dma_start3A_688 = tpu.memref_slice %arg4[%mul3A_686] : memref<524288xf32, #tpu.memory_space<hbm>> -> memref<16xf32, #tpu.memory_space<hbm>>
          tpu.enqueue_dma source(%dma_start3A_688 : memref<16xf32, #tpu.memory_space<hbm>>) target(%arg24 : memref<16xf32, #tpu.memory_space<vmem>>) target_semaphore(%arg45 : memref<!tpu.dma_semaphore, #tpu.memory_space<semaphore_mem>>)
        } else {
        }
        %convert_element_type3A_592 = arith.extui %and3A_570 : i1 to i32
        %cond3A_593 = arith.constant 0 : i32
        %cond3A_594 = arith.cmpi ne, %convert_element_type3A_592, %cond3A_593 : i32
        scf.if %cond3A_594 {
          %mul3A_679 = arith.constant 8 : i32
          %mul3A_680 = arith.muli %shift_right_arithmetic3A_200, %mul3A_679 : i32
          %dma_start3A_681 = arith.constant 0 : i32
          %dma_start3A_682 = tpu.memref_slice %arg5[%mul3A_680, %dma_start3A_681] : memref<1000000x15xf32, #tpu.memory_space<hbm>> -> memref<8x15xf32, #tpu.memory_space<hbm>>
          %dma_start3A_683 = arith.constant 0 : i32
          %dma_start3A_684 = tpu.memref_slice %arg5[%mul3A_680, %dma_start3A_683] : memref<1000000x15xf32, #tpu.memory_space<hbm>> -> memref<8x15xf32, #tpu.memory_space<hbm>>
          tpu.enqueue_dma source(%dma_start3A_684 : memref<8x15xf32, #tpu.memory_space<hbm>>) target(%arg17 : memref<8x15xf32, #tpu.memory_space<vmem>>) target_semaphore(%arg38 : memref<!tpu.dma_semaphore, #tpu.memory_space<semaphore_mem>>)
          %mul3A_685 = arith.constant 16 : i32
          %mul3A_686 = arith.muli %and3A_216, %mul3A_685 : i32
          %dma_start3A_687 = tpu.memref_slice %arg4[%mul3A_686] : memref<524288xf32, #tpu.memory_space<hbm>> -> memref<16xf32, #tpu.memory_space<hbm>>
          %dma_start3A_688 = tpu.memref_slice %arg4[%mul3A_686] : memref<524288xf32, #tpu.memory_space<hbm>> -> memref<16xf32, #tpu.memory_space<hbm>>
          tpu.enqueue_dma source(%dma_start3A_688 : memref<16xf32, #tpu.memory_space<hbm>>) target(%arg25 : memref<16xf32, #tpu.memory_space<vmem>>) target_semaphore(%arg46 : memref<!tpu.dma_semaphore, #tpu.memory_space<semaphore_mem>>)
        } else {
        }
        %convert_element_type3A_595 = arith.extui %and3A_458 : i1 to i32
        %cond3A_596 = arith.constant 0 : i32
        %cond3A_597 = arith.cmpi ne, %convert_element_type3A_595, %cond3A_596 : i32
        scf.if %cond3A_597 {
          %mul3A_679 = arith.constant 8 : i32
          %mul3A_680 = arith.muli %shift_right_arithmetic3A_186, %mul3A_679 : i32
          %dma_wait3A_681 = arith.constant 0 : i32
          %dma_wait3A_682 = tpu.memref_slice %arg5[%mul3A_680, %dma_wait3A_681] : memref<1000000x15xf32, #tpu.memory_space<hbm>> -> memref<8x15xf32, #tpu.memory_space<hbm>>
          %dma_wait3A_683 = arith.constant 0 : i32
          %dma_wait3A_684 = tpu.memref_slice %arg5[%mul3A_680, %dma_wait3A_683] : memref<1000000x15xf32, #tpu.memory_space<hbm>> -> memref<8x15xf32, #tpu.memory_space<hbm>>
          tpu.wait_dma2 semaphore(%arg31 : memref<!tpu.dma_semaphore, #tpu.memory_space<semaphore_mem>>) src(%dma_wait3A_684 : memref<8x15xf32, #tpu.memory_space<hbm>>) dst(%arg10 : memref<8x15xf32, #tpu.memory_space<vmem>>)
          %mul3A_685 = arith.constant 16 : i32
          %mul3A_686 = arith.muli %and3A_202, %mul3A_685 : i32
          %dma_wait3A_687 = tpu.memref_slice %arg4[%mul3A_686] : memref<524288xf32, #tpu.memory_space<hbm>> -> memref<16xf32, #tpu.memory_space<hbm>>
          %dma_wait3A_688 = tpu.memref_slice %arg4[%mul3A_686] : memref<524288xf32, #tpu.memory_space<hbm>> -> memref<16xf32, #tpu.memory_space<hbm>>
          tpu.wait_dma2 semaphore(%arg39 : memref<!tpu.dma_semaphore, #tpu.memory_space<semaphore_mem>>) src(%dma_wait3A_688 : memref<16xf32, #tpu.memory_space<hbm>>) dst(%arg18 : memref<16xf32, #tpu.memory_space<vmem>>)
          %get3A_689 = arith.constant 0 : index
          %get3A_690 = tpu.vector_load %arg18[%get3A_689] {strides = array<i32>} : memref<16xf32, #tpu.memory_space<vmem>>, vector<16xf32>,
          %and3A_691 = arith.constant 7 : i32
          %and3A_692 = arith.andi %add3A_163, %and3A_691 : i32
          %broadcast_in_dim3A_693 = vector.broadcast %and3A_692 : i32 to vector<16xi32>
          %lt3A_694 = arith.constant 15 : i32
          %lt3A_695 = vector.broadcast %lt3A_694 : i32 to vector<16xi32>
          %lt3A_696 = arith.cmpi slt, %iota3A, %lt3A_695 : vector<16xi32>
          tpu.vector_store_idx %arg10[%broadcast_in_dim3A_693, %iota3A], %get3A_690 masked %lt3A_696 : memref<8x15xf32, #tpu.memory_space<vmem>>[vector<16xi32>, vector<16xi32>], vector<16xf32>, vector<16xi1>
          %mul3A_697 = arith.constant 8 : i32
          %mul3A_698 = arith.muli %shift_right_arithmetic3A_186, %mul3A_697 : i32
          %dma_start3A_699 = arith.constant 0 : i32
          %dma_start3A_700 = tpu.memref_slice %arg5[%mul3A_698, %dma_start3A_699] : memref<1000000x15xf32, #tpu.memory_space<hbm>> -> memref<8x15xf32, #tpu.memory_space<hbm>>
          %dma_start3A_701 = arith.constant 0 : i32
          %dma_start3A_702 = tpu.memref_slice %arg5[%mul3A_698, %dma_start3A_701] : memref<1000000x15xf32, #tpu.memory_space<hbm>> -> memref<8x15xf32, #tpu.memory_space<hbm>>
          tpu.enqueue_dma source(%arg10 : memref<8x15xf32, #tpu.memory_space<vmem>>) target(%dma_start3A_702 : memref<8x15xf32, #tpu.memory_space<hbm>>) target_semaphore(%arg47 : memref<!tpu.dma_semaphore, #tpu.memory_space<semaphore_mem>>)
        } else {
        }
        %convert_element_type3A_598 = arith.extui %and3A_465 : i1 to i32
        %cond3A_599 = arith.constant 0 : i32
        %cond3A_600 = arith.cmpi ne, %convert_element_type3A_598, %cond3A_599 : i32
        scf.if %cond3A_600 {
          %mul3A_679 = arith.constant 8 : i32
          %mul3A_680 = arith.muli %shift_right_arithmetic3A_188, %mul3A_679 : i32
          %dma_wait3A_681 = arith.constant 0 : i32
          %dma_wait3A_682 = tpu.memref_slice %arg5[%mul3A_680, %dma_wait3A_681] : memref<1000000x15xf32, #tpu.memory_space<hbm>> -> memref<8x15xf32, #tpu.memory_space<hbm>>
          %dma_wait3A_683 = arith.constant 0 : i32
          %dma_wait3A_684 = tpu.memref_slice %arg5[%mul3A_680, %dma_wait3A_683] : memref<1000000x15xf32, #tpu.memory_space<hbm>> -> memref<8x15xf32, #tpu.memory_space<hbm>>
          tpu.wait_dma2 semaphore(%arg32 : memref<!tpu.dma_semaphore, #tpu.memory_space<semaphore_mem>>) src(%dma_wait3A_684 : memref<8x15xf32, #tpu.memory_space<hbm>>) dst(%arg11 : memref<8x15xf32, #tpu.memory_space<vmem>>)
          %mul3A_685 = arith.constant 16 : i32
          %mul3A_686 = arith.muli %and3A_204, %mul3A_685 : i32
          %dma_wait3A_687 = tpu.memref_slice %arg4[%mul3A_686] : memref<524288xf32, #tpu.memory_space<hbm>> -> memref<16xf32, #tpu.memory_space<hbm>>
          %dma_wait3A_688 = tpu.memref_slice %arg4[%mul3A_686] : memref<524288xf32, #tpu.memory_space<hbm>> -> memref<16xf32, #tpu.memory_space<hbm>>
          tpu.wait_dma2 semaphore(%arg40 : memref<!tpu.dma_semaphore, #tpu.memory_space<semaphore_mem>>) src(%dma_wait3A_688 : memref<16xf32, #tpu.memory_space<hbm>>) dst(%arg19 : memref<16xf32, #tpu.memory_space<vmem>>)
          %get3A_689 = arith.constant 0 : index
          %get3A_690 = tpu.vector_load %arg19[%get3A_689] {strides = array<i32>} : memref<16xf32, #tpu.memory_space<vmem>>, vector<16xf32>,
          %and3A_691 = arith.constant 7 : i32
          %and3A_692 = arith.andi %add3A_166, %and3A_691 : i32
          %broadcast_in_dim3A_693 = vector.broadcast %and3A_692 : i32 to vector<16xi32>
          %lt3A_694 = arith.constant 15 : i32
          %lt3A_695 = vector.broadcast %lt3A_694 : i32 to vector<16xi32>
          %lt3A_696 = arith.cmpi slt, %iota3A, %lt3A_695 : vector<16xi32>
          tpu.vector_store_idx %arg11[%broadcast_in_dim3A_693, %iota3A], %get3A_690 masked %lt3A_696 : memref<8x15xf32, #tpu.memory_space<vmem>>[vector<16xi32>, vector<16xi32>], vector<16xf32>, vector<16xi1>
          %mul3A_697 = arith.constant 8 : i32
          %mul3A_698 = arith.muli %shift_right_arithmetic3A_188, %mul3A_697 : i32
          %dma_start3A_699 = arith.constant 0 : i32
          %dma_start3A_700 = tpu.memref_slice %arg5[%mul3A_698, %dma_start3A_699] : memref<1000000x15xf32, #tpu.memory_space<hbm>> -> memref<8x15xf32, #tpu.memory_space<hbm>>
          %dma_start3A_701 = arith.constant 0 : i32
          %dma_start3A_702 = tpu.memref_slice %arg5[%mul3A_698, %dma_start3A_701] : memref<1000000x15xf32, #tpu.memory_space<hbm>> -> memref<8x15xf32, #tpu.memory_space<hbm>>
          tpu.enqueue_dma source(%arg11 : memref<8x15xf32, #tpu.memory_space<vmem>>) target(%dma_start3A_702 : memref<8x15xf32, #tpu.memory_space<hbm>>) target_semaphore(%arg48 : memref<!tpu.dma_semaphore, #tpu.memory_space<semaphore_mem>>)
        } else {
        }
        %convert_element_type3A_601 = arith.extui %and3A_475 : i1 to i32
        %cond3A_602 = arith.constant 0 : i32
        %cond3A_603 = arith.cmpi ne, %convert_element_type3A_601, %cond3A_602 : i32
        scf.if %cond3A_603 {
          %mul3A_679 = arith.constant 8 : i32
          %mul3A_680 = arith.muli %shift_right_arithmetic3A_190, %mul3A_679 : i32
          %dma_wait3A_681 = arith.constant 0 : i32
          %dma_wait3A_682 = tpu.memref_slice %arg5[%mul3A_680, %dma_wait3A_681] : memref<1000000x15xf32, #tpu.memory_space<hbm>> -> memref<8x15xf32, #tpu.memory_space<hbm>>
          %dma_wait3A_683 = arith.constant 0 : i32
          %dma_wait3A_684 = tpu.memref_slice %arg5[%mul3A_680, %dma_wait3A_683] : memref<1000000x15xf32, #tpu.memory_space<hbm>> -> memref<8x15xf32, #tpu.memory_space<hbm>>
          tpu.wait_dma2 semaphore(%arg33 : memref<!tpu.dma_semaphore, #tpu.memory_space<semaphore_mem>>) src(%dma_wait3A_684 : memref<8x15xf32, #tpu.memory_space<hbm>>) dst(%arg12 : memref<8x15xf32, #tpu.memory_space<vmem>>)
          %mul3A_685 = arith.constant 16 : i32
          %mul3A_686 = arith.muli %and3A_206, %mul3A_685 : i32
          %dma_wait3A_687 = tpu.memref_slice %arg4[%mul3A_686] : memref<524288xf32, #tpu.memory_space<hbm>> -> memref<16xf32, #tpu.memory_space<hbm>>
          %dma_wait3A_688 = tpu.memref_slice %arg4[%mul3A_686] : memref<524288xf32, #tpu.memory_space<hbm>> -> memref<16xf32, #tpu.memory_space<hbm>>
          tpu.wait_dma2 semaphore(%arg41 : memref<!tpu.dma_semaphore, #tpu.memory_space<semaphore_mem>>) src(%dma_wait3A_688 : memref<16xf32, #tpu.memory_space<hbm>>) dst(%arg20 : memref<16xf32, #tpu.memory_space<vmem>>)
          %get3A_689 = arith.constant 0 : index
          %get3A_690 = tpu.vector_load %arg20[%get3A_689] {strides = array<i32>} : memref<16xf32, #tpu.memory_space<vmem>>, vector<16xf32>,
          %and3A_691 = arith.constant 7 : i32
          %and3A_692 = arith.andi %add3A_169, %and3A_691 : i32
          %broadcast_in_dim3A_693 = vector.broadcast %and3A_692 : i32 to vector<16xi32>
          %lt3A_694 = arith.constant 15 : i32
          %lt3A_695 = vector.broadcast %lt3A_694 : i32 to vector<16xi32>
          %lt3A_696 = arith.cmpi slt, %iota3A, %lt3A_695 : vector<16xi32>
          tpu.vector_store_idx %arg12[%broadcast_in_dim3A_693, %iota3A], %get3A_690 masked %lt3A_696 : memref<8x15xf32, #tpu.memory_space<vmem>>[vector<16xi32>, vector<16xi32>], vector<16xf32>, vector<16xi1>
          %mul3A_697 = arith.constant 8 : i32
          %mul3A_698 = arith.muli %shift_right_arithmetic3A_190, %mul3A_697 : i32
          %dma_start3A_699 = arith.constant 0 : i32
          %dma_start3A_700 = tpu.memref_slice %arg5[%mul3A_698, %dma_start3A_699] : memref<1000000x15xf32, #tpu.memory_space<hbm>> -> memref<8x15xf32, #tpu.memory_space<hbm>>
          %dma_start3A_701 = arith.constant 0 : i32
          %dma_start3A_702 = tpu.memref_slice %arg5[%mul3A_698, %dma_start3A_701] : memref<1000000x15xf32, #tpu.memory_space<hbm>> -> memref<8x15xf32, #tpu.memory_space<hbm>>
          tpu.enqueue_dma source(%arg12 : memref<8x15xf32, #tpu.memory_space<vmem>>) target(%dma_start3A_702 : memref<8x15xf32, #tpu.memory_space<hbm>>) target_semaphore(%arg49 : memref<!tpu.dma_semaphore, #tpu.memory_space<semaphore_mem>>)
        } else {
        }
        %convert_element_type3A_604 = arith.extui %and3A_488 : i1 to i32
        %cond3A_605 = arith.constant 0 : i32
        %cond3A_606 = arith.cmpi ne, %convert_element_type3A_604, %cond3A_605 : i32
        scf.if %cond3A_606 {
          %mul3A_679 = arith.constant 8 : i32
          %mul3A_680 = arith.muli %shift_right_arithmetic3A_192, %mul3A_679 : i32
          %dma_wait3A_681 = arith.constant 0 : i32
          %dma_wait3A_682 = tpu.memref_slice %arg5[%mul3A_680, %dma_wait3A_681] : memref<1000000x15xf32, #tpu.memory_space<hbm>> -> memref<8x15xf32, #tpu.memory_space<hbm>>
          %dma_wait3A_683 = arith.constant 0 : i32
          %dma_wait3A_684 = tpu.memref_slice %arg5[%mul3A_680, %dma_wait3A_683] : memref<1000000x15xf32, #tpu.memory_space<hbm>> -> memref<8x15xf32, #tpu.memory_space<hbm>>
          tpu.wait_dma2 semaphore(%arg34 : memref<!tpu.dma_semaphore, #tpu.memory_space<semaphore_mem>>) src(%dma_wait3A_684 : memref<8x15xf32, #tpu.memory_space<hbm>>) dst(%arg13 : memref<8x15xf32, #tpu.memory_space<vmem>>)
          %mul3A_685 = arith.constant 16 : i32
          %mul3A_686 = arith.muli %and3A_208, %mul3A_685 : i32
          %dma_wait3A_687 = tpu.memref_slice %arg4[%mul3A_686] : memref<524288xf32, #tpu.memory_space<hbm>> -> memref<16xf32, #tpu.memory_space<hbm>>
          %dma_wait3A_688 = tpu.memref_slice %arg4[%mul3A_686] : memref<524288xf32, #tpu.memory_space<hbm>> -> memref<16xf32, #tpu.memory_space<hbm>>
          tpu.wait_dma2 semaphore(%arg42 : memref<!tpu.dma_semaphore, #tpu.memory_space<semaphore_mem>>) src(%dma_wait3A_688 : memref<16xf32, #tpu.memory_space<hbm>>) dst(%arg21 : memref<16xf32, #tpu.memory_space<vmem>>)
          %get3A_689 = arith.constant 0 : index
          %get3A_690 = tpu.vector_load %arg21[%get3A_689] {strides = array<i32>} : memref<16xf32, #tpu.memory_space<vmem>>, vector<16xf32>,
          %and3A_691 = arith.constant 7 : i32
          %and3A_692 = arith.andi %add3A_172, %and3A_691 : i32
          %broadcast_in_dim3A_693 = vector.broadcast %and3A_692 : i32 to vector<16xi32>
          %lt3A_694 = arith.constant 15 : i32
          %lt3A_695 = vector.broadcast %lt3A_694 : i32 to vector<16xi32>
          %lt3A_696 = arith.cmpi slt, %iota3A, %lt3A_695 : vector<16xi32>
          tpu.vector_store_idx %arg13[%broadcast_in_dim3A_693, %iota3A], %get3A_690 masked %lt3A_696 : memref<8x15xf32, #tpu.memory_space<vmem>>[vector<16xi32>, vector<16xi32>], vector<16xf32>, vector<16xi1>
          %mul3A_697 = arith.constant 8 : i32
          %mul3A_698 = arith.muli %shift_right_arithmetic3A_192, %mul3A_697 : i32
          %dma_start3A_699 = arith.constant 0 : i32
          %dma_start3A_700 = tpu.memref_slice %arg5[%mul3A_698, %dma_start3A_699] : memref<1000000x15xf32, #tpu.memory_space<hbm>> -> memref<8x15xf32, #tpu.memory_space<hbm>>
          %dma_start3A_701 = arith.constant 0 : i32
          %dma_start3A_702 = tpu.memref_slice %arg5[%mul3A_698, %dma_start3A_701] : memref<1000000x15xf32, #tpu.memory_space<hbm>> -> memref<8x15xf32, #tpu.memory_space<hbm>>
          tpu.enqueue_dma source(%arg13 : memref<8x15xf32, #tpu.memory_space<vmem>>) target(%dma_start3A_702 : memref<8x15xf32, #tpu.memory_space<hbm>>) target_semaphore(%arg50 : memref<!tpu.dma_semaphore, #tpu.memory_space<semaphore_mem>>)
        } else {
        }
        %convert_element_type3A_607 = arith.extui %and3A_504 : i1 to i32
        %cond3A_608 = arith.constant 0 : i32
        %cond3A_609 = arith.cmpi ne, %convert_element_type3A_607, %cond3A_608 : i32
        scf.if %cond3A_609 {
          %mul3A_679 = arith.constant 8 : i32
          %mul3A_680 = arith.muli %shift_right_arithmetic3A_194, %mul3A_679 : i32
          %dma_wait3A_681 = arith.constant 0 : i32
          %dma_wait3A_682 = tpu.memref_slice %arg5[%mul3A_680, %dma_wait3A_681] : memref<1000000x15xf32, #tpu.memory_space<hbm>> -> memref<8x15xf32, #tpu.memory_space<hbm>>
          %dma_wait3A_683 = arith.constant 0 : i32
          %dma_wait3A_684 = tpu.memref_slice %arg5[%mul3A_680, %dma_wait3A_683] : memref<1000000x15xf32, #tpu.memory_space<hbm>> -> memref<8x15xf32, #tpu.memory_space<hbm>>
          tpu.wait_dma2 semaphore(%arg35 : memref<!tpu.dma_semaphore, #tpu.memory_space<semaphore_mem>>) src(%dma_wait3A_684 : memref<8x15xf32, #tpu.memory_space<hbm>>) dst(%arg14 : memref<8x15xf32, #tpu.memory_space<vmem>>)
          %mul3A_685 = arith.constant 16 : i32
          %mul3A_686 = arith.muli %and3A_210, %mul3A_685 : i32
          %dma_wait3A_687 = tpu.memref_slice %arg4[%mul3A_686] : memref<524288xf32, #tpu.memory_space<hbm>> -> memref<16xf32, #tpu.memory_space<hbm>>
          %dma_wait3A_688 = tpu.memref_slice %arg4[%mul3A_686] : memref<524288xf32, #tpu.memory_space<hbm>> -> memref<16xf32, #tpu.memory_space<hbm>>
          tpu.wait_dma2 semaphore(%arg43 : memref<!tpu.dma_semaphore, #tpu.memory_space<semaphore_mem>>) src(%dma_wait3A_688 : memref<16xf32, #tpu.memory_space<hbm>>) dst(%arg22 : memref<16xf32, #tpu.memory_space<vmem>>)
          %get3A_689 = arith.constant 0 : index
          %get3A_690 = tpu.vector_load %arg22[%get3A_689] {strides = array<i32>} : memref<16xf32, #tpu.memory_space<vmem>>, vector<16xf32>,
          %and3A_691 = arith.constant 7 : i32
          %and3A_692 = arith.andi %add3A_175, %and3A_691 : i32
          %broadcast_in_dim3A_693 = vector.broadcast %and3A_692 : i32 to vector<16xi32>
          %lt3A_694 = arith.constant 15 : i32
          %lt3A_695 = vector.broadcast %lt3A_694 : i32 to vector<16xi32>
          %lt3A_696 = arith.cmpi slt, %iota3A, %lt3A_695 : vector<16xi32>
          tpu.vector_store_idx %arg14[%broadcast_in_dim3A_693, %iota3A], %get3A_690 masked %lt3A_696 : memref<8x15xf32, #tpu.memory_space<vmem>>[vector<16xi32>, vector<16xi32>], vector<16xf32>, vector<16xi1>
          %mul3A_697 = arith.constant 8 : i32
          %mul3A_698 = arith.muli %shift_right_arithmetic3A_194, %mul3A_697 : i32
          %dma_start3A_699 = arith.constant 0 : i32
          %dma_start3A_700 = tpu.memref_slice %arg5[%mul3A_698, %dma_start3A_699] : memref<1000000x15xf32, #tpu.memory_space<hbm>> -> memref<8x15xf32, #tpu.memory_space<hbm>>
          %dma_start3A_701 = arith.constant 0 : i32
          %dma_start3A_702 = tpu.memref_slice %arg5[%mul3A_698, %dma_start3A_701] : memref<1000000x15xf32, #tpu.memory_space<hbm>> -> memref<8x15xf32, #tpu.memory_space<hbm>>
          tpu.enqueue_dma source(%arg14 : memref<8x15xf32, #tpu.memory_space<vmem>>) target(%dma_start3A_702 : memref<8x15xf32, #tpu.memory_space<hbm>>) target_semaphore(%arg51 : memref<!tpu.dma_semaphore, #tpu.memory_space<semaphore_mem>>)
        } else {
        }
        %convert_element_type3A_610 = arith.extui %and3A_523 : i1 to i32
        %cond3A_611 = arith.constant 0 : i32
        %cond3A_612 = arith.cmpi ne, %convert_element_type3A_610, %cond3A_611 : i32
        scf.if %cond3A_612 {
          %mul3A_679 = arith.constant 8 : i32
          %mul3A_680 = arith.muli %shift_right_arithmetic3A_196, %mul3A_679 : i32
          %dma_wait3A_681 = arith.constant 0 : i32
          %dma_wait3A_682 = tpu.memref_slice %arg5[%mul3A_680, %dma_wait3A_681] : memref<1000000x15xf32, #tpu.memory_space<hbm>> -> memref<8x15xf32, #tpu.memory_space<hbm>>
          %dma_wait3A_683 = arith.constant 0 : i32
          %dma_wait3A_684 = tpu.memref_slice %arg5[%mul3A_680, %dma_wait3A_683] : memref<1000000x15xf32, #tpu.memory_space<hbm>> -> memref<8x15xf32, #tpu.memory_space<hbm>>
          tpu.wait_dma2 semaphore(%arg36 : memref<!tpu.dma_semaphore, #tpu.memory_space<semaphore_mem>>) src(%dma_wait3A_684 : memref<8x15xf32, #tpu.memory_space<hbm>>) dst(%arg15 : memref<8x15xf32, #tpu.memory_space<vmem>>)
          %mul3A_685 = arith.constant 16 : i32
          %mul3A_686 = arith.muli %and3A_212, %mul3A_685 : i32
          %dma_wait3A_687 = tpu.memref_slice %arg4[%mul3A_686] : memref<524288xf32, #tpu.memory_space<hbm>> -> memref<16xf32, #tpu.memory_space<hbm>>
          %dma_wait3A_688 = tpu.memref_slice %arg4[%mul3A_686] : memref<524288xf32, #tpu.memory_space<hbm>> -> memref<16xf32, #tpu.memory_space<hbm>>
          tpu.wait_dma2 semaphore(%arg44 : memref<!tpu.dma_semaphore, #tpu.memory_space<semaphore_mem>>) src(%dma_wait3A_688 : memref<16xf32, #tpu.memory_space<hbm>>) dst(%arg23 : memref<16xf32, #tpu.memory_space<vmem>>)
          %get3A_689 = arith.constant 0 : index
          %get3A_690 = tpu.vector_load %arg23[%get3A_689] {strides = array<i32>} : memref<16xf32, #tpu.memory_space<vmem>>, vector<16xf32>,
          %and3A_691 = arith.constant 7 : i32
          %and3A_692 = arith.andi %add3A_178, %and3A_691 : i32
          %broadcast_in_dim3A_693 = vector.broadcast %and3A_692 : i32 to vector<16xi32>
          %lt3A_694 = arith.constant 15 : i32
          %lt3A_695 = vector.broadcast %lt3A_694 : i32 to vector<16xi32>
          %lt3A_696 = arith.cmpi slt, %iota3A, %lt3A_695 : vector<16xi32>
          tpu.vector_store_idx %arg15[%broadcast_in_dim3A_693, %iota3A], %get3A_690 masked %lt3A_696 : memref<8x15xf32, #tpu.memory_space<vmem>>[vector<16xi32>, vector<16xi32>], vector<16xf32>, vector<16xi1>
          %mul3A_697 = arith.constant 8 : i32
          %mul3A_698 = arith.muli %shift_right_arithmetic3A_196, %mul3A_697 : i32
          %dma_start3A_699 = arith.constant 0 : i32
          %dma_start3A_700 = tpu.memref_slice %arg5[%mul3A_698, %dma_start3A_699] : memref<1000000x15xf32, #tpu.memory_space<hbm>> -> memref<8x15xf32, #tpu.memory_space<hbm>>
          %dma_start3A_701 = arith.constant 0 : i32
          %dma_start3A_702 = tpu.memref_slice %arg5[%mul3A_698, %dma_start3A_701] : memref<1000000x15xf32, #tpu.memory_space<hbm>> -> memref<8x15xf32, #tpu.memory_space<hbm>>
          tpu.enqueue_dma source(%arg15 : memref<8x15xf32, #tpu.memory_space<vmem>>) target(%dma_start3A_702 : memref<8x15xf32, #tpu.memory_space<hbm>>) target_semaphore(%arg52 : memref<!tpu.dma_semaphore, #tpu.memory_space<semaphore_mem>>)
        } else {
        }
        %convert_element_type3A_613 = arith.extui %and3A_545 : i1 to i32
        %cond3A_614 = arith.constant 0 : i32
        %cond3A_615 = arith.cmpi ne, %convert_element_type3A_613, %cond3A_614 : i32
        scf.if %cond3A_615 {
          %mul3A_679 = arith.constant 8 : i32
          %mul3A_680 = arith.muli %shift_right_arithmetic3A_198, %mul3A_679 : i32
          %dma_wait3A_681 = arith.constant 0 : i32
          %dma_wait3A_682 = tpu.memref_slice %arg5[%mul3A_680, %dma_wait3A_681] : memref<1000000x15xf32, #tpu.memory_space<hbm>> -> memref<8x15xf32, #tpu.memory_space<hbm>>
          %dma_wait3A_683 = arith.constant 0 : i32
          %dma_wait3A_684 = tpu.memref_slice %arg5[%mul3A_680, %dma_wait3A_683] : memref<1000000x15xf32, #tpu.memory_space<hbm>> -> memref<8x15xf32, #tpu.memory_space<hbm>>
          tpu.wait_dma2 semaphore(%arg37 : memref<!tpu.dma_semaphore, #tpu.memory_space<semaphore_mem>>) src(%dma_wait3A_684 : memref<8x15xf32, #tpu.memory_space<hbm>>) dst(%arg16 : memref<8x15xf32, #tpu.memory_space<vmem>>)
          %mul3A_685 = arith.constant 16 : i32
          %mul3A_686 = arith.muli %and3A_214, %mul3A_685 : i32
          %dma_wait3A_687 = tpu.memref_slice %arg4[%mul3A_686] : memref<524288xf32, #tpu.memory_space<hbm>> -> memref<16xf32, #tpu.memory_space<hbm>>
          %dma_wait3A_688 = tpu.memref_slice %arg4[%mul3A_686] : memref<524288xf32, #tpu.memory_space<hbm>> -> memref<16xf32, #tpu.memory_space<hbm>>
          tpu.wait_dma2 semaphore(%arg45 : memref<!tpu.dma_semaphore, #tpu.memory_space<semaphore_mem>>) src(%dma_wait3A_688 : memref<16xf32, #tpu.memory_space<hbm>>) dst(%arg24 : memref<16xf32, #tpu.memory_space<vmem>>)
          %get3A_689 = arith.constant 0 : index
          %get3A_690 = tpu.vector_load %arg24[%get3A_689] {strides = array<i32>} : memref<16xf32, #tpu.memory_space<vmem>>, vector<16xf32>,
          %and3A_691 = arith.constant 7 : i32
          %and3A_692 = arith.andi %add3A_181, %and3A_691 : i32
          %broadcast_in_dim3A_693 = vector.broadcast %and3A_692 : i32 to vector<16xi32>
          %lt3A_694 = arith.constant 15 : i32
          %lt3A_695 = vector.broadcast %lt3A_694 : i32 to vector<16xi32>
          %lt3A_696 = arith.cmpi slt, %iota3A, %lt3A_695 : vector<16xi32>
          tpu.vector_store_idx %arg16[%broadcast_in_dim3A_693, %iota3A], %get3A_690 masked %lt3A_696 : memref<8x15xf32, #tpu.memory_space<vmem>>[vector<16xi32>, vector<16xi32>], vector<16xf32>, vector<16xi1>
          %mul3A_697 = arith.constant 8 : i32
          %mul3A_698 = arith.muli %shift_right_arithmetic3A_198, %mul3A_697 : i32
          %dma_start3A_699 = arith.constant 0 : i32
          %dma_start3A_700 = tpu.memref_slice %arg5[%mul3A_698, %dma_start3A_699] : memref<1000000x15xf32, #tpu.memory_space<hbm>> -> memref<8x15xf32, #tpu.memory_space<hbm>>
          %dma_start3A_701 = arith.constant 0 : i32
          %dma_start3A_702 = tpu.memref_slice %arg5[%mul3A_698, %dma_start3A_701] : memref<1000000x15xf32, #tpu.memory_space<hbm>> -> memref<8x15xf32, #tpu.memory_space<hbm>>
          tpu.enqueue_dma source(%arg16 : memref<8x15xf32, #tpu.memory_space<vmem>>) target(%dma_start3A_702 : memref<8x15xf32, #tpu.memory_space<hbm>>) target_semaphore(%arg53 : memref<!tpu.dma_semaphore, #tpu.memory_space<semaphore_mem>>)
        } else {
        }
        %convert_element_type3A_616 = arith.extui %and3A_570 : i1 to i32
        %cond3A_617 = arith.constant 0 : i32
        %cond3A_618 = arith.cmpi ne, %convert_element_type3A_616, %cond3A_617 : i32
        scf.if %cond3A_618 {
          %mul3A_679 = arith.constant 8 : i32
          %mul3A_680 = arith.muli %shift_right_arithmetic3A_200, %mul3A_679 : i32
          %dma_wait3A_681 = arith.constant 0 : i32
          %dma_wait3A_682 = tpu.memref_slice %arg5[%mul3A_680, %dma_wait3A_681] : memref<1000000x15xf32, #tpu.memory_space<hbm>> -> memref<8x15xf32, #tpu.memory_space<hbm>>
          %dma_wait3A_683 = arith.constant 0 : i32
          %dma_wait3A_684 = tpu.memref_slice %arg5[%mul3A_680, %dma_wait3A_683] : memref<1000000x15xf32, #tpu.memory_space<hbm>> -> memref<8x15xf32, #tpu.memory_space<hbm>>
          tpu.wait_dma2 semaphore(%arg38 : memref<!tpu.dma_semaphore, #tpu.memory_space<semaphore_mem>>) src(%dma_wait3A_684 : memref<8x15xf32, #tpu.memory_space<hbm>>) dst(%arg17 : memref<8x15xf32, #tpu.memory_space<vmem>>)
          %mul3A_685 = arith.constant 16 : i32
          %mul3A_686 = arith.muli %and3A_216, %mul3A_685 : i32
          %dma_wait3A_687 = tpu.memref_slice %arg4[%mul3A_686] : memref<524288xf32, #tpu.memory_space<hbm>> -> memref<16xf32, #tpu.memory_space<hbm>>
          %dma_wait3A_688 = tpu.memref_slice %arg4[%mul3A_686] : memref<524288xf32, #tpu.memory_space<hbm>> -> memref<16xf32, #tpu.memory_space<hbm>>
          tpu.wait_dma2 semaphore(%arg46 : memref<!tpu.dma_semaphore, #tpu.memory_space<semaphore_mem>>) src(%dma_wait3A_688 : memref<16xf32, #tpu.memory_space<hbm>>) dst(%arg25 : memref<16xf32, #tpu.memory_space<vmem>>)
          %get3A_689 = arith.constant 0 : index
          %get3A_690 = tpu.vector_load %arg25[%get3A_689] {strides = array<i32>} : memref<16xf32, #tpu.memory_space<vmem>>, vector<16xf32>,
          %and3A_691 = arith.constant 7 : i32
          %and3A_692 = arith.andi %add3A_184, %and3A_691 : i32
          %broadcast_in_dim3A_693 = vector.broadcast %and3A_692 : i32 to vector<16xi32>
          %lt3A_694 = arith.constant 15 : i32
          %lt3A_695 = vector.broadcast %lt3A_694 : i32 to vector<16xi32>
          %lt3A_696 = arith.cmpi slt, %iota3A, %lt3A_695 : vector<16xi32>
          tpu.vector_store_idx %arg17[%broadcast_in_dim3A_693, %iota3A], %get3A_690 masked %lt3A_696 : memref<8x15xf32, #tpu.memory_space<vmem>>[vector<16xi32>, vector<16xi32>], vector<16xf32>, vector<16xi1>
          %mul3A_697 = arith.constant 8 : i32
          %mul3A_698 = arith.muli %shift_right_arithmetic3A_200, %mul3A_697 : i32
          %dma_start3A_699 = arith.constant 0 : i32
          %dma_start3A_700 = tpu.memref_slice %arg5[%mul3A_698, %dma_start3A_699] : memref<1000000x15xf32, #tpu.memory_space<hbm>> -> memref<8x15xf32, #tpu.memory_space<hbm>>
          %dma_start3A_701 = arith.constant 0 : i32
          %dma_start3A_702 = tpu.memref_slice %arg5[%mul3A_698, %dma_start3A_701] : memref<1000000x15xf32, #tpu.memory_space<hbm>> -> memref<8x15xf32, #tpu.memory_space<hbm>>
          tpu.enqueue_dma source(%arg17 : memref<8x15xf32, #tpu.memory_space<vmem>>) target(%dma_start3A_702 : memref<8x15xf32, #tpu.memory_space<hbm>>) target_semaphore(%arg54 : memref<!tpu.dma_semaphore, #tpu.memory_space<semaphore_mem>>)
        } else {
        }
        %convert_element_type3A_619 = arith.extui %and3A_458 : i1 to i32
        %cond3A_620 = arith.constant 0 : i32
        %cond3A_621 = arith.cmpi ne, %convert_element_type3A_619, %cond3A_620 : i32
        scf.if %cond3A_621 {
          %mul3A_679 = arith.constant 8 : i32
          %mul3A_680 = arith.muli %shift_right_arithmetic3A_186, %mul3A_679 : i32
          %dma_wait3A_681 = arith.constant 0 : i32
          %dma_wait3A_682 = tpu.memref_slice %arg5[%mul3A_680, %dma_wait3A_681] : memref<1000000x15xf32, #tpu.memory_space<hbm>> -> memref<8x15xf32, #tpu.memory_space<hbm>>
          %dma_wait3A_683 = arith.constant 0 : i32
          %dma_wait3A_684 = tpu.memref_slice %arg5[%mul3A_680, %dma_wait3A_683] : memref<1000000x15xf32, #tpu.memory_space<hbm>> -> memref<8x15xf32, #tpu.memory_space<hbm>>
          tpu.wait_dma2 semaphore(%arg47 : memref<!tpu.dma_semaphore, #tpu.memory_space<semaphore_mem>>) src(%arg10 : memref<8x15xf32, #tpu.memory_space<vmem>>) dst(%dma_wait3A_684 : memref<8x15xf32, #tpu.memory_space<hbm>>)
        } else {
        }
        %convert_element_type3A_622 = arith.extui %and3A_465 : i1 to i32
        %cond3A_623 = arith.constant 0 : i32
        %cond3A_624 = arith.cmpi ne, %convert_element_type3A_622, %cond3A_623 : i32
        scf.if %cond3A_624 {
          %mul3A_679 = arith.constant 8 : i32
          %mul3A_680 = arith.muli %shift_right_arithmetic3A_188, %mul3A_679 : i32
          %dma_wait3A_681 = arith.constant 0 : i32
          %dma_wait3A_682 = tpu.memref_slice %arg5[%mul3A_680, %dma_wait3A_681] : memref<1000000x15xf32, #tpu.memory_space<hbm>> -> memref<8x15xf32, #tpu.memory_space<hbm>>
          %dma_wait3A_683 = arith.constant 0 : i32
          %dma_wait3A_684 = tpu.memref_slice %arg5[%mul3A_680, %dma_wait3A_683] : memref<1000000x15xf32, #tpu.memory_space<hbm>> -> memref<8x15xf32, #tpu.memory_space<hbm>>
          tpu.wait_dma2 semaphore(%arg48 : memref<!tpu.dma_semaphore, #tpu.memory_space<semaphore_mem>>) src(%arg11 : memref<8x15xf32, #tpu.memory_space<vmem>>) dst(%dma_wait3A_684 : memref<8x15xf32, #tpu.memory_space<hbm>>)
        } else {
        }
        %convert_element_type3A_625 = arith.extui %and3A_475 : i1 to i32
        %cond3A_626 = arith.constant 0 : i32
        %cond3A_627 = arith.cmpi ne, %convert_element_type3A_625, %cond3A_626 : i32
        scf.if %cond3A_627 {
          %mul3A_679 = arith.constant 8 : i32
          %mul3A_680 = arith.muli %shift_right_arithmetic3A_190, %mul3A_679 : i32
          %dma_wait3A_681 = arith.constant 0 : i32
          %dma_wait3A_682 = tpu.memref_slice %arg5[%mul3A_680, %dma_wait3A_681] : memref<1000000x15xf32, #tpu.memory_space<hbm>> -> memref<8x15xf32, #tpu.memory_space<hbm>>
          %dma_wait3A_683 = arith.constant 0 : i32
          %dma_wait3A_684 = tpu.memref_slice %arg5[%mul3A_680, %dma_wait3A_683] : memref<1000000x15xf32, #tpu.memory_space<hbm>> -> memref<8x15xf32, #tpu.memory_space<hbm>>
          tpu.wait_dma2 semaphore(%arg49 : memref<!tpu.dma_semaphore, #tpu.memory_space<semaphore_mem>>) src(%arg12 : memref<8x15xf32, #tpu.memory_space<vmem>>) dst(%dma_wait3A_684 : memref<8x15xf32, #tpu.memory_space<hbm>>)
        } else {
        }
        %convert_element_type3A_628 = arith.extui %and3A_488 : i1 to i32
        %cond3A_629 = arith.constant 0 : i32
        %cond3A_630 = arith.cmpi ne, %convert_element_type3A_628, %cond3A_629 : i32
        scf.if %cond3A_630 {
          %mul3A_679 = arith.constant 8 : i32
          %mul3A_680 = arith.muli %shift_right_arithmetic3A_192, %mul3A_679 : i32
          %dma_wait3A_681 = arith.constant 0 : i32
          %dma_wait3A_682 = tpu.memref_slice %arg5[%mul3A_680, %dma_wait3A_681] : memref<1000000x15xf32, #tpu.memory_space<hbm>> -> memref<8x15xf32, #tpu.memory_space<hbm>>
          %dma_wait3A_683 = arith.constant 0 : i32
          %dma_wait3A_684 = tpu.memref_slice %arg5[%mul3A_680, %dma_wait3A_683] : memref<1000000x15xf32, #tpu.memory_space<hbm>> -> memref<8x15xf32, #tpu.memory_space<hbm>>
          tpu.wait_dma2 semaphore(%arg50 : memref<!tpu.dma_semaphore, #tpu.memory_space<semaphore_mem>>) src(%arg13 : memref<8x15xf32, #tpu.memory_space<vmem>>) dst(%dma_wait3A_684 : memref<8x15xf32, #tpu.memory_space<hbm>>)
        } else {
        }
        %convert_element_type3A_631 = arith.extui %and3A_504 : i1 to i32
        %cond3A_632 = arith.constant 0 : i32
        %cond3A_633 = arith.cmpi ne, %convert_element_type3A_631, %cond3A_632 : i32
        scf.if %cond3A_633 {
          %mul3A_679 = arith.constant 8 : i32
          %mul3A_680 = arith.muli %shift_right_arithmetic3A_194, %mul3A_679 : i32
          %dma_wait3A_681 = arith.constant 0 : i32
          %dma_wait3A_682 = tpu.memref_slice %arg5[%mul3A_680, %dma_wait3A_681] : memref<1000000x15xf32, #tpu.memory_space<hbm>> -> memref<8x15xf32, #tpu.memory_space<hbm>>
          %dma_wait3A_683 = arith.constant 0 : i32
          %dma_wait3A_684 = tpu.memref_slice %arg5[%mul3A_680, %dma_wait3A_683] : memref<1000000x15xf32, #tpu.memory_space<hbm>> -> memref<8x15xf32, #tpu.memory_space<hbm>>
          tpu.wait_dma2 semaphore(%arg51 : memref<!tpu.dma_semaphore, #tpu.memory_space<semaphore_mem>>) src(%arg14 : memref<8x15xf32, #tpu.memory_space<vmem>>) dst(%dma_wait3A_684 : memref<8x15xf32, #tpu.memory_space<hbm>>)
        } else {
        }
        %convert_element_type3A_634 = arith.extui %and3A_523 : i1 to i32
        %cond3A_635 = arith.constant 0 : i32
        %cond3A_636 = arith.cmpi ne, %convert_element_type3A_634, %cond3A_635 : i32
        scf.if %cond3A_636 {
          %mul3A_679 = arith.constant 8 : i32
          %mul3A_680 = arith.muli %shift_right_arithmetic3A_196, %mul3A_679 : i32
          %dma_wait3A_681 = arith.constant 0 : i32
          %dma_wait3A_682 = tpu.memref_slice %arg5[%mul3A_680, %dma_wait3A_681] : memref<1000000x15xf32, #tpu.memory_space<hbm>> -> memref<8x15xf32, #tpu.memory_space<hbm>>
          %dma_wait3A_683 = arith.constant 0 : i32
          %dma_wait3A_684 = tpu.memref_slice %arg5[%mul3A_680, %dma_wait3A_683] : memref<1000000x15xf32, #tpu.memory_space<hbm>> -> memref<8x15xf32, #tpu.memory_space<hbm>>
          tpu.wait_dma2 semaphore(%arg52 : memref<!tpu.dma_semaphore, #tpu.memory_space<semaphore_mem>>) src(%arg15 : memref<8x15xf32, #tpu.memory_space<vmem>>) dst(%dma_wait3A_684 : memref<8x15xf32, #tpu.memory_space<hbm>>)
        } else {
        }
        %convert_element_type3A_637 = arith.extui %and3A_545 : i1 to i32
        %cond3A_638 = arith.constant 0 : i32
        %cond3A_639 = arith.cmpi ne, %convert_element_type3A_637, %cond3A_638 : i32
        scf.if %cond3A_639 {
          %mul3A_679 = arith.constant 8 : i32
          %mul3A_680 = arith.muli %shift_right_arithmetic3A_198, %mul3A_679 : i32
          %dma_wait3A_681 = arith.constant 0 : i32
          %dma_wait3A_682 = tpu.memref_slice %arg5[%mul3A_680, %dma_wait3A_681] : memref<1000000x15xf32, #tpu.memory_space<hbm>> -> memref<8x15xf32, #tpu.memory_space<hbm>>
          %dma_wait3A_683 = arith.constant 0 : i32
          %dma_wait3A_684 = tpu.memref_slice %arg5[%mul3A_680, %dma_wait3A_683] : memref<1000000x15xf32, #tpu.memory_space<hbm>> -> memref<8x15xf32, #tpu.memory_space<hbm>>
          tpu.wait_dma2 semaphore(%arg53 : memref<!tpu.dma_semaphore, #tpu.memory_space<semaphore_mem>>) src(%arg16 : memref<8x15xf32, #tpu.memory_space<vmem>>) dst(%dma_wait3A_684 : memref<8x15xf32, #tpu.memory_space<hbm>>)
        } else {
        }
        %convert_element_type3A_640 = arith.extui %and3A_570 : i1 to i32
        %cond3A_641 = arith.constant 0 : i32
        %cond3A_642 = arith.cmpi ne, %convert_element_type3A_640, %cond3A_641 : i32
        scf.if %cond3A_642 {
          %mul3A_679 = arith.constant 8 : i32
          %mul3A_680 = arith.muli %shift_right_arithmetic3A_200, %mul3A_679 : i32
          %dma_wait3A_681 = arith.constant 0 : i32
          %dma_wait3A_682 = tpu.memref_slice %arg5[%mul3A_680, %dma_wait3A_681] : memref<1000000x15xf32, #tpu.memory_space<hbm>> -> memref<8x15xf32, #tpu.memory_space<hbm>>
          %dma_wait3A_683 = arith.constant 0 : i32
          %dma_wait3A_684 = tpu.memref_slice %arg5[%mul3A_680, %dma_wait3A_683] : memref<1000000x15xf32, #tpu.memory_space<hbm>> -> memref<8x15xf32, #tpu.memory_space<hbm>>
          tpu.wait_dma2 semaphore(%arg54 : memref<!tpu.dma_semaphore, #tpu.memory_space<semaphore_mem>>) src(%arg17 : memref<8x15xf32, #tpu.memory_space<vmem>>) dst(%dma_wait3A_684 : memref<8x15xf32, #tpu.memory_space<hbm>>)
        } else {
        }
        %jit3A_643 = arith.constant 1 : i32
        %jit3A_644 = arith.constant 0 : i32
        %select_n3A_645 = arith.select %and3A_458, %jit3A_643, %jit3A_644 : i32
        %or3A_646 = arith.constant 0 : i32
        %or3A_647 = arith.ori %or3A_646, %select_n3A_645 : i32
        %jit3A_648 = arith.constant 2 : i32
        %jit3A_649 = arith.constant 0 : i32
        %select_n3A_650 = arith.select %and3A_465, %jit3A_648, %jit3A_649 : i32
        %or3A_651 = arith.ori %or3A_647, %select_n3A_650 : i32
        %jit3A_652 = arith.constant 4 : i32
        %jit3A_653 = arith.constant 0 : i32
        %select_n3A_654 = arith.select %and3A_475, %jit3A_652, %jit3A_653 : i32
        %or3A_655 = arith.ori %or3A_651, %select_n3A_654 : i32
        %jit3A_656 = arith.constant 8 : i32
        %jit3A_657 = arith.constant 0 : i32
        %select_n3A_658 = arith.select %and3A_488, %jit3A_656, %jit3A_657 : i32
        %or3A_659 = arith.ori %or3A_655, %select_n3A_658 : i32
        %jit3A_660 = arith.constant 16 : i32
        %jit3A_661 = arith.constant 0 : i32
        %select_n3A_662 = arith.select %and3A_504, %jit3A_660, %jit3A_661 : i32
        %or3A_663 = arith.ori %or3A_659, %select_n3A_662 : i32
        %jit3A_664 = arith.constant 32 : i32
        %jit3A_665 = arith.constant 0 : i32
        %select_n3A_666 = arith.select %and3A_523, %jit3A_664, %jit3A_665 : i32
        %or3A_667 = arith.ori %or3A_663, %select_n3A_666 : i32
        %jit3A_668 = arith.constant 64 : i32
        %jit3A_669 = arith.constant 0 : i32
        %select_n3A_670 = arith.select %and3A_545, %jit3A_668, %jit3A_669 : i32
        %or3A_671 = arith.ori %or3A_667, %select_n3A_670 : i32
        %jit3A_672 = arith.constant 128 : i32
        %jit3A_673 = arith.constant 0 : i32
        %select_n3A_674 = arith.select %and3A_570, %jit3A_672, %jit3A_673 : i32
        %or3A_675 = arith.ori %or3A_671, %select_n3A_674 : i32
        %not3A_676 = arith.constant -1 : i32
        %not3A_677 = arith.xori %or3A_675, %not3A_676 : i32
        %and3A_678 = arith.andi %while3A_408, %not3A_677 : i32
        scf.yield %and3A_678 : i32
      }
      %slice3A_273 = vector.extract_strided_slice %get3A_141 {offsets = [8], sizes = [8], strides = [1]} : vector<16xi32> to vector<8xi32>
      %mul3A_274 = arith.constant 16 : i32
      %mul3A_275 = arith.muli %while3A_133, %mul3A_274 : i32
      %add3A_276 = arith.constant 8 : i32
      %add3A_277 = arith.addi %mul3A_275, %add3A_276 : i32
      %slice3A_278 = vector.extract_strided_slice %slice3A_273 {offsets = [0], sizes = [1], strides = [1]} : vector<8xi32> to vector<1xi32>
      %squeeze3A_279 = vector.extract %slice3A_278[0] : i32 from vector<1xi32>
      %slice3A_280 = vector.extract_strided_slice %slice3A_273 {offsets = [1], sizes = [1], strides = [1]} : vector<8xi32> to vector<1xi32>
      %squeeze3A_281 = vector.extract %slice3A_280[0] : i32 from vector<1xi32>
      %slice3A_282 = vector.extract_strided_slice %slice3A_273 {offsets = [2], sizes = [1], strides = [1]} : vector<8xi32> to vector<1xi32>
      %squeeze3A_283 = vector.extract %slice3A_282[0] : i32 from vector<1xi32>
      %slice3A_284 = vector.extract_strided_slice %slice3A_273 {offsets = [3], sizes = [1], strides = [1]} : vector<8xi32> to vector<1xi32>
      %squeeze3A_285 = vector.extract %slice3A_284[0] : i32 from vector<1xi32>
      %slice3A_286 = vector.extract_strided_slice %slice3A_273 {offsets = [4], sizes = [1], strides = [1]} : vector<8xi32> to vector<1xi32>
      %squeeze3A_287 = vector.extract %slice3A_286[0] : i32 from vector<1xi32>
      %slice3A_288 = vector.extract_strided_slice %slice3A_273 {offsets = [5], sizes = [1], strides = [1]} : vector<8xi32> to vector<1xi32>
      %squeeze3A_289 = vector.extract %slice3A_288[0] : i32 from vector<1xi32>
      %slice3A_290 = vector.extract_strided_slice %slice3A_273 {offsets = [6], sizes = [1], strides = [1]} : vector<8xi32> to vector<1xi32>
      %squeeze3A_291 = vector.extract %slice3A_290[0] : i32 from vector<1xi32>
      %slice3A_292 = vector.extract_strided_slice %slice3A_273 {offsets = [7], sizes = [1], strides = [1]} : vector<8xi32> to vector<1xi32>
      %squeeze3A_293 = vector.extract %slice3A_292[0] : i32 from vector<1xi32>
      %shift_right_arithmetic3A_294 = arith.constant 16 : i32
      %shift_right_arithmetic3A_295 = arith.shrsi %squeeze3A_279, %shift_right_arithmetic3A_294 : i32
      %add3A_296 = arith.addi %mul3A_20, %shift_right_arithmetic3A_295 : i32
      %shift_right_arithmetic3A_297 = arith.constant 16 : i32
      %shift_right_arithmetic3A_298 = arith.shrsi %squeeze3A_281, %shift_right_arithmetic3A_297 : i32
      %add3A_299 = arith.addi %mul3A_20, %shift_right_arithmetic3A_298 : i32
      %shift_right_arithmetic3A_300 = arith.constant 16 : i32
      %shift_right_arithmetic3A_301 = arith.shrsi %squeeze3A_283, %shift_right_arithmetic3A_300 : i32
      %add3A_302 = arith.addi %mul3A_20, %shift_right_arithmetic3A_301 : i32
      %shift_right_arithmetic3A_303 = arith.constant 16 : i32
      %shift_right_arithmetic3A_304 = arith.shrsi %squeeze3A_285, %shift_right_arithmetic3A_303 : i32
      %add3A_305 = arith.addi %mul3A_20, %shift_right_arithmetic3A_304 : i32
      %shift_right_arithmetic3A_306 = arith.constant 16 : i32
      %shift_right_arithmetic3A_307 = arith.shrsi %squeeze3A_287, %shift_right_arithmetic3A_306 : i32
      %add3A_308 = arith.addi %mul3A_20, %shift_right_arithmetic3A_307 : i32
      %shift_right_arithmetic3A_309 = arith.constant 16 : i32
      %shift_right_arithmetic3A_310 = arith.shrsi %squeeze3A_289, %shift_right_arithmetic3A_309 : i32
      %add3A_311 = arith.addi %mul3A_20, %shift_right_arithmetic3A_310 : i32
      %shift_right_arithmetic3A_312 = arith.constant 16 : i32
      %shift_right_arithmetic3A_313 = arith.shrsi %squeeze3A_291, %shift_right_arithmetic3A_312 : i32
      %add3A_314 = arith.addi %mul3A_20, %shift_right_arithmetic3A_313 : i32
      %shift_right_arithmetic3A_315 = arith.constant 16 : i32
      %shift_right_arithmetic3A_316 = arith.shrsi %squeeze3A_293, %shift_right_arithmetic3A_315 : i32
      %add3A_317 = arith.addi %mul3A_20, %shift_right_arithmetic3A_316 : i32
      %shift_right_arithmetic3A_318 = arith.constant 3 : i32
      %shift_right_arithmetic3A_319 = arith.shrsi %add3A_296, %shift_right_arithmetic3A_318 : i32
      %shift_right_arithmetic3A_320 = arith.constant 3 : i32
      %shift_right_arithmetic3A_321 = arith.shrsi %add3A_299, %shift_right_arithmetic3A_320 : i32
      %shift_right_arithmetic3A_322 = arith.constant 3 : i32
      %shift_right_arithmetic3A_323 = arith.shrsi %add3A_302, %shift_right_arithmetic3A_322 : i32
      %shift_right_arithmetic3A_324 = arith.constant 3 : i32
      %shift_right_arithmetic3A_325 = arith.shrsi %add3A_305, %shift_right_arithmetic3A_324 : i32
      %shift_right_arithmetic3A_326 = arith.constant 3 : i32
      %shift_right_arithmetic3A_327 = arith.shrsi %add3A_308, %shift_right_arithmetic3A_326 : i32
      %shift_right_arithmetic3A_328 = arith.constant 3 : i32
      %shift_right_arithmetic3A_329 = arith.shrsi %add3A_311, %shift_right_arithmetic3A_328 : i32
      %shift_right_arithmetic3A_330 = arith.constant 3 : i32
      %shift_right_arithmetic3A_331 = arith.shrsi %add3A_314, %shift_right_arithmetic3A_330 : i32
      %shift_right_arithmetic3A_332 = arith.constant 3 : i32
      %shift_right_arithmetic3A_333 = arith.shrsi %add3A_317, %shift_right_arithmetic3A_332 : i32
      %and3A_334 = arith.constant 65535 : i32
      %and3A_335 = arith.andi %squeeze3A_279, %and3A_334 : i32
      %and3A_336 = arith.constant 65535 : i32
      %and3A_337 = arith.andi %squeeze3A_281, %and3A_336 : i32
      %and3A_338 = arith.constant 65535 : i32
      %and3A_339 = arith.andi %squeeze3A_283, %and3A_338 : i32
      %and3A_340 = arith.constant 65535 : i32
      %and3A_341 = arith.andi %squeeze3A_285, %and3A_340 : i32
      %and3A_342 = arith.constant 65535 : i32
      %and3A_343 = arith.andi %squeeze3A_287, %and3A_342 : i32
      %and3A_344 = arith.constant 65535 : i32
      %and3A_345 = arith.andi %squeeze3A_289, %and3A_344 : i32
      %and3A_346 = arith.constant 65535 : i32
      %and3A_347 = arith.andi %squeeze3A_291, %and3A_346 : i32
      %and3A_348 = arith.constant 65535 : i32
      %and3A_349 = arith.andi %squeeze3A_293, %and3A_348 : i32
      %add3A_350 = arith.constant 0 : i32
      %add3A_351 = arith.addi %add3A_277, %add3A_350 : i32
      %lt3A_352 = arith.cmpi slt, %add3A_351, %squeeze3A : i32
      %add3A_353 = arith.constant 1 : i32
      %add3A_354 = arith.addi %add3A_277, %add3A_353 : i32
      %lt3A_355 = arith.cmpi slt, %add3A_354, %squeeze3A : i32
      %add3A_356 = arith.constant 2 : i32
      %add3A_357 = arith.addi %add3A_277, %add3A_356 : i32
      %lt3A_358 = arith.cmpi slt, %add3A_357, %squeeze3A : i32
      %add3A_359 = arith.constant 3 : i32
      %add3A_360 = arith.addi %add3A_277, %add3A_359 : i32
      %lt3A_361 = arith.cmpi slt, %add3A_360, %squeeze3A : i32
      %add3A_362 = arith.constant 4 : i32
      %add3A_363 = arith.addi %add3A_277, %add3A_362 : i32
      %lt3A_364 = arith.cmpi slt, %add3A_363, %squeeze3A : i32
      %add3A_365 = arith.constant 5 : i32
      %add3A_366 = arith.addi %add3A_277, %add3A_365 : i32
      %lt3A_367 = arith.cmpi slt, %add3A_366, %squeeze3A : i32
      %add3A_368 = arith.constant 6 : i32
      %add3A_369 = arith.addi %add3A_277, %add3A_368 : i32
      %lt3A_370 = arith.cmpi slt, %add3A_369, %squeeze3A : i32
      %add3A_371 = arith.constant 7 : i32
      %add3A_372 = arith.addi %add3A_277, %add3A_371 : i32
      %lt3A_373 = arith.cmpi slt, %add3A_372, %squeeze3A : i32
      %jit3A_374 = arith.constant 1 : i32
      %jit3A_375 = arith.constant 0 : i32
      %select_n3A_376 = arith.select %lt3A_352, %jit3A_374, %jit3A_375 : i32
      %or3A_377 = arith.constant 0 : i32
      %or3A_378 = arith.ori %or3A_377, %select_n3A_376 : i32
      %jit3A_379 = arith.constant 2 : i32
      %jit3A_380 = arith.constant 0 : i32
      %select_n3A_381 = arith.select %lt3A_355, %jit3A_379, %jit3A_380 : i32
      %or3A_382 = arith.ori %or3A_378, %select_n3A_381 : i32
      %jit3A_383 = arith.constant 4 : i32
      %jit3A_384 = arith.constant 0 : i32
      %select_n3A_385 = arith.select %lt3A_358, %jit3A_383, %jit3A_384 : i32
      %or3A_386 = arith.ori %or3A_382, %select_n3A_385 : i32
      %jit3A_387 = arith.constant 8 : i32
      %jit3A_388 = arith.constant 0 : i32
      %select_n3A_389 = arith.select %lt3A_361, %jit3A_387, %jit3A_388 : i32
      %or3A_390 = arith.ori %or3A_386, %select_n3A_389 : i32
      %jit3A_391 = arith.constant 16 : i32
      %jit3A_392 = arith.constant 0 : i32
      %select_n3A_393 = arith.select %lt3A_364, %jit3A_391, %jit3A_392 : i32
      %or3A_394 = arith.ori %or3A_390, %select_n3A_393 : i32
      %jit3A_395 = arith.constant 32 : i32
      %jit3A_396 = arith.constant 0 : i32
      %select_n3A_397 = arith.select %lt3A_367, %jit3A_395, %jit3A_396 : i32
      %or3A_398 = arith.ori %or3A_394, %select_n3A_397 : i32
      %jit3A_399 = arith.constant 64 : i32
      %jit3A_400 = arith.constant 0 : i32
      %select_n3A_401 = arith.select %lt3A_370, %jit3A_399, %jit3A_400 : i32
      %or3A_402 = arith.ori %or3A_398, %select_n3A_401 : i32
      %jit3A_403 = arith.constant 128 : i32
      %jit3A_404 = arith.constant 0 : i32
      %select_n3A_405 = arith.select %lt3A_373, %jit3A_403, %jit3A_404 : i32
      %or3A_406 = arith.ori %or3A_402, %select_n3A_405 : i32
      %while3A_407 = scf.while (%while3A_408 = %or3A_406) : (i32) -> i32 {
        %ne3A_409 = arith.constant 0 : i32
        %ne3A_410 = arith.cmpi ne, %while3A_408, %ne3A_409 : i32
        scf.condition(%ne3A_410) %while3A_408 : i32
      } do {
      ^bb0(%while3A_408: i32):
        %shift_right_arithmetic3A_409 = arith.constant 0 : i32
        %shift_right_arithmetic3A_410 = arith.shrsi %while3A_408, %shift_right_arithmetic3A_409 : i32
        %and3A_411 = arith.constant 1 : i32
        %and3A_412 = arith.andi %shift_right_arithmetic3A_410, %and3A_411 : i32
        %eq3A = arith.constant 1 : i32
        %eq3A_413 = arith.cmpi eq, %and3A_412, %eq3A : i32
        %shift_right_arithmetic3A_414 = arith.constant 1 : i32
        %shift_right_arithmetic3A_415 = arith.shrsi %while3A_408, %shift_right_arithmetic3A_414 : i32
        %and3A_416 = arith.constant 1 : i32
        %and3A_417 = arith.andi %shift_right_arithmetic3A_415, %and3A_416 : i32
        %eq3A_418 = arith.constant 1 : i32
        %eq3A_419 = arith.cmpi eq, %and3A_417, %eq3A_418 : i32
        %shift_right_arithmetic3A_420 = arith.constant 2 : i32
        %shift_right_arithmetic3A_421 = arith.shrsi %while3A_408, %shift_right_arithmetic3A_420 : i32
        %and3A_422 = arith.constant 1 : i32
        %and3A_423 = arith.andi %shift_right_arithmetic3A_421, %and3A_422 : i32
        %eq3A_424 = arith.constant 1 : i32
        %eq3A_425 = arith.cmpi eq, %and3A_423, %eq3A_424 : i32
        %shift_right_arithmetic3A_426 = arith.constant 3 : i32
        %shift_right_arithmetic3A_427 = arith.shrsi %while3A_408, %shift_right_arithmetic3A_426 : i32
        %and3A_428 = arith.constant 1 : i32
        %and3A_429 = arith.andi %shift_right_arithmetic3A_427, %and3A_428 : i32
        %eq3A_430 = arith.constant 1 : i32
        %eq3A_431 = arith.cmpi eq, %and3A_429, %eq3A_430 : i32
        %shift_right_arithmetic3A_432 = arith.constant 4 : i32
        %shift_right_arithmetic3A_433 = arith.shrsi %while3A_408, %shift_right_arithmetic3A_432 : i32
        %and3A_434 = arith.constant 1 : i32
        %and3A_435 = arith.andi %shift_right_arithmetic3A_433, %and3A_434 : i32
        %eq3A_436 = arith.constant 1 : i32
        %eq3A_437 = arith.cmpi eq, %and3A_435, %eq3A_436 : i32
        %shift_right_arithmetic3A_438 = arith.constant 5 : i32
        %shift_right_arithmetic3A_439 = arith.shrsi %while3A_408, %shift_right_arithmetic3A_438 : i32
        %and3A_440 = arith.constant 1 : i32
        %and3A_441 = arith.andi %shift_right_arithmetic3A_439, %and3A_440 : i32
        %eq3A_442 = arith.constant 1 : i32
        %eq3A_443 = arith.cmpi eq, %and3A_441, %eq3A_442 : i32
        %shift_right_arithmetic3A_444 = arith.constant 6 : i32
        %shift_right_arithmetic3A_445 = arith.shrsi %while3A_408, %shift_right_arithmetic3A_444 : i32
        %and3A_446 = arith.constant 1 : i32
        %and3A_447 = arith.andi %shift_right_arithmetic3A_445, %and3A_446 : i32
        %eq3A_448 = arith.constant 1 : i32
        %eq3A_449 = arith.cmpi eq, %and3A_447, %eq3A_448 : i32
        %shift_right_arithmetic3A_450 = arith.constant 7 : i32
        %shift_right_arithmetic3A_451 = arith.shrsi %while3A_408, %shift_right_arithmetic3A_450 : i32
        %and3A_452 = arith.constant 1 : i32
        %and3A_453 = arith.andi %shift_right_arithmetic3A_451, %and3A_452 : i32
        %eq3A_454 = arith.constant 1 : i32
        %eq3A_455 = arith.cmpi eq, %and3A_453, %eq3A_454 : i32
        %not3A = arith.constant false
        %not3A_456 = arith.constant true
        %not3A_457 = arith.xori %not3A, %not3A_456 : i1
        %and3A_458 = arith.andi %eq3A_413, %not3A_457 : i1
        %eq3A_459 = arith.cmpi eq, %shift_right_arithmetic3A_319, %shift_right_arithmetic3A_321 : i32
        %and3A_460 = arith.andi %eq3A_413, %eq3A_459 : i1
        %or3A_461 = arith.constant false
        %or3A_462 = arith.ori %or3A_461, %and3A_460 : i1
        %not3A_463 = arith.constant true
        %not3A_464 = arith.xori %or3A_462, %not3A_463 : i1
        %and3A_465 = arith.andi %eq3A_419, %not3A_464 : i1
        %eq3A_466 = arith.cmpi eq, %shift_right_arithmetic3A_319, %shift_right_arithmetic3A_323 : i32
        %and3A_467 = arith.andi %eq3A_413, %eq3A_466 : i1
        %or3A_468 = arith.constant false
        %or3A_469 = arith.ori %or3A_468, %and3A_467 : i1
        %eq3A_470 = arith.cmpi eq, %shift_right_arithmetic3A_321, %shift_right_arithmetic3A_323 : i32
        %and3A_471 = arith.andi %eq3A_419, %eq3A_470 : i1
        %or3A_472 = arith.ori %or3A_469, %and3A_471 : i1
        %not3A_473 = arith.constant true
        %not3A_474 = arith.xori %or3A_472, %not3A_473 : i1
        %and3A_475 = arith.andi %eq3A_425, %not3A_474 : i1
        %eq3A_476 = arith.cmpi eq, %shift_right_arithmetic3A_319, %shift_right_arithmetic3A_325 : i32
        %and3A_477 = arith.andi %eq3A_413, %eq3A_476 : i1
        %or3A_478 = arith.constant false
        %or3A_479 = arith.ori %or3A_478, %and3A_477 : i1
        %eq3A_480 = arith.cmpi eq, %shift_right_arithmetic3A_321, %shift_right_arithmetic3A_325 : i32
        %and3A_481 = arith.andi %eq3A_419, %eq3A_480 : i1
        %or3A_482 = arith.ori %or3A_479, %and3A_481 : i1
        %eq3A_483 = arith.cmpi eq, %shift_right_arithmetic3A_323, %shift_right_arithmetic3A_325 : i32
        %and3A_484 = arith.andi %eq3A_425, %eq3A_483 : i1
        %or3A_485 = arith.ori %or3A_482, %and3A_484 : i1
        %not3A_486 = arith.constant true
        %not3A_487 = arith.xori %or3A_485, %not3A_486 : i1
        %and3A_488 = arith.andi %eq3A_431, %not3A_487 : i1
        %eq3A_489 = arith.cmpi eq, %shift_right_arithmetic3A_319, %shift_right_arithmetic3A_327 : i32
        %and3A_490 = arith.andi %eq3A_413, %eq3A_489 : i1
        %or3A_491 = arith.constant false
        %or3A_492 = arith.ori %or3A_491, %and3A_490 : i1
        %eq3A_493 = arith.cmpi eq, %shift_right_arithmetic3A_321, %shift_right_arithmetic3A_327 : i32
        %and3A_494 = arith.andi %eq3A_419, %eq3A_493 : i1
        %or3A_495 = arith.ori %or3A_492, %and3A_494 : i1
        %eq3A_496 = arith.cmpi eq, %shift_right_arithmetic3A_323, %shift_right_arithmetic3A_327 : i32
        %and3A_497 = arith.andi %eq3A_425, %eq3A_496 : i1
        %or3A_498 = arith.ori %or3A_495, %and3A_497 : i1
        %eq3A_499 = arith.cmpi eq, %shift_right_arithmetic3A_325, %shift_right_arithmetic3A_327 : i32
        %and3A_500 = arith.andi %eq3A_431, %eq3A_499 : i1
        %or3A_501 = arith.ori %or3A_498, %and3A_500 : i1
        %not3A_502 = arith.constant true
        %not3A_503 = arith.xori %or3A_501, %not3A_502 : i1
        %and3A_504 = arith.andi %eq3A_437, %not3A_503 : i1
        %eq3A_505 = arith.cmpi eq, %shift_right_arithmetic3A_319, %shift_right_arithmetic3A_329 : i32
        %and3A_506 = arith.andi %eq3A_413, %eq3A_505 : i1
        %or3A_507 = arith.constant false
        %or3A_508 = arith.ori %or3A_507, %and3A_506 : i1
        %eq3A_509 = arith.cmpi eq, %shift_right_arithmetic3A_321, %shift_right_arithmetic3A_329 : i32
        %and3A_510 = arith.andi %eq3A_419, %eq3A_509 : i1
        %or3A_511 = arith.ori %or3A_508, %and3A_510 : i1
        %eq3A_512 = arith.cmpi eq, %shift_right_arithmetic3A_323, %shift_right_arithmetic3A_329 : i32
        %and3A_513 = arith.andi %eq3A_425, %eq3A_512 : i1
        %or3A_514 = arith.ori %or3A_511, %and3A_513 : i1
        %eq3A_515 = arith.cmpi eq, %shift_right_arithmetic3A_325, %shift_right_arithmetic3A_329 : i32
        %and3A_516 = arith.andi %eq3A_431, %eq3A_515 : i1
        %or3A_517 = arith.ori %or3A_514, %and3A_516 : i1
        %eq3A_518 = arith.cmpi eq, %shift_right_arithmetic3A_327, %shift_right_arithmetic3A_329 : i32
        %and3A_519 = arith.andi %eq3A_437, %eq3A_518 : i1
        %or3A_520 = arith.ori %or3A_517, %and3A_519 : i1
        %not3A_521 = arith.constant true
        %not3A_522 = arith.xori %or3A_520, %not3A_521 : i1
        %and3A_523 = arith.andi %eq3A_443, %not3A_522 : i1
        %eq3A_524 = arith.cmpi eq, %shift_right_arithmetic3A_319, %shift_right_arithmetic3A_331 : i32
        %and3A_525 = arith.andi %eq3A_413, %eq3A_524 : i1
        %or3A_526 = arith.constant false
        %or3A_527 = arith.ori %or3A_526, %and3A_525 : i1
        %eq3A_528 = arith.cmpi eq, %shift_right_arithmetic3A_321, %shift_right_arithmetic3A_331 : i32
        %and3A_529 = arith.andi %eq3A_419, %eq3A_528 : i1
        %or3A_530 = arith.ori %or3A_527, %and3A_529 : i1
        %eq3A_531 = arith.cmpi eq, %shift_right_arithmetic3A_323, %shift_right_arithmetic3A_331 : i32
        %and3A_532 = arith.andi %eq3A_425, %eq3A_531 : i1
        %or3A_533 = arith.ori %or3A_530, %and3A_532 : i1
        %eq3A_534 = arith.cmpi eq, %shift_right_arithmetic3A_325, %shift_right_arithmetic3A_331 : i32
        %and3A_535 = arith.andi %eq3A_431, %eq3A_534 : i1
        %or3A_536 = arith.ori %or3A_533, %and3A_535 : i1
        %eq3A_537 = arith.cmpi eq, %shift_right_arithmetic3A_327, %shift_right_arithmetic3A_331 : i32
        %and3A_538 = arith.andi %eq3A_437, %eq3A_537 : i1
        %or3A_539 = arith.ori %or3A_536, %and3A_538 : i1
        %eq3A_540 = arith.cmpi eq, %shift_right_arithmetic3A_329, %shift_right_arithmetic3A_331 : i32
        %and3A_541 = arith.andi %eq3A_443, %eq3A_540 : i1
        %or3A_542 = arith.ori %or3A_539, %and3A_541 : i1
        %not3A_543 = arith.constant true
        %not3A_544 = arith.xori %or3A_542, %not3A_543 : i1
        %and3A_545 = arith.andi %eq3A_449, %not3A_544 : i1
        %eq3A_546 = arith.cmpi eq, %shift_right_arithmetic3A_319, %shift_right_arithmetic3A_333 : i32
        %and3A_547 = arith.andi %eq3A_413, %eq3A_546 : i1
        %or3A_548 = arith.constant false
        %or3A_549 = arith.ori %or3A_548, %and3A_547 : i1
        %eq3A_550 = arith.cmpi eq, %shift_right_arithmetic3A_321, %shift_right_arithmetic3A_333 : i32
        %and3A_551 = arith.andi %eq3A_419, %eq3A_550 : i1
        %or3A_552 = arith.ori %or3A_549, %and3A_551 : i1
        %eq3A_553 = arith.cmpi eq, %shift_right_arithmetic3A_323, %shift_right_arithmetic3A_333 : i32
        %and3A_554 = arith.andi %eq3A_425, %eq3A_553 : i1
        %or3A_555 = arith.ori %or3A_552, %and3A_554 : i1
        %eq3A_556 = arith.cmpi eq, %shift_right_arithmetic3A_325, %shift_right_arithmetic3A_333 : i32
        %and3A_557 = arith.andi %eq3A_431, %eq3A_556 : i1
        %or3A_558 = arith.ori %or3A_555, %and3A_557 : i1
        %eq3A_559 = arith.cmpi eq, %shift_right_arithmetic3A_327, %shift_right_arithmetic3A_333 : i32
        %and3A_560 = arith.andi %eq3A_437, %eq3A_559 : i1
        %or3A_561 = arith.ori %or3A_558, %and3A_560 : i1
        %eq3A_562 = arith.cmpi eq, %shift_right_arithmetic3A_329, %shift_right_arithmetic3A_333 : i32
        %and3A_563 = arith.andi %eq3A_443, %eq3A_562 : i1
        %or3A_564 = arith.ori %or3A_561, %and3A_563 : i1
        %eq3A_565 = arith.cmpi eq, %shift_right_arithmetic3A_331, %shift_right_arithmetic3A_333 : i32
        %and3A_566 = arith.andi %eq3A_449, %eq3A_565 : i1
        %or3A_567 = arith.ori %or3A_564, %and3A_566 : i1
        %not3A_568 = arith.constant true
        %not3A_569 = arith.xori %or3A_567, %not3A_568 : i1
        %and3A_570 = arith.andi %eq3A_455, %not3A_569 : i1
        %convert_element_type3A_571 = arith.extui %and3A_458 : i1 to i32
        %cond3A_572 = arith.constant 0 : i32
        %cond3A_573 = arith.cmpi ne, %convert_element_type3A_571, %cond3A_572 : i32
        scf.if %cond3A_573 {
          %mul3A_679 = arith.constant 8 : i32
          %mul3A_680 = arith.muli %shift_right_arithmetic3A_319, %mul3A_679 : i32
          %dma_start3A_681 = arith.constant 0 : i32
          %dma_start3A_682 = tpu.memref_slice %arg5[%mul3A_680, %dma_start3A_681] : memref<1000000x15xf32, #tpu.memory_space<hbm>> -> memref<8x15xf32, #tpu.memory_space<hbm>>
          %dma_start3A_683 = arith.constant 0 : i32
          %dma_start3A_684 = tpu.memref_slice %arg5[%mul3A_680, %dma_start3A_683] : memref<1000000x15xf32, #tpu.memory_space<hbm>> -> memref<8x15xf32, #tpu.memory_space<hbm>>
          tpu.enqueue_dma source(%dma_start3A_684 : memref<8x15xf32, #tpu.memory_space<hbm>>) target(%arg10 : memref<8x15xf32, #tpu.memory_space<vmem>>) target_semaphore(%arg31 : memref<!tpu.dma_semaphore, #tpu.memory_space<semaphore_mem>>)
          %mul3A_685 = arith.constant 16 : i32
          %mul3A_686 = arith.muli %and3A_335, %mul3A_685 : i32
          %dma_start3A_687 = tpu.memref_slice %arg4[%mul3A_686] : memref<524288xf32, #tpu.memory_space<hbm>> -> memref<16xf32, #tpu.memory_space<hbm>>
          %dma_start3A_688 = tpu.memref_slice %arg4[%mul3A_686] : memref<524288xf32, #tpu.memory_space<hbm>> -> memref<16xf32, #tpu.memory_space<hbm>>
          tpu.enqueue_dma source(%dma_start3A_688 : memref<16xf32, #tpu.memory_space<hbm>>) target(%arg18 : memref<16xf32, #tpu.memory_space<vmem>>) target_semaphore(%arg39 : memref<!tpu.dma_semaphore, #tpu.memory_space<semaphore_mem>>)
        } else {
        }
        %convert_element_type3A_574 = arith.extui %and3A_465 : i1 to i32
        %cond3A_575 = arith.constant 0 : i32
        %cond3A_576 = arith.cmpi ne, %convert_element_type3A_574, %cond3A_575 : i32
        scf.if %cond3A_576 {
          %mul3A_679 = arith.constant 8 : i32
          %mul3A_680 = arith.muli %shift_right_arithmetic3A_321, %mul3A_679 : i32
          %dma_start3A_681 = arith.constant 0 : i32
          %dma_start3A_682 = tpu.memref_slice %arg5[%mul3A_680, %dma_start3A_681] : memref<1000000x15xf32, #tpu.memory_space<hbm>> -> memref<8x15xf32, #tpu.memory_space<hbm>>
          %dma_start3A_683 = arith.constant 0 : i32
          %dma_start3A_684 = tpu.memref_slice %arg5[%mul3A_680, %dma_start3A_683] : memref<1000000x15xf32, #tpu.memory_space<hbm>> -> memref<8x15xf32, #tpu.memory_space<hbm>>
          tpu.enqueue_dma source(%dma_start3A_684 : memref<8x15xf32, #tpu.memory_space<hbm>>) target(%arg11 : memref<8x15xf32, #tpu.memory_space<vmem>>) target_semaphore(%arg32 : memref<!tpu.dma_semaphore, #tpu.memory_space<semaphore_mem>>)
          %mul3A_685 = arith.constant 16 : i32
          %mul3A_686 = arith.muli %and3A_337, %mul3A_685 : i32
          %dma_start3A_687 = tpu.memref_slice %arg4[%mul3A_686] : memref<524288xf32, #tpu.memory_space<hbm>> -> memref<16xf32, #tpu.memory_space<hbm>>
          %dma_start3A_688 = tpu.memref_slice %arg4[%mul3A_686] : memref<524288xf32, #tpu.memory_space<hbm>> -> memref<16xf32, #tpu.memory_space<hbm>>
          tpu.enqueue_dma source(%dma_start3A_688 : memref<16xf32, #tpu.memory_space<hbm>>) target(%arg19 : memref<16xf32, #tpu.memory_space<vmem>>) target_semaphore(%arg40 : memref<!tpu.dma_semaphore, #tpu.memory_space<semaphore_mem>>)
        } else {
        }
        %convert_element_type3A_577 = arith.extui %and3A_475 : i1 to i32
        %cond3A_578 = arith.constant 0 : i32
        %cond3A_579 = arith.cmpi ne, %convert_element_type3A_577, %cond3A_578 : i32
        scf.if %cond3A_579 {
          %mul3A_679 = arith.constant 8 : i32
          %mul3A_680 = arith.muli %shift_right_arithmetic3A_323, %mul3A_679 : i32
          %dma_start3A_681 = arith.constant 0 : i32
          %dma_start3A_682 = tpu.memref_slice %arg5[%mul3A_680, %dma_start3A_681] : memref<1000000x15xf32, #tpu.memory_space<hbm>> -> memref<8x15xf32, #tpu.memory_space<hbm>>
          %dma_start3A_683 = arith.constant 0 : i32
          %dma_start3A_684 = tpu.memref_slice %arg5[%mul3A_680, %dma_start3A_683] : memref<1000000x15xf32, #tpu.memory_space<hbm>> -> memref<8x15xf32, #tpu.memory_space<hbm>>
          tpu.enqueue_dma source(%dma_start3A_684 : memref<8x15xf32, #tpu.memory_space<hbm>>) target(%arg12 : memref<8x15xf32, #tpu.memory_space<vmem>>) target_semaphore(%arg33 : memref<!tpu.dma_semaphore, #tpu.memory_space<semaphore_mem>>)
          %mul3A_685 = arith.constant 16 : i32
          %mul3A_686 = arith.muli %and3A_339, %mul3A_685 : i32
          %dma_start3A_687 = tpu.memref_slice %arg4[%mul3A_686] : memref<524288xf32, #tpu.memory_space<hbm>> -> memref<16xf32, #tpu.memory_space<hbm>>
          %dma_start3A_688 = tpu.memref_slice %arg4[%mul3A_686] : memref<524288xf32, #tpu.memory_space<hbm>> -> memref<16xf32, #tpu.memory_space<hbm>>
          tpu.enqueue_dma source(%dma_start3A_688 : memref<16xf32, #tpu.memory_space<hbm>>) target(%arg20 : memref<16xf32, #tpu.memory_space<vmem>>) target_semaphore(%arg41 : memref<!tpu.dma_semaphore, #tpu.memory_space<semaphore_mem>>)
        } else {
        }
        %convert_element_type3A_580 = arith.extui %and3A_488 : i1 to i32
        %cond3A_581 = arith.constant 0 : i32
        %cond3A_582 = arith.cmpi ne, %convert_element_type3A_580, %cond3A_581 : i32
        scf.if %cond3A_582 {
          %mul3A_679 = arith.constant 8 : i32
          %mul3A_680 = arith.muli %shift_right_arithmetic3A_325, %mul3A_679 : i32
          %dma_start3A_681 = arith.constant 0 : i32
          %dma_start3A_682 = tpu.memref_slice %arg5[%mul3A_680, %dma_start3A_681] : memref<1000000x15xf32, #tpu.memory_space<hbm>> -> memref<8x15xf32, #tpu.memory_space<hbm>>
          %dma_start3A_683 = arith.constant 0 : i32
          %dma_start3A_684 = tpu.memref_slice %arg5[%mul3A_680, %dma_start3A_683] : memref<1000000x15xf32, #tpu.memory_space<hbm>> -> memref<8x15xf32, #tpu.memory_space<hbm>>
          tpu.enqueue_dma source(%dma_start3A_684 : memref<8x15xf32, #tpu.memory_space<hbm>>) target(%arg13 : memref<8x15xf32, #tpu.memory_space<vmem>>) target_semaphore(%arg34 : memref<!tpu.dma_semaphore, #tpu.memory_space<semaphore_mem>>)
          %mul3A_685 = arith.constant 16 : i32
          %mul3A_686 = arith.muli %and3A_341, %mul3A_685 : i32
          %dma_start3A_687 = tpu.memref_slice %arg4[%mul3A_686] : memref<524288xf32, #tpu.memory_space<hbm>> -> memref<16xf32, #tpu.memory_space<hbm>>
          %dma_start3A_688 = tpu.memref_slice %arg4[%mul3A_686] : memref<524288xf32, #tpu.memory_space<hbm>> -> memref<16xf32, #tpu.memory_space<hbm>>
          tpu.enqueue_dma source(%dma_start3A_688 : memref<16xf32, #tpu.memory_space<hbm>>) target(%arg21 : memref<16xf32, #tpu.memory_space<vmem>>) target_semaphore(%arg42 : memref<!tpu.dma_semaphore, #tpu.memory_space<semaphore_mem>>)
        } else {
        }
        %convert_element_type3A_583 = arith.extui %and3A_504 : i1 to i32
        %cond3A_584 = arith.constant 0 : i32
        %cond3A_585 = arith.cmpi ne, %convert_element_type3A_583, %cond3A_584 : i32
        scf.if %cond3A_585 {
          %mul3A_679 = arith.constant 8 : i32
          %mul3A_680 = arith.muli %shift_right_arithmetic3A_327, %mul3A_679 : i32
          %dma_start3A_681 = arith.constant 0 : i32
          %dma_start3A_682 = tpu.memref_slice %arg5[%mul3A_680, %dma_start3A_681] : memref<1000000x15xf32, #tpu.memory_space<hbm>> -> memref<8x15xf32, #tpu.memory_space<hbm>>
          %dma_start3A_683 = arith.constant 0 : i32
          %dma_start3A_684 = tpu.memref_slice %arg5[%mul3A_680, %dma_start3A_683] : memref<1000000x15xf32, #tpu.memory_space<hbm>> -> memref<8x15xf32, #tpu.memory_space<hbm>>
          tpu.enqueue_dma source(%dma_start3A_684 : memref<8x15xf32, #tpu.memory_space<hbm>>) target(%arg14 : memref<8x15xf32, #tpu.memory_space<vmem>>) target_semaphore(%arg35 : memref<!tpu.dma_semaphore, #tpu.memory_space<semaphore_mem>>)
          %mul3A_685 = arith.constant 16 : i32
          %mul3A_686 = arith.muli %and3A_343, %mul3A_685 : i32
          %dma_start3A_687 = tpu.memref_slice %arg4[%mul3A_686] : memref<524288xf32, #tpu.memory_space<hbm>> -> memref<16xf32, #tpu.memory_space<hbm>>
          %dma_start3A_688 = tpu.memref_slice %arg4[%mul3A_686] : memref<524288xf32, #tpu.memory_space<hbm>> -> memref<16xf32, #tpu.memory_space<hbm>>
          tpu.enqueue_dma source(%dma_start3A_688 : memref<16xf32, #tpu.memory_space<hbm>>) target(%arg22 : memref<16xf32, #tpu.memory_space<vmem>>) target_semaphore(%arg43 : memref<!tpu.dma_semaphore, #tpu.memory_space<semaphore_mem>>)
        } else {
        }
        %convert_element_type3A_586 = arith.extui %and3A_523 : i1 to i32
        %cond3A_587 = arith.constant 0 : i32
        %cond3A_588 = arith.cmpi ne, %convert_element_type3A_586, %cond3A_587 : i32
        scf.if %cond3A_588 {
          %mul3A_679 = arith.constant 8 : i32
          %mul3A_680 = arith.muli %shift_right_arithmetic3A_329, %mul3A_679 : i32
          %dma_start3A_681 = arith.constant 0 : i32
          %dma_start3A_682 = tpu.memref_slice %arg5[%mul3A_680, %dma_start3A_681] : memref<1000000x15xf32, #tpu.memory_space<hbm>> -> memref<8x15xf32, #tpu.memory_space<hbm>>
          %dma_start3A_683 = arith.constant 0 : i32
          %dma_start3A_684 = tpu.memref_slice %arg5[%mul3A_680, %dma_start3A_683] : memref<1000000x15xf32, #tpu.memory_space<hbm>> -> memref<8x15xf32, #tpu.memory_space<hbm>>
          tpu.enqueue_dma source(%dma_start3A_684 : memref<8x15xf32, #tpu.memory_space<hbm>>) target(%arg15 : memref<8x15xf32, #tpu.memory_space<vmem>>) target_semaphore(%arg36 : memref<!tpu.dma_semaphore, #tpu.memory_space<semaphore_mem>>)
          %mul3A_685 = arith.constant 16 : i32
          %mul3A_686 = arith.muli %and3A_345, %mul3A_685 : i32
          %dma_start3A_687 = tpu.memref_slice %arg4[%mul3A_686] : memref<524288xf32, #tpu.memory_space<hbm>> -> memref<16xf32, #tpu.memory_space<hbm>>
          %dma_start3A_688 = tpu.memref_slice %arg4[%mul3A_686] : memref<524288xf32, #tpu.memory_space<hbm>> -> memref<16xf32, #tpu.memory_space<hbm>>
          tpu.enqueue_dma source(%dma_start3A_688 : memref<16xf32, #tpu.memory_space<hbm>>) target(%arg23 : memref<16xf32, #tpu.memory_space<vmem>>) target_semaphore(%arg44 : memref<!tpu.dma_semaphore, #tpu.memory_space<semaphore_mem>>)
        } else {
        }
        %convert_element_type3A_589 = arith.extui %and3A_545 : i1 to i32
        %cond3A_590 = arith.constant 0 : i32
        %cond3A_591 = arith.cmpi ne, %convert_element_type3A_589, %cond3A_590 : i32
        scf.if %cond3A_591 {
          %mul3A_679 = arith.constant 8 : i32
          %mul3A_680 = arith.muli %shift_right_arithmetic3A_331, %mul3A_679 : i32
          %dma_start3A_681 = arith.constant 0 : i32
          %dma_start3A_682 = tpu.memref_slice %arg5[%mul3A_680, %dma_start3A_681] : memref<1000000x15xf32, #tpu.memory_space<hbm>> -> memref<8x15xf32, #tpu.memory_space<hbm>>
          %dma_start3A_683 = arith.constant 0 : i32
          %dma_start3A_684 = tpu.memref_slice %arg5[%mul3A_680, %dma_start3A_683] : memref<1000000x15xf32, #tpu.memory_space<hbm>> -> memref<8x15xf32, #tpu.memory_space<hbm>>
          tpu.enqueue_dma source(%dma_start3A_684 : memref<8x15xf32, #tpu.memory_space<hbm>>) target(%arg16 : memref<8x15xf32, #tpu.memory_space<vmem>>) target_semaphore(%arg37 : memref<!tpu.dma_semaphore, #tpu.memory_space<semaphore_mem>>)
          %mul3A_685 = arith.constant 16 : i32
          %mul3A_686 = arith.muli %and3A_347, %mul3A_685 : i32
          %dma_start3A_687 = tpu.memref_slice %arg4[%mul3A_686] : memref<524288xf32, #tpu.memory_space<hbm>> -> memref<16xf32, #tpu.memory_space<hbm>>
          %dma_start3A_688 = tpu.memref_slice %arg4[%mul3A_686] : memref<524288xf32, #tpu.memory_space<hbm>> -> memref<16xf32, #tpu.memory_space<hbm>>
          tpu.enqueue_dma source(%dma_start3A_688 : memref<16xf32, #tpu.memory_space<hbm>>) target(%arg24 : memref<16xf32, #tpu.memory_space<vmem>>) target_semaphore(%arg45 : memref<!tpu.dma_semaphore, #tpu.memory_space<semaphore_mem>>)
        } else {
        }
        %convert_element_type3A_592 = arith.extui %and3A_570 : i1 to i32
        %cond3A_593 = arith.constant 0 : i32
        %cond3A_594 = arith.cmpi ne, %convert_element_type3A_592, %cond3A_593 : i32
        scf.if %cond3A_594 {
          %mul3A_679 = arith.constant 8 : i32
          %mul3A_680 = arith.muli %shift_right_arithmetic3A_333, %mul3A_679 : i32
          %dma_start3A_681 = arith.constant 0 : i32
          %dma_start3A_682 = tpu.memref_slice %arg5[%mul3A_680, %dma_start3A_681] : memref<1000000x15xf32, #tpu.memory_space<hbm>> -> memref<8x15xf32, #tpu.memory_space<hbm>>
          %dma_start3A_683 = arith.constant 0 : i32
          %dma_start3A_684 = tpu.memref_slice %arg5[%mul3A_680, %dma_start3A_683] : memref<1000000x15xf32, #tpu.memory_space<hbm>> -> memref<8x15xf32, #tpu.memory_space<hbm>>
          tpu.enqueue_dma source(%dma_start3A_684 : memref<8x15xf32, #tpu.memory_space<hbm>>) target(%arg17 : memref<8x15xf32, #tpu.memory_space<vmem>>) target_semaphore(%arg38 : memref<!tpu.dma_semaphore, #tpu.memory_space<semaphore_mem>>)
          %mul3A_685 = arith.constant 16 : i32
          %mul3A_686 = arith.muli %and3A_349, %mul3A_685 : i32
          %dma_start3A_687 = tpu.memref_slice %arg4[%mul3A_686] : memref<524288xf32, #tpu.memory_space<hbm>> -> memref<16xf32, #tpu.memory_space<hbm>>
          %dma_start3A_688 = tpu.memref_slice %arg4[%mul3A_686] : memref<524288xf32, #tpu.memory_space<hbm>> -> memref<16xf32, #tpu.memory_space<hbm>>
          tpu.enqueue_dma source(%dma_start3A_688 : memref<16xf32, #tpu.memory_space<hbm>>) target(%arg25 : memref<16xf32, #tpu.memory_space<vmem>>) target_semaphore(%arg46 : memref<!tpu.dma_semaphore, #tpu.memory_space<semaphore_mem>>)
        } else {
        }
        %convert_element_type3A_595 = arith.extui %and3A_458 : i1 to i32
        %cond3A_596 = arith.constant 0 : i32
        %cond3A_597 = arith.cmpi ne, %convert_element_type3A_595, %cond3A_596 : i32
        scf.if %cond3A_597 {
          %mul3A_679 = arith.constant 8 : i32
          %mul3A_680 = arith.muli %shift_right_arithmetic3A_319, %mul3A_679 : i32
          %dma_wait3A_681 = arith.constant 0 : i32
          %dma_wait3A_682 = tpu.memref_slice %arg5[%mul3A_680, %dma_wait3A_681] : memref<1000000x15xf32, #tpu.memory_space<hbm>> -> memref<8x15xf32, #tpu.memory_space<hbm>>
          %dma_wait3A_683 = arith.constant 0 : i32
          %dma_wait3A_684 = tpu.memref_slice %arg5[%mul3A_680, %dma_wait3A_683] : memref<1000000x15xf32, #tpu.memory_space<hbm>> -> memref<8x15xf32, #tpu.memory_space<hbm>>
          tpu.wait_dma2 semaphore(%arg31 : memref<!tpu.dma_semaphore, #tpu.memory_space<semaphore_mem>>) src(%dma_wait3A_684 : memref<8x15xf32, #tpu.memory_space<hbm>>) dst(%arg10 : memref<8x15xf32, #tpu.memory_space<vmem>>)
          %mul3A_685 = arith.constant 16 : i32
          %mul3A_686 = arith.muli %and3A_335, %mul3A_685 : i32
          %dma_wait3A_687 = tpu.memref_slice %arg4[%mul3A_686] : memref<524288xf32, #tpu.memory_space<hbm>> -> memref<16xf32, #tpu.memory_space<hbm>>
          %dma_wait3A_688 = tpu.memref_slice %arg4[%mul3A_686] : memref<524288xf32, #tpu.memory_space<hbm>> -> memref<16xf32, #tpu.memory_space<hbm>>
          tpu.wait_dma2 semaphore(%arg39 : memref<!tpu.dma_semaphore, #tpu.memory_space<semaphore_mem>>) src(%dma_wait3A_688 : memref<16xf32, #tpu.memory_space<hbm>>) dst(%arg18 : memref<16xf32, #tpu.memory_space<vmem>>)
          %get3A_689 = arith.constant 0 : index
          %get3A_690 = tpu.vector_load %arg18[%get3A_689] {strides = array<i32>} : memref<16xf32, #tpu.memory_space<vmem>>, vector<16xf32>,
          %and3A_691 = arith.constant 7 : i32
          %and3A_692 = arith.andi %add3A_296, %and3A_691 : i32
          %broadcast_in_dim3A_693 = vector.broadcast %and3A_692 : i32 to vector<16xi32>
          %lt3A_694 = arith.constant 15 : i32
          %lt3A_695 = vector.broadcast %lt3A_694 : i32 to vector<16xi32>
          %lt3A_696 = arith.cmpi slt, %iota3A, %lt3A_695 : vector<16xi32>
          tpu.vector_store_idx %arg10[%broadcast_in_dim3A_693, %iota3A], %get3A_690 masked %lt3A_696 : memref<8x15xf32, #tpu.memory_space<vmem>>[vector<16xi32>, vector<16xi32>], vector<16xf32>, vector<16xi1>
          %mul3A_697 = arith.constant 8 : i32
          %mul3A_698 = arith.muli %shift_right_arithmetic3A_319, %mul3A_697 : i32
          %dma_start3A_699 = arith.constant 0 : i32
          %dma_start3A_700 = tpu.memref_slice %arg5[%mul3A_698, %dma_start3A_699] : memref<1000000x15xf32, #tpu.memory_space<hbm>> -> memref<8x15xf32, #tpu.memory_space<hbm>>
          %dma_start3A_701 = arith.constant 0 : i32
          %dma_start3A_702 = tpu.memref_slice %arg5[%mul3A_698, %dma_start3A_701] : memref<1000000x15xf32, #tpu.memory_space<hbm>> -> memref<8x15xf32, #tpu.memory_space<hbm>>
          tpu.enqueue_dma source(%arg10 : memref<8x15xf32, #tpu.memory_space<vmem>>) target(%dma_start3A_702 : memref<8x15xf32, #tpu.memory_space<hbm>>) target_semaphore(%arg47 : memref<!tpu.dma_semaphore, #tpu.memory_space<semaphore_mem>>)
        } else {
        }
        %convert_element_type3A_598 = arith.extui %and3A_465 : i1 to i32
        %cond3A_599 = arith.constant 0 : i32
        %cond3A_600 = arith.cmpi ne, %convert_element_type3A_598, %cond3A_599 : i32
        scf.if %cond3A_600 {
          %mul3A_679 = arith.constant 8 : i32
          %mul3A_680 = arith.muli %shift_right_arithmetic3A_321, %mul3A_679 : i32
          %dma_wait3A_681 = arith.constant 0 : i32
          %dma_wait3A_682 = tpu.memref_slice %arg5[%mul3A_680, %dma_wait3A_681] : memref<1000000x15xf32, #tpu.memory_space<hbm>> -> memref<8x15xf32, #tpu.memory_space<hbm>>
          %dma_wait3A_683 = arith.constant 0 : i32
          %dma_wait3A_684 = tpu.memref_slice %arg5[%mul3A_680, %dma_wait3A_683] : memref<1000000x15xf32, #tpu.memory_space<hbm>> -> memref<8x15xf32, #tpu.memory_space<hbm>>
          tpu.wait_dma2 semaphore(%arg32 : memref<!tpu.dma_semaphore, #tpu.memory_space<semaphore_mem>>) src(%dma_wait3A_684 : memref<8x15xf32, #tpu.memory_space<hbm>>) dst(%arg11 : memref<8x15xf32, #tpu.memory_space<vmem>>)
          %mul3A_685 = arith.constant 16 : i32
          %mul3A_686 = arith.muli %and3A_337, %mul3A_685 : i32
          %dma_wait3A_687 = tpu.memref_slice %arg4[%mul3A_686] : memref<524288xf32, #tpu.memory_space<hbm>> -> memref<16xf32, #tpu.memory_space<hbm>>
          %dma_wait3A_688 = tpu.memref_slice %arg4[%mul3A_686] : memref<524288xf32, #tpu.memory_space<hbm>> -> memref<16xf32, #tpu.memory_space<hbm>>
          tpu.wait_dma2 semaphore(%arg40 : memref<!tpu.dma_semaphore, #tpu.memory_space<semaphore_mem>>) src(%dma_wait3A_688 : memref<16xf32, #tpu.memory_space<hbm>>) dst(%arg19 : memref<16xf32, #tpu.memory_space<vmem>>)
          %get3A_689 = arith.constant 0 : index
          %get3A_690 = tpu.vector_load %arg19[%get3A_689] {strides = array<i32>} : memref<16xf32, #tpu.memory_space<vmem>>, vector<16xf32>,
          %and3A_691 = arith.constant 7 : i32
          %and3A_692 = arith.andi %add3A_299, %and3A_691 : i32
          %broadcast_in_dim3A_693 = vector.broadcast %and3A_692 : i32 to vector<16xi32>
          %lt3A_694 = arith.constant 15 : i32
          %lt3A_695 = vector.broadcast %lt3A_694 : i32 to vector<16xi32>
          %lt3A_696 = arith.cmpi slt, %iota3A, %lt3A_695 : vector<16xi32>
          tpu.vector_store_idx %arg11[%broadcast_in_dim3A_693, %iota3A], %get3A_690 masked %lt3A_696 : memref<8x15xf32, #tpu.memory_space<vmem>>[vector<16xi32>, vector<16xi32>], vector<16xf32>, vector<16xi1>
          %mul3A_697 = arith.constant 8 : i32
          %mul3A_698 = arith.muli %shift_right_arithmetic3A_321, %mul3A_697 : i32
          %dma_start3A_699 = arith.constant 0 : i32
          %dma_start3A_700 = tpu.memref_slice %arg5[%mul3A_698, %dma_start3A_699] : memref<1000000x15xf32, #tpu.memory_space<hbm>> -> memref<8x15xf32, #tpu.memory_space<hbm>>
          %dma_start3A_701 = arith.constant 0 : i32
          %dma_start3A_702 = tpu.memref_slice %arg5[%mul3A_698, %dma_start3A_701] : memref<1000000x15xf32, #tpu.memory_space<hbm>> -> memref<8x15xf32, #tpu.memory_space<hbm>>
          tpu.enqueue_dma source(%arg11 : memref<8x15xf32, #tpu.memory_space<vmem>>) target(%dma_start3A_702 : memref<8x15xf32, #tpu.memory_space<hbm>>) target_semaphore(%arg48 : memref<!tpu.dma_semaphore, #tpu.memory_space<semaphore_mem>>)
        } else {
        }
        %convert_element_type3A_601 = arith.extui %and3A_475 : i1 to i32
        %cond3A_602 = arith.constant 0 : i32
        %cond3A_603 = arith.cmpi ne, %convert_element_type3A_601, %cond3A_602 : i32
        scf.if %cond3A_603 {
          %mul3A_679 = arith.constant 8 : i32
          %mul3A_680 = arith.muli %shift_right_arithmetic3A_323, %mul3A_679 : i32
          %dma_wait3A_681 = arith.constant 0 : i32
          %dma_wait3A_682 = tpu.memref_slice %arg5[%mul3A_680, %dma_wait3A_681] : memref<1000000x15xf32, #tpu.memory_space<hbm>> -> memref<8x15xf32, #tpu.memory_space<hbm>>
          %dma_wait3A_683 = arith.constant 0 : i32
          %dma_wait3A_684 = tpu.memref_slice %arg5[%mul3A_680, %dma_wait3A_683] : memref<1000000x15xf32, #tpu.memory_space<hbm>> -> memref<8x15xf32, #tpu.memory_space<hbm>>
          tpu.wait_dma2 semaphore(%arg33 : memref<!tpu.dma_semaphore, #tpu.memory_space<semaphore_mem>>) src(%dma_wait3A_684 : memref<8x15xf32, #tpu.memory_space<hbm>>) dst(%arg12 : memref<8x15xf32, #tpu.memory_space<vmem>>)
          %mul3A_685 = arith.constant 16 : i32
          %mul3A_686 = arith.muli %and3A_339, %mul3A_685 : i32
          %dma_wait3A_687 = tpu.memref_slice %arg4[%mul3A_686] : memref<524288xf32, #tpu.memory_space<hbm>> -> memref<16xf32, #tpu.memory_space<hbm>>
          %dma_wait3A_688 = tpu.memref_slice %arg4[%mul3A_686] : memref<524288xf32, #tpu.memory_space<hbm>> -> memref<16xf32, #tpu.memory_space<hbm>>
          tpu.wait_dma2 semaphore(%arg41 : memref<!tpu.dma_semaphore, #tpu.memory_space<semaphore_mem>>) src(%dma_wait3A_688 : memref<16xf32, #tpu.memory_space<hbm>>) dst(%arg20 : memref<16xf32, #tpu.memory_space<vmem>>)
          %get3A_689 = arith.constant 0 : index
          %get3A_690 = tpu.vector_load %arg20[%get3A_689] {strides = array<i32>} : memref<16xf32, #tpu.memory_space<vmem>>, vector<16xf32>,
          %and3A_691 = arith.constant 7 : i32
          %and3A_692 = arith.andi %add3A_302, %and3A_691 : i32
          %broadcast_in_dim3A_693 = vector.broadcast %and3A_692 : i32 to vector<16xi32>
          %lt3A_694 = arith.constant 15 : i32
          %lt3A_695 = vector.broadcast %lt3A_694 : i32 to vector<16xi32>
          %lt3A_696 = arith.cmpi slt, %iota3A, %lt3A_695 : vector<16xi32>
          tpu.vector_store_idx %arg12[%broadcast_in_dim3A_693, %iota3A], %get3A_690 masked %lt3A_696 : memref<8x15xf32, #tpu.memory_space<vmem>>[vector<16xi32>, vector<16xi32>], vector<16xf32>, vector<16xi1>
          %mul3A_697 = arith.constant 8 : i32
          %mul3A_698 = arith.muli %shift_right_arithmetic3A_323, %mul3A_697 : i32
          %dma_start3A_699 = arith.constant 0 : i32
          %dma_start3A_700 = tpu.memref_slice %arg5[%mul3A_698, %dma_start3A_699] : memref<1000000x15xf32, #tpu.memory_space<hbm>> -> memref<8x15xf32, #tpu.memory_space<hbm>>
          %dma_start3A_701 = arith.constant 0 : i32
          %dma_start3A_702 = tpu.memref_slice %arg5[%mul3A_698, %dma_start3A_701] : memref<1000000x15xf32, #tpu.memory_space<hbm>> -> memref<8x15xf32, #tpu.memory_space<hbm>>
          tpu.enqueue_dma source(%arg12 : memref<8x15xf32, #tpu.memory_space<vmem>>) target(%dma_start3A_702 : memref<8x15xf32, #tpu.memory_space<hbm>>) target_semaphore(%arg49 : memref<!tpu.dma_semaphore, #tpu.memory_space<semaphore_mem>>)
        } else {
        }
        %convert_element_type3A_604 = arith.extui %and3A_488 : i1 to i32
        %cond3A_605 = arith.constant 0 : i32
        %cond3A_606 = arith.cmpi ne, %convert_element_type3A_604, %cond3A_605 : i32
        scf.if %cond3A_606 {
          %mul3A_679 = arith.constant 8 : i32
          %mul3A_680 = arith.muli %shift_right_arithmetic3A_325, %mul3A_679 : i32
          %dma_wait3A_681 = arith.constant 0 : i32
          %dma_wait3A_682 = tpu.memref_slice %arg5[%mul3A_680, %dma_wait3A_681] : memref<1000000x15xf32, #tpu.memory_space<hbm>> -> memref<8x15xf32, #tpu.memory_space<hbm>>
          %dma_wait3A_683 = arith.constant 0 : i32
          %dma_wait3A_684 = tpu.memref_slice %arg5[%mul3A_680, %dma_wait3A_683] : memref<1000000x15xf32, #tpu.memory_space<hbm>> -> memref<8x15xf32, #tpu.memory_space<hbm>>
          tpu.wait_dma2 semaphore(%arg34 : memref<!tpu.dma_semaphore, #tpu.memory_space<semaphore_mem>>) src(%dma_wait3A_684 : memref<8x15xf32, #tpu.memory_space<hbm>>) dst(%arg13 : memref<8x15xf32, #tpu.memory_space<vmem>>)
          %mul3A_685 = arith.constant 16 : i32
          %mul3A_686 = arith.muli %and3A_341, %mul3A_685 : i32
          %dma_wait3A_687 = tpu.memref_slice %arg4[%mul3A_686] : memref<524288xf32, #tpu.memory_space<hbm>> -> memref<16xf32, #tpu.memory_space<hbm>>
          %dma_wait3A_688 = tpu.memref_slice %arg4[%mul3A_686] : memref<524288xf32, #tpu.memory_space<hbm>> -> memref<16xf32, #tpu.memory_space<hbm>>
          tpu.wait_dma2 semaphore(%arg42 : memref<!tpu.dma_semaphore, #tpu.memory_space<semaphore_mem>>) src(%dma_wait3A_688 : memref<16xf32, #tpu.memory_space<hbm>>) dst(%arg21 : memref<16xf32, #tpu.memory_space<vmem>>)
          %get3A_689 = arith.constant 0 : index
          %get3A_690 = tpu.vector_load %arg21[%get3A_689] {strides = array<i32>} : memref<16xf32, #tpu.memory_space<vmem>>, vector<16xf32>,
          %and3A_691 = arith.constant 7 : i32
          %and3A_692 = arith.andi %add3A_305, %and3A_691 : i32
          %broadcast_in_dim3A_693 = vector.broadcast %and3A_692 : i32 to vector<16xi32>
          %lt3A_694 = arith.constant 15 : i32
          %lt3A_695 = vector.broadcast %lt3A_694 : i32 to vector<16xi32>
          %lt3A_696 = arith.cmpi slt, %iota3A, %lt3A_695 : vector<16xi32>
          tpu.vector_store_idx %arg13[%broadcast_in_dim3A_693, %iota3A], %get3A_690 masked %lt3A_696 : memref<8x15xf32, #tpu.memory_space<vmem>>[vector<16xi32>, vector<16xi32>], vector<16xf32>, vector<16xi1>
          %mul3A_697 = arith.constant 8 : i32
          %mul3A_698 = arith.muli %shift_right_arithmetic3A_325, %mul3A_697 : i32
          %dma_start3A_699 = arith.constant 0 : i32
          %dma_start3A_700 = tpu.memref_slice %arg5[%mul3A_698, %dma_start3A_699] : memref<1000000x15xf32, #tpu.memory_space<hbm>> -> memref<8x15xf32, #tpu.memory_space<hbm>>
          %dma_start3A_701 = arith.constant 0 : i32
          %dma_start3A_702 = tpu.memref_slice %arg5[%mul3A_698, %dma_start3A_701] : memref<1000000x15xf32, #tpu.memory_space<hbm>> -> memref<8x15xf32, #tpu.memory_space<hbm>>
          tpu.enqueue_dma source(%arg13 : memref<8x15xf32, #tpu.memory_space<vmem>>) target(%dma_start3A_702 : memref<8x15xf32, #tpu.memory_space<hbm>>) target_semaphore(%arg50 : memref<!tpu.dma_semaphore, #tpu.memory_space<semaphore_mem>>)
        } else {
        }
        %convert_element_type3A_607 = arith.extui %and3A_504 : i1 to i32
        %cond3A_608 = arith.constant 0 : i32
        %cond3A_609 = arith.cmpi ne, %convert_element_type3A_607, %cond3A_608 : i32
        scf.if %cond3A_609 {
          %mul3A_679 = arith.constant 8 : i32
          %mul3A_680 = arith.muli %shift_right_arithmetic3A_327, %mul3A_679 : i32
          %dma_wait3A_681 = arith.constant 0 : i32
          %dma_wait3A_682 = tpu.memref_slice %arg5[%mul3A_680, %dma_wait3A_681] : memref<1000000x15xf32, #tpu.memory_space<hbm>> -> memref<8x15xf32, #tpu.memory_space<hbm>>
          %dma_wait3A_683 = arith.constant 0 : i32
          %dma_wait3A_684 = tpu.memref_slice %arg5[%mul3A_680, %dma_wait3A_683] : memref<1000000x15xf32, #tpu.memory_space<hbm>> -> memref<8x15xf32, #tpu.memory_space<hbm>>
          tpu.wait_dma2 semaphore(%arg35 : memref<!tpu.dma_semaphore, #tpu.memory_space<semaphore_mem>>) src(%dma_wait3A_684 : memref<8x15xf32, #tpu.memory_space<hbm>>) dst(%arg14 : memref<8x15xf32, #tpu.memory_space<vmem>>)
          %mul3A_685 = arith.constant 16 : i32
          %mul3A_686 = arith.muli %and3A_343, %mul3A_685 : i32
          %dma_wait3A_687 = tpu.memref_slice %arg4[%mul3A_686] : memref<524288xf32, #tpu.memory_space<hbm>> -> memref<16xf32, #tpu.memory_space<hbm>>
          %dma_wait3A_688 = tpu.memref_slice %arg4[%mul3A_686] : memref<524288xf32, #tpu.memory_space<hbm>> -> memref<16xf32, #tpu.memory_space<hbm>>
          tpu.wait_dma2 semaphore(%arg43 : memref<!tpu.dma_semaphore, #tpu.memory_space<semaphore_mem>>) src(%dma_wait3A_688 : memref<16xf32, #tpu.memory_space<hbm>>) dst(%arg22 : memref<16xf32, #tpu.memory_space<vmem>>)
          %get3A_689 = arith.constant 0 : index
          %get3A_690 = tpu.vector_load %arg22[%get3A_689] {strides = array<i32>} : memref<16xf32, #tpu.memory_space<vmem>>, vector<16xf32>,
          %and3A_691 = arith.constant 7 : i32
          %and3A_692 = arith.andi %add3A_308, %and3A_691 : i32
          %broadcast_in_dim3A_693 = vector.broadcast %and3A_692 : i32 to vector<16xi32>
          %lt3A_694 = arith.constant 15 : i32
          %lt3A_695 = vector.broadcast %lt3A_694 : i32 to vector<16xi32>
          %lt3A_696 = arith.cmpi slt, %iota3A, %lt3A_695 : vector<16xi32>
          tpu.vector_store_idx %arg14[%broadcast_in_dim3A_693, %iota3A], %get3A_690 masked %lt3A_696 : memref<8x15xf32, #tpu.memory_space<vmem>>[vector<16xi32>, vector<16xi32>], vector<16xf32>, vector<16xi1>
          %mul3A_697 = arith.constant 8 : i32
          %mul3A_698 = arith.muli %shift_right_arithmetic3A_327, %mul3A_697 : i32
          %dma_start3A_699 = arith.constant 0 : i32
          %dma_start3A_700 = tpu.memref_slice %arg5[%mul3A_698, %dma_start3A_699] : memref<1000000x15xf32, #tpu.memory_space<hbm>> -> memref<8x15xf32, #tpu.memory_space<hbm>>
          %dma_start3A_701 = arith.constant 0 : i32
          %dma_start3A_702 = tpu.memref_slice %arg5[%mul3A_698, %dma_start3A_701] : memref<1000000x15xf32, #tpu.memory_space<hbm>> -> memref<8x15xf32, #tpu.memory_space<hbm>>
          tpu.enqueue_dma source(%arg14 : memref<8x15xf32, #tpu.memory_space<vmem>>) target(%dma_start3A_702 : memref<8x15xf32, #tpu.memory_space<hbm>>) target_semaphore(%arg51 : memref<!tpu.dma_semaphore, #tpu.memory_space<semaphore_mem>>)
        } else {
        }
        %convert_element_type3A_610 = arith.extui %and3A_523 : i1 to i32
        %cond3A_611 = arith.constant 0 : i32
        %cond3A_612 = arith.cmpi ne, %convert_element_type3A_610, %cond3A_611 : i32
        scf.if %cond3A_612 {
          %mul3A_679 = arith.constant 8 : i32
          %mul3A_680 = arith.muli %shift_right_arithmetic3A_329, %mul3A_679 : i32
          %dma_wait3A_681 = arith.constant 0 : i32
          %dma_wait3A_682 = tpu.memref_slice %arg5[%mul3A_680, %dma_wait3A_681] : memref<1000000x15xf32, #tpu.memory_space<hbm>> -> memref<8x15xf32, #tpu.memory_space<hbm>>
          %dma_wait3A_683 = arith.constant 0 : i32
          %dma_wait3A_684 = tpu.memref_slice %arg5[%mul3A_680, %dma_wait3A_683] : memref<1000000x15xf32, #tpu.memory_space<hbm>> -> memref<8x15xf32, #tpu.memory_space<hbm>>
          tpu.wait_dma2 semaphore(%arg36 : memref<!tpu.dma_semaphore, #tpu.memory_space<semaphore_mem>>) src(%dma_wait3A_684 : memref<8x15xf32, #tpu.memory_space<hbm>>) dst(%arg15 : memref<8x15xf32, #tpu.memory_space<vmem>>)
          %mul3A_685 = arith.constant 16 : i32
          %mul3A_686 = arith.muli %and3A_345, %mul3A_685 : i32
          %dma_wait3A_687 = tpu.memref_slice %arg4[%mul3A_686] : memref<524288xf32, #tpu.memory_space<hbm>> -> memref<16xf32, #tpu.memory_space<hbm>>
          %dma_wait3A_688 = tpu.memref_slice %arg4[%mul3A_686] : memref<524288xf32, #tpu.memory_space<hbm>> -> memref<16xf32, #tpu.memory_space<hbm>>
          tpu.wait_dma2 semaphore(%arg44 : memref<!tpu.dma_semaphore, #tpu.memory_space<semaphore_mem>>) src(%dma_wait3A_688 : memref<16xf32, #tpu.memory_space<hbm>>) dst(%arg23 : memref<16xf32, #tpu.memory_space<vmem>>)
          %get3A_689 = arith.constant 0 : index
          %get3A_690 = tpu.vector_load %arg23[%get3A_689] {strides = array<i32>} : memref<16xf32, #tpu.memory_space<vmem>>, vector<16xf32>,
          %and3A_691 = arith.constant 7 : i32
          %and3A_692 = arith.andi %add3A_311, %and3A_691 : i32
          %broadcast_in_dim3A_693 = vector.broadcast %and3A_692 : i32 to vector<16xi32>
          %lt3A_694 = arith.constant 15 : i32
          %lt3A_695 = vector.broadcast %lt3A_694 : i32 to vector<16xi32>
          %lt3A_696 = arith.cmpi slt, %iota3A, %lt3A_695 : vector<16xi32>
          tpu.vector_store_idx %arg15[%broadcast_in_dim3A_693, %iota3A], %get3A_690 masked %lt3A_696 : memref<8x15xf32, #tpu.memory_space<vmem>>[vector<16xi32>, vector<16xi32>], vector<16xf32>, vector<16xi1>
          %mul3A_697 = arith.constant 8 : i32
          %mul3A_698 = arith.muli %shift_right_arithmetic3A_329, %mul3A_697 : i32
          %dma_start3A_699 = arith.constant 0 : i32
          %dma_start3A_700 = tpu.memref_slice %arg5[%mul3A_698, %dma_start3A_699] : memref<1000000x15xf32, #tpu.memory_space<hbm>> -> memref<8x15xf32, #tpu.memory_space<hbm>>
          %dma_start3A_701 = arith.constant 0 : i32
          %dma_start3A_702 = tpu.memref_slice %arg5[%mul3A_698, %dma_start3A_701] : memref<1000000x15xf32, #tpu.memory_space<hbm>> -> memref<8x15xf32, #tpu.memory_space<hbm>>
          tpu.enqueue_dma source(%arg15 : memref<8x15xf32, #tpu.memory_space<vmem>>) target(%dma_start3A_702 : memref<8x15xf32, #tpu.memory_space<hbm>>) target_semaphore(%arg52 : memref<!tpu.dma_semaphore, #tpu.memory_space<semaphore_mem>>)
        } else {
        }
        %convert_element_type3A_613 = arith.extui %and3A_545 : i1 to i32
        %cond3A_614 = arith.constant 0 : i32
        %cond3A_615 = arith.cmpi ne, %convert_element_type3A_613, %cond3A_614 : i32
        scf.if %cond3A_615 {
          %mul3A_679 = arith.constant 8 : i32
          %mul3A_680 = arith.muli %shift_right_arithmetic3A_331, %mul3A_679 : i32
          %dma_wait3A_681 = arith.constant 0 : i32
          %dma_wait3A_682 = tpu.memref_slice %arg5[%mul3A_680, %dma_wait3A_681] : memref<1000000x15xf32, #tpu.memory_space<hbm>> -> memref<8x15xf32, #tpu.memory_space<hbm>>
          %dma_wait3A_683 = arith.constant 0 : i32
          %dma_wait3A_684 = tpu.memref_slice %arg5[%mul3A_680, %dma_wait3A_683] : memref<1000000x15xf32, #tpu.memory_space<hbm>> -> memref<8x15xf32, #tpu.memory_space<hbm>>
          tpu.wait_dma2 semaphore(%arg37 : memref<!tpu.dma_semaphore, #tpu.memory_space<semaphore_mem>>) src(%dma_wait3A_684 : memref<8x15xf32, #tpu.memory_space<hbm>>) dst(%arg16 : memref<8x15xf32, #tpu.memory_space<vmem>>)
          %mul3A_685 = arith.constant 16 : i32
          %mul3A_686 = arith.muli %and3A_347, %mul3A_685 : i32
          %dma_wait3A_687 = tpu.memref_slice %arg4[%mul3A_686] : memref<524288xf32, #tpu.memory_space<hbm>> -> memref<16xf32, #tpu.memory_space<hbm>>
          %dma_wait3A_688 = tpu.memref_slice %arg4[%mul3A_686] : memref<524288xf32, #tpu.memory_space<hbm>> -> memref<16xf32, #tpu.memory_space<hbm>>
          tpu.wait_dma2 semaphore(%arg45 : memref<!tpu.dma_semaphore, #tpu.memory_space<semaphore_mem>>) src(%dma_wait3A_688 : memref<16xf32, #tpu.memory_space<hbm>>) dst(%arg24 : memref<16xf32, #tpu.memory_space<vmem>>)
          %get3A_689 = arith.constant 0 : index
          %get3A_690 = tpu.vector_load %arg24[%get3A_689] {strides = array<i32>} : memref<16xf32, #tpu.memory_space<vmem>>, vector<16xf32>,
          %and3A_691 = arith.constant 7 : i32
          %and3A_692 = arith.andi %add3A_314, %and3A_691 : i32
          %broadcast_in_dim3A_693 = vector.broadcast %and3A_692 : i32 to vector<16xi32>
          %lt3A_694 = arith.constant 15 : i32
          %lt3A_695 = vector.broadcast %lt3A_694 : i32 to vector<16xi32>
          %lt3A_696 = arith.cmpi slt, %iota3A, %lt3A_695 : vector<16xi32>
          tpu.vector_store_idx %arg16[%broadcast_in_dim3A_693, %iota3A], %get3A_690 masked %lt3A_696 : memref<8x15xf32, #tpu.memory_space<vmem>>[vector<16xi32>, vector<16xi32>], vector<16xf32>, vector<16xi1>
          %mul3A_697 = arith.constant 8 : i32
          %mul3A_698 = arith.muli %shift_right_arithmetic3A_331, %mul3A_697 : i32
          %dma_start3A_699 = arith.constant 0 : i32
          %dma_start3A_700 = tpu.memref_slice %arg5[%mul3A_698, %dma_start3A_699] : memref<1000000x15xf32, #tpu.memory_space<hbm>> -> memref<8x15xf32, #tpu.memory_space<hbm>>
          %dma_start3A_701 = arith.constant 0 : i32
          %dma_start3A_702 = tpu.memref_slice %arg5[%mul3A_698, %dma_start3A_701] : memref<1000000x15xf32, #tpu.memory_space<hbm>> -> memref<8x15xf32, #tpu.memory_space<hbm>>
          tpu.enqueue_dma source(%arg16 : memref<8x15xf32, #tpu.memory_space<vmem>>) target(%dma_start3A_702 : memref<8x15xf32, #tpu.memory_space<hbm>>) target_semaphore(%arg53 : memref<!tpu.dma_semaphore, #tpu.memory_space<semaphore_mem>>)
        } else {
        }
        %convert_element_type3A_616 = arith.extui %and3A_570 : i1 to i32
        %cond3A_617 = arith.constant 0 : i32
        %cond3A_618 = arith.cmpi ne, %convert_element_type3A_616, %cond3A_617 : i32
        scf.if %cond3A_618 {
          %mul3A_679 = arith.constant 8 : i32
          %mul3A_680 = arith.muli %shift_right_arithmetic3A_333, %mul3A_679 : i32
          %dma_wait3A_681 = arith.constant 0 : i32
          %dma_wait3A_682 = tpu.memref_slice %arg5[%mul3A_680, %dma_wait3A_681] : memref<1000000x15xf32, #tpu.memory_space<hbm>> -> memref<8x15xf32, #tpu.memory_space<hbm>>
          %dma_wait3A_683 = arith.constant 0 : i32
          %dma_wait3A_684 = tpu.memref_slice %arg5[%mul3A_680, %dma_wait3A_683] : memref<1000000x15xf32, #tpu.memory_space<hbm>> -> memref<8x15xf32, #tpu.memory_space<hbm>>
          tpu.wait_dma2 semaphore(%arg38 : memref<!tpu.dma_semaphore, #tpu.memory_space<semaphore_mem>>) src(%dma_wait3A_684 : memref<8x15xf32, #tpu.memory_space<hbm>>) dst(%arg17 : memref<8x15xf32, #tpu.memory_space<vmem>>)
          %mul3A_685 = arith.constant 16 : i32
          %mul3A_686 = arith.muli %and3A_349, %mul3A_685 : i32
          %dma_wait3A_687 = tpu.memref_slice %arg4[%mul3A_686] : memref<524288xf32, #tpu.memory_space<hbm>> -> memref<16xf32, #tpu.memory_space<hbm>>
          %dma_wait3A_688 = tpu.memref_slice %arg4[%mul3A_686] : memref<524288xf32, #tpu.memory_space<hbm>> -> memref<16xf32, #tpu.memory_space<hbm>>
          tpu.wait_dma2 semaphore(%arg46 : memref<!tpu.dma_semaphore, #tpu.memory_space<semaphore_mem>>) src(%dma_wait3A_688 : memref<16xf32, #tpu.memory_space<hbm>>) dst(%arg25 : memref<16xf32, #tpu.memory_space<vmem>>)
          %get3A_689 = arith.constant 0 : index
          %get3A_690 = tpu.vector_load %arg25[%get3A_689] {strides = array<i32>} : memref<16xf32, #tpu.memory_space<vmem>>, vector<16xf32>,
          %and3A_691 = arith.constant 7 : i32
          %and3A_692 = arith.andi %add3A_317, %and3A_691 : i32
          %broadcast_in_dim3A_693 = vector.broadcast %and3A_692 : i32 to vector<16xi32>
          %lt3A_694 = arith.constant 15 : i32
          %lt3A_695 = vector.broadcast %lt3A_694 : i32 to vector<16xi32>
          %lt3A_696 = arith.cmpi slt, %iota3A, %lt3A_695 : vector<16xi32>
          tpu.vector_store_idx %arg17[%broadcast_in_dim3A_693, %iota3A], %get3A_690 masked %lt3A_696 : memref<8x15xf32, #tpu.memory_space<vmem>>[vector<16xi32>, vector<16xi32>], vector<16xf32>, vector<16xi1>
          %mul3A_697 = arith.constant 8 : i32
          %mul3A_698 = arith.muli %shift_right_arithmetic3A_333, %mul3A_697 : i32
          %dma_start3A_699 = arith.constant 0 : i32
          %dma_start3A_700 = tpu.memref_slice %arg5[%mul3A_698, %dma_start3A_699] : memref<1000000x15xf32, #tpu.memory_space<hbm>> -> memref<8x15xf32, #tpu.memory_space<hbm>>
          %dma_start3A_701 = arith.constant 0 : i32
          %dma_start3A_702 = tpu.memref_slice %arg5[%mul3A_698, %dma_start3A_701] : memref<1000000x15xf32, #tpu.memory_space<hbm>> -> memref<8x15xf32, #tpu.memory_space<hbm>>
          tpu.enqueue_dma source(%arg17 : memref<8x15xf32, #tpu.memory_space<vmem>>) target(%dma_start3A_702 : memref<8x15xf32, #tpu.memory_space<hbm>>) target_semaphore(%arg54 : memref<!tpu.dma_semaphore, #tpu.memory_space<semaphore_mem>>)
        } else {
        }
        %convert_element_type3A_619 = arith.extui %and3A_458 : i1 to i32
        %cond3A_620 = arith.constant 0 : i32
        %cond3A_621 = arith.cmpi ne, %convert_element_type3A_619, %cond3A_620 : i32
        scf.if %cond3A_621 {
          %mul3A_679 = arith.constant 8 : i32
          %mul3A_680 = arith.muli %shift_right_arithmetic3A_319, %mul3A_679 : i32
          %dma_wait3A_681 = arith.constant 0 : i32
          %dma_wait3A_682 = tpu.memref_slice %arg5[%mul3A_680, %dma_wait3A_681] : memref<1000000x15xf32, #tpu.memory_space<hbm>> -> memref<8x15xf32, #tpu.memory_space<hbm>>
          %dma_wait3A_683 = arith.constant 0 : i32
          %dma_wait3A_684 = tpu.memref_slice %arg5[%mul3A_680, %dma_wait3A_683] : memref<1000000x15xf32, #tpu.memory_space<hbm>> -> memref<8x15xf32, #tpu.memory_space<hbm>>
          tpu.wait_dma2 semaphore(%arg47 : memref<!tpu.dma_semaphore, #tpu.memory_space<semaphore_mem>>) src(%arg10 : memref<8x15xf32, #tpu.memory_space<vmem>>) dst(%dma_wait3A_684 : memref<8x15xf32, #tpu.memory_space<hbm>>)
        } else {
        }
        %convert_element_type3A_622 = arith.extui %and3A_465 : i1 to i32
        %cond3A_623 = arith.constant 0 : i32
        %cond3A_624 = arith.cmpi ne, %convert_element_type3A_622, %cond3A_623 : i32
        scf.if %cond3A_624 {
          %mul3A_679 = arith.constant 8 : i32
          %mul3A_680 = arith.muli %shift_right_arithmetic3A_321, %mul3A_679 : i32
          %dma_wait3A_681 = arith.constant 0 : i32
          %dma_wait3A_682 = tpu.memref_slice %arg5[%mul3A_680, %dma_wait3A_681] : memref<1000000x15xf32, #tpu.memory_space<hbm>> -> memref<8x15xf32, #tpu.memory_space<hbm>>
          %dma_wait3A_683 = arith.constant 0 : i32
          %dma_wait3A_684 = tpu.memref_slice %arg5[%mul3A_680, %dma_wait3A_683] : memref<1000000x15xf32, #tpu.memory_space<hbm>> -> memref<8x15xf32, #tpu.memory_space<hbm>>
          tpu.wait_dma2 semaphore(%arg48 : memref<!tpu.dma_semaphore, #tpu.memory_space<semaphore_mem>>) src(%arg11 : memref<8x15xf32, #tpu.memory_space<vmem>>) dst(%dma_wait3A_684 : memref<8x15xf32, #tpu.memory_space<hbm>>)
        } else {
        }
        %convert_element_type3A_625 = arith.extui %and3A_475 : i1 to i32
        %cond3A_626 = arith.constant 0 : i32
        %cond3A_627 = arith.cmpi ne, %convert_element_type3A_625, %cond3A_626 : i32
        scf.if %cond3A_627 {
          %mul3A_679 = arith.constant 8 : i32
          %mul3A_680 = arith.muli %shift_right_arithmetic3A_323, %mul3A_679 : i32
          %dma_wait3A_681 = arith.constant 0 : i32
          %dma_wait3A_682 = tpu.memref_slice %arg5[%mul3A_680, %dma_wait3A_681] : memref<1000000x15xf32, #tpu.memory_space<hbm>> -> memref<8x15xf32, #tpu.memory_space<hbm>>
          %dma_wait3A_683 = arith.constant 0 : i32
          %dma_wait3A_684 = tpu.memref_slice %arg5[%mul3A_680, %dma_wait3A_683] : memref<1000000x15xf32, #tpu.memory_space<hbm>> -> memref<8x15xf32, #tpu.memory_space<hbm>>
          tpu.wait_dma2 semaphore(%arg49 : memref<!tpu.dma_semaphore, #tpu.memory_space<semaphore_mem>>) src(%arg12 : memref<8x15xf32, #tpu.memory_space<vmem>>) dst(%dma_wait3A_684 : memref<8x15xf32, #tpu.memory_space<hbm>>)
        } else {
        }
        %convert_element_type3A_628 = arith.extui %and3A_488 : i1 to i32
        %cond3A_629 = arith.constant 0 : i32
        %cond3A_630 = arith.cmpi ne, %convert_element_type3A_628, %cond3A_629 : i32
        scf.if %cond3A_630 {
          %mul3A_679 = arith.constant 8 : i32
          %mul3A_680 = arith.muli %shift_right_arithmetic3A_325, %mul3A_679 : i32
          %dma_wait3A_681 = arith.constant 0 : i32
          %dma_wait3A_682 = tpu.memref_slice %arg5[%mul3A_680, %dma_wait3A_681] : memref<1000000x15xf32, #tpu.memory_space<hbm>> -> memref<8x15xf32, #tpu.memory_space<hbm>>
          %dma_wait3A_683 = arith.constant 0 : i32
          %dma_wait3A_684 = tpu.memref_slice %arg5[%mul3A_680, %dma_wait3A_683] : memref<1000000x15xf32, #tpu.memory_space<hbm>> -> memref<8x15xf32, #tpu.memory_space<hbm>>
          tpu.wait_dma2 semaphore(%arg50 : memref<!tpu.dma_semaphore, #tpu.memory_space<semaphore_mem>>) src(%arg13 : memref<8x15xf32, #tpu.memory_space<vmem>>) dst(%dma_wait3A_684 : memref<8x15xf32, #tpu.memory_space<hbm>>)
        } else {
        }
        %convert_element_type3A_631 = arith.extui %and3A_504 : i1 to i32
        %cond3A_632 = arith.constant 0 : i32
        %cond3A_633 = arith.cmpi ne, %convert_element_type3A_631, %cond3A_632 : i32
        scf.if %cond3A_633 {
          %mul3A_679 = arith.constant 8 : i32
          %mul3A_680 = arith.muli %shift_right_arithmetic3A_327, %mul3A_679 : i32
          %dma_wait3A_681 = arith.constant 0 : i32
          %dma_wait3A_682 = tpu.memref_slice %arg5[%mul3A_680, %dma_wait3A_681] : memref<1000000x15xf32, #tpu.memory_space<hbm>> -> memref<8x15xf32, #tpu.memory_space<hbm>>
          %dma_wait3A_683 = arith.constant 0 : i32
          %dma_wait3A_684 = tpu.memref_slice %arg5[%mul3A_680, %dma_wait3A_683] : memref<1000000x15xf32, #tpu.memory_space<hbm>> -> memref<8x15xf32, #tpu.memory_space<hbm>>
          tpu.wait_dma2 semaphore(%arg51 : memref<!tpu.dma_semaphore, #tpu.memory_space<semaphore_mem>>) src(%arg14 : memref<8x15xf32, #tpu.memory_space<vmem>>) dst(%dma_wait3A_684 : memref<8x15xf32, #tpu.memory_space<hbm>>)
        } else {
        }
        %convert_element_type3A_634 = arith.extui %and3A_523 : i1 to i32
        %cond3A_635 = arith.constant 0 : i32
        %cond3A_636 = arith.cmpi ne, %convert_element_type3A_634, %cond3A_635 : i32
        scf.if %cond3A_636 {
          %mul3A_679 = arith.constant 8 : i32
          %mul3A_680 = arith.muli %shift_right_arithmetic3A_329, %mul3A_679 : i32
          %dma_wait3A_681 = arith.constant 0 : i32
          %dma_wait3A_682 = tpu.memref_slice %arg5[%mul3A_680, %dma_wait3A_681] : memref<1000000x15xf32, #tpu.memory_space<hbm>> -> memref<8x15xf32, #tpu.memory_space<hbm>>
          %dma_wait3A_683 = arith.constant 0 : i32
          %dma_wait3A_684 = tpu.memref_slice %arg5[%mul3A_680, %dma_wait3A_683] : memref<1000000x15xf32, #tpu.memory_space<hbm>> -> memref<8x15xf32, #tpu.memory_space<hbm>>
          tpu.wait_dma2 semaphore(%arg52 : memref<!tpu.dma_semaphore, #tpu.memory_space<semaphore_mem>>) src(%arg15 : memref<8x15xf32, #tpu.memory_space<vmem>>) dst(%dma_wait3A_684 : memref<8x15xf32, #tpu.memory_space<hbm>>)
        } else {
        }
        %convert_element_type3A_637 = arith.extui %and3A_545 : i1 to i32
        %cond3A_638 = arith.constant 0 : i32
        %cond3A_639 = arith.cmpi ne, %convert_element_type3A_637, %cond3A_638 : i32
        scf.if %cond3A_639 {
          %mul3A_679 = arith.constant 8 : i32
          %mul3A_680 = arith.muli %shift_right_arithmetic3A_331, %mul3A_679 : i32
          %dma_wait3A_681 = arith.constant 0 : i32
          %dma_wait3A_682 = tpu.memref_slice %arg5[%mul3A_680, %dma_wait3A_681] : memref<1000000x15xf32, #tpu.memory_space<hbm>> -> memref<8x15xf32, #tpu.memory_space<hbm>>
          %dma_wait3A_683 = arith.constant 0 : i32
          %dma_wait3A_684 = tpu.memref_slice %arg5[%mul3A_680, %dma_wait3A_683] : memref<1000000x15xf32, #tpu.memory_space<hbm>> -> memref<8x15xf32, #tpu.memory_space<hbm>>
          tpu.wait_dma2 semaphore(%arg53 : memref<!tpu.dma_semaphore, #tpu.memory_space<semaphore_mem>>) src(%arg16 : memref<8x15xf32, #tpu.memory_space<vmem>>) dst(%dma_wait3A_684 : memref<8x15xf32, #tpu.memory_space<hbm>>)
        } else {
        }
        %convert_element_type3A_640 = arith.extui %and3A_570 : i1 to i32
        %cond3A_641 = arith.constant 0 : i32
        %cond3A_642 = arith.cmpi ne, %convert_element_type3A_640, %cond3A_641 : i32
        scf.if %cond3A_642 {
          %mul3A_679 = arith.constant 8 : i32
          %mul3A_680 = arith.muli %shift_right_arithmetic3A_333, %mul3A_679 : i32
          %dma_wait3A_681 = arith.constant 0 : i32
          %dma_wait3A_682 = tpu.memref_slice %arg5[%mul3A_680, %dma_wait3A_681] : memref<1000000x15xf32, #tpu.memory_space<hbm>> -> memref<8x15xf32, #tpu.memory_space<hbm>>
          %dma_wait3A_683 = arith.constant 0 : i32
          %dma_wait3A_684 = tpu.memref_slice %arg5[%mul3A_680, %dma_wait3A_683] : memref<1000000x15xf32, #tpu.memory_space<hbm>> -> memref<8x15xf32, #tpu.memory_space<hbm>>
          tpu.wait_dma2 semaphore(%arg54 : memref<!tpu.dma_semaphore, #tpu.memory_space<semaphore_mem>>) src(%arg17 : memref<8x15xf32, #tpu.memory_space<vmem>>) dst(%dma_wait3A_684 : memref<8x15xf32, #tpu.memory_space<hbm>>)
        } else {
        }
        %jit3A_643 = arith.constant 1 : i32
        %jit3A_644 = arith.constant 0 : i32
        %select_n3A_645 = arith.select %and3A_458, %jit3A_643, %jit3A_644 : i32
        %or3A_646 = arith.constant 0 : i32
        %or3A_647 = arith.ori %or3A_646, %select_n3A_645 : i32
        %jit3A_648 = arith.constant 2 : i32
        %jit3A_649 = arith.constant 0 : i32
        %select_n3A_650 = arith.select %and3A_465, %jit3A_648, %jit3A_649 : i32
        %or3A_651 = arith.ori %or3A_647, %select_n3A_650 : i32
        %jit3A_652 = arith.constant 4 : i32
        %jit3A_653 = arith.constant 0 : i32
        %select_n3A_654 = arith.select %and3A_475, %jit3A_652, %jit3A_653 : i32
        %or3A_655 = arith.ori %or3A_651, %select_n3A_654 : i32
        %jit3A_656 = arith.constant 8 : i32
        %jit3A_657 = arith.constant 0 : i32
        %select_n3A_658 = arith.select %and3A_488, %jit3A_656, %jit3A_657 : i32
        %or3A_659 = arith.ori %or3A_655, %select_n3A_658 : i32
        %jit3A_660 = arith.constant 16 : i32
        %jit3A_661 = arith.constant 0 : i32
        %select_n3A_662 = arith.select %and3A_504, %jit3A_660, %jit3A_661 : i32
        %or3A_663 = arith.ori %or3A_659, %select_n3A_662 : i32
        %jit3A_664 = arith.constant 32 : i32
        %jit3A_665 = arith.constant 0 : i32
        %select_n3A_666 = arith.select %and3A_523, %jit3A_664, %jit3A_665 : i32
        %or3A_667 = arith.ori %or3A_663, %select_n3A_666 : i32
        %jit3A_668 = arith.constant 64 : i32
        %jit3A_669 = arith.constant 0 : i32
        %select_n3A_670 = arith.select %and3A_545, %jit3A_668, %jit3A_669 : i32
        %or3A_671 = arith.ori %or3A_667, %select_n3A_670 : i32
        %jit3A_672 = arith.constant 128 : i32
        %jit3A_673 = arith.constant 0 : i32
        %select_n3A_674 = arith.select %and3A_570, %jit3A_672, %jit3A_673 : i32
        %or3A_675 = arith.ori %or3A_671, %select_n3A_674 : i32
        %not3A_676 = arith.constant -1 : i32
        %not3A_677 = arith.xori %or3A_675, %not3A_676 : i32
        %and3A_678 = arith.andi %while3A_408, %not3A_677 : i32
        scf.yield %and3A_678 : i32
      }
    }
    return
  }
}

</mosaic_0001>

<sc_bundles>
// kernel: _run.3.cloned.1.call-start
scs
__scs_entry_jumppad:
0x0: {  	(pc) =	sbr.rel $0x88, $3  }
0x1: {  	(tag) =	ssettag $0x0;
	lr =	simm.s32 $0x1  }
0x2: {  	[smem:$0x3F9E] =	sst lr;
	_ =	strace $0xD0000000  }
0x3: {  	_ = 	snop  }
0x4: {  	_ = 	snop  }
0x5: {  	_ = 	snop  }
0x6: {  	_ = 	snop  }
0x7: {  	_ = 	snop  }
__scs_overlays_trampoline_lowered:
0x8: {  	[smem:$0x3FAD] =	sst s0  }
0x9: {  	[smem:$0x3FAE] =	sst s1  }
0xa: {  	[smem:$0x3FAF] =	sst s2  }
0xb: {  	[smem:$0x3FB0] =	sst s3  }
0xc: {  	[smem:$0x3FB1] =	sst s4  }
0xd: {  	[smem:$0x3FB2] =	sst s5  }
0xe: {  	[smem:$0x3FB3] =	sst s6  }
0xf: {  	[smem:$0x3FB4] =	sst s7  }
0x10: {  	[smem:$0x3FB5] =	sst s8  }
0x11: {  	[smem:$0x3FB6] =	sst s9;
	s0 =	simm.s32 @!p0 $0x0  }
0x12: {  	s1 =	sld [smem:$0x3F9C];
	s0 =	simm.s32 @p0 $0x1  }
0x13: {  	[smem:$0x3FB7] =	sst s0;
	s0 =	simm.s32 @!p1 $0x0  }
0x14: {  	s2 =	sld [smem:$0x3F9B];
	s0 =	simm.s32 @p1 $0x1  }
0x15: {  	[smem:$0x3FB8] =	sst s0;
	s0 =	simm.s32 @!p2 $0x0  }
0x16: {  	s3 =	sld [smem:$0x3FDB];
	s0 =	simm.s32 @p2 $0x1  }
0x17: {  	s4 =	simm.s32 $0x1BF5;
	[smem:$0x3FBA] =	sst s0  }
0x18: {  	s0 =	sld [smem:$0x3F9D];
	_ =	swait.ge [sflag:s4], $0x0  }
0x19: {  	s7 =	sld [smem:$0x3F9E]  }
0x1a: {  	s8 =	sadd.s32 $0xFFFFE003, lr  }
0x1b: {  	s9 =	sadd.s32 $0xFFFFFEF7, lr;
	s5 =	simm.s32 $0xFFFFFFFF;
	p2 =	slt.u32 s8, $0xFFFFF086  }
0x1c: {  	p1 =	slt.u32 s9, $0xF7A;
	s5 =	simm.s32 @!p2 $0x0  }
0x1d: {  	s5 =	simm.s32 @p1 $0x1;
	p0 =	seq.s32 s7, s2  }
0x1e: {  	s7 =	smul.u32 @!p0 $0xF7A, s2;
	p2 =	seq.s32 @!p0 s5, $0x0  }
0x1f: {  	s9 =	smul.u32 $0xF7A, s1;
	s8 =	simm.s32 @!p0 $0x1BF5;
	p2 =	por !p2, p0  }
0x20: {  	[sflag:s8] =	ssyncset.s32 @!p0 $0xFFFFF086;
	s6 =	sadd.s32 @!p0 s3, s7;
	s7 =	simm.s32 @!p0 $0x108  }
0x21: {  	s3 =	sadd.s32 s3, s9;
	s6 =	sadd.s32 @!p0 $0x88, s6;
	s7 =	simm.s32 @p2 $0x1082  }
0x22: {  	[simem:s7], [sflag:s8] =	dma.local @!p0 [hbm:s6], $0xF7A  }
0x23: {  	s9 =	sor.u32 $0xD0000000, s2;
	s6 =	simm.s32 $0x108;
	_ =	swait.ge @!p0 [sflag:s8], $0x0  }
0x24: {  	s3 =	sadd.s32 $0x88, s3;
	s6 =	simm.s32 @!p1 $0x1082;
	[sflag:s4] =	ssyncset.s32 $0xFFFFF086  }
0x25: {  	[simem:s6], [sflag:s4] =	dma.local [hbm:s3], $0xF7A  }
0x26: {  	[smem:$0x3F9E] =	sst s1;
	(tag) =	ssettag s2;
	_ =	strace s9  }
0x27: {  	s1 =	sld [smem:$0x3FAE]  }
0x28: {  	s2 =	sld [smem:$0x3FAF]  }
0x29: {  	s4 =	sld [smem:$0x3FB1]  }
0x2a: {  	p0 =	seq.s32 s5, $0x0;
	s5 =	sld [smem:$0x3FB2]  }
0x2b: {  	s6 =	sld [smem:$0x3FB3]  }
0x2c: {  	s7 =	sld [smem:$0x3FB4]  }
0x2d: {  	s3 =	simm.s32 $0x108;
	s8 =	sld [smem:$0x3FB5]  }
0x2e: {  	s3 =	simm.s32 @!p0 $0x1082;
	s9 =	sld [smem:$0x3FB6]  }
0x2f: {  	lr =	sadd.s32 s0, s3;
	s0 =	sld [smem:$0x3FAD]  }
0x30: {  	s3 =	sld [smem:$0x3FB0]  }
0x31: {  	[smem:$0x3FB9] =	sst s10  }
0x32: {  	s10 =	sld [smem:$0x3FB7];
	_ =	sdelay $0x3  }
0x33: {  	p0 =	seq.s32 s10, $0x1;
	s10 =	sld [smem:$0x3FB9];
	_ =	sdelay $0x3  }
0x34: {  	[smem:$0x3FB9] =	sst s10  }
0x35: {  	s10 =	sld [smem:$0x3FB8];
	_ =	sdelay $0x3  }
0x36: {  	p1 =	seq.s32 s10, $0x1;
	s10 =	sld [smem:$0x3FB9];
	_ =	sdelay $0x3  }
0x37: {  	[smem:$0x3FB9] =	sst s10  }
0x38: {  	s10 =	sld [smem:$0x3FBA]  }
0x39: {  	_ = 	snop;
	(pc) =	sbr.ind lr, $3  }
0x3a: {  	_ = 	snop  }
0x3b: {  	_ = 	snop  }
0x3c: {  	p2 =	seq.s32 s10, $0x1;
	s10 =	sld [smem:$0x3FB9]  }
0x3d: {  	_ =	shalt  }
0x3e: {  	_ =	shalt  }
0x3f: {  	_ =	shalt  }
0x40: {  	_ =	shalt  }
0x41: {  	_ =	shalt  }
0x42: {  	_ =	shalt  }
0x43: {  	_ =	shalt  }
0x44: {  	_ =	shalt  }
0x45: {  	_ =	shalt  }
0x46: {  	_ =	shalt  }
0x47: {  	_ =	shalt  }
0x48: {  	_ =	shalt  }
0x49: {  	_ =	shalt  }
0x4a: {  	_ =	shalt  }
0x4b: {  	_ =	shalt  }
0x4c: {  	_ =	shalt  }
0x4d: {  	_ =	shalt  }
0x4e: {  	_ =	shalt  }
0x4f: {  	_ =	shalt  }
0x50: {  	_ =	shalt  }
0x51: {  	_ =	shalt  }
0x52: {  	_ =	shalt  }
0x53: {  	_ =	shalt  }
0x54: {  	_ =	shalt  }
0x55: {  	_ =	shalt  }
0x56: {  	_ =	shalt  }
0x57: {  	_ =	shalt  }
0x58: {  	_ =	shalt  }
0x59: {  	_ =	shalt  }
0x5a: {  	_ =	shalt  }
0x5b: {  	_ =	shalt  }
0x5c: {  	_ =	shalt  }
0x5d: {  	_ =	shalt  }
0x5e: {  	_ =	shalt  }
0x5f: {  	_ =	shalt  }
0x60: {  	_ =	shalt  }
0x61: {  	_ =	shalt  }
0x62: {  	_ =	shalt  }
0x63: {  	_ =	shalt  }
0x64: {  	_ =	shalt  }
0x65: {  	_ =	shalt  }
0x66: {  	_ =	shalt  }
0x67: {  	_ =	shalt  }
0x68: {  	_ =	shalt  }
0x69: {  	_ =	shalt  }
0x6a: {  	_ =	shalt  }
0x6b: {  	_ =	shalt  }
0x6c: {  	_ =	shalt  }
0x6d: {  	_ =	shalt  }
0x6e: {  	_ =	shalt  }
0x6f: {  	_ =	shalt  }
0x70: {  	_ =	shalt  }
0x71: {  	_ =	shalt  }
0x72: {  	_ =	shalt  }
0x73: {  	_ =	shalt  }
0x74: {  	_ =	shalt  }
0x75: {  	_ =	shalt  }
0x76: {  	_ =	shalt  }
0x77: {  	_ =	shalt  }
0x78: {  	_ =	shalt  }
0x79: {  	_ =	shalt  }
0x7a: {  	_ =	shalt  }
0x7b: {  	_ =	shalt  }
0x7c: {  	_ =	shalt  }
0x7d: {  	_ =	shalt  }
0x7e: {  	_ =	shalt  }
0x7f: {  	_ =	shalt  }
0x80: {  	_ =	shalt  }
0x81: {  	_ =	shalt  }
0x82: {  	_ =	shalt  }
0x83: {  	_ =	shalt  }
0x84: {  	_ =	shalt  }
0x85: {  	_ =	shalt  }
0x86: {  	_ =	shalt  }
0x87: {  	_ =	shalt  }
.Lfunc_end0:
.L_simem_size_0:
called_computation_lowered:
.L_overlay_start_0:
0x88: {  	s2 =	sld [smem:$0x3FD9]  }
0x89: {  	s3 =	sld [smem:$0x3FFE];
	_ =	sdelay $0x1  }
0x8a: {  	s1 =	srdreg.scid  }
0x8b: {  	s0 =	sand.u32 $0x1, s1  }
0x8c: {  	s17 =	sshll.u32 s0, $0xA;
	s2 =	sadd.s32 s3, s2  }
0x8d: {  	s2 =	sadd.s32 s2, s17  }
0x8e: {  	[smem:$0x3FC5] =	sst s2  }
0x8f: {  	_ = 	snop  }
0x90: {  	s2 =	sld [smem:$0x3FC8]  }
0x91: {  	s18 =	sld [smem:$0x3FC7];
	(tm) =	ssettm $0x1  }
0x92: {  	s4 =	sld [smem:$0x3FFB];
	_ =	sdelay $0x3  }
0x93: {  	_ =	strace s4  }
0x94: {  	s4 =	sld [smem:$0x3FFC];
	_ =	sdelay $0x3  }
0x95: {  	_ =	strace s4  }
0x96: {  	s4 =	sld [smem:$0x3FFD];
	_ =	sdelay $0x3  }
0x97: {  	_ =	strace s4  }
0x98: {  	_ =	strace $0x8FFFFFFF  }
0x99: {  	s19 =	sld [smem:$0x3FDB];
	_ =	sdelay $0x1  }
0x9a: {  	s5 =	simm.s32 $_scs_section_size  }
0x9b: {  	s6 =	simm.s32 $_size__tile_overlayer_lowered;
	s7 =	simm.s32 $_tile_overlayer_lowered  }
0x9c: {  	s22 =	simm.s32 $0x1BFF;
	s21 =	sshll.u32 s7, $0x1;
	s4 =	sadd.s32 s5, s19  }
0x9d: {  	s8 =	simm.s32 $0x0;
	s20 =	sshll.u32 s6, $0x1;
	s6 =	sadd.s32 s21, s4  }
0x9e: {  	[timem:s8], [sflag:s22] =	dma.local [hbm:s6], s20  }
0x9f: {  	_ =	swait.ge [sflag:s22], s20  }
0xa0: {  	s5 =	ssub.s32 $0x0, s20;
	[sflag:s22] =	ssyncset.done $0x0  }
0xa1: {  	[sflag:s22] =	ssyncadd.s32 s5;
	_ =	sdelay $0x1  }
0xa2: {  	s23 =	simm.s32 $0x1B8B  }
0xa3: {  	_ =	swait.ge [sflag:s23], $0x1  }
0xa4: {  	[sflag:s23] =	ssyncset.done $0x0  }
0xa5: {  	s25 =	simm.s32 $0x1B8E;
	s24 =	sld [smem:$0x3FFE];
	[sflag:s23] =	ssyncadd.s32 $0xFFFFFFFF  }
0xa6: {  	s26 =	simm.s32 $execute0_lowered;
	[smem:$0x3FD2] =	sst s25  }
0xa7: {  	s6 =	sshll.u32 s26, $0x1;
	_ =	strace $0x80000046;
	[dreg:$0x1] =	wrdreg $0xFFFFFFFF  }
0xa8: {  	s28 =	simm.s32 $_size_execute0_lowered;
	s4 =	sadd.s32 s4, s6;
	[dreg:$0x0] =	wrdreg $0x0  }
0xa9: {  	s6 =	sshll.u32 s28, $0x1;
	[dreg:$0x2] =	wrdreg s4  }
0xaa: {  	[dreg:$0x3] =	wrdreg s6  }
0xab: {  	[dreg:$0x4] =	wrdreg $0xC0  }
0xac: {  	_ =	task [dreg:s8], $0x5FFFF  }
0xad: {  	[dreg:$0x1] =	wrdreg $0xFFFFFFFF  }
0xae: {  	[dreg:$0x0] =	wrdreg $0x60  }
0xaf: {  	[dreg:$0x2] =	wrdreg s24  }
0xb0: {  	[dreg:$0x3] =	wrdreg s2  }
0xb1: {  	[dreg:$0x4] =	wrdreg s18  }
0xb2: {  	[dreg:$0x5] =	wrdreg $0x9  }
0xb3: {  	_ =	task.clear_ibuf [dreg:s8], $0x6FFFF;
	_ =	strace $0x90000046  }
0xb4: {  	s29 =	simm.s32 $0x9;
	_ =	strace $0x80000048  }
0xb5: {  	_ =	swait.ge [sflag:s29], $0x1  }
0xb6: {  	[sflag:s29] =	ssyncadd.s32 $0xFFFFFFFF  }
0xb7: {  	_ =	strace $0x90000048  }
0xb8: {  	_ =	sfence  }
0xb9: {  	s30 =	sld [smem:$0x0];
	_ =	sdelay $0x2  }
0xba: {  	s31 =	sshll.u32 s1, $0xD;
	s1 =	sshrl.u32 s1, $0x2  }
0xbb: {  	s3 =	sand.u32 $0x4000, s31;
	s1 =	sadd.s32 s1, s30  }
0xbc: {  	s0 =	sor.u32 s3, s0;
	s1 =	sshll.u32 s1, $0x11  }
0xbd: {  	s0 =	sor.u32 s1, s0  }
0xbe: {  	s0 =	sadd.s32 $0x8F2B, s0  }
0xbf: {  	[sflag:s0] =	ssyncadd.remote.s32 $0x1  }
0xc0: {  	_ =	sfence.sel $0xFFFF  }
0xc1: {  	[dreg:$0x0] =	wrdreg $0xFFFFFFFF;
	(pc) =	sbr.abs _section_cstart, $3  }
0xc2: {  	[dreg:$0x1] =	wrdreg $0xFFFFFFFF  }
0xc3: {  	_ =	task.clear_ibuf [dreg:s8], $0x2FFFF;
	_ =	strace $0x9FFFFFFF  }
0xc4: {  	(tm) =	ssettm $0x7FFFFFFF  }
0xc5: {  	_ =	shalt  }
tec
execute0_lowered:
.L_overlay_start_1:
0x0: {  	(tag) =	ssettag $0x1  }
0x1: {  	s0 =	rddreg [dreg:$0x0]  }
0x2: {  	s1 =	srdreg.scid;
	s8 =	rddreg [dreg:$0x1]  }
0x3: {  	s7 =	stileid.u32;
	s9 =	simm.s32 $0x0;
	s1 =	sand.u32 $0x1, s1  }
0x4: {  	[smem:$0x7FF] =	sst s9;
	s3 =	sadd.s32 $0x400, s0;
	s10 =	sadd.s32 $0xF42800, s0  }
0x5: {  	s15 =	sadd.s32 $0x200, s8;
	s16 =	sadd.s32 $0x400, s8;
	s17 =	sadd.s32 $0x600, s8  }
0x6: {  	s18 =	sadd.s32 $0x800, s8;
	_ =	strace $0x80000047;
	[dreg:$0x9] =	wrdreg s15  }
0x7: {  	s19 =	sadd.s32 $0xA00, s8;
	s20 =	smul.u32 $0x1E848, s7;
	[dreg:$0xa] =	wrdreg s16  }
0x8: {  	s21 =	sadd.s32 $0xC00, s8;
	s22 =	sadd.s32 $0xE00, s8;
	[dreg:$0xb] =	wrdreg s17  }
0x9: {  	s8 =	simm.s32 $0x11000;
	s2 =	sshll.u32 s1, $0x4;
	[dreg:$0xc] =	wrdreg s18  }
0xa: {  	s4 =	ssub.s32 $0x2, s1;
	s1 =	smul.u32 $0x1E8480, s1;
	[dreg:$0xd] =	wrdreg s19  }
0xb: {  	[dreg:$0xe] =	wrdreg s21;
	s2 =	sor.u32 s7, s2;
	s12 =	sshrl.u32 s4, $0x1  }
0xc: {  	[dreg:$0xf] =	wrdreg s22;
	s2 =	smul.u32 $0x1E848, s2;
	s0 =	ssub.s32 s4, s12  }
0xd: {  	[dreg:$0x4] =	wrdreg s10;
	s25 =	sadd.s32 s20, s1;
	s0 =	smax.u32 s0, $0x1  }
0xe: {  	s5 =	sshrl.u32 s2, $0x2;
	s2 =	sshrl.u32 s2, $0x5;
	[dreg:$0x10] =	wrdreg s0  }
0xf: {  	s0 =	sshll.u32 s25, $0x2;
	s13 =	sadd.s32 $0x7A12, s5;
	s11 =	sshll.u32 s2, $0x3  }
0x10: {  	s2 =	sshll.u32 s2, $0x7;
	s0 =	sand.u32 $0xFFFF80, s0;
	s4 =	sand.u32 $0x1FFFF8, s13  }
0x11: {  	s12 =	sadd.s32 s3, s2;
	s6 =	sadd.s32 $0x7A100, s2;
	[dreg:$0x5] =	wrdreg s11  }
0x12: {  	s23 =	sadd.s32 $0xF80, s2;
	s26 =	sadd.s32 s10, s2;
	[dreg:$0x6] =	wrdreg s12  }
0x13: {  	s29 =	sadd.s32 $0x79180, s2;
	s5 =	sadd.s32 s0, s3;
	[dreg:$0x12] =	wrdreg s26  }
0x14: {  	s7 =	sadd.s32 s0, s10;
	s14 =	ssub.s32 s4, s11;
	[dreg:$0x16] =	wrdreg s5  }
0x15: {  	s13 =	sadd.s32 s3, s6;
	s6 =	sadd.s32 s10, s6;
	[dreg:$0x17] =	wrdreg s7  }
0x16: {  	s24 =	sadd.s32 s3, s23;
	s28 =	sadd.s32 s10, s23;
	[dreg:$0x7] =	wrdreg s13  }
0x17: {  	s2 =	sadd.s32 s3, s29;
	s1 =	sadd.s32 s10, s29;
	[dreg:$0x8] =	wrdreg s6  }
0x18: {  	s30 =	sadd.s32 $0x1F00, s12;
	s31 =	sadd.s32 $0x78200, s26;
	[dreg:$0x11] =	wrdreg s24  }
0x19: {  	s3 =	simm.s32 $0x1E;
	v0 =	vmov s4;
	s4 =	simm.s32 $0x1;
	[dreg:$0x13] =	wrdreg s28  }
.Ltmp0:
0x1a: {  	s10 =	simm.s32 $0x2;
	[dreg:$0x14] =	wrdreg s2;
	(pc) =	sbr.rel .LBB2_1-.Ltmp0, $4  }
0x1b: {  	v1 =	vmov s11;
	s11 =	simm.s32 $0x3;
	p1 =	slt.s32 s14, $0x7A11;
	[dreg:$0x15] =	wrdreg s1  }
0x1c: {  	s12 =	simm.s32 $0x4;
	[dreg:$0x18] =	wrdreg s30;
	s0 =	simm.s32 @!p1 $0x0  }
0x1d: {  	[dreg:$0x19] =	wrdreg s31;
	s6 =	simm.s32 $0x9400;
	s0 =	simm.s32 @p1 $0x1  }
0x1e: {  	v2 =	vimm.s32 $0x0;
	v3 =	vlaneseq.u32;
	s13 =	simm.s32 $0x1000;
	s1 =	simm.s32 $0x0;
	[smem:$0x7FD] =	sst s0  }
.LBB2_27:
0x1f: {  	s1 =	rddreg [dreg:$0x1a]  }
0x20: {  	s0 =	rddreg [dreg:$0x10];
	s1 =	sadd.s32 $0x1, s1  }
0x21: {  	s31 =	sld [smem:$0x7FD];
	p0 =	sne.s32 s1, s0  }
.Ltmp1:
0x22: {  	s5 =	rddreg [dreg:$0x16];
	(pc) =	sbr.rel @!p0 .LBB2_28-.Ltmp1, $4  }
0x23: {  	s9 =	simm.s32 $0x0;
	s7 =	rddreg [dreg:$0x17]  }
0x24: {  	s6 =	simm.s32 $0x9400;
	s3 =	simm.s32 $0x1E;
	s4 =	simm.s32 $0x1  }
0x25: {  	s8 =	simm.s32 $0x11000;
	s10 =	simm.s32 $0x2;
	s11 =	simm.s32 $0x3  }
0x26: {  	s12 =	simm.s32 $0x4;
	s13 =	simm.s32 $0x1000;
	p1 =	seq.s32 s31, $0x1  }
.LBB2_1:
0x27: {  	s0 =	rddreg [dreg:$0x6]  }
0x28: {  	[tilespmem:s6], [sflag:$0x1] =	stream.linear.gather [hbm4b:s0+s9], $0x7C00, $0x38;
	[tilespmem:$0x1B000] =	vst v63  }
0x29: {  	[dreg:$0x1a] =	wrdreg s1;
	s0 =	stileid.u32  }
0x2a: {  	s1 =	rddreg [dreg:$0x7];
	s0 =	sshll.u32 @!p1 s0, $0x6  }
0x2b: {  	s2 =	rddreg [dreg:$0x8];
	s0 =	sor.u32 @!p1 $0x1C05, s0  }
0x2c: {  	[hbm:s2], [sflag:s0] =	dma.local @!p1 [hbm:s1], $0x80  }
0x2d: {  	s0 =	rddreg [dreg:$0x1]  }
0x2e: {  	[tilespmem:s9], [sflag:$0x1E] =	stream.linear.gather [hbm4b:s0+s9], $0x1000, $0x38;
	[tilespmem:$0x1B000] =	vst v63  }
0x2f: {  	_ =	swait.ge [sflag:s3], $0x1000  }
0x30: {  	[sflag:s3] =	ssyncset.done $0x0  }
0x31: {  	[sflag:s3] =	ssyncadd.s32 $0xFFFFF000  }
0x32: {  	v4 =	vimm.s32 $0x0;
	v5 =	vimm.s32 $0x0;
	s1 =	simm.s32 $0x10;
	s2 =	simm.s32 $0x0;
	s0 =	simm.s32 $0x0;
	v6 =	vld [tilespmem:s9+$0x0]  }
.LBB2_2:
0x33: {  	p0 =	sne.s32 s1, $0xFF0;
	_ =	sdelay $0x3  }
0x34: {  	vm0 =	vge.s32 v6, v1;
	vm1 =	vlt.s32 v6, v0  }
0x35: {  	vm0 =	vmand vm0, vm1  }
0x36: {  	v7 =	vmpcnt.ones.xlane vm0;
	v8 =	vsel vm0, $0x1, v2  }
0x37: {  	(xrf0) =	vadd.scan.msk.s32 $0xffff, v8  }
0x38: {  	v4 =	vadd.s32 v4, v7;
	_ =	sdelay $0x4  }
0x39: {  	v7, _, _ =	vpop (xrf0)  }
0x3a: {  	v7 =	vadd.s32 v7, v5;
	v5 =	vmov v4  }
0x3b: {  	v7 =	vadd.s32 $0xFFFFFFFF, v7  }
0x3c: {  	v6 =	vsub.s32 v6, v1  }
.Ltmp2:
0x3d: {  	v6 =	vshll.u32 v6, $0x10;
	(pc) =	sbr.rel @p0 .LBB2_2-.Ltmp2, $4  }
0x3e: {  	v6 =	vadd.s32 s0, v6;
	s0 =	smov.u32 s1  }
0x3f: {  	v6 =	vadd.s32 v3, v6  }
0x40: {  	s2 =	sadd.s32 $0x10, s2;
	[tilespmem:v7+s13+$0x0] =	vst.idx.msk vm0, v6  }
0x41: {  	s1 =	sadd.s32 $0x10, s1;
	v6 =	vld [tilespmem:s2+$0x0]  }
0x42: {  	_ =	sdelay $0x3  }
0x43: {  	vm0 =	vge.s32 v6, v1;
	vm1 =	vlt.s32 v6, v0  }
0x44: {  	vm0 =	vmand vm0, vm1  }
0x45: {  	v7 =	vsel vm0, $0x1, v2  }
0x46: {  	(xrf0) =	vadd.scan.msk.s32 $0xffff, v7;
	_ =	sdelay $0x5  }
0x47: {  	v7, _, _ =	vpop (xrf0)  }
0x48: {  	v5 =	vadd.s32 v7, v5  }
0x49: {  	v5 =	vadd.s32 $0xFFFFFFFF, v5  }
0x4a: {  	v6 =	vsub.s32 v6, v1  }
0x4b: {  	v6 =	vshll.u32 v6, $0x10  }
0x4c: {  	v6 =	vadd.s32 s0, v6  }
0x4d: {  	v6 =	vadd.s32 v3, v6  }
0x4e: {  	s1 =	simm.s32 $0x0;
	s31 =	rddreg [dreg:$0x9];
	[tilespmem:v5+s13+$0x0] =	vst.idx.msk vm0, v6  }
0x4f: {  	v5 =	vmpcnt.ones.xlane vm0;
	[tilespmem:s1], [sflag:$0x1E] =	stream.linear.gather [hbm4b:s31+s1], $0x1000, $0x38;
	[tilespmem:$0x1B000] =	vst v63  }
0x50: {  	_ =	swait.ge [sflag:s3], $0x1000  }
0x51: {  	[sflag:s3] =	ssyncset.done $0x0  }
0x52: {  	v4 =	vadd.s32 v4, v5;
	[sflag:s3] =	ssyncadd.s32 $0xFFFFF000  }
0x53: {  	s2 =	simm.s32 $0x1010;
	s0 =	simm.s32 $0x1000;
	v5 =	vmov v4;
	v6 =	vld [tilespmem:s1+$0x0]  }
.LBB2_4:
0x54: {  	p0 =	sne.s32 s2, $0x1FF0;
	_ =	sdelay $0x3  }
0x55: {  	vm0 =	vge.s32 v6, v1;
	vm1 =	vlt.s32 v6, v0  }
0x56: {  	vm0 =	vmand vm0, vm1  }
0x57: {  	v7 =	vmpcnt.ones.xlane vm0;
	v8 =	vsel vm0, $0x1, v2  }
0x58: {  	(xrf0) =	vadd.scan.msk.s32 $0xffff, v8  }
0x59: {  	v4 =	vadd.s32 v4, v7;
	_ =	sdelay $0x4  }
0x5a: {  	v7, _, _ =	vpop (xrf0)  }
0x5b: {  	v7 =	vadd.s32 v7, v5;
	v5 =	vmov v4  }
0x5c: {  	v7 =	vadd.s32 $0xFFFFFFFF, v7  }
0x5d: {  	v6 =	vsub.s32 v6, v1  }
.Ltmp3:
0x5e: {  	v6 =	vshll.u32 v6, $0x10;
	(pc) =	sbr.rel @p0 .LBB2_4-.Ltmp3, $4  }
0x5f: {  	v6 =	vadd.s32 s0, v6;
	s0 =	smov.u32 s2  }
0x60: {  	v6 =	vadd.s32 v3, v6  }
0x61: {  	s1 =	sadd.s32 $0x10, s1;
	[tilespmem:v7+s13+$0x0] =	vst.idx.msk vm0, v6  }
0x62: {  	s2 =	sadd.s32 $0x10, s2;
	v6 =	vld [tilespmem:s1+$0x0]  }
0x63: {  	_ =	sdelay $0x3  }
0x64: {  	vm0 =	vge.s32 v6, v1;
	vm1 =	vlt.s32 v6, v0  }
0x65: {  	vm0 =	vmand vm0, vm1  }
0x66: {  	v7 =	vsel vm0, $0x1, v2  }
0x67: {  	(xrf0) =	vadd.scan.msk.s32 $0xffff, v7;
	_ =	sdelay $0x5  }
0x68: {  	v7, _, _ =	vpop (xrf0)  }
0x69: {  	v5 =	vadd.s32 v7, v5  }
0x6a: {  	v5 =	vadd.s32 $0xFFFFFFFF, v5  }
0x6b: {  	v6 =	vsub.s32 v6, v1  }
0x6c: {  	v6 =	vshll.u32 v6, $0x10  }
0x6d: {  	v6 =	vadd.s32 s0, v6  }
0x6e: {  	v6 =	vadd.s32 v3, v6  }
0x6f: {  	s1 =	simm.s32 $0x0;
	s31 =	rddreg [dreg:$0xa];
	[tilespmem:v5+s13+$0x0] =	vst.idx.msk vm0, v6  }
0x70: {  	v5 =	vmpcnt.ones.xlane vm0;
	[tilespmem:s1], [sflag:$0x1E] =	stream.linear.gather [hbm4b:s31+s1], $0x1000, $0x38;
	[tilespmem:$0x1B000] =	vst v63  }
0x71: {  	_ =	swait.ge [sflag:s3], $0x1000  }
0x72: {  	[sflag:s3] =	ssyncset.done $0x0  }
0x73: {  	v4 =	vadd.s32 v4, v5;
	[sflag:s3] =	ssyncadd.s32 $0xFFFFF000  }
0x74: {  	s2 =	simm.s32 $0x2010;
	s0 =	simm.s32 $0x2000;
	v5 =	vmov v4;
	v6 =	vld [tilespmem:s1+$0x0]  }
.LBB2_6:
0x75: {  	p0 =	sne.s32 s2, $0x2FF0;
	_ =	sdelay $0x3  }
0x76: {  	vm0 =	vge.s32 v6, v1;
	vm1 =	vlt.s32 v6, v0  }
0x77: {  	vm0 =	vmand vm0, vm1  }
0x78: {  	v7 =	vmpcnt.ones.xlane vm0;
	v8 =	vsel vm0, $0x1, v2  }
0x79: {  	(xrf0) =	vadd.scan.msk.s32 $0xffff, v8  }
0x7a: {  	v4 =	vadd.s32 v4, v7;
	_ =	sdelay $0x4  }
0x7b: {  	v7, _, _ =	vpop (xrf0)  }
0x7c: {  	v7 =	vadd.s32 v7, v5;
	v5 =	vmov v4  }
0x7d: {  	v7 =	vadd.s32 $0xFFFFFFFF, v7  }
0x7e: {  	v6 =	vsub.s32 v6, v1  }
.Ltmp4:
0x7f: {  	v6 =	vshll.u32 v6, $0x10;
	(pc) =	sbr.rel @p0 .LBB2_6-.Ltmp4, $4  }
0x80: {  	v6 =	vadd.s32 s0, v6;
	s0 =	smov.u32 s2  }
0x81: {  	v6 =	vadd.s32 v3, v6  }
0x82: {  	s1 =	sadd.s32 $0x10, s1;
	[tilespmem:v7+s13+$0x0] =	vst.idx.msk vm0, v6  }
0x83: {  	s2 =	sadd.s32 $0x10, s2;
	v6 =	vld [tilespmem:s1+$0x0]  }
0x84: {  	_ =	sdelay $0x3  }
0x85: {  	vm0 =	vge.s32 v6, v1;
	vm1 =	vlt.s32 v6, v0  }
0x86: {  	vm0 =	vmand vm0, vm1  }
0x87: {  	v7 =	vsel vm0, $0x1, v2  }
0x88: {  	(xrf0) =	vadd.scan.msk.s32 $0xffff, v7;
	_ =	sdelay $0x5  }
0x89: {  	v7, _, _ =	vpop (xrf0)  }
0x8a: {  	v5 =	vadd.s32 v7, v5  }
0x8b: {  	v5 =	vadd.s32 $0xFFFFFFFF, v5  }
0x8c: {  	v6 =	vsub.s32 v6, v1  }
0x8d: {  	v6 =	vshll.u32 v6, $0x10  }
0x8e: {  	v6 =	vadd.s32 s0, v6  }
0x8f: {  	v6 =	vadd.s32 v3, v6  }
0x90: {  	s1 =	simm.s32 $0x0;
	s31 =	rddreg [dreg:$0xb];
	[tilespmem:v5+s13+$0x0] =	vst.idx.msk vm0, v6  }
0x91: {  	v5 =	vmpcnt.ones.xlane vm0;
	[tilespmem:s1], [sflag:$0x1E] =	stream.linear.gather [hbm4b:s31+s1], $0x1000, $0x38;
	[tilespmem:$0x1B000] =	vst v63  }
0x92: {  	_ =	swait.ge [sflag:s3], $0x1000  }
0x93: {  	[sflag:s3] =	ssyncset.done $0x0  }
0x94: {  	v4 =	vadd.s32 v4, v5;
	[sflag:s3] =	ssyncadd.s32 $0xFFFFF000  }
0x95: {  	s2 =	simm.s32 $0x3010;
	s0 =	simm.s32 $0x3000;
	v5 =	vmov v4;
	v6 =	vld [tilespmem:s1+$0x0]  }
.LBB2_8:
0x96: {  	p0 =	sne.s32 s2, $0x3FF0;
	_ =	sdelay $0x3  }
0x97: {  	vm0 =	vge.s32 v6, v1;
	vm1 =	vlt.s32 v6, v0  }
0x98: {  	vm0 =	vmand vm0, vm1  }
0x99: {  	v7 =	vmpcnt.ones.xlane vm0;
	v8 =	vsel vm0, $0x1, v2  }
0x9a: {  	(xrf0) =	vadd.scan.msk.s32 $0xffff, v8  }
0x9b: {  	v4 =	vadd.s32 v4, v7;
	_ =	sdelay $0x4  }
0x9c: {  	v7, _, _ =	vpop (xrf0)  }
0x9d: {  	v7 =	vadd.s32 v7, v5;
	v5 =	vmov v4  }
0x9e: {  	v7 =	vadd.s32 $0xFFFFFFFF, v7  }
0x9f: {  	v6 =	vsub.s32 v6, v1  }
.Ltmp5:
0xa0: {  	v6 =	vshll.u32 v6, $0x10;
	(pc) =	sbr.rel @p0 .LBB2_8-.Ltmp5, $4  }
0xa1: {  	v6 =	vadd.s32 s0, v6;
	s0 =	smov.u32 s2  }
0xa2: {  	v6 =	vadd.s32 v3, v6  }
0xa3: {  	s1 =	sadd.s32 $0x10, s1;
	[tilespmem:v7+s13+$0x0] =	vst.idx.msk vm0, v6  }
0xa4: {  	s2 =	sadd.s32 $0x10, s2;
	v6 =	vld [tilespmem:s1+$0x0]  }
0xa5: {  	_ =	sdelay $0x3  }
0xa6: {  	vm0 =	vge.s32 v6, v1;
	vm1 =	vlt.s32 v6, v0  }
0xa7: {  	vm0 =	vmand vm0, vm1  }
0xa8: {  	v7 =	vsel vm0, $0x1, v2  }
0xa9: {  	(xrf0) =	vadd.scan.msk.s32 $0xffff, v7;
	_ =	sdelay $0x5  }
0xaa: {  	v7, _, _ =	vpop (xrf0)  }
0xab: {  	v5 =	vadd.s32 v7, v5  }
0xac: {  	v5 =	vadd.s32 $0xFFFFFFFF, v5  }
0xad: {  	v6 =	vsub.s32 v6, v1  }
0xae: {  	v6 =	vshll.u32 v6, $0x10  }
0xaf: {  	v6 =	vadd.s32 s0, v6  }
0xb0: {  	v6 =	vadd.s32 v3, v6  }
0xb1: {  	s1 =	simm.s32 $0x0;
	s31 =	rddreg [dreg:$0xc];
	[tilespmem:v5+s13+$0x0] =	vst.idx.msk vm0, v6  }
0xb2: {  	v5 =	vmpcnt.ones.xlane vm0;
	[tilespmem:s1], [sflag:$0x1E] =	stream.linear.gather [hbm4b:s31+s1], $0x1000, $0x38;
	[tilespmem:$0x1B000] =	vst v63  }
0xb3: {  	_ =	swait.ge [sflag:s3], $0x1000  }
0xb4: {  	[sflag:s3] =	ssyncset.done $0x0  }
0xb5: {  	v4 =	vadd.s32 v4, v5;
	[sflag:s3] =	ssyncadd.s32 $0xFFFFF000  }
0xb6: {  	s2 =	simm.s32 $0x4010;
	s0 =	simm.s32 $0x4000;
	v5 =	vmov v4;
	v6 =	vld [tilespmem:s1+$0x0]  }
.LBB2_10:
0xb7: {  	p0 =	sne.s32 s2, $0x4FF0;
	_ =	sdelay $0x3  }
0xb8: {  	vm0 =	vge.s32 v6, v1;
	vm1 =	vlt.s32 v6, v0  }
0xb9: {  	vm0 =	vmand vm0, vm1  }
0xba: {  	v7 =	vmpcnt.ones.xlane vm0;
	v8 =	vsel vm0, $0x1, v2  }
0xbb: {  	(xrf0) =	vadd.scan.msk.s32 $0xffff, v8  }
0xbc: {  	v4 =	vadd.s32 v4, v7;
	_ =	sdelay $0x4  }
0xbd: {  	v7, _, _ =	vpop (xrf0)  }
0xbe: {  	v7 =	vadd.s32 v7, v5;
	v5 =	vmov v4  }
0xbf: {  	v7 =	vadd.s32 $0xFFFFFFFF, v7  }
0xc0: {  	v6 =	vsub.s32 v6, v1  }
.Ltmp6:
0xc1: {  	v6 =	vshll.u32 v6, $0x10;
	(pc) =	sbr.rel @p0 .LBB2_10-.Ltmp6, $4  }
0xc2: {  	v6 =	vadd.s32 s0, v6;
	s0 =	smov.u32 s2  }
0xc3: {  	v6 =	vadd.s32 v3, v6  }
0xc4: {  	s1 =	sadd.s32 $0x10, s1;
	[tilespmem:v7+s13+$0x0] =	vst.idx.msk vm0, v6  }
0xc5: {  	s2 =	sadd.s32 $0x10, s2;
	v6 =	vld [tilespmem:s1+$0x0]  }
0xc6: {  	_ =	sdelay $0x3  }
0xc7: {  	vm0 =	vge.s32 v6, v1;
	vm1 =	vlt.s32 v6, v0  }
0xc8: {  	vm0 =	vmand vm0, vm1  }
0xc9: {  	v7 =	vsel vm0, $0x1, v2  }
0xca: {  	(xrf0) =	vadd.scan.msk.s32 $0xffff, v7;
	_ =	sdelay $0x5  }
0xcb: {  	v7, _, _ =	vpop (xrf0)  }
0xcc: {  	v5 =	vadd.s32 v7, v5  }
0xcd: {  	v5 =	vadd.s32 $0xFFFFFFFF, v5  }
0xce: {  	v6 =	vsub.s32 v6, v1  }
0xcf: {  	v6 =	vshll.u32 v6, $0x10  }
0xd0: {  	v6 =	vadd.s32 s0, v6  }
0xd1: {  	v6 =	vadd.s32 v3, v6  }
0xd2: {  	s1 =	simm.s32 $0x0;
	s31 =	rddreg [dreg:$0xd];
	[tilespmem:v5+s13+$0x0] =	vst.idx.msk vm0, v6  }
0xd3: {  	v5 =	vmpcnt.ones.xlane vm0;
	[tilespmem:s1], [sflag:$0x1E] =	stream.linear.gather [hbm4b:s31+s1], $0x1000, $0x38;
	[tilespmem:$0x1B000] =	vst v63  }
0xd4: {  	_ =	swait.ge [sflag:s3], $0x1000  }
0xd5: {  	[sflag:s3] =	ssyncset.done $0x0  }
0xd6: {  	v4 =	vadd.s32 v4, v5;
	[sflag:s3] =	ssyncadd.s32 $0xFFFFF000  }
0xd7: {  	s2 =	simm.s32 $0x5010;
	s0 =	simm.s32 $0x5000;
	v5 =	vmov v4;
	v6 =	vld [tilespmem:s1+$0x0]  }
.LBB2_12:
0xd8: {  	p0 =	sne.s32 s2, $0x5FF0;
	_ =	sdelay $0x3  }
0xd9: {  	vm0 =	vge.s32 v6, v1;
	vm1 =	vlt.s32 v6, v0  }
0xda: {  	vm0 =	vmand vm0, vm1  }
0xdb: {  	v7 =	vmpcnt.ones.xlane vm0;
	v8 =	vsel vm0, $0x1, v2  }
0xdc: {  	(xrf0) =	vadd.scan.msk.s32 $0xffff, v8  }
0xdd: {  	v4 =	vadd.s32 v4, v7;
	_ =	sdelay $0x4  }
0xde: {  	v7, _, _ =	vpop (xrf0)  }
0xdf: {  	v7 =	vadd.s32 v7, v5;
	v5 =	vmov v4  }
0xe0: {  	v7 =	vadd.s32 $0xFFFFFFFF, v7  }
0xe1: {  	v6 =	vsub.s32 v6, v1  }
.Ltmp7:
0xe2: {  	v6 =	vshll.u32 v6, $0x10;
	(pc) =	sbr.rel @p0 .LBB2_12-.Ltmp7, $4  }
0xe3: {  	v6 =	vadd.s32 s0, v6;
	s0 =	smov.u32 s2  }
0xe4: {  	v6 =	vadd.s32 v3, v6  }
0xe5: {  	s1 =	sadd.s32 $0x10, s1;
	[tilespmem:v7+s13+$0x0] =	vst.idx.msk vm0, v6  }
0xe6: {  	s2 =	sadd.s32 $0x10, s2;
	v6 =	vld [tilespmem:s1+$0x0]  }
0xe7: {  	_ =	sdelay $0x3  }
0xe8: {  	vm0 =	vge.s32 v6, v1;
	vm1 =	vlt.s32 v6, v0  }
0xe9: {  	vm0 =	vmand vm0, vm1  }
0xea: {  	v7 =	vsel vm0, $0x1, v2  }
0xeb: {  	(xrf0) =	vadd.scan.msk.s32 $0xffff, v7;
	_ =	sdelay $0x5  }
0xec: {  	v7, _, _ =	vpop (xrf0)  }
0xed: {  	v5 =	vadd.s32 v7, v5  }
0xee: {  	v5 =	vadd.s32 $0xFFFFFFFF, v5  }
0xef: {  	v6 =	vsub.s32 v6, v1  }
0xf0: {  	v6 =	vshll.u32 v6, $0x10  }
0xf1: {  	v6 =	vadd.s32 s0, v6  }
0xf2: {  	v6 =	vadd.s32 v3, v6  }
0xf3: {  	s1 =	simm.s32 $0x0;
	s31 =	rddreg [dreg:$0xe];
	[tilespmem:v5+s13+$0x0] =	vst.idx.msk vm0, v6  }
0xf4: {  	v5 =	vmpcnt.ones.xlane vm0;
	[tilespmem:s1], [sflag:$0x1E] =	stream.linear.gather [hbm4b:s31+s1], $0x1000, $0x38;
	[tilespmem:$0x1B000] =	vst v63  }
0xf5: {  	_ =	swait.ge [sflag:s3], $0x1000  }
0xf6: {  	[sflag:s3] =	ssyncset.done $0x0  }
0xf7: {  	v4 =	vadd.s32 v4, v5;
	[sflag:s3] =	ssyncadd.s32 $0xFFFFF000  }
0xf8: {  	s2 =	simm.s32 $0x6010;
	s0 =	simm.s32 $0x6000;
	v5 =	vmov v4;
	v6 =	vld [tilespmem:s1+$0x0]  }
.LBB2_14:
0xf9: {  	p0 =	sne.s32 s2, $0x6FF0;
	_ =	sdelay $0x3  }
0xfa: {  	vm0 =	vge.s32 v6, v1;
	vm1 =	vlt.s32 v6, v0  }
0xfb: {  	vm0 =	vmand vm0, vm1  }
0xfc: {  	v7 =	vmpcnt.ones.xlane vm0;
	v8 =	vsel vm0, $0x1, v2  }
0xfd: {  	(xrf0) =	vadd.scan.msk.s32 $0xffff, v8  }
0xfe: {  	v4 =	vadd.s32 v4, v7;
	_ =	sdelay $0x4  }
0xff: {  	v7, _, _ =	vpop (xrf0)  }
0x100: {  	v7 =	vadd.s32 v7, v5;
	v5 =	vmov v4  }
0x101: {  	v7 =	vadd.s32 $0xFFFFFFFF, v7  }
0x102: {  	v6 =	vsub.s32 v6, v1  }
.Ltmp8:
0x103: {  	v6 =	vshll.u32 v6, $0x10;
	(pc) =	sbr.rel @p0 .LBB2_14-.Ltmp8, $4  }
0x104: {  	v6 =	vadd.s32 s0, v6;
	s0 =	smov.u32 s2  }
0x105: {  	v6 =	vadd.s32 v3, v6  }
0x106: {  	s1 =	sadd.s32 $0x10, s1;
	[tilespmem:v7+s13+$0x0] =	vst.idx.msk vm0, v6  }
0x107: {  	s2 =	sadd.s32 $0x10, s2;
	v6 =	vld [tilespmem:s1+$0x0]  }
0x108: {  	_ =	sdelay $0x3  }
0x109: {  	vm0 =	vge.s32 v6, v1;
	vm1 =	vlt.s32 v6, v0  }
0x10a: {  	vm0 =	vmand vm0, vm1  }
0x10b: {  	v7 =	vsel vm0, $0x1, v2  }
0x10c: {  	(xrf0) =	vadd.scan.msk.s32 $0xffff, v7;
	_ =	sdelay $0x5  }
0x10d: {  	v7, _, _ =	vpop (xrf0)  }
0x10e: {  	v5 =	vadd.s32 v7, v5  }
0x10f: {  	v5 =	vadd.s32 $0xFFFFFFFF, v5  }
0x110: {  	v6 =	vsub.s32 v6, v1  }
0x111: {  	v6 =	vshll.u32 v6, $0x10  }
0x112: {  	v6 =	vadd.s32 s0, v6  }
0x113: {  	v6 =	vadd.s32 v3, v6  }
0x114: {  	s1 =	simm.s32 $0x0;
	s31 =	rddreg [dreg:$0xf];
	[tilespmem:v5+s13+$0x0] =	vst.idx.msk vm0, v6  }
0x115: {  	v5 =	vmpcnt.ones.xlane vm0;
	[tilespmem:s1], [sflag:$0x1E] =	stream.linear.gather [hbm4b:s31+s1], $0x1000, $0x38;
	[tilespmem:$0x1B000] =	vst v63  }
0x116: {  	_ =	swait.ge [sflag:s3], $0x1000  }
0x117: {  	[sflag:s3] =	ssyncset.done $0x0  }
0x118: {  	v4 =	vadd.s32 v4, v5;
	[sflag:s3] =	ssyncadd.s32 $0xFFFFF000  }
0x119: {  	s2 =	simm.s32 $0x7010;
	s0 =	simm.s32 $0x7000;
	v5 =	vmov v4;
	v6 =	vld [tilespmem:s1+$0x0]  }
.LBB2_16:
0x11a: {  	p0 =	sne.s32 s2, $0x7FF0;
	_ =	sdelay $0x3  }
0x11b: {  	vm0 =	vge.s32 v6, v1;
	vm1 =	vlt.s32 v6, v0  }
0x11c: {  	vm0 =	vmand vm0, vm1  }
0x11d: {  	v7 =	vmpcnt.ones.xlane vm0;
	v8 =	vsel vm0, $0x1, v2  }
0x11e: {  	(xrf0) =	vadd.scan.msk.s32 $0xffff, v8  }
0x11f: {  	v4 =	vadd.s32 v4, v7;
	_ =	sdelay $0x4  }
0x120: {  	v7, _, _ =	vpop (xrf0)  }
0x121: {  	v7 =	vadd.s32 v7, v5;
	v5 =	vmov v4  }
0x122: {  	v7 =	vadd.s32 $0xFFFFFFFF, v7  }
0x123: {  	v6 =	vsub.s32 v6, v1  }
.Ltmp9:
0x124: {  	v6 =	vshll.u32 v6, $0x10;
	(pc) =	sbr.rel @p0 .LBB2_16-.Ltmp9, $4  }
0x125: {  	v6 =	vadd.s32 s0, v6;
	s0 =	smov.u32 s2  }
0x126: {  	v6 =	vadd.s32 v3, v6  }
0x127: {  	s1 =	sadd.s32 $0x10, s1;
	[tilespmem:v7+s13+$0x0] =	vst.idx.msk vm0, v6  }
0x128: {  	s2 =	sadd.s32 $0x10, s2;
	v6 =	vld [tilespmem:s1+$0x0]  }
0x129: {  	_ =	sdelay $0x3  }
0x12a: {  	vm0 =	vge.s32 v6, v1;
	vm1 =	vlt.s32 v6, v0  }
0x12b: {  	vm0 =	vmand vm0, vm1  }
0x12c: {  	v7 =	vsel vm0, $0x1, v2  }
0x12d: {  	(xrf0) =	vadd.scan.msk.s32 $0xffff, v7;
	_ =	sdelay $0x5  }
0x12e: {  	v7, _, _ =	vpop (xrf0)  }
0x12f: {  	v5 =	vadd.s32 v7, v5  }
0x130: {  	v5 =	vadd.s32 $0xFFFFFFFF, v5  }
0x131: {  	v6 =	vsub.s32 v6, v1  }
0x132: {  	v6 =	vshll.u32 v6, $0x10  }
0x133: {  	v6 =	vadd.s32 s0, v6  }
0x134: {  	v6 =	vadd.s32 v3, v6  }
0x135: {  	[tilespmem:v5+s13+$0x0] =	vst.idx.msk vm0, v6  }
0x136: {  	_ =	swait.ge [sflag:s4], $0x7C00  }
0x137: {  	[sflag:s4] =	ssyncset.done $0x0  }
0x138: {  	s25 =	rddreg [dreg:$0x11];
	[sflag:s4] =	ssyncadd.s32 $0xFFFF8400  }
0x139: {  	[tilespmem:s8], [sflag:$0x2] =	stream.linear.gather [hbm4b:s25+s9], $0x7C00, $0x38;
	[tilespmem:$0x1B000] =	vst v63  }
0x13a: {  	s26 =	rddreg [dreg:$0x12]  }
0x13b: {  	[hbm4b:s26+s9] =	stream.linear.scatter [tilespmem:s6], [sflag:$0x3], $0x7C00, $0x38;
	[tilespmem:$0x1B000] =	vst v63  }
0x13c: {  	_ =	swait.ge [sflag:s10], $0x7C00  }
0x13d: {  	[sflag:s10] =	ssyncset.done $0x0  }
0x13e: {  	[sflag:s10] =	ssyncadd.s32 $0xFFFF8400  }
0x13f: {  	_ =	swait.ge [sflag:s11], $0x7C00  }
0x140: {  	[sflag:s11] =	ssyncset.done $0x0  }
0x141: {  	s28 =	rddreg [dreg:$0x18];
	[sflag:s11] =	ssyncadd.s32 $0xFFFF8400  }
0x142: {  	[tilespmem:s6], [sflag:$0x1] =	stream.linear.gather [hbm4b:s28+s9], $0x7C00, $0x38;
	[tilespmem:$0x1B000] =	vst v63  }
0x143: {  	s29 =	rddreg [dreg:$0x13]  }
0x144: {  	[hbm4b:s29+s9] =	stream.linear.scatter [tilespmem:s8], [sflag:$0x4], $0x7C00, $0x38;
	[tilespmem:$0x1B000] =	vst v63  }
0x145: {  	_ =	swait.ge [sflag:s4], $0x7C00  }
0x146: {  	[sflag:s4] =	ssyncset.done $0x0  }
0x147: {  	[sflag:s4] =	ssyncadd.s32 $0xFFFF8400  }
0x148: {  	_ =	swait.ge [sflag:s12], $0x7C00  }
0x149: {  	s30 =	sadd.s32 $0xFFF89D00, s5;
	[sflag:s12] =	ssyncset.done $0x0  }
0x14a: {  	s2 =	sadd.s32 $0xFFF89D00, s7;
	s1 =	sadd.s32 $0x79180, s30;
	[sflag:s12] =	ssyncadd.s32 $0xFFFF8400  }
0x14b: {  	[tilespmem:s8], [sflag:$0x2] =	stream.linear.gather [hbm4b:s1+s9], $0x7C00, $0x38;
	[tilespmem:$0x1B000] =	vst v63  }
0x14c: {  	s31 =	sadd.s32 $0x78200, s2  }
0x14d: {  	[hbm4b:s31+s9] =	stream.linear.scatter [tilespmem:s6], [sflag:$0x3], $0x7C00, $0x38;
	[tilespmem:$0x1B000] =	vst v63  }
0x14e: {  	_ =	swait.ge [sflag:s10], $0x7C00  }
0x14f: {  	[sflag:s10] =	ssyncset.done $0x0  }
0x150: {  	[sflag:s10] =	ssyncadd.s32 $0xFFFF8400  }
0x151: {  	_ =	swait.ge [sflag:s11], $0x7C00  }
0x152: {  	[sflag:s11] =	ssyncset.done $0x0  }
0x153: {  	s0 =	sadd.s32 $0x7A100, s30;
	v5 =	vmpcnt.ones.xlane vm0;
	[sflag:s11] =	ssyncadd.s32 $0xFFFF8400  }
0x154: {  	[tilespmem:s6], [sflag:$0x1] =	stream.linear.gather [hbm4b:s0+s9], $0x7C00, $0x38;
	[tilespmem:$0x1B000] =	vst v63  }
0x155: {  	v4 =	vadd.s32 v4, v5;
	s1 =	sadd.s32 $0x79180, s2;
	s0 =	simm.s32 $0xFFF8BC00  }
.LBB2_18:
0x156: {  	[hbm4b:s1+s9] =	stream.linear.scatter [tilespmem:s8], [sflag:$0x4], $0x7C00, $0x38;
	[tilespmem:$0x1B000] =	vst v63  }
0x157: {  	s1 =	smov.u32 s0  }
0x158: {  	p0 =	sne.s32 s0, $0xFFFFE100;
	s0 =	sadd.s32 $0x1F00, s0;
	_ =	swait.ge [sflag:s4], $0x7C00  }
0x159: {  	[sflag:s4] =	ssyncset.done $0x0  }
0x15a: {  	[sflag:s4] =	ssyncadd.s32 $0xFFFF8400  }
0x15b: {  	_ =	swait.ge [sflag:s12], $0x7C00  }
0x15c: {  	s2 =	sadd.s32 s1, s5;
	[sflag:s12] =	ssyncset.done $0x0  }
0x15d: {  	s1 =	sadd.s32 s1, s7;
	s3 =	sadd.s32 $0x79180, s2;
	[sflag:s12] =	ssyncadd.s32 $0xFFFF8400  }
0x15e: {  	[tilespmem:s8], [sflag:$0x2] =	stream.linear.gather [hbm4b:s3+s9], $0x7C00, $0x38;
	[tilespmem:$0x1B000] =	vst v63  }
0x15f: {  	s3 =	sadd.s32 $0x78200, s1  }
0x160: {  	[hbm4b:s3+s9] =	stream.linear.scatter [tilespmem:s6], [sflag:$0x3], $0x7C00, $0x38;
	[tilespmem:$0x1B000] =	vst v63  }
0x161: {  	_ =	swait.ge [sflag:s10], $0x7C00  }
0x162: {  	[sflag:s10] =	ssyncset.done $0x0  }
0x163: {  	[sflag:s10] =	ssyncadd.s32 $0xFFFF8400  }
.Ltmp10:
0x164: {  	_ =	swait.ge [sflag:s11], $0x7C00;
	(pc) =	sbr.rel @p0 .LBB2_18-.Ltmp10, $4  }
0x165: {  	[sflag:s11] =	ssyncset.done $0x0  }
0x166: {  	s2 =	sadd.s32 $0x7A100, s2;
	[sflag:s11] =	ssyncadd.s32 $0xFFFF8400  }
0x167: {  	[tilespmem:s6], [sflag:$0x1] =	stream.linear.gather [hbm4b:s2+s9], $0x7C00, $0x38;
	[tilespmem:$0x1B000] =	vst v63  }
0x168: {  	s1 =	sadd.s32 $0x79180, s1  }
0x169: {  	[hbm4b:s1+s9] =	stream.linear.scatter [tilespmem:s8], [sflag:$0x4], $0x7C00, $0x38;
	[tilespmem:$0x1B000] =	vst v63  }
0x16a: {  	_ =	swait.ge [sflag:s4], $0x7C00  }
0x16b: {  	[sflag:s4] =	ssyncset.done $0x0  }
0x16c: {  	[sflag:s4] =	ssyncadd.s32 $0xFFFF8400  }
0x16d: {  	_ =	swait.ge [sflag:s12], $0x7C00  }
0x16e: {  	[sflag:s12] =	ssyncset.done $0x0  }
0x16f: {  	s0 =	rddreg [dreg:$0x14];
	[sflag:s12] =	ssyncadd.s32 $0xFFFF8400  }
0x170: {  	[tilespmem:s8], [sflag:$0x2] =	stream.linear.gather [hbm4b:s0+s9], $0x7C00, $0x38;
	[tilespmem:$0x1B000] =	vst v63  }
0x171: {  	s29 =	rddreg [dreg:$0x19]  }
0x172: {  	[hbm4b:s29+s9] =	stream.linear.scatter [tilespmem:s6], [sflag:$0x3], $0x7C00, $0x38;
	[tilespmem:$0x1B000] =	vst v63  }
0x173: {  	_ =	swait.ge [sflag:s10], $0x7C00  }
0x174: {  	[sflag:s10] =	ssyncset.done $0x0  }
0x175: {  	[sflag:s10] =	ssyncadd.s32 $0xFFFF8400  }
0x176: {  	_ =	swait.ge [sflag:s11], $0x7C00  }
0x177: {  	(v2sf) =	vpush v4, $0x0;
	_ =	sdelay $0xb  }
0x178: {  	[sflag:s11] =	ssyncset.done $0x0  }
0x179: {  	s30 =	rddreg [dreg:$0x15];
	[sflag:s11] =	ssyncadd.s32 $0xFFFF8400  }
0x17a: {  	[hbm4b:s30+s9] =	stream.linear.scatter [tilespmem:s8], [sflag:$0x4], $0x7C00, $0x38;
	[tilespmem:$0x1B000] =	vst v63  }
0x17b: {  	s31 =	spop (v2sf)  }
0x17c: {  	s1 =	sadd.s32 $0xF, s31  }
0x17d: {  	s1 =	sshra.s32 s1, $0x4  }
0x17e: {  	_ =	swait.ge [sflag:s12], $0x7C00;
	p0 =	slt.s32 s1, $0x1  }
.Ltmp11:
0x17f: {  	s0 =	simm.s32 @!p1 $0x5;
	[sflag:s12] =	ssyncset.done $0x0;
	(pc) =	sbr.rel @!p0 .LBB2_20-.Ltmp11, $4  }
.Ltmp12:
0x180: {  	[dreg:$0x1b] =	wrdreg s31;
	[sflag:s12] =	ssyncadd.s32 $0xFFFF8400;
	(pc) =	sbr.rel @p0 .LBB2_27-.Ltmp12, $4  }
0x181: {  	_ =	swait.ge @!p1 [sflag:s0], $0x80  }
0x182: {  	[sflag:s0] =	ssyncset.done @!p1 $0x0  }
0x183: {  	[dreg:$0x1c] =	wrdreg s1;
	s1 =	simm.s32 $0x0;
	[sflag:s0] =	ssyncadd.s32 @!p1 $0xFFFFFF80  }
0x184: {  	_ = 	snop  }
.LBB2_26:
0x185: {  	s1 =	rddreg [dreg:$0x1d]  }
0x186: {  	s0 =	rddreg [dreg:$0x1c];
	s1 =	sadd.s32 $0x1, s1  }
0x187: {  	p0 =	sne.s32 s1, s0  }
.Ltmp13:
0x188: {  	_ = 	snop;
	(pc) =	sbr.rel @!p0 .LBB2_27-.Ltmp13, $1  }
0x189: {  	_ =	sdelay $0x3  }
.LBB2_20:
0x18a: {  	[dreg:$0x1d] =	wrdreg s1;
	s7 =	sshll.u32 s1, $0x4  }
0x18b: {  	s6 =	rddreg [dreg:$0x1b];
	s1 =	simm.s32 $0x1;
	s3 =	simm.s32 $0x4  }
0x18c: {  	s4 =	simm.s32 $0x10;
	p0 =	slt.s32 s7, s6;
	s0 =	sor.u32 $0x1, s7  }
0x18d: {  	s28 =	sor.u32 $0x2, s7;
	s2 =	sor.u32 $0x3, s7;
	s29 =	sor.u32 $0x4, s7  }
0x18e: {  	s5 =	sor.u32 $0x5, s7;
	s30 =	sor.u32 $0x6, s7;
	p1 =	slt.s32 s0, s6  }
0x18f: {  	s1 =	simm.s32 @!p0 $0x0;
	p0 =	slt.s32 s28, s6;
	s0 =	simm.s32 $0x2  }
0x190: {  	s0 =	simm.s32 @!p1 $0x0;
	s3 =	simm.s32 @!p0 $0x0;
	p0 =	slt.s32 s29, s6  }
0x191: {  	p1 =	slt.s32 s2, s6;
	s2 =	simm.s32 $0x8;
	s4 =	simm.s32 @!p0 $0x0  }
0x192: {  	p0 =	slt.s32 s5, s6;
	s0 =	sor.u32 s1, s0;
	s1 =	simm.s32 $0x20  }
0x193: {  	s2 =	simm.s32 @!p1 $0x0;
	s0 =	sor.u32 s3, s0;
	s1 =	simm.s32 @!p0 $0x0  }
0x194: {  	p0 =	slt.s32 s30, s6;
	s0 =	sor.u32 s2, s0;
	s2 =	simm.s32 $0x40  }
0x195: {  	s31 =	sor.u32 $0x7, s7;
	s0 =	sor.u32 s4, s0;
	s2 =	simm.s32 @!p0 $0x0  }
0x196: {  	p0 =	slt.s32 s31, s6;
	s0 =	sor.u32 s1, s0;
	s1 =	simm.s32 $0x80  }
0x197: {  	s0 =	sor.u32 s2, s0;
	s1 =	simm.s32 @!p0 $0x0  }
0x198: {  	s14 =	sor.u32 s1, s0  }
0x199: {  	p0 =	seq.s32 s14, $0x0  }
.Ltmp14:
0x19a: {  	_ = 	snop;
	(pc) =	sbr.rel @p0 .LBB2_23-.Ltmp14, $2  }
0x19b: {  	_ =	sdelay $0x2  }
0x19c: {  	[dreg:$0x1e] =	wrdreg s7;
	v4 =	vld [tilespmem:s7+$0x1000]  }
0x19d: {  	_ =	sdelay $0x3  }
0x19e: {  	(v2sf) =	vpush v4, $0x7  }
0x19f: {  	(v2sf) =	vpush v4, $0x6  }
0x1a0: {  	(v2sf) =	vpush v4, $0x5  }
0x1a1: {  	(v2sf) =	vpush v4, $0x4  }
0x1a2: {  	(v2sf) =	vpush v4, $0x3  }
0x1a3: {  	(v2sf) =	vpush v4, $0x2  }
0x1a4: {  	(v2sf) =	vpush v4, $0x1;
	_ =	sdelay $0x2  }
0x1a5: {  	(v2sf) =	vpush v4, $0x0;
	_ =	sdelay $0x5  }
0x1a6: {  	s1 =	spop (v2sf)  }
0x1a7: {  	s5 =	spop (v2sf)  }
0x1a8: {  	s29 =	rddreg [dreg:$0x5];
	s6 =	spop (v2sf)  }
0x1a9: {  	s28 =	rddreg [dreg:$0x4];
	s3 =	spop (v2sf);
	s0 =	sshra.s32 s6, $0x10  }
0x1aa: {  	s8 =	spop (v2sf);
	s11 =	sadd.s32 s29, s0;
	s0 =	sshll.u32 s0, $0x7  }
0x1ab: {  	s9 =	spop (v2sf);
	s2 =	sshra.s32 s11, $0x3;
	s4 =	sshra.s32 s8, $0x10  }
0x1ac: {  	s8 =	sshll.u32 s8, $0x1;
	s0 =	sand.u32 $0x380, s0;
	s10 =	spop (v2sf)  }
0x1ad: {  	[smem:$0x7EC] =	sst s2;
	s2 =	sshra.s32 s3, $0x10;
	s13 =	sadd.s32 s29, s4  }
0x1ae: {  	s8 =	sand.u32 $0x1FFFE, s8;
	s3 =	sshll.u32 s3, $0x1;
	s4 =	sshll.u32 s4, $0x7  }
0x1af: {  	s12 =	sadd.s32 s29, s2;
	s19 =	spop (v2sf);
	s17 =	sshra.s32 s13, $0x3  }
0x1b0: {  	s25 =	sshra.s32 s10, $0x10;
	s10 =	sshll.u32 s10, $0x1;
	s13 =	sshll.u32 s13, $0x4  }
0x1b1: {  	s31 =	sand.u32 $0x1FFFE, s3;
	s2 =	sshll.u32 s2, $0x7;
	s4 =	sand.u32 $0x380, s4  }
0x1b2: {  	s7 =	sshra.s32 s12, $0x3;
	s22 =	sshra.s32 s19, $0x10;
	s24 =	sadd.s32 s29, s25  }
0x1b3: {  	s19 =	sshll.u32 s19, $0x1;
	s10 =	sand.u32 $0x1FFFE, s10;
	s2 =	sand.u32 $0x380, s2  }
0x1b4: {  	[smem:$0x7ED] =	sst s7;
	s7 =	sshra.s32 s9, $0x10;
	s21 =	sadd.s32 s29, s22  }
0x1b5: {  	s20 =	sshra.s32 s24, $0x3;
	s19 =	sand.u32 $0x1FFFE, s19;
	s24 =	sshll.u32 s24, $0x4  }
0x1b6: {  	s9 =	sshll.u32 s9, $0x1;
	s23 =	sadd.s32 s29, s7;
	s26 =	sshll.u32 s21, $0x4  }
0x1b7: {  	s15 =	sand.u32 $0xFFFFF80, s24;
	s9 =	sand.u32 $0x1FFFE, s9;
	s26 =	sand.u32 $0xFFFFF80, s26  }
0x1b8: {  	s24 =	sshll.u32 s12, $0x4;
	s12 =	sshll.u32 s11, $0x4;
	s26 =	sadd.s32 s28, s26  }
0x1b9: {  	s11 =	sshra.s32 s1, $0x10;
	s1 =	sshll.u32 s1, $0x1;
	[dreg:$0x1f] =	wrdreg s26  }
0x1ba: {  	s7 =	sshll.u32 s7, $0x7;
	s18 =	sshra.s32 s23, $0x3;
	s26 =	rddreg [dreg:$0x2]  }
0x1bb: {  	s16 =	sshll.u32 s23, $0x4;
	s30 =	sand.u32 $0xFFFFF80, s24;
	s19 =	sadd.s32 s26, s19  }
0x1bc: {  	s1 =	sand.u32 $0x1FFFE, s1;
	s10 =	sadd.s32 s26, s10;
	[smem:$0x7EE] =	sst s19  }
0x1bd: {  	s7 =	sand.u32 $0x380, s7;
	s9 =	sadd.s32 s26, s9;
	[smem:$0x7F0] =	sst s10  }
0x1be: {  	s8 =	sadd.s32 s26, s8;
	s19 =	sadd.s32 s28, s15;
	[smem:$0x7F2] =	sst s9  }
0x1bf: {  	s10 =	sand.u32 $0xFFFFF80, s16;
	[smem:$0x7F4] =	sst s8;
	s8 =	sadd.s32 s28, s30  }
0x1c0: {  	s30 =	sadd.s32 s29, s11;
	[smem:$0x7EF] =	sst s19;
	s10 =	sadd.s32 s28, s10  }
0x1c1: {  	s19 =	sand.u32 $0xFFFFF80, s13;
	[smem:$0x7F5] =	sst s8;
	s8 =	sand.u32 $0xFFFFF80, s12  }
0x1c2: {  	s13 =	sshll.u32 s6, $0x1;
	[smem:$0x7F1] =	sst s10;
	s23 =	sadd.s32 s28, s19  }
0x1c3: {  	s10 =	sadd.s32 s26, s31;
	s15 =	sadd.s32 s28, s8;
	[smem:$0x7F3] =	sst s23  }
0x1c4: {  	s16 =	sand.u32 $0x1FFFE, s13;
	[smem:$0x7F6] =	sst s10;
	s10 =	sshra.s32 s5, $0x10  }
0x1c5: {  	[smem:$0x7F7] =	sst s15;
	s23 =	sadd.s32 s26, s16;
	s5 =	sshll.u32 s5, $0x1  }
0x1c6: {  	s15 =	sshll.u32 s22, $0x7;
	s16 =	sshll.u32 s25, $0x7;
	s22 =	sshll.u32 s11, $0x7  }
0x1c7: {  	s19 =	sadd.s32 s29, s10;
	[smem:$0x7F8] =	sst s23;
	s23 =	sshra.s32 s30, $0x3  }
0x1c8: {  	s5 =	sand.u32 $0x1FFFE, s5;
	s13 =	sand.u32 $0x380, s16;
	s25 =	sand.u32 $0x380, s22  }
0x1c9: {  	s12 =	sshra.s32 s19, $0x3;
	s9 =	sshll.u32 s19, $0x4;
	s19 =	sshll.u32 s10, $0x7  }
0x1ca: {  	s29 =	sadd.s32 s26, s5;
	s24 =	sand.u32 $0xFFFFF80, s9;
	s9 =	sshll.u32 s30, $0x4  }
0x1cb: {  	[smem:$0x7FA] =	sst s29;
	s31 =	sadd.s32 s28, s24;
	s6 =	sand.u32 $0xFFFFF80, s9  }
0x1cc: {  	v10 =	vor.u32 s0, v3;
	v8 =	vor.u32 s4, v3;
	s9 =	sand.u32 $0x380, s15;
	[smem:$0x7F9] =	sst s31;
	s30 =	sadd.s32 s28, s6  }
0x1cd: {  	v9 =	vor.u32 s2, v3;
	v7 =	vor.u32 s7, v3;
	v6 =	vor.u32 s13, v3;
	s24 =	sand.u32 $0x380, s19;
	s31 =	sadd.s32 s26, s1;
	[smem:$0x7FB] =	sst s30  }
0x1ce: {  	s21 =	sshra.s32 s21, $0x3;
	v12 =	vor.u32 s25, v3;
	v5 =	vor.u32 s9, v3;
	v11 =	vor.u32 s24, v3;
	[smem:$0x7FC] =	sst s31  }
.LBB2_22:
0x1cf: {  	p1 =	seq.s32 s20, s17;
	p2 =	seq.s32 s20, s18;
	s3 =	rddreg [dreg:$0x1f]  }
0x1d0: {  	s0 =	sand.u32 $0x1, s14;
	s1 =	sshrl.u32 s14, $0x1;
	s4 =	sld [smem:$0x7EE]  }
0x1d1: {  	p3 =	seq.s32 s21, s18;
	p4 =	sne.s32 s21, s20;
	s8 =	sld [smem:$0x7ED]  }
0x1d2: {  	s31 =	sshrl.u32 s14, $0x2;
	s7 =	sld [smem:$0x7EC];
	p0 =	seq.s32 s0, $0x1  }
0x1d3: {  	s11 =	sshrl.u32 s14, $0x4;
	s1 =	sand.u32 $0x1, s1;
	p5 =	por !p0, !p0  }
0x1d4: {  	[smem:$0x7EB] =	sst s0;
	p6 =	seq.s32 s1, $0x1;
	p4 =	por p4, p5  }
0x1d5: {  	p3 =	por !p3, !p0;
	p2 =	por !p2, !p6;
	s1 =	simm.s32 @!p4 $0x0  }
0x1d6: {  	p3 =	por !p3, !p3;
	p2 =	por !p2, !p2;
	s1 =	simm.s32 @p4 $0x1  }
0x1d7: {  	p2 =	por p3, p2;
	p3 =	seq.s32 s0, $0x0;
	s0 =	simm.s32 @!p6 $0x0  }
0x1d8: {  	p5 =	seq.s32 s21, s17;
	[smem:$0x7DC] =	sst s1;
	s0 =	simm.s32 @p6 $0x1  }
0x1d9: {  	p1 =	por !p1, !p6;
	p5 =	por !p5, !p0;
	[smem:$0x7DD] =	sst s0  }
0x1da: {  	p1 =	por !p1, !p1;
	s1 =	simm.s32 @!p2 $0x0;
	s15 =	sld [smem:$0x7DC]  }
0x1db: {  	p4 =	seq.s32 s20, s8;
	s1 =	simm.s32 @p2 $0x1;
	s0 =	sld [smem:$0x7F3]  }
0x1dc: {  	s2 =	simm.s32 @!p3 $0x18C00;
	p2 =	por !p5, !p5;
	[smem:$0x7DE] =	sst s1  }
0x1dd: {  	p5 =	seq.s32 s21, s8;
	s1 =	simm.s32 @!p3 $0x0;
	s9 =	sld [smem:$0x7DD]  }
0x1de: {  	[tilespmem:s2], [sflag:$0x6] =	stream.linear.gather @!p3 [hbm4b:s3+s1], $0x400, $0x38;
	[tilespmem:$0x1B000] =	vst v63  }
0x1df: {  	p1 =	por p2, p1;
	s16 =	sld [smem:$0x7DD];
	s2 =	simm.s32 @!p3 $0x1AC00  }
0x1e0: {  	[tilespmem:s2], [sflag:$0xE] =	stream.linear.gather @!p3 [hbm4b:s4+s1], $0x10, $0x38;
	[tilespmem:$0x1B000] =	vst v63  }
0x1e1: {  	p2 =	por p0, p0;
	s22 =	sld [smem:$0x7DE];
	s1 =	simm.s32 @!p1 $0x0  }
0x1e2: {  	s2 =	simm.s32 @!p0 $0x0;
	p3 =	por !p4, !p6;
	s4 =	sshrl.u32 s14, $0x3  }
0x1e3: {  	s1 =	simm.s32 @p1 $0x1;
	s2 =	simm.s32 @p0 $0x1;
	p1 =	por !p5, !p0  }
0x1e4: {  	p3 =	por !p3, !p3;
	[smem:$0x7D9] =	sst s1;
	p1 =	por !p1, !p1  }
0x1e5: {  	[smem:$0x7E9] =	sst s2;
	s1 =	sand.u32 $0x1, s31;
	p0 =	por p1, p3  }
0x1e6: {  	p5 =	seq.s32 s1, $0x1;
	p3 =	seq.s32 s18, s8;
	s5 =	sld [smem:$0x7D9]  }
0x1e7: {  	s1 =	sand.u32 $0x1, s4;
	s24 =	sld [smem:$0x7E9];
	s2 =	simm.s32 @!p0 $0x0  }
0x1e8: {  	s4 =	sld [smem:$0x7F6];
	p4 =	por !p3, !p5;
	s2 =	simm.s32 @p0 $0x1  }
0x1e9: {  	p0 =	seq.s32 s18, s17;
	p4 =	por !p4, !p4;
	[smem:$0x7DA] =	sst s2  }
0x1ea: {  	p1 =	por !p0, !p5;
	p0 =	seq.s32 s1, $0x1;
	p3 =	seq.s32 s5, $0x1  }
0x1eb: {  	p6 =	por !p1, !p1;
	p1 =	seq.s32 s17, s8;
	s1 =	simm.s32 @!p0 $0x0  }
0x1ec: {  	s6 =	sld [smem:$0x7DA];
	s1 =	simm.s32 @p0 $0x1;
	p6 =	por p6, p3  }
0x1ed: {  	p1 =	por !p1, !p0;
	p0 =	seq.s32 s21, s7;
	[smem:$0x7E1] =	sst s1  }
0x1ee: {  	s1 =	simm.s32 @!p6 $0x0;
	p1 =	por !p1, !p1;
	s10 =	sld [smem:$0x7E1]  }
0x1ef: {  	s1 =	simm.s32 @p6 $0x1;
	p6 =	seq.s32 s6, $0x1;
	s28 =	sld [smem:$0x7E1]  }
0x1f0: {  	[smem:$0x7E0] =	sst s1;
	p3 =	por p4, p6;
	p4 =	seq.s32 s20, s7  }
0x1f1: {  	p1 =	por p1, p3;
	p3 =	por !p0, !p2;
	p0 =	seq.s32 s9, $0x1  }
0x1f2: {  	p6 =	seq.s32 s18, s7;
	s1 =	simm.s32 @!p1 $0x0;
	p4 =	por !p4, !p0  }
0x1f3: {  	s1 =	simm.s32 @p1 $0x1;
	p1 =	por !p3, !p3;
	p3 =	por !p4, !p4  }
0x1f4: {  	p4 =	por !p6, !p5;
	p6 =	seq.s32 s21, s12;
	p1 =	por p1, p3  }
0x1f5: {  	p3 =	por !p4, !p4;
	p4 =	por !p6, !p2;
	p2 =	seq.s32 s20, s12  }
0x1f6: {  	p1 =	por p3, p1;
	p3 =	por !p4, !p4;
	p2 =	por !p2, !p0  }
0x1f7: {  	p0 =	seq.s32 s17, s7;
	p4 =	por !p2, !p2;
	p2 =	seq.s32 s10, $0x1  }
0x1f8: {  	s19 =	sshrl.u32 s14, $0x5;
	s6 =	sld [smem:$0x7EF];
	p0 =	por !p0, !p2  }
0x1f9: {  	s5 =	sshrl.u32 s14, $0x6;
	s26 =	sld [smem:$0x7E0];
	p0 =	por !p0, !p0  }
0x1fa: {  	[smem:$0x7E3] =	sst s1;
	p6 =	seq.s32 s18, s12;
	p0 =	por p0, p1  }
0x1fb: {  	s1 =	sand.u32 $0x1, s11;
	p6 =	por !p6, !p5;
	s2 =	simm.s32 @!p0 $0x0  }
0x1fc: {  	p3 =	por p3, p4;
	p4 =	por !p6, !p6;
	s2 =	simm.s32 @p0 $0x1  }
0x1fd: {  	p1 =	por p4, p3;
	p4 =	seq.s32 s17, s12;
	[smem:$0x7DB] =	sst s2  }
0x1fe: {  	p3 =	seq.s32 s1, $0x1;
	p4 =	por !p4, !p2;
	s13 =	sld [smem:$0x7DB]  }
0x1ff: {  	p2 =	seq.s32 s8, s12;
	p0 =	seq.s32 s8, s7;
	p4 =	por !p4, !p4  }
0x200: {  	p6 =	por !p0, !p3;
	p0 =	por !p2, !p3;
	p1 =	por p4, p1  }
0x201: {  	p6 =	por !p6, !p6;
	p0 =	por !p0, !p0;
	p2 =	seq.s32 s13, $0x1  }
0x202: {  	p0 =	por p0, p1;
	p1 =	seq.s32 s18, s23;
	p2 =	por p6, p2  }
0x203: {  	s30 =	sld [smem:$0x7E3];
	p1 =	por !p1, !p5;
	s1 =	simm.s32 @!p2 $0x0  }
0x204: {  	p4 =	seq.s32 s15, $0x1;
	p1 =	por !p1, !p1;
	s1 =	simm.s32 @p2 $0x1  }
0x205: {  	p6 =	seq.s32 s16, $0x1;
	[smem:$0x7E5] =	sst s1;
	s1 =	simm.s32 @!p0 $0x0  }
0x206: {  	p2 =	seq.s32 s20, s23;
	s1 =	simm.s32 @p0 $0x1;
	p0 =	por !p6, !p4  }
0x207: {  	p6 =	por !p2, !p6;
	[smem:$0x7DF] =	sst s1;
	s1 =	simm.s32 @!p0 $0x0  }
0x208: {  	p4 =	seq.s32 s22, $0x1;
	s1 =	simm.s32 @p0 $0x1;
	s25 =	sld [smem:$0x7DF]  }
0x209: {  	p2 =	seq.s32 s21, s23;
	p0 =	por !p4, !p4;
	[smem:$0x7E2] =	sst s1  }
0x20a: {  	s1 =	sand.u32 $0x1, s19;
	p0 =	por !p5, !p0;
	p5 =	seq.s32 s24, $0x1  }
0x20b: {  	s24 =	sld [smem:$0x7F1];
	s2 =	simm.s32 @!p0 $0x0;
	p4 =	seq.s32 s1, $0x1  }
0x20c: {  	p2 =	por !p2, !p5;
	s29 =	sld [smem:$0x7E2];
	s2 =	simm.s32 @p0 $0x1  }
0x20d: {  	p5 =	por !p6, !p6;
	p0 =	seq.s32 s7, s12;
	[smem:$0x7E4] =	sst s2  }
0x20e: {  	p2 =	por !p2, !p2;
	p0 =	por !p0, !p4;
	s2 =	sld [smem:$0x7F0]  }
0x20f: {  	p6 =	seq.s32 s25, $0x1;
	p0 =	por !p0, !p0;
	s31 =	sld [smem:$0x7E4]  }
0x210: {  	p0 =	por p0, p6;
	p6 =	por p2, p5;
	p5 =	seq.s32 s17, s23  }
0x211: {  	s1 =	simm.s32 @!p0 $0x0;
	p2 =	por p1, p6;
	p1 =	seq.s32 s26, $0x1  }
0x212: {  	p6 =	seq.s32 s28, $0x1;
	s1 =	simm.s32 @p0 $0x1;
	p0 =	por !p1, !p1  }
0x213: {  	p5 =	por !p5, !p6;
	p0 =	por !p6, !p0;
	p6 =	seq.s32 s29, $0x1  }
0x214: {  	[smem:$0x7E6] =	sst s1;
	p5 =	por !p5, !p5;
	p1 =	por !p6, !p6  }
0x215: {  	p5 =	por p5, p2;
	p6 =	seq.s32 s30, $0x1;
	s30 =	sld [smem:$0x7F5]  }
0x216: {  	p2 =	seq.s32 s31, $0x1;
	s31 =	sld [smem:$0x7F9];
	s1 =	simm.s32 @!p1 $0x0  }
0x217: {  	s10 =	simm.s32 @p1 $0x0;
	s13 =	simm.s32 @p1 $0x19000;
	p2 =	por !p2, !p2  }
0x218: {  	[tilespmem:s13], [sflag:$0x7] =	stream.linear.gather @p1 [hbm4b:s6+s10], $0x400, $0x38;
	[tilespmem:$0x1B000] =	vst v63  }
0x219: {  	p6 =	por !p6, !p6;
	s1 =	simm.s32 @p1 $0x1;
	s28 =	simm.s32 @p2 $0x0  }
0x21a: {  	s22 =	simm.s32 @p2 $0x19400;
	[smem:$0x7EA] =	sst s1;
	s1 =	simm.s32 @p1 $0x1AC80  }
0x21b: {  	[tilespmem:s1], [sflag:$0xF] =	stream.linear.gather @p1 [hbm4b:s2+s10], $0x10, $0x38;
	[tilespmem:$0x1B000] =	vst v63  }
0x21c: {  	p1 =	por !p3, !p6;
	p6 =	seq.s32 s8, s23;
	s2 =	sld [smem:$0x7E5]  }
0x21d: {  	s1 =	simm.s32 @p2 $0x1AD00;
	p6 =	por !p6, !p3;
	p3 =	por !p0, !p0  }
0x21e: {  	[tilespmem:s22], [sflag:$0x8] =	stream.linear.gather @p2 [hbm4b:s24+s28], $0x400, $0x38;
	[tilespmem:$0x1B000] =	vst v63  }
0x21f: {  	p6 =	por !p6, !p6;
	p0 =	seq.s32 s2, $0x1;
	s2 =	sld [smem:$0x7F2]  }
0x220: {  	s8 =	simm.s32 @p3 $0x0;
	p5 =	por p6, p5;
	p0 =	por !p0, !p0  }
0x221: {  	p6 =	seq.s32 s7, s23;
	s7 =	sld [smem:$0x7E6];
	p0 =	por !p4, !p0  }
0x222: {  	[tilespmem:s1], [sflag:$0x10] =	stream.linear.gather @p2 [hbm4b:s2+s28], $0x10, $0x38;
	[tilespmem:$0x1B000] =	vst v63  }
0x223: {  	s9 =	simm.s32 @p3 $0x19800;
	s1 =	simm.s32 @!p0 $0x0;
	s2 =	sld [smem:$0x7F4]  }
0x224: {  	s1 =	simm.s32 @p0 $0x1;
	p0 =	por !p6, !p4;
	p4 =	por !p1, !p1  }
0x225: {  	[tilespmem:s9], [sflag:$0x9] =	stream.linear.gather @p3 [hbm4b:s0+s8], $0x400, $0x38;
	[tilespmem:$0x1B000] =	vst v63  }
0x226: {  	p6 =	seq.s32 s7, $0x1;
	[smem:$0x7E7] =	sst s1;
	s1 =	simm.s32 @p3 $0x1AD80  }
0x227: {  	s25 =	simm.s32 @p4 $0x0;
	p0 =	por !p0, !p0;
	s15 =	sld [smem:$0x7E7]  }
0x228: {  	[tilespmem:s1], [sflag:$0x11] =	stream.linear.gather @p3 [hbm4b:s2+s8], $0x10, $0x38;
	[tilespmem:$0x1B000] =	vst v63  }
0x229: {  	s11 =	simm.s32 @p4 $0x19C00;
	p6 =	por !p6, !p6;
	p0 =	por p0, p5  }
0x22a: {  	[tilespmem:s11], [sflag:$0xA] =	stream.linear.gather @p4 [hbm4b:s30+s25], $0x400, $0x38;
	[tilespmem:$0x1B000] =	vst v63  }
0x22b: {  	s1 =	sand.u32 $0x1, s5;
	s2 =	simm.s32 @p4 $0x1AE00;
	p1 =	seq.s32 s15, $0x1  }
0x22c: {  	s5 =	sld [smem:$0x7F8];
	p5 =	seq.s32 s1, $0x1;
	p1 =	por !p1, !p1  }
0x22d: {  	[tilespmem:s2], [sflag:$0x12] =	stream.linear.gather @p4 [hbm4b:s4+s25], $0x10, $0x38;
	[tilespmem:$0x1B000] =	vst v63  }
0x22e: {  	s15 =	sld [smem:$0x7F7];
	s2 =	simm.s32 @!p0 $0x0;
	s4 =	simm.s32 @p1 $0x0  }
0x22f: {  	s2 =	simm.s32 @p0 $0x1;
	p0 =	por !p5, !p6;
	p6 =	seq.s32 s12, s23  }
0x230: {  	s26 =	simm.s32 @p1 $0x1A000;
	[smem:$0x7E8] =	sst s2;
	p6 =	por !p6, !p5  }
0x231: {  	[tilespmem:s26], [sflag:$0xB] =	stream.linear.gather @p1 [hbm4b:s15+s4], $0x400, $0x38;
	[tilespmem:$0x1B000] =	vst v63  }
0x232: {  	p5 =	por !p0, !p0;
	s2 =	simm.s32 @p1 $0x1AE80;
	s19 =	sld [smem:$0x7E8]  }
0x233: {  	[tilespmem:s2], [sflag:$0x13] =	stream.linear.gather @p1 [hbm4b:s5+s4], $0x10, $0x38;
	[tilespmem:$0x1B000] =	vst v63  }
0x234: {  	s16 =	sand.u32 $0x80, s14;
	s7 =	simm.s32 @p5 $0x0;
	s5 =	simm.s32 @p5 $0x1A400  }
0x235: {  	[tilespmem:s5], [sflag:$0xC] =	stream.linear.gather @p5 [hbm4b:s31+s7], $0x400, $0x38;
	[tilespmem:$0x1B000] =	vst v63  }
0x236: {  	p6 =	por !p6, !p6;
	s2 =	sld [smem:$0x7FA];
	p0 =	seq.s32 s19, $0x1  }
0x237: {  	p0 =	por p6, p0;
	p6 =	seq.s32 s16, $0x0  }
0x238: {  	s1 =	simm.s32 @p5 $0x1AF00;
	s16 =	sld [smem:$0x7FB];
	p6 =	por p6, p0  }
0x239: {  	[tilespmem:s1], [sflag:$0x14] =	stream.linear.gather @p5 [hbm4b:s2+s7], $0x10, $0x38;
	[tilespmem:$0x1B000] =	vst v63  }
0x23a: {  	s29 =	sld [smem:$0x7FC];
	s1 =	simm.s32 @!p6 $0x0;
	s2 =	simm.s32 @!p6 $0x1A800  }
0x23b: {  	[tilespmem:s2], [sflag:$0xD] =	stream.linear.gather @!p6 [hbm4b:s16+s1], $0x400, $0x38;
	[tilespmem:$0x1B000] =	vst v63  }
0x23c: {  	s19 =	simm.s32 @!p6 $0x1AF80  }
0x23d: {  	[tilespmem:s19], [sflag:$0x15] =	stream.linear.gather @!p6 [hbm4b:s29+s1], $0x10, $0x38;
	[tilespmem:$0x1B000] =	vst v63  }
0x23e: {  	s29 =	sld [smem:$0x7E9];
	_ =	sdelay $0x2  }
0x23f: {  	p0 =	seq.s32 s29, $0x1  }
0x240: {  	s19 =	simm.s32 @p0 $0x6  }
0x241: {  	_ =	swait.ge @p0 [sflag:s19], $0x400  }
0x242: {  	[sflag:s19] =	ssyncset.done @p0 $0x0  }
0x243: {  	[sflag:s19] =	ssyncadd.s32 @p0 $0xFFFFFC00;
	s19 =	simm.s32 @p0 $0xE  }
0x244: {  	_ =	swait.ge @p0 [sflag:s19], $0x10  }
0x245: {  	[sflag:s19] =	ssyncset.done @p0 $0x0  }
0x246: {  	[sflag:s19] =	ssyncadd.s32 @p0 $0xFFFFFFF0  }
0x247: {  	v13 =	vld @p0 [tilespmem:$0x1AC00];
	_ =	sdelay $0x3  }
0x248: {  	s19 =	simm.s32 @p0 $0x18C00  }
0x249: {  	s29 =	simm.s32 @p0 $0x0;
	[tilespmem:v5+s19+$0x0] =	vst.idx.msk @p0 $0x7fff, v13  }
0x24a: {  	[hbm4b:s3+s29] =	stream.linear.scatter @p0 [tilespmem:s19], [sflag:$0x16], $0x400, $0x38;
	[tilespmem:$0x1B000] =	vst v63  }
0x24b: {  	s19 =	sld [smem:$0x7EA];
	_ =	sdelay $0x2  }
0x24c: {  	p0 =	seq.s32 s19, $0x1  }
0x24d: {  	s19 =	simm.s32 @p0 $0x7  }
0x24e: {  	_ =	swait.ge @p0 [sflag:s19], $0x400  }
0x24f: {  	[sflag:s19] =	ssyncset.done @p0 $0x0  }
0x250: {  	[sflag:s19] =	ssyncadd.s32 @p0 $0xFFFFFC00;
	s19 =	simm.s32 @p0 $0xF  }
0x251: {  	_ =	swait.ge @p0 [sflag:s19], $0x10  }
0x252: {  	[sflag:s19] =	ssyncset.done @p0 $0x0  }
0x253: {  	[sflag:s19] =	ssyncadd.s32 @p0 $0xFFFFFFF0  }
0x254: {  	v13 =	vld @p0 [tilespmem:$0x1AC80];
	_ =	sdelay $0x4  }
0x255: {  	[tilespmem:v6+s13+$0x0] =	vst.idx.msk @p0 $0x7fff, v13  }
0x256: {  	[hbm4b:s6+s10] =	stream.linear.scatter @p0 [tilespmem:s13], [sflag:$0x17], $0x400, $0x38;
	[tilespmem:$0x1B000] =	vst v63  }
0x257: {  	s10 =	simm.s32 @p2 $0x8  }
0x258: {  	_ =	swait.ge @p2 [sflag:s10], $0x400  }
0x259: {  	[sflag:s10] =	ssyncset.done @p2 $0x0  }
0x25a: {  	[sflag:s10] =	ssyncadd.s32 @p2 $0xFFFFFC00;
	s10 =	simm.s32 @p2 $0x10  }
0x25b: {  	_ =	swait.ge @p2 [sflag:s10], $0x10  }
0x25c: {  	[sflag:s10] =	ssyncset.done @p2 $0x0  }
0x25d: {  	[sflag:s10] =	ssyncadd.s32 @p2 $0xFFFFFFF0  }
0x25e: {  	v13 =	vld @p2 [tilespmem:$0x1AD00];
	_ =	sdelay $0x4  }
0x25f: {  	s10 =	simm.s32 @p3 $0x9;
	[tilespmem:v7+s22+$0x0] =	vst.idx.msk @p2 $0x7fff, v13  }
0x260: {  	[hbm4b:s24+s28] =	stream.linear.scatter @p2 [tilespmem:s22], [sflag:$0x18], $0x400, $0x38;
	[tilespmem:$0x1B000] =	vst v63  }
0x261: {  	_ =	swait.ge @p3 [sflag:s10], $0x400  }
0x262: {  	[sflag:s10] =	ssyncset.done @p3 $0x0  }
0x263: {  	[sflag:s10] =	ssyncadd.s32 @p3 $0xFFFFFC00;
	s10 =	simm.s32 @p3 $0x11  }
0x264: {  	_ =	swait.ge @p3 [sflag:s10], $0x10  }
0x265: {  	[sflag:s10] =	ssyncset.done @p3 $0x0  }
0x266: {  	[sflag:s10] =	ssyncadd.s32 @p3 $0xFFFFFFF0  }
0x267: {  	v13 =	vld @p3 [tilespmem:$0x1AD80];
	_ =	sdelay $0x4  }
0x268: {  	[tilespmem:v8+s9+$0x0] =	vst.idx.msk @p3 $0x7fff, v13  }
0x269: {  	[hbm4b:s0+s8] =	stream.linear.scatter @p3 [tilespmem:s9], [sflag:$0x19], $0x400, $0x38;
	[tilespmem:$0x1B000] =	vst v63  }
0x26a: {  	s8 =	simm.s32 @p4 $0xA  }
0x26b: {  	_ =	swait.ge @p4 [sflag:s8], $0x400  }
0x26c: {  	[sflag:s8] =	ssyncset.done @p4 $0x0  }
0x26d: {  	[sflag:s8] =	ssyncadd.s32 @p4 $0xFFFFFC00;
	s8 =	simm.s32 @p4 $0x12  }
0x26e: {  	_ =	swait.ge @p4 [sflag:s8], $0x10  }
0x26f: {  	[sflag:s8] =	ssyncset.done @p4 $0x0  }
0x270: {  	[sflag:s8] =	ssyncadd.s32 @p4 $0xFFFFFFF0  }
0x271: {  	v13 =	vld @p4 [tilespmem:$0x1AE00];
	_ =	sdelay $0x4  }
0x272: {  	s8 =	simm.s32 @p1 $0xB;
	[tilespmem:v9+s11+$0x0] =	vst.idx.msk @p4 $0x7fff, v13  }
0x273: {  	[hbm4b:s30+s25] =	stream.linear.scatter @p4 [tilespmem:s11], [sflag:$0x1A], $0x400, $0x38;
	[tilespmem:$0x1B000] =	vst v63  }
0x274: {  	_ =	swait.ge @p1 [sflag:s8], $0x400  }
0x275: {  	[sflag:s8] =	ssyncset.done @p1 $0x0  }
0x276: {  	[sflag:s8] =	ssyncadd.s32 @p1 $0xFFFFFC00;
	s8 =	simm.s32 @p1 $0x13  }
0x277: {  	_ =	swait.ge @p1 [sflag:s8], $0x10  }
0x278: {  	[sflag:s8] =	ssyncset.done @p1 $0x0  }
0x279: {  	[sflag:s8] =	ssyncadd.s32 @p1 $0xFFFFFFF0  }
0x27a: {  	v13 =	vld @p1 [tilespmem:$0x1AE80];
	_ =	sdelay $0x4  }
0x27b: {  	[tilespmem:v10+s26+$0x0] =	vst.idx.msk @p1 $0x7fff, v13  }
0x27c: {  	[hbm4b:s15+s4] =	stream.linear.scatter @p1 [tilespmem:s26], [sflag:$0x1B], $0x400, $0x38;
	[tilespmem:$0x1B000] =	vst v63  }
0x27d: {  	s4 =	simm.s32 @p5 $0xC  }
0x27e: {  	_ =	swait.ge @p5 [sflag:s4], $0x400  }
0x27f: {  	[sflag:s4] =	ssyncset.done @p5 $0x0  }
0x280: {  	[sflag:s4] =	ssyncadd.s32 @p5 $0xFFFFFC00;
	s4 =	simm.s32 @p5 $0x14  }
0x281: {  	_ =	swait.ge @p5 [sflag:s4], $0x10  }
0x282: {  	[sflag:s4] =	ssyncset.done @p5 $0x0  }
0x283: {  	[sflag:s4] =	ssyncadd.s32 @p5 $0xFFFFFFF0  }
0x284: {  	v13 =	vld @p5 [tilespmem:$0x1AF00];
	_ =	sdelay $0x4  }
0x285: {  	s4 =	simm.s32 @!p6 $0xD;
	[tilespmem:v11+s5+$0x0] =	vst.idx.msk @p5 $0x7fff, v13  }
0x286: {  	[hbm4b:s31+s7] =	stream.linear.scatter @p5 [tilespmem:s5], [sflag:$0x1C], $0x400, $0x38;
	[tilespmem:$0x1B000] =	vst v63  }
0x287: {  	_ =	swait.ge @!p6 [sflag:s4], $0x400  }
0x288: {  	[sflag:s4] =	ssyncset.done @!p6 $0x0  }
0x289: {  	[sflag:s4] =	ssyncadd.s32 @!p6 $0xFFFFFC00;
	s4 =	simm.s32 @!p6 $0x15  }
0x28a: {  	_ =	swait.ge @!p6 [sflag:s4], $0x10  }
0x28b: {  	[sflag:s4] =	ssyncset.done @!p6 $0x0  }
0x28c: {  	[sflag:s4] =	ssyncadd.s32 @!p6 $0xFFFFFFF0  }
0x28d: {  	v13 =	vld @!p6 [tilespmem:$0x1AF80];
	_ =	sdelay $0x1  }
0x28e: {  	s29 =	sld [smem:$0x7E9];
	_ =	sdelay $0x2  }
0x28f: {  	p0 =	seq.s32 s29, $0x1;
	[tilespmem:v12+s2+$0x0] =	vst.idx.msk @!p6 $0x7fff, v13  }
0x290: {  	[hbm4b:s16+s1] =	stream.linear.scatter @!p6 [tilespmem:s2], [sflag:$0x1D], $0x400, $0x38;
	[tilespmem:$0x1B000] =	vst v63  }
0x291: {  	s1 =	simm.s32 @p0 $0x16  }
0x292: {  	_ =	swait.ge @p0 [sflag:s1], $0x400  }
0x293: {  	s30 =	sld [smem:$0x7EA];
	_ =	sdelay $0x1  }
0x294: {  	[sflag:s1] =	ssyncset.done @p0 $0x0  }
0x295: {  	[sflag:s1] =	ssyncadd.s32 @p0 $0xFFFFFC00;
	p0 =	seq.s32 s30, $0x1  }
0x296: {  	s1 =	simm.s32 @p0 $0x17  }
0x297: {  	_ =	swait.ge @p0 [sflag:s1], $0x400  }
0x298: {  	[sflag:s1] =	ssyncset.done @p0 $0x0  }
0x299: {  	[sflag:s1] =	ssyncadd.s32 @p0 $0xFFFFFC00;
	s1 =	simm.s32 @p2 $0x18  }
0x29a: {  	_ =	swait.ge @p2 [sflag:s1], $0x400  }
0x29b: {  	[sflag:s1] =	ssyncset.done @p2 $0x0  }
0x29c: {  	[sflag:s1] =	ssyncadd.s32 @p2 $0xFFFFFC00;
	s1 =	simm.s32 @p3 $0x19  }
0x29d: {  	_ =	swait.ge @p3 [sflag:s1], $0x400  }
0x29e: {  	[sflag:s1] =	ssyncset.done @p3 $0x0  }
0x29f: {  	[sflag:s1] =	ssyncadd.s32 @p3 $0xFFFFFC00;
	s1 =	simm.s32 @p4 $0x1A  }
0x2a0: {  	_ =	swait.ge @p4 [sflag:s1], $0x400  }
0x2a1: {  	[sflag:s1] =	ssyncset.done @p4 $0x0  }
0x2a2: {  	[sflag:s1] =	ssyncadd.s32 @p4 $0xFFFFFC00;
	s1 =	simm.s32 @p1 $0x1B  }
0x2a3: {  	_ =	swait.ge @p1 [sflag:s1], $0x400  }
0x2a4: {  	s31 =	sld [smem:$0x7EB]  }
0x2a5: {  	s2 =	simm.s32 $0x2;
	[sflag:s1] =	ssyncset.done @p1 $0x0  }
0x2a6: {  	s2 =	simm.s32 @!p0 $0x0;
	[sflag:s1] =	ssyncadd.s32 @p1 $0xFFFFFC00;
	s1 =	simm.s32 $0x4  }
0x2a7: {  	s4 =	simm.s32 $0x8;
	s1 =	simm.s32 @!p2 $0x0;
	s2 =	sor.u32 s31, s2  }
0x2a8: {  	s4 =	simm.s32 @!p3 $0x0;
	s1 =	sor.u32 s1, s2;
	s2 =	simm.s32 $0x10  }
0x2a9: {  	s5 =	simm.s32 $0x20;
	s2 =	simm.s32 @!p4 $0x0;
	s1 =	sor.u32 s4, s1  }
0x2aa: {  	s5 =	simm.s32 @!p1 $0x0;
	s1 =	sor.u32 s2, s1;
	s2 =	simm.s32 $0x40  }
0x2ab: {  	s1 =	sor.u32 s5, s1;
	s5 =	simm.s32 @!p6 $0x80;
	s2 =	simm.s32 @!p5 $0x0  }
0x2ac: {  	s1 =	sor.u32 s2, s1;
	s5 =	simm.s32 @p6 $0x0  }
0x2ad: {  	s1 =	sor.u32 s5, s1  }
0x2ae: {  	s1 =	sxor.u32 $0xFFFFFFFF, s1  }
0x2af: {  	s4 =	simm.s32 @p5 $0x1C;
	s14 =	sand.u32 s1, s14  }
0x2b0: {  	_ =	swait.ge @p5 [sflag:s4], $0x400;
	p0 =	sne.s32 s14, $0x0  }
.Ltmp15:
0x2b1: {  	[sflag:s4] =	ssyncset.done @p5 $0x0;
	(pc) =	sbr.rel @p0 .LBB2_22-.Ltmp15, $4  }
0x2b2: {  	[sflag:s4] =	ssyncadd.s32 @p5 $0xFFFFFC00;
	s2 =	simm.s32 @!p6 $0x1D  }
0x2b3: {  	_ =	swait.ge @!p6 [sflag:s2], $0x400  }
0x2b4: {  	[sflag:s2] =	ssyncset.done @!p6 $0x0  }
0x2b5: {  	[sflag:s2] =	ssyncadd.s32 @!p6 $0xFFFFFC00  }
.LBB2_23:
0x2b6: {  	s7 =	rddreg [dreg:$0x1e]  }
0x2b7: {  	s6 =	rddreg [dreg:$0x1b]  }
0x2b8: {  	s1 =	simm.s32 $0x1;
	s3 =	simm.s32 $0x4;
	s4 =	simm.s32 $0x10  }
0x2b9: {  	s0 =	sor.u32 $0x8, s7;
	s26 =	sor.u32 $0x9, s7;
	s28 =	sor.u32 $0xA, s7  }
0x2ba: {  	s2 =	sor.u32 $0xB, s7;
	s29 =	sor.u32 $0xC, s7;
	s5 =	sor.u32 $0xD, s7  }
0x2bb: {  	s30 =	sor.u32 $0xE, s7;
	p0 =	slt.s32 s0, s6;
	p1 =	slt.s32 s26, s6  }
0x2bc: {  	s0 =	simm.s32 $0x2;
	s1 =	simm.s32 @!p0 $0x0;
	p0 =	slt.s32 s28, s6  }
0x2bd: {  	s0 =	simm.s32 @!p1 $0x0;
	p1 =	slt.s32 s2, s6;
	s2 =	simm.s32 $0x8  }
0x2be: {  	s3 =	simm.s32 @!p0 $0x0;
	p0 =	slt.s32 s29, s6;
	s0 =	sor.u32 s1, s0  }
0x2bf: {  	s1 =	simm.s32 $0x20;
	s4 =	simm.s32 @!p0 $0x0;
	p0 =	slt.s32 s5, s6  }
0x2c0: {  	s2 =	simm.s32 @!p1 $0x0;
	s0 =	sor.u32 s3, s0;
	s1 =	simm.s32 @!p0 $0x0  }
0x2c1: {  	p0 =	slt.s32 s30, s6;
	s0 =	sor.u32 s2, s0;
	s2 =	simm.s32 $0x40  }
0x2c2: {  	s31 =	sor.u32 $0xF, s7;
	s0 =	sor.u32 s4, s0;
	s2 =	simm.s32 @!p0 $0x0  }
0x2c3: {  	p0 =	slt.s32 s31, s6;
	s0 =	sor.u32 s1, s0;
	s1 =	simm.s32 $0x80  }
0x2c4: {  	s0 =	sor.u32 s2, s0;
	s1 =	simm.s32 @!p0 $0x0  }
0x2c5: {  	s13 =	sor.u32 s1, s0  }
0x2c6: {  	p0 =	seq.s32 s13, $0x0  }
.Ltmp16:
0x2c7: {  	_ = 	snop;
	(pc) =	sbr.rel @p0 .LBB2_26-.Ltmp16, $1  }
0x2c8: {  	_ =	sdelay $0x3  }
0x2c9: {  	(v2sf) =	vpush v4, $0xF  }
0x2ca: {  	(v2sf) =	vpush v4, $0xE  }
0x2cb: {  	(v2sf) =	vpush v4, $0xD;
	_ =	sdelay $0x1  }
0x2cc: {  	(v2sf) =	vpush v4, $0xC  }
0x2cd: {  	(v2sf) =	vpush v4, $0xB;
	_ =	sdelay $0x1  }
0x2ce: {  	(v2sf) =	vpush v4, $0xA;
	_ =	sdelay $0x1  }
0x2cf: {  	(v2sf) =	vpush v4, $0x9;
	_ =	sdelay $0x5  }
0x2d0: {  	(v2sf) =	vpush v4, $0x8;
	s0 =	spop (v2sf)  }
0x2d1: {  	s4 =	rddreg [dreg:$0x5];
	s22 =	spop (v2sf)  }
0x2d2: {  	[smem:$0x7CF] =	sst s0;
	s1 =	sshra.s32 s0, $0x10;
	s15 =	spop (v2sf)  }
0x2d3: {  	[smem:$0x7D2] =	sst s1;
	s8 =	sadd.s32 s4, s1;
	s14 =	sshra.s32 s22, $0x10  }
0x2d4: {  	s5 =	spop (v2sf);
	[smem:$0x7D1] =	sst s14;
	s3 =	sshra.s32 s8, $0x3  }
0x2d5: {  	s18 =	sadd.s32 s4, s14;
	s16 =	sshra.s32 s15, $0x10;
	s11 =	spop (v2sf)  }
0x2d6: {  	[smem:$0x7D0] =	sst s16;
	s6 =	sshra.s32 s18, $0x3;
	s16 =	sadd.s32 s4, s16  }
0x2d7: {  	s24 =	sshra.s32 s5, $0x10;
	s9 =	spop (v2sf);
	s12 =	sshra.s32 s16, $0x3  }
0x2d8: {  	s14 =	sadd.s32 s4, s24;
	s21 =	sshra.s32 s11, $0x10;
	p0 =	seq.s32 s6, s3  }
0x2d9: {  	s10 =	spop (v2sf);
	s17 =	sshra.s32 s14, $0x3;
	s1 =	simm.s32 @!p0 $0x0  }
0x2da: {  	s19 =	sadd.s32 s4, s21;
	s1 =	simm.s32 @p0 $0x1;
	p0 =	seq.s32 s12, s3  }
0x2db: {  	s29 =	sshra.s32 s9, $0x10;
	[smem:$0x7B6] =	sst s1;
	s1 =	simm.s32 @!p0 $0x0  }
0x2dc: {  	s23 =	sshra.s32 s19, $0x3;
	s1 =	simm.s32 @p0 $0x1;
	p0 =	seq.s32 s17, s3  }
0x2dd: {  	s20 =	sadd.s32 s4, s29;
	[smem:$0x7B7] =	sst s1;
	s1 =	simm.s32 @!p0 $0x0  }
0x2de: {  	s31 =	sshra.s32 s10, $0x10;
	s1 =	simm.s32 @p0 $0x1;
	p0 =	seq.s32 s23, s3  }
0x2df: {  	s2 =	spop (v2sf);
	[smem:$0x7B8] =	sst s1;
	s1 =	simm.s32 @!p0 $0x0  }
0x2e0: {  	s7 =	sshra.s32 s2, $0x10;
	s25 =	sshra.s32 s20, $0x3;
	s1 =	simm.s32 @p0 $0x1  }
0x2e1: {  	p0 =	seq.s32 s25, s3;
	[smem:$0x7B9] =	sst s1;
	s1 =	sadd.s32 s4, s31  }
0x2e2: {  	s0 =	sadd.s32 s4, s7;
	s4 =	simm.s32 @!p0 $0x0;
	s26 =	sshra.s32 s1, $0x3  }
0x2e3: {  	s4 =	simm.s32 @p0 $0x1;
	p0 =	seq.s32 s26, s3  }
0x2e4: {  	s28 =	sshra.s32 s0, $0x3;
	[smem:$0x7BA] =	sst s4;
	s4 =	simm.s32 @!p0 $0x0  }
0x2e5: {  	s4 =	simm.s32 @p0 $0x1;
	p0 =	seq.s32 s28, s3  }
0x2e6: {  	s3 =	simm.s32 @!p0 $0x0  }
0x2e7: {  	s3 =	simm.s32 @p0 $0x1;
	p0 =	seq.s32 s12, s6  }
0x2e8: {  	[smem:$0x7BC] =	sst s3;
	s3 =	simm.s32 @!p0 $0x0  }
0x2e9: {  	s3 =	simm.s32 @p0 $0x1;
	p0 =	seq.s32 s17, s6  }
0x2ea: {  	[smem:$0x7BD] =	sst s3;
	s3 =	simm.s32 @!p0 $0x0  }
0x2eb: {  	s3 =	simm.s32 @p0 $0x1;
	p0 =	seq.s32 s23, s6  }
0x2ec: {  	[smem:$0x7BE] =	sst s3;
	s3 =	simm.s32 @!p0 $0x0  }
0x2ed: {  	s3 =	simm.s32 @p0 $0x1;
	p0 =	seq.s32 s25, s6  }
0x2ee: {  	[smem:$0x7BF] =	sst s3;
	s3 =	simm.s32 @!p0 $0x0  }
0x2ef: {  	s3 =	simm.s32 @p0 $0x1;
	p0 =	seq.s32 s26, s6  }
0x2f0: {  	[smem:$0x7C0] =	sst s3;
	s3 =	simm.s32 @!p0 $0x0  }
0x2f1: {  	s3 =	simm.s32 @p0 $0x1;
	p0 =	seq.s32 s28, s6  }
0x2f2: {  	[smem:$0x7C1] =	sst s3;
	s3 =	simm.s32 @!p0 $0x0  }
0x2f3: {  	s3 =	simm.s32 @p0 $0x1;
	p0 =	seq.s32 s17, s12  }
0x2f4: {  	[smem:$0x7C2] =	sst s3;
	s3 =	simm.s32 @!p0 $0x0  }
0x2f5: {  	s3 =	simm.s32 @p0 $0x1;
	p0 =	seq.s32 s23, s12  }
0x2f6: {  	[smem:$0x7C3] =	sst s3;
	s3 =	simm.s32 @!p0 $0x0  }
0x2f7: {  	s3 =	simm.s32 @p0 $0x1;
	p0 =	seq.s32 s25, s12  }
0x2f8: {  	[smem:$0x7C4] =	sst s3;
	s3 =	simm.s32 @!p0 $0x0  }
0x2f9: {  	s2 =	sshll.u32 s2, $0x1;
	s3 =	simm.s32 @p0 $0x1;
	p0 =	seq.s32 s26, s12  }
0x2fa: {  	s7 =	sshll.u32 s7, $0x7;
	[smem:$0x7C5] =	sst s3;
	s3 =	simm.s32 @!p0 $0x0  }
0x2fb: {  	s0 =	sshll.u32 s0, $0x4;
	s3 =	simm.s32 @p0 $0x1;
	p0 =	seq.s32 s28, s12  }
0x2fc: {  	s0 =	sand.u32 $0xFFFFF80, s0;
	[smem:$0x7C6] =	sst s3;
	s3 =	simm.s32 @!p0 $0x0  }
0x2fd: {  	[smem:$0x7BB] =	sst s4;
	s3 =	simm.s32 @p0 $0x1;
	p0 =	seq.s32 s23, s17  }
0x2fe: {  	s1 =	sshll.u32 s1, $0x4;
	[smem:$0x7C7] =	sst s3;
	s3 =	simm.s32 @!p0 $0x0  }
0x2ff: {  	s4 =	rddreg [dreg:$0x4];
	s3 =	simm.s32 @p0 $0x1;
	p0 =	seq.s32 s25, s17  }
0x300: {  	s1 =	sand.u32 $0xFFFFF80, s1;
	[smem:$0x7C8] =	sst s3;
	s3 =	simm.s32 @!p0 $0x0  }
0x301: {  	s6 =	sadd.s32 s4, s1;
	s3 =	simm.s32 @p0 $0x1;
	p0 =	seq.s32 s26, s17  }
0x302: {  	s1 =	sshll.u32 s10, $0x1;
	[smem:$0x7C9] =	sst s3;
	s3 =	simm.s32 @!p0 $0x0  }
0x303: {  	s10 =	sshll.u32 s9, $0x1;
	s12 =	rddreg [dreg:$0x2];
	s3 =	simm.s32 @p0 $0x1  }
0x304: {  	p0 =	seq.s32 s28, s17;
	s17 =	sand.u32 $0x1FFFE, s2;
	s2 =	sshll.u32 s20, $0x4  }
0x305: {  	s20 =	sand.u32 $0x1FFFE, s10;
	s10 =	sshll.u32 s11, $0x1;
	[smem:$0x7CA] =	sst s3  }
0x306: {  	s3 =	simm.s32 @!p0 $0x0;
	s30 =	sadd.s32 s12, s17;
	s17 =	sand.u32 $0xFFFFF80, s2  }
0x307: {  	s2 =	sshll.u32 s19, $0x4;
	s19 =	sand.u32 $0x1FFFE, s10;
	s10 =	sshll.u32 s15, $0x1  }
0x308: {  	s3 =	simm.s32 @p0 $0x1;
	s9 =	sadd.s32 s4, s17;
	s17 =	sshll.u32 s14, $0x4  }
0x309: {  	p0 =	seq.s32 s25, s23;
	[smem:$0x7CB] =	sst s3;
	s3 =	sadd.s32 s4, s0  }
0x30a: {  	s0 =	sand.u32 $0x1FFFE, s1;
	s1 =	sadd.s32 s12, s20;
	s20 =	sand.u32 $0xFFFFF80, s17  }
0x30b: {  	s17 =	sand.u32 $0x1FFFE, s10;
	s10 =	sshll.u32 s29, $0x7;
	s0 =	sadd.s32 s12, s0  }
0x30c: {  	[smem:$0x7CD] =	sst s1;
	s14 =	sadd.s32 s4, s20;
	s20 =	sshll.u32 s22, $0x1  }
0x30d: {  	s22 =	sshll.u32 s8, $0x4;
	s8 =	sshll.u32 s31, $0x7;
	s31 =	sld [smem:$0x7D2]  }
0x30e: {  	s17 =	sadd.s32 s12, s17;
	[smem:$0x7CC] =	sst s0;
	s0 =	sand.u32 $0xFFFFF80, s2  }
0x30f: {  	s2 =	sshll.u32 s5, $0x1;
	s5 =	sshll.u32 s16, $0x4;
	s11 =	sadd.s32 s4, s0  }
0x310: {  	s0 =	sadd.s32 s12, s19;
	s16 =	sand.u32 $0xFFFFF80, s5;
	s5 =	sld [smem:$0x7CF]  }
0x311: {  	s1 =	sand.u32 $0x1FFFE, s20;
	s19 =	sshll.u32 s18, $0x4;
	[smem:$0x7CE] =	sst s0  }
0x312: {  	s0 =	sand.u32 $0x1FFFE, s2;
	s16 =	sadd.s32 s4, s16;
	s2 =	sand.u32 $0xFFFFF80, s22  }
0x313: {  	s22 =	sld [smem:$0x7D0];
	s15 =	sadd.s32 s12, s0;
	s0 =	sand.u32 $0xFFFFF80, s19  }
0x314: {  	s19 =	sadd.s32 s12, s1;
	s20 =	sadd.s32 s4, s2;
	s1 =	sand.u32 $0x380, s7  }
0x315: {  	s18 =	sadd.s32 s4, s0;
	s0 =	sshll.u32 s5, $0x1;
	s4 =	sand.u32 $0x380, s10  }
0x316: {  	s2 =	sand.u32 $0x380, s8;
	s0 =	sand.u32 $0x1FFFE, s0;
	v6 =	vor.u32 s4, v3;
	s4 =	simm.s32 @!p0 $0x0  }
0x317: {  	s8 =	sshll.u32 s22, $0x7;
	s4 =	simm.s32 @p0 $0x1;
	p0 =	seq.s32 s26, s23  }
0x318: {  	s0 =	sadd.s32 s12, s0;
	[smem:$0x7D3] =	sst s4;
	s4 =	simm.s32 @!p0 $0x0  }
0x319: {  	s12 =	sshll.u32 s21, $0x7;
	s4 =	simm.s32 @p0 $0x1;
	p0 =	seq.s32 s28, s23  }
0x31a: {  	s21 =	sshll.u32 s24, $0x7;
	[smem:$0x7D4] =	sst s4;
	s4 =	simm.s32 @!p0 $0x0  }
0x31b: {  	s24 =	sld [smem:$0x7D1];
	s4 =	simm.s32 @p0 $0x1;
	p0 =	seq.s32 s26, s25  }
0x31c: {  	v4 =	vor.u32 s1, v3;
	s5 =	sand.u32 $0x380, s12;
	s7 =	sand.u32 $0x380, s21;
	s1 =	simm.s32 @!p0 $0x0  }
0x31d: {  	s12 =	sshll.u32 s31, $0x7;
	s1 =	simm.s32 @p0 $0x1;
	p0 =	seq.s32 s28, s25  }
0x31e: {  	s31 =	sand.u32 $0x380, s12;
	[smem:$0x7D6] =	sst s1;
	s1 =	simm.s32 @!p0 $0x0  }
0x31f: {  	s29 =	sshll.u32 s24, $0x7;
	s1 =	simm.s32 @p0 $0x1;
	p0 =	sne.s32 s28, s26  }
0x320: {  	s24 =	sand.u32 $0x380, s8;
	[smem:$0x7D7] =	sst s1;
	s1 =	simm.s32 @!p0 $0x0  }
0x321: {  	v5 =	vor.u32 s2, v3;
	v7 =	vor.u32 s5, v3;
	v8 =	vor.u32 s7, v3;
	s29 =	sand.u32 $0x380, s29;
	[smem:$0x7D5] =	sst s4;
	s1 =	simm.s32 @p0 $0x1  }
0x322: {  	v11 =	vor.u32 s31, v3;
	v9 =	vor.u32 s24, v3;
	v10 =	vor.u32 s29, v3;
	[smem:$0x7D8] =	sst s1  }
.LBB2_25:
0x323: {  	s2 =	sld [smem:$0x7D7]  }
0x324: {  	s5 =	sld [smem:$0x7D6]  }
0x325: {  	s7 =	sld [smem:$0x7D5]  }
0x326: {  	s8 =	sld [smem:$0x7D4]  }
0x327: {  	s10 =	sld [smem:$0x7D3]  }
0x328: {  	s12 =	sld [smem:$0x7CB]  }
0x329: {  	s22 =	sld [smem:$0x7CA]  }
0x32a: {  	s23 =	sld [smem:$0x7C9]  }
0x32b: {  	s25 =	sld [smem:$0x7C7]  }
0x32c: {  	s26 =	sld [smem:$0x7C6]  }
0x32d: {  	s1 =	sshrl.u32 s13, $0x1;
	s28 =	sld [smem:$0x7C5]  }
0x32e: {  	s21 =	sand.u32 $0x1, s13;
	s4 =	sshrl.u32 s13, $0x2;
	s29 =	sld [smem:$0x7C8]  }
0x32f: {  	s24 =	sshrl.u32 s13, $0x3;
	s31 =	sld [smem:$0x7C4];
	s1 =	sand.u32 $0x1, s1  }
0x330: {  	p6 =	seq.s32 s21, $0x1;
	p1 =	seq.s32 s1, $0x1;
	s1 =	sand.u32 $0x1, s4  }
0x331: {  	s4 =	sshrl.u32 s13, $0x4;
	p0 =	seq.s32 s2, $0x1;
	p2 =	seq.s32 s5, $0x1  }
0x332: {  	p5 =	seq.s32 s1, $0x1;
	p4 =	seq.s32 s8, $0x1;
	s5 =	sld [smem:$0x7C2]  }
0x333: {  	s8 =	sld [smem:$0x7C1];
	p0 =	por !p0, !p6;
	p3 =	por !p2, !p1  }
0x334: {  	p4 =	por !p4, !p1;
	p0 =	por !p0, !p0;
	p3 =	por !p3, !p3  }
0x335: {  	p2 =	seq.s32 s10, $0x1;
	s10 =	sld [smem:$0x7C0];
	p0 =	por p0, p3  }
0x336: {  	p4 =	por !p4, !p4;
	p2 =	por !p2, !p5;
	s1 =	simm.s32 @!p0 $0x0  }
0x337: {  	p3 =	seq.s32 s7, $0x1;
	p2 =	por !p2, !p2;
	s1 =	simm.s32 @p0 $0x1  }
0x338: {  	p0 =	por !p3, !p6;
	[smem:$0x7A7] =	sst s1;
	s1 =	simm.s32 @!p6 $0x0  }
0x339: {  	p3 =	seq.s32 s21, $0x0;
	p0 =	por !p0, !p0;
	s1 =	simm.s32 @p6 $0x1  }
0x33a: {  	p0 =	por p0, p4;
	p4 =	seq.s32 s22, $0x1;
	s22 =	sld [smem:$0x7BF]  }
0x33b: {  	s2 =	simm.s32 @!p3 $0x18C00;
	[smem:$0x7B4] =	sst s1;
	s1 =	simm.s32 @!p3 $0x0  }
0x33c: {  	[tilespmem:s2], [sflag:$0x6] =	stream.linear.gather @!p3 [hbm4b:s3+s1], $0x400, $0x38;
	[tilespmem:$0x1B000] =	vst v63  }
0x33d: {  	p0 =	por p2, p0;
	p2 =	por !p4, !p1;
	s2 =	simm.s32 @!p3 $0x1AC00  }
0x33e: {  	[tilespmem:s2], [sflag:$0xE] =	stream.linear.gather @!p3 [hbm4b:s30+s1], $0x10, $0x38;
	[tilespmem:$0x1B000] =	vst v63  }
0x33f: {  	p4 =	seq.s32 s23, $0x1;
	s23 =	sld [smem:$0x7BE];
	s1 =	simm.s32 @!p0 $0x0  }
0x340: {  	s7 =	sld [smem:$0x7B4];
	p3 =	seq.s32 s12, $0x1;
	s1 =	simm.s32 @p0 $0x1  }
0x341: {  	p0 =	por !p3, !p6;
	p3 =	por !p2, !p2;
	p2 =	por !p4, !p5  }
0x342: {  	[smem:$0x7AB] =	sst s1;
	p0 =	por !p0, !p0;
	p2 =	por !p2, !p2  }
0x343: {  	s1 =	sand.u32 $0x1, s24;
	p0 =	por p0, p3;
	p3 =	seq.s32 s25, $0x1  }
0x344: {  	p0 =	por p2, p0;
	p4 =	por !p3, !p6;
	p6 =	seq.s32 s26, $0x1  }
0x345: {  	p2 =	seq.s32 s28, $0x1;
	s2 =	simm.s32 @!p0 $0x0;
	p3 =	por !p4, !p4  }
0x346: {  	s2 =	simm.s32 @p0 $0x1;
	p0 =	por !p6, !p1;
	p6 =	seq.s32 s1, $0x1  }
0x347: {  	s1 =	simm.s32 @!p5 $0x0;
	[smem:$0x7A4] =	sst s2;
	p4 =	por !p0, !p0  }
0x348: {  	s1 =	simm.s32 @p5 $0x1;
	p3 =	por p3, p4;
	s2 =	sld [smem:$0x7A4]  }
0x349: {  	p4 =	por p5, p5;
	p5 =	por !p2, !p5;
	p2 =	seq.s32 s29, $0x1  }
0x34a: {  	p5 =	por !p5, !p5;
	p0 =	por !p2, !p6;
	p2 =	seq.s32 s31, $0x1  }
0x34b: {  	p3 =	por p5, p3;
	p0 =	por !p0, !p0;
	p5 =	seq.s32 s2, $0x1  }
0x34c: {  	s12 =	sld [smem:$0x7C3];
	p2 =	por !p2, !p6;
	p0 =	por p0, p5  }
0x34d: {  	[smem:$0x7A8] =	sst s1;
	p2 =	por !p2, !p2;
	s1 =	simm.s32 @!p0 $0x0  }
0x34e: {  	p5 =	seq.s32 s7, $0x1;
	s1 =	simm.s32 @p0 $0x1;
	p0 =	por p2, p3  }
0x34f: {  	p3 =	seq.s32 s5, $0x1;
	[smem:$0x7AC] =	sst s1;
	s1 =	simm.s32 @!p0 $0x0  }
0x350: {  	s1 =	simm.s32 @p0 $0x1;
	p0 =	por !p3, !p5;
	p3 =	seq.s32 s8, $0x1  }
0x351: {  	s28 =	sld [smem:$0x7B4];
	p5 =	seq.s32 s10, $0x1;
	p2 =	por !p3, !p1  }
0x352: {  	p0 =	por !p0, !p0;
	p4 =	por !p5, !p4;
	p2 =	por !p2, !p2  }
0x353: {  	s29 =	sld [smem:$0x7D8];
	p5 =	por !p4, !p4;
	p2 =	por p0, p2  }
0x354: {  	[smem:$0x7A5] =	sst s1;
	s1 =	sand.u32 $0x1, s4;
	p0 =	por p5, p2  }
0x355: {  	s31 =	sld [smem:$0x7A7];
	p4 =	seq.s32 s1, $0x1;
	s1 =	simm.s32 @!p0 $0x0  }
0x356: {  	s24 =	sld [smem:$0x7A5];
	s1 =	simm.s32 @p0 $0x1  }
0x357: {  	p5 =	seq.s32 s12, $0x1;
	[smem:$0x7A6] =	sst s1  }
0x358: {  	p0 =	por !p5, !p4;
	s25 =	sld [smem:$0x7A6]  }
0x359: {  	p3 =	seq.s32 s22, $0x1;
	p5 =	por !p0, !p0;
	p0 =	seq.s32 s23, $0x1  }
0x35a: {  	p2 =	por !p3, !p6;
	p3 =	por !p0, !p4;
	p0 =	seq.s32 s24, $0x1  }
0x35b: {  	p2 =	por !p2, !p2;
	p0 =	por p5, p0;
	p5 =	seq.s32 s25, $0x1  }
0x35c: {  	p3 =	por !p3, !p3;
	s1 =	simm.s32 @!p0 $0x0;
	p2 =	por p2, p5  }
0x35d: {  	s7 =	sld [smem:$0x7BB];
	s1 =	simm.s32 @p0 $0x1;
	p0 =	por p3, p2  }
0x35e: {  	[smem:$0x7B0] =	sst s1;
	s1 =	simm.s32 @!p0 $0x0  }
0x35f: {  	s5 =	sld [smem:$0x7BC];
	s1 =	simm.s32 @p0 $0x1;
	p0 =	seq.s32 s28, $0x1  }
0x360: {  	s4 =	sld [smem:$0x7A8];
	p5 =	seq.s32 s29, $0x1;
	p3 =	por !p0, !p0  }
0x361: {  	s8 =	sld [smem:$0x7BA];
	p2 =	por p5, p3  }
0x362: {  	s10 =	sld [smem:$0x7BD];
	p5 =	seq.s32 s31, $0x1;
	p2 =	por !p1, !p2  }
0x363: {  	p3 =	seq.s32 s4, $0x1;
	p5 =	por !p5, !p5;
	s2 =	simm.s32 @!p2 $0x0  }
0x364: {  	s23 =	sld [smem:$0x7AB];
	s2 =	simm.s32 @p2 $0x1;
	p2 =	por !p3, !p5  }
0x365: {  	p5 =	seq.s32 s5, $0x1;
	[smem:$0x7AD] =	sst s2;
	s2 =	simm.s32 @!p2 $0x0  }
0x366: {  	s24 =	sld [smem:$0x7AC];
	s2 =	simm.s32 @p2 $0x1;
	p2 =	por !p5, !p0  }
0x367: {  	[smem:$0x7AA] =	sst s1;
	p0 =	por !p2, !p2  }
0x368: {  	[smem:$0x7AE] =	sst s2;
	s2 =	simm.s32 @!p0 $0x0  }
0x369: {  	s26 =	sshrl.u32 s13, $0x5;
	s22 =	sld [smem:$0x7AA];
	s2 =	simm.s32 @p0 $0x1  }
0x36a: {  	s1 =	sand.u32 $0x1, s26;
	p5 =	seq.s32 s7, $0x1;
	[smem:$0x7A9] =	sst s2  }
0x36b: {  	p1 =	por !p5, !p1;
	p0 =	seq.s32 s8, $0x1;
	s12 =	sld [smem:$0x7A9]  }
0x36c: {  	p5 =	seq.s32 s1, $0x1;
	p0 =	por !p0, !p3;
	p3 =	seq.s32 s10, $0x1  }
0x36d: {  	s25 =	sld [smem:$0x7B9];
	p2 =	por !p1, !p1;
	p1 =	por !p3, !p5  }
0x36e: {  	s26 =	sld [smem:$0x7B8];
	p1 =	por !p1, !p1;
	p3 =	seq.s32 s12, $0x1  }
0x36f: {  	p2 =	por p3, p2;
	p3 =	por !p0, !p0;
	p0 =	seq.s32 s22, $0x1  }
0x370: {  	s4 =	sld [smem:$0x7B7];
	p0 =	por p1, p0  }
0x371: {  	p1 =	por p3, p2;
	p3 =	seq.s32 s23, $0x1;
	s1 =	simm.s32 @!p0 $0x0  }
0x372: {  	s28 =	sld [smem:$0x7AD];
	s1 =	simm.s32 @p0 $0x1;
	p0 =	por !p3, !p3  }
0x373: {  	s29 =	sld [smem:$0x7AE];
	p0 =	por !p6, !p0  }
0x374: {  	p3 =	seq.s32 s24, $0x1;
	[smem:$0x7B2] =	sst s1;
	s1 =	simm.s32 @!p0 $0x0  }
0x375: {  	p2 =	por !p3, !p3;
	s1 =	simm.s32 @p0 $0x1;
	p0 =	seq.s32 s25, $0x1  }
0x376: {  	s2 =	sld [smem:$0x7CC];
	p3 =	por !p0, !p6;
	p0 =	por !p4, !p2  }
0x377: {  	[smem:$0x7AF] =	sst s1;
	s1 =	simm.s32 @!p0 $0x0;
	p6 =	por !p3, !p3  }
0x378: {  	p3 =	seq.s32 s29, $0x1;
	p1 =	por p6, p1;
	p6 =	seq.s32 s28, $0x1  }
0x379: {  	s31 =	sld [smem:$0x7AF];
	s1 =	simm.s32 @p0 $0x1;
	p2 =	por !p6, !p6  }
0x37a: {  	p0 =	seq.s32 s26, $0x1;
	[smem:$0x7B1] =	sst s1;
	s1 =	simm.s32 @!p2 $0x0  }
0x37b: {  	s5 =	simm.s32 @p2 $0x0;
	s7 =	simm.s32 @p2 $0x19000;
	s1 =	simm.s32 @p2 $0x1  }
0x37c: {  	[tilespmem:s7], [sflag:$0x7] =	stream.linear.gather @p2 [hbm4b:s6+s5], $0x400, $0x38;
	[tilespmem:$0x1B000] =	vst v63  }
0x37d: {  	p3 =	por !p3, !p3;
	[smem:$0x7B5] =	sst s1;
	s1 =	simm.s32 @p2 $0x1AC80  }
0x37e: {  	[tilespmem:s1], [sflag:$0xF] =	stream.linear.gather @p2 [hbm4b:s2+s5], $0x10, $0x38;
	[tilespmem:$0x1B000] =	vst v63  }
0x37f: {  	p4 =	por !p0, !p4;
	s29 =	simm.s32 @p3 $0x0;
	s2 =	sld [smem:$0x7B0]  }
0x380: {  	p0 =	por !p4, !p4;
	p4 =	seq.s32 s31, $0x1;
	s31 =	simm.s32 @p3 $0x19400  }
0x381: {  	[tilespmem:s31], [sflag:$0x8] =	stream.linear.gather @p3 [hbm4b:s9+s29], $0x400, $0x38;
	[tilespmem:$0x1B000] =	vst v63  }
0x382: {  	s10 =	sshrl.u32 s13, $0x6;
	p6 =	seq.s32 s2, $0x1;
	s2 =	sld [smem:$0x7CD]  }
0x383: {  	p0 =	por p0, p1;
	p2 =	seq.s32 s4, $0x1;
	p1 =	por !p6, !p6  }
0x384: {  	s1 =	simm.s32 @p3 $0x1AD00;
	p6 =	por !p5, !p1;
	p1 =	por !p2, !p5  }
0x385: {  	[tilespmem:s1], [sflag:$0x10] =	stream.linear.gather @p3 [hbm4b:s2+s29], $0x10, $0x38;
	[tilespmem:$0x1B000] =	vst v63  }
0x386: {  	s8 =	sld [smem:$0x7B1];
	p4 =	por !p4, !p4;
	p1 =	por !p1, !p1  }
0x387: {  	s26 =	simm.s32 @p4 $0x0;
	s28 =	simm.s32 @p4 $0x19800;
	p0 =	por p1, p0  }
0x388: {  	[tilespmem:s28], [sflag:$0x9] =	stream.linear.gather @p4 [hbm4b:s11+s26], $0x400, $0x38;
	[tilespmem:$0x1B000] =	vst v63  }
0x389: {  	s12 =	sand.u32 $0x80, s13;
	s2 =	sld [smem:$0x7CE];
	s1 =	simm.s32 @!p0 $0x0  }
0x38a: {  	s25 =	sld [smem:$0x7B2];
	p5 =	seq.s32 s8, $0x1;
	s1 =	simm.s32 @p0 $0x1  }
0x38b: {  	p5 =	por !p5, !p5;
	[smem:$0x7B3] =	sst s1;
	s1 =	simm.s32 @p4 $0x1AD80  }
0x38c: {  	[tilespmem:s1], [sflag:$0x11] =	stream.linear.gather @p4 [hbm4b:s2+s26], $0x10, $0x38;
	[tilespmem:$0x1B000] =	vst v63  }
0x38d: {  	p2 =	por !p6, !p6;
	s4 =	simm.s32 @p5 $0x0;
	s24 =	simm.s32 @p5 $0x19C00  }
0x38e: {  	[tilespmem:s24], [sflag:$0xA] =	stream.linear.gather @p5 [hbm4b:s14+s4], $0x400, $0x38;
	[tilespmem:$0x1B000] =	vst v63  }
0x38f: {  	p6 =	seq.s32 s25, $0x1;
	s8 =	simm.s32 @p5 $0x1AE00;
	s1 =	sand.u32 $0x1, s10  }
0x390: {  	[tilespmem:s8], [sflag:$0x12] =	stream.linear.gather @p5 [hbm4b:s15+s4], $0x10, $0x38;
	[tilespmem:$0x1B000] =	vst v63  }
0x391: {  	p0 =	por !p6, !p6;
	p1 =	seq.s32 s1, $0x1;
	s8 =	sld [smem:$0x7B6]  }
0x392: {  	s23 =	simm.s32 @p2 $0x0;
	s25 =	simm.s32 @p2 $0x1A000;
	p6 =	por !p1, !p0  }
0x393: {  	[tilespmem:s25], [sflag:$0xB] =	stream.linear.gather @p2 [hbm4b:s16+s23], $0x400, $0x38;
	[tilespmem:$0x1B000] =	vst v63  }
0x394: {  	s10 =	sld [smem:$0x7B3];
	p6 =	por !p6, !p6;
	p0 =	seq.s32 s8, $0x1  }
0x395: {  	s1 =	simm.s32 @p2 $0x1AE80;
	s22 =	simm.s32 @p6 $0x1A400;
	p0 =	por !p0, !p1  }
0x396: {  	[tilespmem:s1], [sflag:$0x13] =	stream.linear.gather @p2 [hbm4b:s17+s23], $0x10, $0x38;
	[tilespmem:$0x1B000] =	vst v63  }
0x397: {  	s8 =	simm.s32 @p6 $0x0;
	p1 =	seq.s32 s10, $0x1;
	p0 =	por !p0, !p0  }
0x398: {  	[tilespmem:s22], [sflag:$0xC] =	stream.linear.gather @p6 [hbm4b:s18+s8], $0x400, $0x38;
	[tilespmem:$0x1B000] =	vst v63  }
0x399: {  	p1 =	por p0, p1;
	p0 =	seq.s32 s12, $0x0  }
0x39a: {  	s1 =	simm.s32 @p6 $0x1AF00;
	s12 =	sld [smem:$0x7B4];
	p1 =	por p0, p1  }
0x39b: {  	[tilespmem:s1], [sflag:$0x14] =	stream.linear.gather @p6 [hbm4b:s19+s8], $0x10, $0x38;
	[tilespmem:$0x1B000] =	vst v63  }
0x39c: {  	s1 =	simm.s32 @!p1 $0x0;
	s2 =	simm.s32 @!p1 $0x1A800  }
0x39d: {  	[tilespmem:s2], [sflag:$0xD] =	stream.linear.gather @!p1 [hbm4b:s20+s1], $0x400, $0x38;
	[tilespmem:$0x1B000] =	vst v63  }
0x39e: {  	s10 =	simm.s32 @!p1 $0x1AF80;
	p0 =	seq.s32 s12, $0x1  }
0x39f: {  	[tilespmem:s10], [sflag:$0x15] =	stream.linear.gather @!p1 [hbm4b:s0+s1], $0x10, $0x38;
	[tilespmem:$0x1B000] =	vst v63  }
0x3a0: {  	s10 =	simm.s32 @p0 $0x6  }
0x3a1: {  	_ =	swait.ge @p0 [sflag:s10], $0x400  }
0x3a2: {  	[sflag:s10] =	ssyncset.done @p0 $0x0  }
0x3a3: {  	[sflag:s10] =	ssyncadd.s32 @p0 $0xFFFFFC00;
	s10 =	simm.s32 @p0 $0xE  }
0x3a4: {  	_ =	swait.ge @p0 [sflag:s10], $0x10  }
0x3a5: {  	[sflag:s10] =	ssyncset.done @p0 $0x0  }
0x3a6: {  	[sflag:s10] =	ssyncadd.s32 @p0 $0xFFFFFFF0  }
0x3a7: {  	v12 =	vld @p0 [tilespmem:$0x1AC00];
	_ =	sdelay $0x3  }
0x3a8: {  	s10 =	simm.s32 @p0 $0x18C00  }
0x3a9: {  	s12 =	simm.s32 @p0 $0x0;
	[tilespmem:v4+s10+$0x0] =	vst.idx.msk @p0 $0x7fff, v12  }
0x3aa: {  	[hbm4b:s3+s12] =	stream.linear.scatter @p0 [tilespmem:s10], [sflag:$0x16], $0x400, $0x38;
	[tilespmem:$0x1B000] =	vst v63  }
0x3ab: {  	s12 =	sld [smem:$0x7B5];
	_ =	sdelay $0x2  }
0x3ac: {  	p0 =	seq.s32 s12, $0x1  }
0x3ad: {  	s10 =	simm.s32 @p0 $0x7  }
0x3ae: {  	_ =	swait.ge @p0 [sflag:s10], $0x400  }
0x3af: {  	[sflag:s10] =	ssyncset.done @p0 $0x0  }
0x3b0: {  	[sflag:s10] =	ssyncadd.s32 @p0 $0xFFFFFC00;
	s10 =	simm.s32 @p0 $0xF  }
0x3b1: {  	_ =	swait.ge @p0 [sflag:s10], $0x10  }
0x3b2: {  	[sflag:s10] =	ssyncset.done @p0 $0x0  }
0x3b3: {  	[sflag:s10] =	ssyncadd.s32 @p0 $0xFFFFFFF0  }
0x3b4: {  	v12 =	vld @p0 [tilespmem:$0x1AC80];
	_ =	sdelay $0x4  }
0x3b5: {  	[tilespmem:v5+s7+$0x0] =	vst.idx.msk @p0 $0x7fff, v12  }
0x3b6: {  	[hbm4b:s6+s5] =	stream.linear.scatter @p0 [tilespmem:s7], [sflag:$0x17], $0x400, $0x38;
	[tilespmem:$0x1B000] =	vst v63  }
0x3b7: {  	s5 =	simm.s32 @p3 $0x8  }
0x3b8: {  	_ =	swait.ge @p3 [sflag:s5], $0x400  }
0x3b9: {  	[sflag:s5] =	ssyncset.done @p3 $0x0  }
0x3ba: {  	[sflag:s5] =	ssyncadd.s32 @p3 $0xFFFFFC00;
	s5 =	simm.s32 @p3 $0x10  }
0x3bb: {  	_ =	swait.ge @p3 [sflag:s5], $0x10  }
0x3bc: {  	[sflag:s5] =	ssyncset.done @p3 $0x0  }
0x3bd: {  	[sflag:s5] =	ssyncadd.s32 @p3 $0xFFFFFFF0  }
0x3be: {  	v12 =	vld @p3 [tilespmem:$0x1AD00];
	_ =	sdelay $0x4  }
0x3bf: {  	s5 =	simm.s32 @p4 $0x9;
	[tilespmem:v6+s31+$0x0] =	vst.idx.msk @p3 $0x7fff, v12  }
0x3c0: {  	[hbm4b:s9+s29] =	stream.linear.scatter @p3 [tilespmem:s31], [sflag:$0x18], $0x400, $0x38;
	[tilespmem:$0x1B000] =	vst v63  }
0x3c1: {  	_ =	swait.ge @p4 [sflag:s5], $0x400  }
0x3c2: {  	[sflag:s5] =	ssyncset.done @p4 $0x0  }
0x3c3: {  	[sflag:s5] =	ssyncadd.s32 @p4 $0xFFFFFC00;
	s5 =	simm.s32 @p4 $0x11  }
0x3c4: {  	_ =	swait.ge @p4 [sflag:s5], $0x10  }
0x3c5: {  	[sflag:s5] =	ssyncset.done @p4 $0x0  }
0x3c6: {  	[sflag:s5] =	ssyncadd.s32 @p4 $0xFFFFFFF0  }
0x3c7: {  	v12 =	vld @p4 [tilespmem:$0x1AD80];
	_ =	sdelay $0x4  }
0x3c8: {  	s5 =	simm.s32 @p5 $0xA;
	[tilespmem:v7+s28+$0x0] =	vst.idx.msk @p4 $0x7fff, v12  }
0x3c9: {  	[hbm4b:s11+s26] =	stream.linear.scatter @p4 [tilespmem:s28], [sflag:$0x19], $0x400, $0x38;
	[tilespmem:$0x1B000] =	vst v63  }
0x3ca: {  	_ =	swait.ge @p5 [sflag:s5], $0x400  }
0x3cb: {  	[sflag:s5] =	ssyncset.done @p5 $0x0  }
0x3cc: {  	[sflag:s5] =	ssyncadd.s32 @p5 $0xFFFFFC00;
	s5 =	simm.s32 @p5 $0x12  }
0x3cd: {  	_ =	swait.ge @p5 [sflag:s5], $0x10  }
0x3ce: {  	[sflag:s5] =	ssyncset.done @p5 $0x0  }
0x3cf: {  	[sflag:s5] =	ssyncadd.s32 @p5 $0xFFFFFFF0  }
0x3d0: {  	v12 =	vld @p5 [tilespmem:$0x1AE00];
	_ =	sdelay $0x4  }
0x3d1: {  	[tilespmem:v8+s24+$0x0] =	vst.idx.msk @p5 $0x7fff, v12  }
0x3d2: {  	[hbm4b:s14+s4] =	stream.linear.scatter @p5 [tilespmem:s24], [sflag:$0x1A], $0x400, $0x38;
	[tilespmem:$0x1B000] =	vst v63  }
0x3d3: {  	s4 =	simm.s32 @p2 $0xB  }
0x3d4: {  	_ =	swait.ge @p2 [sflag:s4], $0x400  }
0x3d5: {  	[sflag:s4] =	ssyncset.done @p2 $0x0  }
0x3d6: {  	[sflag:s4] =	ssyncadd.s32 @p2 $0xFFFFFC00;
	s4 =	simm.s32 @p2 $0x13  }
0x3d7: {  	_ =	swait.ge @p2 [sflag:s4], $0x10  }
0x3d8: {  	[sflag:s4] =	ssyncset.done @p2 $0x0  }
0x3d9: {  	[sflag:s4] =	ssyncadd.s32 @p2 $0xFFFFFFF0  }
0x3da: {  	v12 =	vld @p2 [tilespmem:$0x1AE80];
	_ =	sdelay $0x4  }
0x3db: {  	s4 =	simm.s32 @p6 $0xC;
	[tilespmem:v9+s25+$0x0] =	vst.idx.msk @p2 $0x7fff, v12  }
0x3dc: {  	[hbm4b:s16+s23] =	stream.linear.scatter @p2 [tilespmem:s25], [sflag:$0x1B], $0x400, $0x38;
	[tilespmem:$0x1B000] =	vst v63  }
0x3dd: {  	_ =	swait.ge @p6 [sflag:s4], $0x400  }
0x3de: {  	[sflag:s4] =	ssyncset.done @p6 $0x0  }
0x3df: {  	[sflag:s4] =	ssyncadd.s32 @p6 $0xFFFFFC00;
	s4 =	simm.s32 @p6 $0x14  }
0x3e0: {  	_ =	swait.ge @p6 [sflag:s4], $0x10  }
0x3e1: {  	[sflag:s4] =	ssyncset.done @p6 $0x0  }
0x3e2: {  	[sflag:s4] =	ssyncadd.s32 @p6 $0xFFFFFFF0  }
0x3e3: {  	v12 =	vld @p6 [tilespmem:$0x1AF00];
	_ =	sdelay $0x4  }
0x3e4: {  	s4 =	simm.s32 @!p1 $0xD;
	[tilespmem:v10+s22+$0x0] =	vst.idx.msk @p6 $0x7fff, v12  }
0x3e5: {  	[hbm4b:s18+s8] =	stream.linear.scatter @p6 [tilespmem:s22], [sflag:$0x1C], $0x400, $0x38;
	[tilespmem:$0x1B000] =	vst v63  }
0x3e6: {  	_ =	swait.ge @!p1 [sflag:s4], $0x400  }
0x3e7: {  	[sflag:s4] =	ssyncset.done @!p1 $0x0  }
0x3e8: {  	[sflag:s4] =	ssyncadd.s32 @!p1 $0xFFFFFC00;
	s4 =	simm.s32 @!p1 $0x15  }
0x3e9: {  	_ =	swait.ge @!p1 [sflag:s4], $0x10  }
0x3ea: {  	[sflag:s4] =	ssyncset.done @!p1 $0x0  }
0x3eb: {  	[sflag:s4] =	ssyncadd.s32 @!p1 $0xFFFFFFF0  }
0x3ec: {  	v12 =	vld @!p1 [tilespmem:$0x1AF80];
	_ =	sdelay $0x1  }
0x3ed: {  	s29 =	sld [smem:$0x7B4];
	_ =	sdelay $0x2  }
0x3ee: {  	p0 =	seq.s32 s29, $0x1;
	[tilespmem:v11+s2+$0x0] =	vst.idx.msk @!p1 $0x7fff, v12  }
0x3ef: {  	[hbm4b:s20+s1] =	stream.linear.scatter @!p1 [tilespmem:s2], [sflag:$0x1D], $0x400, $0x38;
	[tilespmem:$0x1B000] =	vst v63  }
0x3f0: {  	s1 =	simm.s32 @p0 $0x16  }
0x3f1: {  	_ =	swait.ge @p0 [sflag:s1], $0x400  }
0x3f2: {  	s31 =	sld [smem:$0x7B5];
	_ =	sdelay $0x1  }
0x3f3: {  	[sflag:s1] =	ssyncset.done @p0 $0x0  }
0x3f4: {  	[sflag:s1] =	ssyncadd.s32 @p0 $0xFFFFFC00;
	p0 =	seq.s32 s31, $0x1  }
0x3f5: {  	s1 =	simm.s32 @p0 $0x17  }
0x3f6: {  	_ =	swait.ge @p0 [sflag:s1], $0x400  }
0x3f7: {  	[sflag:s1] =	ssyncset.done @p0 $0x0  }
0x3f8: {  	[sflag:s1] =	ssyncadd.s32 @p0 $0xFFFFFC00;
	s1 =	simm.s32 @p3 $0x18  }
0x3f9: {  	_ =	swait.ge @p3 [sflag:s1], $0x400  }
0x3fa: {  	[sflag:s1] =	ssyncset.done @p3 $0x0  }
0x3fb: {  	[sflag:s1] =	ssyncadd.s32 @p3 $0xFFFFFC00;
	s1 =	simm.s32 @p4 $0x19  }
0x3fc: {  	_ =	swait.ge @p4 [sflag:s1], $0x400  }
0x3fd: {  	[sflag:s1] =	ssyncset.done @p4 $0x0  }
0x3fe: {  	[sflag:s1] =	ssyncadd.s32 @p4 $0xFFFFFC00;
	s1 =	simm.s32 @p5 $0x1A  }
0x3ff: {  	_ =	swait.ge @p5 [sflag:s1], $0x400  }
0x400: {  	[sflag:s1] =	ssyncset.done @p5 $0x0  }
0x401: {  	[sflag:s1] =	ssyncadd.s32 @p5 $0xFFFFFC00;
	s1 =	simm.s32 @p2 $0x1B  }
0x402: {  	_ =	swait.ge @p2 [sflag:s1], $0x400  }
0x403: {  	s2 =	simm.s32 $0x2;
	[sflag:s1] =	ssyncset.done @p2 $0x0  }
0x404: {  	s2 =	simm.s32 @!p0 $0x0;
	[sflag:s1] =	ssyncadd.s32 @p2 $0xFFFFFC00;
	s1 =	simm.s32 $0x4  }
0x405: {  	s4 =	simm.s32 $0x8;
	s2 =	sor.u32 s21, s2;
	s1 =	simm.s32 @!p3 $0x0  }
0x406: {  	s4 =	simm.s32 @!p4 $0x0;
	s1 =	sor.u32 s1, s2;
	s2 =	simm.s32 $0x10  }
0x407: {  	s5 =	simm.s32 $0x20;
	s2 =	simm.s32 @!p5 $0x0;
	s1 =	sor.u32 s4, s1  }
0x408: {  	s5 =	simm.s32 @!p2 $0x0;
	s1 =	sor.u32 s2, s1;
	s2 =	simm.s32 $0x40  }
0x409: {  	s1 =	sor.u32 s5, s1;
	s5 =	simm.s32 @!p1 $0x80;
	s2 =	simm.s32 @!p6 $0x0  }
0x40a: {  	s1 =	sor.u32 s2, s1;
	s5 =	simm.s32 @p1 $0x0  }
0x40b: {  	s1 =	sor.u32 s5, s1  }
0x40c: {  	s1 =	sxor.u32 $0xFFFFFFFF, s1  }
0x40d: {  	s4 =	simm.s32 @p6 $0x1C;
	s13 =	sand.u32 s1, s13  }
0x40e: {  	_ =	swait.ge @p6 [sflag:s4], $0x400;
	p0 =	sne.s32 s13, $0x0  }
.Ltmp17:
0x40f: {  	[sflag:s4] =	ssyncset.done @p6 $0x0;
	(pc) =	sbr.rel @p0 .LBB2_25-.Ltmp17, $4  }
0x410: {  	[sflag:s4] =	ssyncadd.s32 @p6 $0xFFFFFC00;
	s2 =	simm.s32 @!p1 $0x1D  }
0x411: {  	_ =	swait.ge @!p1 [sflag:s2], $0x400  }
0x412: {  	[sflag:s2] =	ssyncset.done @!p1 $0x0  }
0x413: {  	[sflag:s2] =	ssyncadd.s32 @!p1 $0xFFFFFC00  }
.Ltmp18:
0x414: {  	_ = 	snop;
	(pc) =	sbr.rel .LBB2_26-.Ltmp18, $1  }
0x415: {  	_ =	sdelay $0x3  }
.LBB2_28:
0x416: {  	_ =	sfence.sel $0x180000  }
0x417: {  	[bflag:$0x0] =	sbarrier.arrive $0xFFFF  }
0x418: {  	_ =	strace $0x90000047  }
0x419: {  	s0 =	stileid.u32;
	[bflag:$0x2] =	sbarrier.arrive $0xFFFF  }
0x41a: {  	p0 =	sne.s32 s0, $0x0;
	s0 =	rddreg [dreg:$0x3]  }
0x41b: {  	s0 =	sadd.s32 @!p0 $0x100000, s0  }
0x41c: {  	[sflag:s0] =	ssyncadd.tile.s32 @!p0 $0x1;
	_ =	shalt  }
.Lfunc_end2:
_tile_overlayer_lowered:
.L_overlay_start_2:
0x41d: {  	(tag) =	ssettag $0x2  }
0x41e: {  	s0 =	rddreg [dreg:$0x0];
	s2 =	stileid.u32  }
0x41f: {  	s1 =	rddreg [dreg:$0x1];
	p0 =	sne.s32 s2, $0x0  }
0x420: {  	s3 =	rddreg [dreg:$0x2];
	[bflag:$0x3] =	sbarrier.arrive $0xFFFF;
	s2 =	simm.s32 @!p0 $0x1C1E  }
0x421: {  	[timem:s3], [sflag:s2] =	dma.local @!p0 [hbm:s0], s1  }
0x422: {  	s0 =	simm.s32 @!p0 $0x1E  }
0x423: {  	_ =	swait.ge @!p0 [sflag:s0], s1  }
0x424: {  	s1 =	ssub.s32 @!p0 $0x0, s1;
	[sflag:s0] =	ssyncset.done @!p0 $0x0  }
0x425: {  	[sflag:s0] =	ssyncadd.s32 @!p0 s1  }
0x426: {  	[bflag:$0x3] =	sbarrier.arrive $0xFFFF  }
0x427: {  	_ =	shalt  }

</sc_bundles>
